<compile_context>
chip_gen: v7x
topology: tpu7x:2x2x1
jax: 0.10.2.dev20260603
libtpu: 0.0.44.dev20260713+nightly
codegen_flags: <defaults>
</compile_context>

<pallas_src>
import functools

import jax
import jax.numpy as jnp
from jax import lax
from jax.experimental import pallas as pl
from jax.experimental.pallas import tpu as pltpu
from jax.experimental.pallas import tpu_sc as plsc

V = 100000
L = 16
NC = 2
NS = 16
NW = NC * NS
T = 256
NT = T // L
CHUNK = 3136
LAST_CHUNK = V - (NW - 1) * CHUNK
KEY_BITS = 1 << 17

_GDN = lax.GatherDimensionNumbers(
    offset_dims=(), collapsed_slice_dims=(0,), start_index_map=(0,))


def _lane_rotate(vec, iota, s):
  idx = (iota + s) & (L - 1)
  return lax.gather(vec, idx[:, None], _GDN, slice_sizes=(1,),
                    mode=lax.GatherScatterMode.PROMISE_IN_BOUNDS)


def _sc_body(ids_hbm, out_hbm, ids_v, gains_v):
  wid = lax.axis_index("s") * NC + lax.axis_index("c")
  base = wid * CHUNK

  pltpu.sync_copy(ids_hbm, ids_v)

  iota = lax.iota(jnp.int32, L)
  tv = [ids_v[pl.ds(t * L, L)] for t in range(NT)]
  cand = tv + [iota]

  one = jnp.full((L,), 1, jnp.int32)
  zero = jnp.zeros((L,), jnp.int32)

  def count_chunk(lo, hi):
    @plsc.parallel_loop(0, L, unroll=4,
                        carry=tuple(zero for _ in range(hi - lo)))
    def count_body(s, cnts):
      new = list(cnts)
      idx = (iota + s) & (L - 1)
      for t in range(NT):
        rot = lax.gather(tv[t], idx[:, None], _GDN, slice_sizes=(1,),
                         mode=lax.GatherScatterMode.PROMISE_IN_BOUNDS)
        for c in range(lo, hi):
          new[c - lo] = new[c - lo] + jnp.where(cand[c] == rot, one, zero)
      return tuple(new)
    return list(count_body)

  cnt = []
  for lo, hi in ((0, 9), (9, NT + 1)):
    cnt += count_chunk(lo, hi)

  keys = [cnt[c] * KEY_BITS + (KEY_BITS - 1 - cand[c]) for c in range(NT + 1)]

  neg1 = jnp.full((L,), -1, jnp.int32)
  winners = neg1
  for r in range(5):
    m = functools.reduce(jnp.maximum, keys)
    for sh in (8, 4, 2, 1):
      m = jnp.maximum(m, _lane_rotate(m, iota, sh))
    wid_vec = (KEY_BITS - 1) - (m & (KEY_BITS - 1))
    winners = jnp.where(iota == r, wid_vec, winners)
    keys = [jnp.where(k == m, neg1, k) for k in keys]

  ones = jnp.full((L,), 1.0, jnp.float32)
  def fill_body(i, _):
    for u in range(4):
      gains_v[pl.ds((i * 4 + u) * L, L)] = ones
    return 0
  lax.fori_loop(0, CHUNK // (4 * L), fill_body, 0)

  down = jnp.full((L,), 0.6, jnp.float32)
  base_vec = jnp.full((L,), base, jnp.int32)
  for t in range(NT):
    loc = tv[t] - base_vec
    mask = (loc >= 0) & (loc < CHUNK)
    plsc.store_scatter(gains_v, [loc], down, mask=mask)

  wloc = winners - base_vec
  wmask = (iota < 5) & (wloc >= 0) & (wloc < CHUNK)
  plsc.store_scatter(gains_v, [wloc], jnp.full((L,), 1.5, jnp.float32),
                     mask=wmask)

  @pl.when(wid < NW - 1)
  def _():
    pltpu.sync_copy(gains_v, out_hbm.at[pl.ds(base, CHUNK)])

  @pl.when(wid == NW - 1)
  def _():
    pltpu.sync_copy(gains_v.at[pl.ds(0, LAST_CHUNK)],
                    out_hbm.at[pl.ds((NW - 1) * CHUNK, LAST_CHUNK)])


@jax.jit
def _spiking_kwta(ids):
  mesh = plsc.VectorSubcoreMesh(core_axis_name="c", subcore_axis_name="s")
  run = pl.kernel(
      _sc_body,
      out_type=jax.ShapeDtypeStruct((V,), jnp.float32),
      mesh=mesh,
      scratch_types=[
          pltpu.VMEM((T,), jnp.int32),
          pltpu.VMEM((CHUNK,), jnp.float32),
      ],
      compiler_params=pltpu.CompilerParams(needs_layout_passes=False),
  )
  return run(ids)


def kernel(token_ids, vocab_size):
  ids = token_ids.reshape(-1).astype(jnp.int32) % jnp.asarray(
      vocab_size, jnp.int32)
  return _spiking_kwta(ids)

# --- scband reference (transcript-rebuilt; emitter-appended) ---
"""Pipeline reference for scband-spiking-kwta-28552942584256 (READ-ONLY COPY).

The authoritative reference and input builder live on the scoring server;
editing this copy changes nothing except your own understanding.
"""

import jax, jax.numpy as jnp
import numpy as np

DECAY = 0.7
THRESHOLD = 1.0
K_WINNERS = 5
GAIN_UP = 1.5
GAIN_DOWN = 0.6


def setup_inputs(seed: int = 0) -> dict:
    key = jax.random.key(seed)
    token_ids = jax.random.randint(key, (8, 32), 0, 100000, dtype=jnp.int64)
    return {"token_ids": token_ids, "vocab_size": 100000}


def reference(token_ids, vocab_size):
    V = 100000
    ids = token_ids.reshape(-1) % vocab_size
    decay = jnp.float32(DECAY)
    thr = jnp.float32(THRESHOLD)

    def step(carry, tid):
        pot, spk = carry
        pot = pot * decay
        pot = pot.at[tid].add(jnp.float32(1.0))
        mask = pot >= thr
        spk = spk + mask.astype(jnp.int32)
        # soft reset
        pot = jnp.where(mask, pot - thr, pot)
        return (pot, spk), None

    pot0 = jnp.zeros((V,), dtype=jnp.float32)
    spk0 = jnp.zeros((V,), dtype=jnp.int32)
    (pot, spk), _ = jax.lax.scan(step, (pot0, spk0), ids)

    active = spk > 0
    values = spk.astype(jnp.float32) * 1000000.0 + pot.astype(jnp.float32)
    k = min(K_WINNERS, V)
    _, topk_idx = jax.lax.top_k(values, k)

    gains = jnp.where(active, jnp.float32(GAIN_DOWN), jnp.float32(1.0))
    gains = gains.at[topk_idx].set(jnp.float32(GAIN_UP))
    any_active = jnp.any(active)
    gains = jnp.where(any_active, gains, jnp.ones((V,), dtype=jnp.float32))
    return gains

if __name__ == "__main__":
    import jax
    _d = setup_inputs()
    print(jax.jit(kernel)(*tuple(_d.values())))

</pallas_src>

<mosaic_0001>
#map = affine_map<(d0, d1) -> (0)>
module attributes {stable_mosaic.version = 14 : i64} {
  func.func @_sc_body(%arg0: i32, %arg1: i32, %arg2: memref<256xi32, #tpu.memory_space<hbm>>, %arg3: memref<100000xf32, #tpu.memory_space<hbm>>, %arg4: memref<256xi32, #tpu.memory_space<vmem>>, %arg5: memref<3136xf32, #tpu.memory_space<vmem>>) attributes {dimension_semantics = [#tpu.dimension_semantics<core_parallel>, #tpu.dimension_semantics<subcore_parallel>], iteration_bounds = array<i64: 2, 16>, scalar_prefetch = 0 : i64, scratch_operands = 2 : i64, tpu.core_type = #tpu.core_type<sc_vector_subcore>, window_params = [{transform_indices = #map}, {transform_indices = #map}]} {
    %mul3A = arith.constant 2 : i32
    %mul3A_0 = arith.muli %arg1, %mul3A : i32
    %add3A = arith.addi %mul3A_0, %arg0 : i32
    %mul3A_1 = arith.constant 3136 : i32
    %mul3A_2 = arith.muli %add3A, %mul3A_1 : i32
    "tpu.region"() ({
      %run_scoped3A = tpu.sem_alloc : memref<!tpu.dma_semaphore, #tpu.memory_space<semaphore_mem>>
      tpu.enqueue_dma source(%arg2 : memref<256xi32, #tpu.memory_space<hbm>>) target(%arg4 : memref<256xi32, #tpu.memory_space<vmem>>) target_semaphore(%run_scoped3A : memref<!tpu.dma_semaphore, #tpu.memory_space<semaphore_mem>>)
      tpu.wait_dma2 semaphore(%run_scoped3A : memref<!tpu.dma_semaphore, #tpu.memory_space<semaphore_mem>>) src(%arg2 : memref<256xi32, #tpu.memory_space<hbm>>) dst(%arg4 : memref<256xi32, #tpu.memory_space<vmem>>)
      tpu.yield
    }) : () -> ()
    %iota3A = tpu.iota {dimensions = array<i32: 0>} : vector<16xi32>
    %get3A = arith.constant 0 : index
    %get3A_3 = tpu.vector_load %arg4[%get3A] {strides = array<i32>} : memref<256xi32, #tpu.memory_space<vmem>>, vector<16xi32>,
    %get3A_4 = arith.constant 16 : index
    %get3A_5 = tpu.vector_load %arg4[%get3A_4] {strides = array<i32>} : memref<256xi32, #tpu.memory_space<vmem>>, vector<16xi32>,
    %get3A_6 = arith.constant 32 : index
    %get3A_7 = tpu.vector_load %arg4[%get3A_6] {strides = array<i32>} : memref<256xi32, #tpu.memory_space<vmem>>, vector<16xi32>,
    %get3A_8 = arith.constant 48 : index
    %get3A_9 = tpu.vector_load %arg4[%get3A_8] {strides = array<i32>} : memref<256xi32, #tpu.memory_space<vmem>>, vector<16xi32>,
    %get3A_10 = arith.constant 64 : index
    %get3A_11 = tpu.vector_load %arg4[%get3A_10] {strides = array<i32>} : memref<256xi32, #tpu.memory_space<vmem>>, vector<16xi32>,
    %get3A_12 = arith.constant 80 : index
    %get3A_13 = tpu.vector_load %arg4[%get3A_12] {strides = array<i32>} : memref<256xi32, #tpu.memory_space<vmem>>, vector<16xi32>,
    %get3A_14 = arith.constant 96 : index
    %get3A_15 = tpu.vector_load %arg4[%get3A_14] {strides = array<i32>} : memref<256xi32, #tpu.memory_space<vmem>>, vector<16xi32>,
    %get3A_16 = arith.constant 112 : index
    %get3A_17 = tpu.vector_load %arg4[%get3A_16] {strides = array<i32>} : memref<256xi32, #tpu.memory_space<vmem>>, vector<16xi32>,
    %get3A_18 = arith.constant 128 : index
    %get3A_19 = tpu.vector_load %arg4[%get3A_18] {strides = array<i32>} : memref<256xi32, #tpu.memory_space<vmem>>, vector<16xi32>,
    %get3A_20 = arith.constant 144 : index
    %get3A_21 = tpu.vector_load %arg4[%get3A_20] {strides = array<i32>} : memref<256xi32, #tpu.memory_space<vmem>>, vector<16xi32>,
    %get3A_22 = arith.constant 160 : index
    %get3A_23 = tpu.vector_load %arg4[%get3A_22] {strides = array<i32>} : memref<256xi32, #tpu.memory_space<vmem>>, vector<16xi32>,
    %get3A_24 = arith.constant 176 : index
    %get3A_25 = tpu.vector_load %arg4[%get3A_24] {strides = array<i32>} : memref<256xi32, #tpu.memory_space<vmem>>, vector<16xi32>,
    %get3A_26 = arith.constant 192 : index
    %get3A_27 = tpu.vector_load %arg4[%get3A_26] {strides = array<i32>} : memref<256xi32, #tpu.memory_space<vmem>>, vector<16xi32>,
    %get3A_28 = arith.constant 208 : index
    %get3A_29 = tpu.vector_load %arg4[%get3A_28] {strides = array<i32>} : memref<256xi32, #tpu.memory_space<vmem>>, vector<16xi32>,
    %get3A_30 = arith.constant 224 : index
    %get3A_31 = tpu.vector_load %arg4[%get3A_30] {strides = array<i32>} : memref<256xi32, #tpu.memory_space<vmem>>, vector<16xi32>,
    %get3A_32 = arith.constant 240 : index
    %get3A_33 = tpu.vector_load %arg4[%get3A_32] {strides = array<i32>} : memref<256xi32, #tpu.memory_space<vmem>>, vector<16xi32>,
    %broadcast_in_dim3A = arith.constant 1 : i32
    %broadcast_in_dim3A_34 = vector.broadcast %broadcast_in_dim3A : i32 to vector<16xi32>
    %broadcast_in_dim3A_35 = arith.constant 0 : i32
    %broadcast_in_dim3A_36 = vector.broadcast %broadcast_in_dim3A_35 : i32 to vector<16xi32>
    %parallel_loop3A = arith.constant 0 : i32
    %parallel_loop3A_37 = arith.constant 16 : i32
    %parallel_loop3A_38 = arith.constant 1 : i32
    %parallel_loop3A_39:9 = scf.for %parallel_loop3A_818 = %parallel_loop3A to %parallel_loop3A_37 step %parallel_loop3A_38 iter_args(%parallel_loop3A_819 = %broadcast_in_dim3A_36, %parallel_loop3A_820 = %broadcast_in_dim3A_36, %parallel_loop3A_821 = %broadcast_in_dim3A_36, %parallel_loop3A_822 = %broadcast_in_dim3A_36, %parallel_loop3A_823 = %broadcast_in_dim3A_36, %parallel_loop3A_824 = %broadcast_in_dim3A_36, %parallel_loop3A_825 = %broadcast_in_dim3A_36, %parallel_loop3A_826 = %broadcast_in_dim3A_36, %parallel_loop3A_827 = %broadcast_in_dim3A_36) -> (vector<16xi32>, vector<16xi32>, vector<16xi32>, vector<16xi32>, vector<16xi32>, vector<16xi32>, vector<16xi32>, vector<16xi32>, vector<16xi32>)  : i32 {
      %parallel_loop3A_828 = vector.broadcast %parallel_loop3A_818 : i32 to vector<16xi32>
      %parallel_loop3A_829 = arith.addi %iota3A, %parallel_loop3A_828 : vector<16xi32>
      %parallel_loop3A_830 = arith.constant 15 : i32
      %parallel_loop3A_831 = vector.broadcast %parallel_loop3A_830 : i32 to vector<16xi32>
      %parallel_loop3A_832 = arith.andi %parallel_loop3A_829, %parallel_loop3A_831 : vector<16xi32>
      %parallel_loop3A_833 = vector.shape_cast %parallel_loop3A_832 : vector<16xi32> to vector<16x1xi32>
      %parallel_loop3A_834 = vector.shape_cast %parallel_loop3A_833 : vector<16x1xi32> to vector<16xi32>
      %parallel_loop3A_835 = tpu.dynamic_gather %get3A_3[%parallel_loop3A_834] in [0] : vector<16xi32>, vector<16xi32> -> vector<16xi32>
      %parallel_loop3A_836 = arith.cmpi eq, %get3A_3, %parallel_loop3A_835 : vector<16xi32>
      %parallel_loop3A_837 = arith.select %parallel_loop3A_836, %broadcast_in_dim3A_34, %broadcast_in_dim3A_36 : vector<16xi1>, vector<16xi32>
      %parallel_loop3A_838 = arith.addi %parallel_loop3A_819, %parallel_loop3A_837 : vector<16xi32>
      %parallel_loop3A_839 = arith.cmpi eq, %get3A_5, %parallel_loop3A_835 : vector<16xi32>
      %parallel_loop3A_840 = arith.select %parallel_loop3A_839, %broadcast_in_dim3A_34, %broadcast_in_dim3A_36 : vector<16xi1>, vector<16xi32>
      %parallel_loop3A_841 = arith.addi %parallel_loop3A_820, %parallel_loop3A_840 : vector<16xi32>
      %parallel_loop3A_842 = arith.cmpi eq, %get3A_7, %parallel_loop3A_835 : vector<16xi32>
      %parallel_loop3A_843 = arith.select %parallel_loop3A_842, %broadcast_in_dim3A_34, %broadcast_in_dim3A_36 : vector<16xi1>, vector<16xi32>
      %parallel_loop3A_844 = arith.addi %parallel_loop3A_821, %parallel_loop3A_843 : vector<16xi32>
      %parallel_loop3A_845 = arith.cmpi eq, %get3A_9, %parallel_loop3A_835 : vector<16xi32>
      %parallel_loop3A_846 = arith.select %parallel_loop3A_845, %broadcast_in_dim3A_34, %broadcast_in_dim3A_36 : vector<16xi1>, vector<16xi32>
      %parallel_loop3A_847 = arith.addi %parallel_loop3A_822, %parallel_loop3A_846 : vector<16xi32>
      %parallel_loop3A_848 = arith.cmpi eq, %get3A_11, %parallel_loop3A_835 : vector<16xi32>
      %parallel_loop3A_849 = arith.select %parallel_loop3A_848, %broadcast_in_dim3A_34, %broadcast_in_dim3A_36 : vector<16xi1>, vector<16xi32>
      %parallel_loop3A_850 = arith.addi %parallel_loop3A_823, %parallel_loop3A_849 : vector<16xi32>
      %parallel_loop3A_851 = arith.cmpi eq, %get3A_13, %parallel_loop3A_835 : vector<16xi32>
      %parallel_loop3A_852 = arith.select %parallel_loop3A_851, %broadcast_in_dim3A_34, %broadcast_in_dim3A_36 : vector<16xi1>, vector<16xi32>
      %parallel_loop3A_853 = arith.addi %parallel_loop3A_824, %parallel_loop3A_852 : vector<16xi32>
      %parallel_loop3A_854 = arith.cmpi eq, %get3A_15, %parallel_loop3A_835 : vector<16xi32>
      %parallel_loop3A_855 = arith.select %parallel_loop3A_854, %broadcast_in_dim3A_34, %broadcast_in_dim3A_36 : vector<16xi1>, vector<16xi32>
      %parallel_loop3A_856 = arith.addi %parallel_loop3A_825, %parallel_loop3A_855 : vector<16xi32>
      %parallel_loop3A_857 = arith.cmpi eq, %get3A_17, %parallel_loop3A_835 : vector<16xi32>
      %parallel_loop3A_858 = arith.select %parallel_loop3A_857, %broadcast_in_dim3A_34, %broadcast_in_dim3A_36 : vector<16xi1>, vector<16xi32>
      %parallel_loop3A_859 = arith.addi %parallel_loop3A_826, %parallel_loop3A_858 : vector<16xi32>
      %parallel_loop3A_860 = arith.cmpi eq, %get3A_19, %parallel_loop3A_835 : vector<16xi32>
      %parallel_loop3A_861 = arith.select %parallel_loop3A_860, %broadcast_in_dim3A_34, %broadcast_in_dim3A_36 : vector<16xi1>, vector<16xi32>
      %parallel_loop3A_862 = arith.addi %parallel_loop3A_827, %parallel_loop3A_861 : vector<16xi32>
      %parallel_loop3A_863 = vector.shape_cast %parallel_loop3A_832 : vector<16xi32> to vector<16x1xi32>
      %parallel_loop3A_864 = vector.shape_cast %parallel_loop3A_863 : vector<16x1xi32> to vector<16xi32>
      %parallel_loop3A_865 = tpu.dynamic_gather %get3A_5[%parallel_loop3A_864] in [0] : vector<16xi32>, vector<16xi32> -> vector<16xi32>
      %parallel_loop3A_866 = arith.cmpi eq, %get3A_3, %parallel_loop3A_865 : vector<16xi32>
      %parallel_loop3A_867 = arith.select %parallel_loop3A_866, %broadcast_in_dim3A_34, %broadcast_in_dim3A_36 : vector<16xi1>, vector<16xi32>
      %parallel_loop3A_868 = arith.addi %parallel_loop3A_838, %parallel_loop3A_867 : vector<16xi32>
      %parallel_loop3A_869 = arith.cmpi eq, %get3A_5, %parallel_loop3A_865 : vector<16xi32>
      %parallel_loop3A_870 = arith.select %parallel_loop3A_869, %broadcast_in_dim3A_34, %broadcast_in_dim3A_36 : vector<16xi1>, vector<16xi32>
      %parallel_loop3A_871 = arith.addi %parallel_loop3A_841, %parallel_loop3A_870 : vector<16xi32>
      %parallel_loop3A_872 = arith.cmpi eq, %get3A_7, %parallel_loop3A_865 : vector<16xi32>
      %parallel_loop3A_873 = arith.select %parallel_loop3A_872, %broadcast_in_dim3A_34, %broadcast_in_dim3A_36 : vector<16xi1>, vector<16xi32>
      %parallel_loop3A_874 = arith.addi %parallel_loop3A_844, %parallel_loop3A_873 : vector<16xi32>
      %parallel_loop3A_875 = arith.cmpi eq, %get3A_9, %parallel_loop3A_865 : vector<16xi32>
      %parallel_loop3A_876 = arith.select %parallel_loop3A_875, %broadcast_in_dim3A_34, %broadcast_in_dim3A_36 : vector<16xi1>, vector<16xi32>
      %parallel_loop3A_877 = arith.addi %parallel_loop3A_847, %parallel_loop3A_876 : vector<16xi32>
      %parallel_loop3A_878 = arith.cmpi eq, %get3A_11, %parallel_loop3A_865 : vector<16xi32>
      %parallel_loop3A_879 = arith.select %parallel_loop3A_878, %broadcast_in_dim3A_34, %broadcast_in_dim3A_36 : vector<16xi1>, vector<16xi32>
      %parallel_loop3A_880 = arith.addi %parallel_loop3A_850, %parallel_loop3A_879 : vector<16xi32>
      %parallel_loop3A_881 = arith.cmpi eq, %get3A_13, %parallel_loop3A_865 : vector<16xi32>
      %parallel_loop3A_882 = arith.select %parallel_loop3A_881, %broadcast_in_dim3A_34, %broadcast_in_dim3A_36 : vector<16xi1>, vector<16xi32>
      %parallel_loop3A_883 = arith.addi %parallel_loop3A_853, %parallel_loop3A_882 : vector<16xi32>
      %parallel_loop3A_884 = arith.cmpi eq, %get3A_15, %parallel_loop3A_865 : vector<16xi32>
      %parallel_loop3A_885 = arith.select %parallel_loop3A_884, %broadcast_in_dim3A_34, %broadcast_in_dim3A_36 : vector<16xi1>, vector<16xi32>
      %parallel_loop3A_886 = arith.addi %parallel_loop3A_856, %parallel_loop3A_885 : vector<16xi32>
      %parallel_loop3A_887 = arith.cmpi eq, %get3A_17, %parallel_loop3A_865 : vector<16xi32>
      %parallel_loop3A_888 = arith.select %parallel_loop3A_887, %broadcast_in_dim3A_34, %broadcast_in_dim3A_36 : vector<16xi1>, vector<16xi32>
      %parallel_loop3A_889 = arith.addi %parallel_loop3A_859, %parallel_loop3A_888 : vector<16xi32>
      %parallel_loop3A_890 = arith.cmpi eq, %get3A_19, %parallel_loop3A_865 : vector<16xi32>
      %parallel_loop3A_891 = arith.select %parallel_loop3A_890, %broadcast_in_dim3A_34, %broadcast_in_dim3A_36 : vector<16xi1>, vector<16xi32>
      %parallel_loop3A_892 = arith.addi %parallel_loop3A_862, %parallel_loop3A_891 : vector<16xi32>
      %parallel_loop3A_893 = vector.shape_cast %parallel_loop3A_832 : vector<16xi32> to vector<16x1xi32>
      %parallel_loop3A_894 = vector.shape_cast %parallel_loop3A_893 : vector<16x1xi32> to vector<16xi32>
      %parallel_loop3A_895 = tpu.dynamic_gather %get3A_7[%parallel_loop3A_894] in [0] : vector<16xi32>, vector<16xi32> -> vector<16xi32>
      %parallel_loop3A_896 = arith.cmpi eq, %get3A_3, %parallel_loop3A_895 : vector<16xi32>
      %parallel_loop3A_897 = arith.select %parallel_loop3A_896, %broadcast_in_dim3A_34, %broadcast_in_dim3A_36 : vector<16xi1>, vector<16xi32>
      %parallel_loop3A_898 = arith.addi %parallel_loop3A_868, %parallel_loop3A_897 : vector<16xi32>
      %parallel_loop3A_899 = arith.cmpi eq, %get3A_5, %parallel_loop3A_895 : vector<16xi32>
      %parallel_loop3A_900 = arith.select %parallel_loop3A_899, %broadcast_in_dim3A_34, %broadcast_in_dim3A_36 : vector<16xi1>, vector<16xi32>
      %parallel_loop3A_901 = arith.addi %parallel_loop3A_871, %parallel_loop3A_900 : vector<16xi32>
      %parallel_loop3A_902 = arith.cmpi eq, %get3A_7, %parallel_loop3A_895 : vector<16xi32>
      %parallel_loop3A_903 = arith.select %parallel_loop3A_902, %broadcast_in_dim3A_34, %broadcast_in_dim3A_36 : vector<16xi1>, vector<16xi32>
      %parallel_loop3A_904 = arith.addi %parallel_loop3A_874, %parallel_loop3A_903 : vector<16xi32>
      %parallel_loop3A_905 = arith.cmpi eq, %get3A_9, %parallel_loop3A_895 : vector<16xi32>
      %parallel_loop3A_906 = arith.select %parallel_loop3A_905, %broadcast_in_dim3A_34, %broadcast_in_dim3A_36 : vector<16xi1>, vector<16xi32>
      %parallel_loop3A_907 = arith.addi %parallel_loop3A_877, %parallel_loop3A_906 : vector<16xi32>
      %parallel_loop3A_908 = arith.cmpi eq, %get3A_11, %parallel_loop3A_895 : vector<16xi32>
      %parallel_loop3A_909 = arith.select %parallel_loop3A_908, %broadcast_in_dim3A_34, %broadcast_in_dim3A_36 : vector<16xi1>, vector<16xi32>
      %parallel_loop3A_910 = arith.addi %parallel_loop3A_880, %parallel_loop3A_909 : vector<16xi32>
      %parallel_loop3A_911 = arith.cmpi eq, %get3A_13, %parallel_loop3A_895 : vector<16xi32>
      %parallel_loop3A_912 = arith.select %parallel_loop3A_911, %broadcast_in_dim3A_34, %broadcast_in_dim3A_36 : vector<16xi1>, vector<16xi32>
      %parallel_loop3A_913 = arith.addi %parallel_loop3A_883, %parallel_loop3A_912 : vector<16xi32>
      %parallel_loop3A_914 = arith.cmpi eq, %get3A_15, %parallel_loop3A_895 : vector<16xi32>
      %parallel_loop3A_915 = arith.select %parallel_loop3A_914, %broadcast_in_dim3A_34, %broadcast_in_dim3A_36 : vector<16xi1>, vector<16xi32>
      %parallel_loop3A_916 = arith.addi %parallel_loop3A_886, %parallel_loop3A_915 : vector<16xi32>
      %parallel_loop3A_917 = arith.cmpi eq, %get3A_17, %parallel_loop3A_895 : vector<16xi32>
      %parallel_loop3A_918 = arith.select %parallel_loop3A_917, %broadcast_in_dim3A_34, %broadcast_in_dim3A_36 : vector<16xi1>, vector<16xi32>
      %parallel_loop3A_919 = arith.addi %parallel_loop3A_889, %parallel_loop3A_918 : vector<16xi32>
      %parallel_loop3A_920 = arith.cmpi eq, %get3A_19, %parallel_loop3A_895 : vector<16xi32>
      %parallel_loop3A_921 = arith.select %parallel_loop3A_920, %broadcast_in_dim3A_34, %broadcast_in_dim3A_36 : vector<16xi1>, vector<16xi32>
      %parallel_loop3A_922 = arith.addi %parallel_loop3A_892, %parallel_loop3A_921 : vector<16xi32>
      %parallel_loop3A_923 = vector.shape_cast %parallel_loop3A_832 : vector<16xi32> to vector<16x1xi32>
      %parallel_loop3A_924 = vector.shape_cast %parallel_loop3A_923 : vector<16x1xi32> to vector<16xi32>
      %parallel_loop3A_925 = tpu.dynamic_gather %get3A_9[%parallel_loop3A_924] in [0] : vector<16xi32>, vector<16xi32> -> vector<16xi32>
      %parallel_loop3A_926 = arith.cmpi eq, %get3A_3, %parallel_loop3A_925 : vector<16xi32>
      %parallel_loop3A_927 = arith.select %parallel_loop3A_926, %broadcast_in_dim3A_34, %broadcast_in_dim3A_36 : vector<16xi1>, vector<16xi32>
      %parallel_loop3A_928 = arith.addi %parallel_loop3A_898, %parallel_loop3A_927 : vector<16xi32>
      %parallel_loop3A_929 = arith.cmpi eq, %get3A_5, %parallel_loop3A_925 : vector<16xi32>
      %parallel_loop3A_930 = arith.select %parallel_loop3A_929, %broadcast_in_dim3A_34, %broadcast_in_dim3A_36 : vector<16xi1>, vector<16xi32>
      %parallel_loop3A_931 = arith.addi %parallel_loop3A_901, %parallel_loop3A_930 : vector<16xi32>
      %parallel_loop3A_932 = arith.cmpi eq, %get3A_7, %parallel_loop3A_925 : vector<16xi32>
      %parallel_loop3A_933 = arith.select %parallel_loop3A_932, %broadcast_in_dim3A_34, %broadcast_in_dim3A_36 : vector<16xi1>, vector<16xi32>
      %parallel_loop3A_934 = arith.addi %parallel_loop3A_904, %parallel_loop3A_933 : vector<16xi32>
      %parallel_loop3A_935 = arith.cmpi eq, %get3A_9, %parallel_loop3A_925 : vector<16xi32>
      %parallel_loop3A_936 = arith.select %parallel_loop3A_935, %broadcast_in_dim3A_34, %broadcast_in_dim3A_36 : vector<16xi1>, vector<16xi32>
      %parallel_loop3A_937 = arith.addi %parallel_loop3A_907, %parallel_loop3A_936 : vector<16xi32>
      %parallel_loop3A_938 = arith.cmpi eq, %get3A_11, %parallel_loop3A_925 : vector<16xi32>
      %parallel_loop3A_939 = arith.select %parallel_loop3A_938, %broadcast_in_dim3A_34, %broadcast_in_dim3A_36 : vector<16xi1>, vector<16xi32>
      %parallel_loop3A_940 = arith.addi %parallel_loop3A_910, %parallel_loop3A_939 : vector<16xi32>
      %parallel_loop3A_941 = arith.cmpi eq, %get3A_13, %parallel_loop3A_925 : vector<16xi32>
      %parallel_loop3A_942 = arith.select %parallel_loop3A_941, %broadcast_in_dim3A_34, %broadcast_in_dim3A_36 : vector<16xi1>, vector<16xi32>
      %parallel_loop3A_943 = arith.addi %parallel_loop3A_913, %parallel_loop3A_942 : vector<16xi32>
      %parallel_loop3A_944 = arith.cmpi eq, %get3A_15, %parallel_loop3A_925 : vector<16xi32>
      %parallel_loop3A_945 = arith.select %parallel_loop3A_944, %broadcast_in_dim3A_34, %broadcast_in_dim3A_36 : vector<16xi1>, vector<16xi32>
      %parallel_loop3A_946 = arith.addi %parallel_loop3A_916, %parallel_loop3A_945 : vector<16xi32>
      %parallel_loop3A_947 = arith.cmpi eq, %get3A_17, %parallel_loop3A_925 : vector<16xi32>
      %parallel_loop3A_948 = arith.select %parallel_loop3A_947, %broadcast_in_dim3A_34, %broadcast_in_dim3A_36 : vector<16xi1>, vector<16xi32>
      %parallel_loop3A_949 = arith.addi %parallel_loop3A_919, %parallel_loop3A_948 : vector<16xi32>
      %parallel_loop3A_950 = arith.cmpi eq, %get3A_19, %parallel_loop3A_925 : vector<16xi32>
      %parallel_loop3A_951 = arith.select %parallel_loop3A_950, %broadcast_in_dim3A_34, %broadcast_in_dim3A_36 : vector<16xi1>, vector<16xi32>
      %parallel_loop3A_952 = arith.addi %parallel_loop3A_922, %parallel_loop3A_951 : vector<16xi32>
      %parallel_loop3A_953 = vector.shape_cast %parallel_loop3A_832 : vector<16xi32> to vector<16x1xi32>
      %parallel_loop3A_954 = vector.shape_cast %parallel_loop3A_953 : vector<16x1xi32> to vector<16xi32>
      %parallel_loop3A_955 = tpu.dynamic_gather %get3A_11[%parallel_loop3A_954] in [0] : vector<16xi32>, vector<16xi32> -> vector<16xi32>
      %parallel_loop3A_956 = arith.cmpi eq, %get3A_3, %parallel_loop3A_955 : vector<16xi32>
      %parallel_loop3A_957 = arith.select %parallel_loop3A_956, %broadcast_in_dim3A_34, %broadcast_in_dim3A_36 : vector<16xi1>, vector<16xi32>
      %parallel_loop3A_958 = arith.addi %parallel_loop3A_928, %parallel_loop3A_957 : vector<16xi32>
      %parallel_loop3A_959 = arith.cmpi eq, %get3A_5, %parallel_loop3A_955 : vector<16xi32>
      %parallel_loop3A_960 = arith.select %parallel_loop3A_959, %broadcast_in_dim3A_34, %broadcast_in_dim3A_36 : vector<16xi1>, vector<16xi32>
      %parallel_loop3A_961 = arith.addi %parallel_loop3A_931, %parallel_loop3A_960 : vector<16xi32>
      %parallel_loop3A_962 = arith.cmpi eq, %get3A_7, %parallel_loop3A_955 : vector<16xi32>
      %parallel_loop3A_963 = arith.select %parallel_loop3A_962, %broadcast_in_dim3A_34, %broadcast_in_dim3A_36 : vector<16xi1>, vector<16xi32>
      %parallel_loop3A_964 = arith.addi %parallel_loop3A_934, %parallel_loop3A_963 : vector<16xi32>
      %parallel_loop3A_965 = arith.cmpi eq, %get3A_9, %parallel_loop3A_955 : vector<16xi32>
      %parallel_loop3A_966 = arith.select %parallel_loop3A_965, %broadcast_in_dim3A_34, %broadcast_in_dim3A_36 : vector<16xi1>, vector<16xi32>
      %parallel_loop3A_967 = arith.addi %parallel_loop3A_937, %parallel_loop3A_966 : vector<16xi32>
      %parallel_loop3A_968 = arith.cmpi eq, %get3A_11, %parallel_loop3A_955 : vector<16xi32>
      %parallel_loop3A_969 = arith.select %parallel_loop3A_968, %broadcast_in_dim3A_34, %broadcast_in_dim3A_36 : vector<16xi1>, vector<16xi32>
      %parallel_loop3A_970 = arith.addi %parallel_loop3A_940, %parallel_loop3A_969 : vector<16xi32>
      %parallel_loop3A_971 = arith.cmpi eq, %get3A_13, %parallel_loop3A_955 : vector<16xi32>
      %parallel_loop3A_972 = arith.select %parallel_loop3A_971, %broadcast_in_dim3A_34, %broadcast_in_dim3A_36 : vector<16xi1>, vector<16xi32>
      %parallel_loop3A_973 = arith.addi %parallel_loop3A_943, %parallel_loop3A_972 : vector<16xi32>
      %parallel_loop3A_974 = arith.cmpi eq, %get3A_15, %parallel_loop3A_955 : vector<16xi32>
      %parallel_loop3A_975 = arith.select %parallel_loop3A_974, %broadcast_in_dim3A_34, %broadcast_in_dim3A_36 : vector<16xi1>, vector<16xi32>
      %parallel_loop3A_976 = arith.addi %parallel_loop3A_946, %parallel_loop3A_975 : vector<16xi32>
      %parallel_loop3A_977 = arith.cmpi eq, %get3A_17, %parallel_loop3A_955 : vector<16xi32>
      %parallel_loop3A_978 = arith.select %parallel_loop3A_977, %broadcast_in_dim3A_34, %broadcast_in_dim3A_36 : vector<16xi1>, vector<16xi32>
      %parallel_loop3A_979 = arith.addi %parallel_loop3A_949, %parallel_loop3A_978 : vector<16xi32>
      %parallel_loop3A_980 = arith.cmpi eq, %get3A_19, %parallel_loop3A_955 : vector<16xi32>
      %parallel_loop3A_981 = arith.select %parallel_loop3A_980, %broadcast_in_dim3A_34, %broadcast_in_dim3A_36 : vector<16xi1>, vector<16xi32>
      %parallel_loop3A_982 = arith.addi %parallel_loop3A_952, %parallel_loop3A_981 : vector<16xi32>
      %parallel_loop3A_983 = vector.shape_cast %parallel_loop3A_832 : vector<16xi32> to vector<16x1xi32>
      %parallel_loop3A_984 = vector.shape_cast %parallel_loop3A_983 : vector<16x1xi32> to vector<16xi32>
      %parallel_loop3A_985 = tpu.dynamic_gather %get3A_13[%parallel_loop3A_984] in [0] : vector<16xi32>, vector<16xi32> -> vector<16xi32>
      %parallel_loop3A_986 = arith.cmpi eq, %get3A_3, %parallel_loop3A_985 : vector<16xi32>
      %parallel_loop3A_987 = arith.select %parallel_loop3A_986, %broadcast_in_dim3A_34, %broadcast_in_dim3A_36 : vector<16xi1>, vector<16xi32>
      %parallel_loop3A_988 = arith.addi %parallel_loop3A_958, %parallel_loop3A_987 : vector<16xi32>
      %parallel_loop3A_989 = arith.cmpi eq, %get3A_5, %parallel_loop3A_985 : vector<16xi32>
      %parallel_loop3A_990 = arith.select %parallel_loop3A_989, %broadcast_in_dim3A_34, %broadcast_in_dim3A_36 : vector<16xi1>, vector<16xi32>
      %parallel_loop3A_991 = arith.addi %parallel_loop3A_961, %parallel_loop3A_990 : vector<16xi32>
      %parallel_loop3A_992 = arith.cmpi eq, %get3A_7, %parallel_loop3A_985 : vector<16xi32>
      %parallel_loop3A_993 = arith.select %parallel_loop3A_992, %broadcast_in_dim3A_34, %broadcast_in_dim3A_36 : vector<16xi1>, vector<16xi32>
      %parallel_loop3A_994 = arith.addi %parallel_loop3A_964, %parallel_loop3A_993 : vector<16xi32>
      %parallel_loop3A_995 = arith.cmpi eq, %get3A_9, %parallel_loop3A_985 : vector<16xi32>
      %parallel_loop3A_996 = arith.select %parallel_loop3A_995, %broadcast_in_dim3A_34, %broadcast_in_dim3A_36 : vector<16xi1>, vector<16xi32>
      %parallel_loop3A_997 = arith.addi %parallel_loop3A_967, %parallel_loop3A_996 : vector<16xi32>
      %parallel_loop3A_998 = arith.cmpi eq, %get3A_11, %parallel_loop3A_985 : vector<16xi32>
      %parallel_loop3A_999 = arith.select %parallel_loop3A_998, %broadcast_in_dim3A_34, %broadcast_in_dim3A_36 : vector<16xi1>, vector<16xi32>
      %parallel_loop3A_1000 = arith.addi %parallel_loop3A_970, %parallel_loop3A_999 : vector<16xi32>
      %parallel_loop3A_1001 = arith.cmpi eq, %get3A_13, %parallel_loop3A_985 : vector<16xi32>
      %parallel_loop3A_1002 = arith.select %parallel_loop3A_1001, %broadcast_in_dim3A_34, %broadcast_in_dim3A_36 : vector<16xi1>, vector<16xi32>
      %parallel_loop3A_1003 = arith.addi %parallel_loop3A_973, %parallel_loop3A_1002 : vector<16xi32>
      %parallel_loop3A_1004 = arith.cmpi eq, %get3A_15, %parallel_loop3A_985 : vector<16xi32>
      %parallel_loop3A_1005 = arith.select %parallel_loop3A_1004, %broadcast_in_dim3A_34, %broadcast_in_dim3A_36 : vector<16xi1>, vector<16xi32>
      %parallel_loop3A_1006 = arith.addi %parallel_loop3A_976, %parallel_loop3A_1005 : vector<16xi32>
      %parallel_loop3A_1007 = arith.cmpi eq, %get3A_17, %parallel_loop3A_985 : vector<16xi32>
      %parallel_loop3A_1008 = arith.select %parallel_loop3A_1007, %broadcast_in_dim3A_34, %broadcast_in_dim3A_36 : vector<16xi1>, vector<16xi32>
      %parallel_loop3A_1009 = arith.addi %parallel_loop3A_979, %parallel_loop3A_1008 : vector<16xi32>
      %parallel_loop3A_1010 = arith.cmpi eq, %get3A_19, %parallel_loop3A_985 : vector<16xi32>
      %parallel_loop3A_1011 = arith.select %parallel_loop3A_1010, %broadcast_in_dim3A_34, %broadcast_in_dim3A_36 : vector<16xi1>, vector<16xi32>
      %parallel_loop3A_1012 = arith.addi %parallel_loop3A_982, %parallel_loop3A_1011 : vector<16xi32>
      %parallel_loop3A_1013 = vector.shape_cast %parallel_loop3A_832 : vector<16xi32> to vector<16x1xi32>
      %parallel_loop3A_1014 = vector.shape_cast %parallel_loop3A_1013 : vector<16x1xi32> to vector<16xi32>
      %parallel_loop3A_1015 = tpu.dynamic_gather %get3A_15[%parallel_loop3A_1014] in [0] : vector<16xi32>, vector<16xi32> -> vector<16xi32>
      %parallel_loop3A_1016 = arith.cmpi eq, %get3A_3, %parallel_loop3A_1015 : vector<16xi32>
      %parallel_loop3A_1017 = arith.select %parallel_loop3A_1016, %broadcast_in_dim3A_34, %broadcast_in_dim3A_36 : vector<16xi1>, vector<16xi32>
      %parallel_loop3A_1018 = arith.addi %parallel_loop3A_988, %parallel_loop3A_1017 : vector<16xi32>
      %parallel_loop3A_1019 = arith.cmpi eq, %get3A_5, %parallel_loop3A_1015 : vector<16xi32>
      %parallel_loop3A_1020 = arith.select %parallel_loop3A_1019, %broadcast_in_dim3A_34, %broadcast_in_dim3A_36 : vector<16xi1>, vector<16xi32>
      %parallel_loop3A_1021 = arith.addi %parallel_loop3A_991, %parallel_loop3A_1020 : vector<16xi32>
      %parallel_loop3A_1022 = arith.cmpi eq, %get3A_7, %parallel_loop3A_1015 : vector<16xi32>
      %parallel_loop3A_1023 = arith.select %parallel_loop3A_1022, %broadcast_in_dim3A_34, %broadcast_in_dim3A_36 : vector<16xi1>, vector<16xi32>
      %parallel_loop3A_1024 = arith.addi %parallel_loop3A_994, %parallel_loop3A_1023 : vector<16xi32>
      %parallel_loop3A_1025 = arith.cmpi eq, %get3A_9, %parallel_loop3A_1015 : vector<16xi32>
      %parallel_loop3A_1026 = arith.select %parallel_loop3A_1025, %broadcast_in_dim3A_34, %broadcast_in_dim3A_36 : vector<16xi1>, vector<16xi32>
      %parallel_loop3A_1027 = arith.addi %parallel_loop3A_997, %parallel_loop3A_1026 : vector<16xi32>
      %parallel_loop3A_1028 = arith.cmpi eq, %get3A_11, %parallel_loop3A_1015 : vector<16xi32>
      %parallel_loop3A_1029 = arith.select %parallel_loop3A_1028, %broadcast_in_dim3A_34, %broadcast_in_dim3A_36 : vector<16xi1>, vector<16xi32>
      %parallel_loop3A_1030 = arith.addi %parallel_loop3A_1000, %parallel_loop3A_1029 : vector<16xi32>
      %parallel_loop3A_1031 = arith.cmpi eq, %get3A_13, %parallel_loop3A_1015 : vector<16xi32>
      %parallel_loop3A_1032 = arith.select %parallel_loop3A_1031, %broadcast_in_dim3A_34, %broadcast_in_dim3A_36 : vector<16xi1>, vector<16xi32>
      %parallel_loop3A_1033 = arith.addi %parallel_loop3A_1003, %parallel_loop3A_1032 : vector<16xi32>
      %parallel_loop3A_1034 = arith.cmpi eq, %get3A_15, %parallel_loop3A_1015 : vector<16xi32>
      %parallel_loop3A_1035 = arith.select %parallel_loop3A_1034, %broadcast_in_dim3A_34, %broadcast_in_dim3A_36 : vector<16xi1>, vector<16xi32>
      %parallel_loop3A_1036 = arith.addi %parallel_loop3A_1006, %parallel_loop3A_1035 : vector<16xi32>
      %parallel_loop3A_1037 = arith.cmpi eq, %get3A_17, %parallel_loop3A_1015 : vector<16xi32>
      %parallel_loop3A_1038 = arith.select %parallel_loop3A_1037, %broadcast_in_dim3A_34, %broadcast_in_dim3A_36 : vector<16xi1>, vector<16xi32>
      %parallel_loop3A_1039 = arith.addi %parallel_loop3A_1009, %parallel_loop3A_1038 : vector<16xi32>
      %parallel_loop3A_1040 = arith.cmpi eq, %get3A_19, %parallel_loop3A_1015 : vector<16xi32>
      %parallel_loop3A_1041 = arith.select %parallel_loop3A_1040, %broadcast_in_dim3A_34, %broadcast_in_dim3A_36 : vector<16xi1>, vector<16xi32>
      %parallel_loop3A_1042 = arith.addi %parallel_loop3A_1012, %parallel_loop3A_1041 : vector<16xi32>
      %parallel_loop3A_1043 = vector.shape_cast %parallel_loop3A_832 : vector<16xi32> to vector<16x1xi32>
      %parallel_loop3A_1044 = vector.shape_cast %parallel_loop3A_1043 : vector<16x1xi32> to vector<16xi32>
      %parallel_loop3A_1045 = tpu.dynamic_gather %get3A_17[%parallel_loop3A_1044] in [0] : vector<16xi32>, vector<16xi32> -> vector<16xi32>
      %parallel_loop3A_1046 = arith.cmpi eq, %get3A_3, %parallel_loop3A_1045 : vector<16xi32>
      %parallel_loop3A_1047 = arith.select %parallel_loop3A_1046, %broadcast_in_dim3A_34, %broadcast_in_dim3A_36 : vector<16xi1>, vector<16xi32>
      %parallel_loop3A_1048 = arith.addi %parallel_loop3A_1018, %parallel_loop3A_1047 : vector<16xi32>
      %parallel_loop3A_1049 = arith.cmpi eq, %get3A_5, %parallel_loop3A_1045 : vector<16xi32>
      %parallel_loop3A_1050 = arith.select %parallel_loop3A_1049, %broadcast_in_dim3A_34, %broadcast_in_dim3A_36 : vector<16xi1>, vector<16xi32>
      %parallel_loop3A_1051 = arith.addi %parallel_loop3A_1021, %parallel_loop3A_1050 : vector<16xi32>
      %parallel_loop3A_1052 = arith.cmpi eq, %get3A_7, %parallel_loop3A_1045 : vector<16xi32>
      %parallel_loop3A_1053 = arith.select %parallel_loop3A_1052, %broadcast_in_dim3A_34, %broadcast_in_dim3A_36 : vector<16xi1>, vector<16xi32>
      %parallel_loop3A_1054 = arith.addi %parallel_loop3A_1024, %parallel_loop3A_1053 : vector<16xi32>
      %parallel_loop3A_1055 = arith.cmpi eq, %get3A_9, %parallel_loop3A_1045 : vector<16xi32>
      %parallel_loop3A_1056 = arith.select %parallel_loop3A_1055, %broadcast_in_dim3A_34, %broadcast_in_dim3A_36 : vector<16xi1>, vector<16xi32>
      %parallel_loop3A_1057 = arith.addi %parallel_loop3A_1027, %parallel_loop3A_1056 : vector<16xi32>
      %parallel_loop3A_1058 = arith.cmpi eq, %get3A_11, %parallel_loop3A_1045 : vector<16xi32>
      %parallel_loop3A_1059 = arith.select %parallel_loop3A_1058, %broadcast_in_dim3A_34, %broadcast_in_dim3A_36 : vector<16xi1>, vector<16xi32>
      %parallel_loop3A_1060 = arith.addi %parallel_loop3A_1030, %parallel_loop3A_1059 : vector<16xi32>
      %parallel_loop3A_1061 = arith.cmpi eq, %get3A_13, %parallel_loop3A_1045 : vector<16xi32>
      %parallel_loop3A_1062 = arith.select %parallel_loop3A_1061, %broadcast_in_dim3A_34, %broadcast_in_dim3A_36 : vector<16xi1>, vector<16xi32>
      %parallel_loop3A_1063 = arith.addi %parallel_loop3A_1033, %parallel_loop3A_1062 : vector<16xi32>
      %parallel_loop3A_1064 = arith.cmpi eq, %get3A_15, %parallel_loop3A_1045 : vector<16xi32>
      %parallel_loop3A_1065 = arith.select %parallel_loop3A_1064, %broadcast_in_dim3A_34, %broadcast_in_dim3A_36 : vector<16xi1>, vector<16xi32>
      %parallel_loop3A_1066 = arith.addi %parallel_loop3A_1036, %parallel_loop3A_1065 : vector<16xi32>
      %parallel_loop3A_1067 = arith.cmpi eq, %get3A_17, %parallel_loop3A_1045 : vector<16xi32>
      %parallel_loop3A_1068 = arith.select %parallel_loop3A_1067, %broadcast_in_dim3A_34, %broadcast_in_dim3A_36 : vector<16xi1>, vector<16xi32>
      %parallel_loop3A_1069 = arith.addi %parallel_loop3A_1039, %parallel_loop3A_1068 : vector<16xi32>
      %parallel_loop3A_1070 = arith.cmpi eq, %get3A_19, %parallel_loop3A_1045 : vector<16xi32>
      %parallel_loop3A_1071 = arith.select %parallel_loop3A_1070, %broadcast_in_dim3A_34, %broadcast_in_dim3A_36 : vector<16xi1>, vector<16xi32>
      %parallel_loop3A_1072 = arith.addi %parallel_loop3A_1042, %parallel_loop3A_1071 : vector<16xi32>
      %parallel_loop3A_1073 = vector.shape_cast %parallel_loop3A_832 : vector<16xi32> to vector<16x1xi32>
      %parallel_loop3A_1074 = vector.shape_cast %parallel_loop3A_1073 : vector<16x1xi32> to vector<16xi32>
      %parallel_loop3A_1075 = tpu.dynamic_gather %get3A_19[%parallel_loop3A_1074] in [0] : vector<16xi32>, vector<16xi32> -> vector<16xi32>
      %parallel_loop3A_1076 = arith.cmpi eq, %get3A_3, %parallel_loop3A_1075 : vector<16xi32>
      %parallel_loop3A_1077 = arith.select %parallel_loop3A_1076, %broadcast_in_dim3A_34, %broadcast_in_dim3A_36 : vector<16xi1>, vector<16xi32>
      %parallel_loop3A_1078 = arith.addi %parallel_loop3A_1048, %parallel_loop3A_1077 : vector<16xi32>
      %parallel_loop3A_1079 = arith.cmpi eq, %get3A_5, %parallel_loop3A_1075 : vector<16xi32>
      %parallel_loop3A_1080 = arith.select %parallel_loop3A_1079, %broadcast_in_dim3A_34, %broadcast_in_dim3A_36 : vector<16xi1>, vector<16xi32>
      %parallel_loop3A_1081 = arith.addi %parallel_loop3A_1051, %parallel_loop3A_1080 : vector<16xi32>
      %parallel_loop3A_1082 = arith.cmpi eq, %get3A_7, %parallel_loop3A_1075 : vector<16xi32>
      %parallel_loop3A_1083 = arith.select %parallel_loop3A_1082, %broadcast_in_dim3A_34, %broadcast_in_dim3A_36 : vector<16xi1>, vector<16xi32>
      %parallel_loop3A_1084 = arith.addi %parallel_loop3A_1054, %parallel_loop3A_1083 : vector<16xi32>
      %parallel_loop3A_1085 = arith.cmpi eq, %get3A_9, %parallel_loop3A_1075 : vector<16xi32>
      %parallel_loop3A_1086 = arith.select %parallel_loop3A_1085, %broadcast_in_dim3A_34, %broadcast_in_dim3A_36 : vector<16xi1>, vector<16xi32>
      %parallel_loop3A_1087 = arith.addi %parallel_loop3A_1057, %parallel_loop3A_1086 : vector<16xi32>
      %parallel_loop3A_1088 = arith.cmpi eq, %get3A_11, %parallel_loop3A_1075 : vector<16xi32>
      %parallel_loop3A_1089 = arith.select %parallel_loop3A_1088, %broadcast_in_dim3A_34, %broadcast_in_dim3A_36 : vector<16xi1>, vector<16xi32>
      %parallel_loop3A_1090 = arith.addi %parallel_loop3A_1060, %parallel_loop3A_1089 : vector<16xi32>
      %parallel_loop3A_1091 = arith.cmpi eq, %get3A_13, %parallel_loop3A_1075 : vector<16xi32>
      %parallel_loop3A_1092 = arith.select %parallel_loop3A_1091, %broadcast_in_dim3A_34, %broadcast_in_dim3A_36 : vector<16xi1>, vector<16xi32>
      %parallel_loop3A_1093 = arith.addi %parallel_loop3A_1063, %parallel_loop3A_1092 : vector<16xi32>
      %parallel_loop3A_1094 = arith.cmpi eq, %get3A_15, %parallel_loop3A_1075 : vector<16xi32>
      %parallel_loop3A_1095 = arith.select %parallel_loop3A_1094, %broadcast_in_dim3A_34, %broadcast_in_dim3A_36 : vector<16xi1>, vector<16xi32>
      %parallel_loop3A_1096 = arith.addi %parallel_loop3A_1066, %parallel_loop3A_1095 : vector<16xi32>
      %parallel_loop3A_1097 = arith.cmpi eq, %get3A_17, %parallel_loop3A_1075 : vector<16xi32>
      %parallel_loop3A_1098 = arith.select %parallel_loop3A_1097, %broadcast_in_dim3A_34, %broadcast_in_dim3A_36 : vector<16xi1>, vector<16xi32>
      %parallel_loop3A_1099 = arith.addi %parallel_loop3A_1069, %parallel_loop3A_1098 : vector<16xi32>
      %parallel_loop3A_1100 = arith.cmpi eq, %get3A_19, %parallel_loop3A_1075 : vector<16xi32>
      %parallel_loop3A_1101 = arith.select %parallel_loop3A_1100, %broadcast_in_dim3A_34, %broadcast_in_dim3A_36 : vector<16xi1>, vector<16xi32>
      %parallel_loop3A_1102 = arith.addi %parallel_loop3A_1072, %parallel_loop3A_1101 : vector<16xi32>
      %parallel_loop3A_1103 = vector.shape_cast %parallel_loop3A_832 : vector<16xi32> to vector<16x1xi32>
      %parallel_loop3A_1104 = vector.shape_cast %parallel_loop3A_1103 : vector<16x1xi32> to vector<16xi32>
      %parallel_loop3A_1105 = tpu.dynamic_gather %get3A_21[%parallel_loop3A_1104] in [0] : vector<16xi32>, vector<16xi32> -> vector<16xi32>
      %parallel_loop3A_1106 = arith.cmpi eq, %get3A_3, %parallel_loop3A_1105 : vector<16xi32>
      %parallel_loop3A_1107 = arith.select %parallel_loop3A_1106, %broadcast_in_dim3A_34, %broadcast_in_dim3A_36 : vector<16xi1>, vector<16xi32>
      %parallel_loop3A_1108 = arith.addi %parallel_loop3A_1078, %parallel_loop3A_1107 : vector<16xi32>
      %parallel_loop3A_1109 = arith.cmpi eq, %get3A_5, %parallel_loop3A_1105 : vector<16xi32>
      %parallel_loop3A_1110 = arith.select %parallel_loop3A_1109, %broadcast_in_dim3A_34, %broadcast_in_dim3A_36 : vector<16xi1>, vector<16xi32>
      %parallel_loop3A_1111 = arith.addi %parallel_loop3A_1081, %parallel_loop3A_1110 : vector<16xi32>
      %parallel_loop3A_1112 = arith.cmpi eq, %get3A_7, %parallel_loop3A_1105 : vector<16xi32>
      %parallel_loop3A_1113 = arith.select %parallel_loop3A_1112, %broadcast_in_dim3A_34, %broadcast_in_dim3A_36 : vector<16xi1>, vector<16xi32>
      %parallel_loop3A_1114 = arith.addi %parallel_loop3A_1084, %parallel_loop3A_1113 : vector<16xi32>
      %parallel_loop3A_1115 = arith.cmpi eq, %get3A_9, %parallel_loop3A_1105 : vector<16xi32>
      %parallel_loop3A_1116 = arith.select %parallel_loop3A_1115, %broadcast_in_dim3A_34, %broadcast_in_dim3A_36 : vector<16xi1>, vector<16xi32>
      %parallel_loop3A_1117 = arith.addi %parallel_loop3A_1087, %parallel_loop3A_1116 : vector<16xi32>
      %parallel_loop3A_1118 = arith.cmpi eq, %get3A_11, %parallel_loop3A_1105 : vector<16xi32>
      %parallel_loop3A_1119 = arith.select %parallel_loop3A_1118, %broadcast_in_dim3A_34, %broadcast_in_dim3A_36 : vector<16xi1>, vector<16xi32>
      %parallel_loop3A_1120 = arith.addi %parallel_loop3A_1090, %parallel_loop3A_1119 : vector<16xi32>
      %parallel_loop3A_1121 = arith.cmpi eq, %get3A_13, %parallel_loop3A_1105 : vector<16xi32>
      %parallel_loop3A_1122 = arith.select %parallel_loop3A_1121, %broadcast_in_dim3A_34, %broadcast_in_dim3A_36 : vector<16xi1>, vector<16xi32>
      %parallel_loop3A_1123 = arith.addi %parallel_loop3A_1093, %parallel_loop3A_1122 : vector<16xi32>
      %parallel_loop3A_1124 = arith.cmpi eq, %get3A_15, %parallel_loop3A_1105 : vector<16xi32>
      %parallel_loop3A_1125 = arith.select %parallel_loop3A_1124, %broadcast_in_dim3A_34, %broadcast_in_dim3A_36 : vector<16xi1>, vector<16xi32>
      %parallel_loop3A_1126 = arith.addi %parallel_loop3A_1096, %parallel_loop3A_1125 : vector<16xi32>
      %parallel_loop3A_1127 = arith.cmpi eq, %get3A_17, %parallel_loop3A_1105 : vector<16xi32>
      %parallel_loop3A_1128 = arith.select %parallel_loop3A_1127, %broadcast_in_dim3A_34, %broadcast_in_dim3A_36 : vector<16xi1>, vector<16xi32>
      %parallel_loop3A_1129 = arith.addi %parallel_loop3A_1099, %parallel_loop3A_1128 : vector<16xi32>
      %parallel_loop3A_1130 = arith.cmpi eq, %get3A_19, %parallel_loop3A_1105 : vector<16xi32>
      %parallel_loop3A_1131 = arith.select %parallel_loop3A_1130, %broadcast_in_dim3A_34, %broadcast_in_dim3A_36 : vector<16xi1>, vector<16xi32>
      %parallel_loop3A_1132 = arith.addi %parallel_loop3A_1102, %parallel_loop3A_1131 : vector<16xi32>
      %parallel_loop3A_1133 = vector.shape_cast %parallel_loop3A_832 : vector<16xi32> to vector<16x1xi32>
      %parallel_loop3A_1134 = vector.shape_cast %parallel_loop3A_1133 : vector<16x1xi32> to vector<16xi32>
      %parallel_loop3A_1135 = tpu.dynamic_gather %get3A_23[%parallel_loop3A_1134] in [0] : vector<16xi32>, vector<16xi32> -> vector<16xi32>
      %parallel_loop3A_1136 = arith.cmpi eq, %get3A_3, %parallel_loop3A_1135 : vector<16xi32>
      %parallel_loop3A_1137 = arith.select %parallel_loop3A_1136, %broadcast_in_dim3A_34, %broadcast_in_dim3A_36 : vector<16xi1>, vector<16xi32>
      %parallel_loop3A_1138 = arith.addi %parallel_loop3A_1108, %parallel_loop3A_1137 : vector<16xi32>
      %parallel_loop3A_1139 = arith.cmpi eq, %get3A_5, %parallel_loop3A_1135 : vector<16xi32>
      %parallel_loop3A_1140 = arith.select %parallel_loop3A_1139, %broadcast_in_dim3A_34, %broadcast_in_dim3A_36 : vector<16xi1>, vector<16xi32>
      %parallel_loop3A_1141 = arith.addi %parallel_loop3A_1111, %parallel_loop3A_1140 : vector<16xi32>
      %parallel_loop3A_1142 = arith.cmpi eq, %get3A_7, %parallel_loop3A_1135 : vector<16xi32>
      %parallel_loop3A_1143 = arith.select %parallel_loop3A_1142, %broadcast_in_dim3A_34, %broadcast_in_dim3A_36 : vector<16xi1>, vector<16xi32>
      %parallel_loop3A_1144 = arith.addi %parallel_loop3A_1114, %parallel_loop3A_1143 : vector<16xi32>
      %parallel_loop3A_1145 = arith.cmpi eq, %get3A_9, %parallel_loop3A_1135 : vector<16xi32>
      %parallel_loop3A_1146 = arith.select %parallel_loop3A_1145, %broadcast_in_dim3A_34, %broadcast_in_dim3A_36 : vector<16xi1>, vector<16xi32>
      %parallel_loop3A_1147 = arith.addi %parallel_loop3A_1117, %parallel_loop3A_1146 : vector<16xi32>
      %parallel_loop3A_1148 = arith.cmpi eq, %get3A_11, %parallel_loop3A_1135 : vector<16xi32>
      %parallel_loop3A_1149 = arith.select %parallel_loop3A_1148, %broadcast_in_dim3A_34, %broadcast_in_dim3A_36 : vector<16xi1>, vector<16xi32>
      %parallel_loop3A_1150 = arith.addi %parallel_loop3A_1120, %parallel_loop3A_1149 : vector<16xi32>
      %parallel_loop3A_1151 = arith.cmpi eq, %get3A_13, %parallel_loop3A_1135 : vector<16xi32>
      %parallel_loop3A_1152 = arith.select %parallel_loop3A_1151, %broadcast_in_dim3A_34, %broadcast_in_dim3A_36 : vector<16xi1>, vector<16xi32>
      %parallel_loop3A_1153 = arith.addi %parallel_loop3A_1123, %parallel_loop3A_1152 : vector<16xi32>
      %parallel_loop3A_1154 = arith.cmpi eq, %get3A_15, %parallel_loop3A_1135 : vector<16xi32>
      %parallel_loop3A_1155 = arith.select %parallel_loop3A_1154, %broadcast_in_dim3A_34, %broadcast_in_dim3A_36 : vector<16xi1>, vector<16xi32>
      %parallel_loop3A_1156 = arith.addi %parallel_loop3A_1126, %parallel_loop3A_1155 : vector<16xi32>
      %parallel_loop3A_1157 = arith.cmpi eq, %get3A_17, %parallel_loop3A_1135 : vector<16xi32>
      %parallel_loop3A_1158 = arith.select %parallel_loop3A_1157, %broadcast_in_dim3A_34, %broadcast_in_dim3A_36 : vector<16xi1>, vector<16xi32>
      %parallel_loop3A_1159 = arith.addi %parallel_loop3A_1129, %parallel_loop3A_1158 : vector<16xi32>
      %parallel_loop3A_1160 = arith.cmpi eq, %get3A_19, %parallel_loop3A_1135 : vector<16xi32>
      %parallel_loop3A_1161 = arith.select %parallel_loop3A_1160, %broadcast_in_dim3A_34, %broadcast_in_dim3A_36 : vector<16xi1>, vector<16xi32>
      %parallel_loop3A_1162 = arith.addi %parallel_loop3A_1132, %parallel_loop3A_1161 : vector<16xi32>
      %parallel_loop3A_1163 = vector.shape_cast %parallel_loop3A_832 : vector<16xi32> to vector<16x1xi32>
      %parallel_loop3A_1164 = vector.shape_cast %parallel_loop3A_1163 : vector<16x1xi32> to vector<16xi32>
      %parallel_loop3A_1165 = tpu.dynamic_gather %get3A_25[%parallel_loop3A_1164] in [0] : vector<16xi32>, vector<16xi32> -> vector<16xi32>
      %parallel_loop3A_1166 = arith.cmpi eq, %get3A_3, %parallel_loop3A_1165 : vector<16xi32>
      %parallel_loop3A_1167 = arith.select %parallel_loop3A_1166, %broadcast_in_dim3A_34, %broadcast_in_dim3A_36 : vector<16xi1>, vector<16xi32>
      %parallel_loop3A_1168 = arith.addi %parallel_loop3A_1138, %parallel_loop3A_1167 : vector<16xi32>
      %parallel_loop3A_1169 = arith.cmpi eq, %get3A_5, %parallel_loop3A_1165 : vector<16xi32>
      %parallel_loop3A_1170 = arith.select %parallel_loop3A_1169, %broadcast_in_dim3A_34, %broadcast_in_dim3A_36 : vector<16xi1>, vector<16xi32>
      %parallel_loop3A_1171 = arith.addi %parallel_loop3A_1141, %parallel_loop3A_1170 : vector<16xi32>
      %parallel_loop3A_1172 = arith.cmpi eq, %get3A_7, %parallel_loop3A_1165 : vector<16xi32>
      %parallel_loop3A_1173 = arith.select %parallel_loop3A_1172, %broadcast_in_dim3A_34, %broadcast_in_dim3A_36 : vector<16xi1>, vector<16xi32>
      %parallel_loop3A_1174 = arith.addi %parallel_loop3A_1144, %parallel_loop3A_1173 : vector<16xi32>
      %parallel_loop3A_1175 = arith.cmpi eq, %get3A_9, %parallel_loop3A_1165 : vector<16xi32>
      %parallel_loop3A_1176 = arith.select %parallel_loop3A_1175, %broadcast_in_dim3A_34, %broadcast_in_dim3A_36 : vector<16xi1>, vector<16xi32>
      %parallel_loop3A_1177 = arith.addi %parallel_loop3A_1147, %parallel_loop3A_1176 : vector<16xi32>
      %parallel_loop3A_1178 = arith.cmpi eq, %get3A_11, %parallel_loop3A_1165 : vector<16xi32>
      %parallel_loop3A_1179 = arith.select %parallel_loop3A_1178, %broadcast_in_dim3A_34, %broadcast_in_dim3A_36 : vector<16xi1>, vector<16xi32>
      %parallel_loop3A_1180 = arith.addi %parallel_loop3A_1150, %parallel_loop3A_1179 : vector<16xi32>
      %parallel_loop3A_1181 = arith.cmpi eq, %get3A_13, %parallel_loop3A_1165 : vector<16xi32>
      %parallel_loop3A_1182 = arith.select %parallel_loop3A_1181, %broadcast_in_dim3A_34, %broadcast_in_dim3A_36 : vector<16xi1>, vector<16xi32>
      %parallel_loop3A_1183 = arith.addi %parallel_loop3A_1153, %parallel_loop3A_1182 : vector<16xi32>
      %parallel_loop3A_1184 = arith.cmpi eq, %get3A_15, %parallel_loop3A_1165 : vector<16xi32>
      %parallel_loop3A_1185 = arith.select %parallel_loop3A_1184, %broadcast_in_dim3A_34, %broadcast_in_dim3A_36 : vector<16xi1>, vector<16xi32>
      %parallel_loop3A_1186 = arith.addi %parallel_loop3A_1156, %parallel_loop3A_1185 : vector<16xi32>
      %parallel_loop3A_1187 = arith.cmpi eq, %get3A_17, %parallel_loop3A_1165 : vector<16xi32>
      %parallel_loop3A_1188 = arith.select %parallel_loop3A_1187, %broadcast_in_dim3A_34, %broadcast_in_dim3A_36 : vector<16xi1>, vector<16xi32>
      %parallel_loop3A_1189 = arith.addi %parallel_loop3A_1159, %parallel_loop3A_1188 : vector<16xi32>
      %parallel_loop3A_1190 = arith.cmpi eq, %get3A_19, %parallel_loop3A_1165 : vector<16xi32>
      %parallel_loop3A_1191 = arith.select %parallel_loop3A_1190, %broadcast_in_dim3A_34, %broadcast_in_dim3A_36 : vector<16xi1>, vector<16xi32>
      %parallel_loop3A_1192 = arith.addi %parallel_loop3A_1162, %parallel_loop3A_1191 : vector<16xi32>
      %parallel_loop3A_1193 = vector.shape_cast %parallel_loop3A_832 : vector<16xi32> to vector<16x1xi32>
      %parallel_loop3A_1194 = vector.shape_cast %parallel_loop3A_1193 : vector<16x1xi32> to vector<16xi32>
      %parallel_loop3A_1195 = tpu.dynamic_gather %get3A_27[%parallel_loop3A_1194] in [0] : vector<16xi32>, vector<16xi32> -> vector<16xi32>
      %parallel_loop3A_1196 = arith.cmpi eq, %get3A_3, %parallel_loop3A_1195 : vector<16xi32>
      %parallel_loop3A_1197 = arith.select %parallel_loop3A_1196, %broadcast_in_dim3A_34, %broadcast_in_dim3A_36 : vector<16xi1>, vector<16xi32>
      %parallel_loop3A_1198 = arith.addi %parallel_loop3A_1168, %parallel_loop3A_1197 : vector<16xi32>
      %parallel_loop3A_1199 = arith.cmpi eq, %get3A_5, %parallel_loop3A_1195 : vector<16xi32>
      %parallel_loop3A_1200 = arith.select %parallel_loop3A_1199, %broadcast_in_dim3A_34, %broadcast_in_dim3A_36 : vector<16xi1>, vector<16xi32>
      %parallel_loop3A_1201 = arith.addi %parallel_loop3A_1171, %parallel_loop3A_1200 : vector<16xi32>
      %parallel_loop3A_1202 = arith.cmpi eq, %get3A_7, %parallel_loop3A_1195 : vector<16xi32>
      %parallel_loop3A_1203 = arith.select %parallel_loop3A_1202, %broadcast_in_dim3A_34, %broadcast_in_dim3A_36 : vector<16xi1>, vector<16xi32>
      %parallel_loop3A_1204 = arith.addi %parallel_loop3A_1174, %parallel_loop3A_1203 : vector<16xi32>
      %parallel_loop3A_1205 = arith.cmpi eq, %get3A_9, %parallel_loop3A_1195 : vector<16xi32>
      %parallel_loop3A_1206 = arith.select %parallel_loop3A_1205, %broadcast_in_dim3A_34, %broadcast_in_dim3A_36 : vector<16xi1>, vector<16xi32>
      %parallel_loop3A_1207 = arith.addi %parallel_loop3A_1177, %parallel_loop3A_1206 : vector<16xi32>
      %parallel_loop3A_1208 = arith.cmpi eq, %get3A_11, %parallel_loop3A_1195 : vector<16xi32>
      %parallel_loop3A_1209 = arith.select %parallel_loop3A_1208, %broadcast_in_dim3A_34, %broadcast_in_dim3A_36 : vector<16xi1>, vector<16xi32>
      %parallel_loop3A_1210 = arith.addi %parallel_loop3A_1180, %parallel_loop3A_1209 : vector<16xi32>
      %parallel_loop3A_1211 = arith.cmpi eq, %get3A_13, %parallel_loop3A_1195 : vector<16xi32>
      %parallel_loop3A_1212 = arith.select %parallel_loop3A_1211, %broadcast_in_dim3A_34, %broadcast_in_dim3A_36 : vector<16xi1>, vector<16xi32>
      %parallel_loop3A_1213 = arith.addi %parallel_loop3A_1183, %parallel_loop3A_1212 : vector<16xi32>
      %parallel_loop3A_1214 = arith.cmpi eq, %get3A_15, %parallel_loop3A_1195 : vector<16xi32>
      %parallel_loop3A_1215 = arith.select %parallel_loop3A_1214, %broadcast_in_dim3A_34, %broadcast_in_dim3A_36 : vector<16xi1>, vector<16xi32>
      %parallel_loop3A_1216 = arith.addi %parallel_loop3A_1186, %parallel_loop3A_1215 : vector<16xi32>
      %parallel_loop3A_1217 = arith.cmpi eq, %get3A_17, %parallel_loop3A_1195 : vector<16xi32>
      %parallel_loop3A_1218 = arith.select %parallel_loop3A_1217, %broadcast_in_dim3A_34, %broadcast_in_dim3A_36 : vector<16xi1>, vector<16xi32>
      %parallel_loop3A_1219 = arith.addi %parallel_loop3A_1189, %parallel_loop3A_1218 : vector<16xi32>
      %parallel_loop3A_1220 = arith.cmpi eq, %get3A_19, %parallel_loop3A_1195 : vector<16xi32>
      %parallel_loop3A_1221 = arith.select %parallel_loop3A_1220, %broadcast_in_dim3A_34, %broadcast_in_dim3A_36 : vector<16xi1>, vector<16xi32>
      %parallel_loop3A_1222 = arith.addi %parallel_loop3A_1192, %parallel_loop3A_1221 : vector<16xi32>
      %parallel_loop3A_1223 = vector.shape_cast %parallel_loop3A_832 : vector<16xi32> to vector<16x1xi32>
      %parallel_loop3A_1224 = vector.shape_cast %parallel_loop3A_1223 : vector<16x1xi32> to vector<16xi32>
      %parallel_loop3A_1225 = tpu.dynamic_gather %get3A_29[%parallel_loop3A_1224] in [0] : vector<16xi32>, vector<16xi32> -> vector<16xi32>
      %parallel_loop3A_1226 = arith.cmpi eq, %get3A_3, %parallel_loop3A_1225 : vector<16xi32>
      %parallel_loop3A_1227 = arith.select %parallel_loop3A_1226, %broadcast_in_dim3A_34, %broadcast_in_dim3A_36 : vector<16xi1>, vector<16xi32>
      %parallel_loop3A_1228 = arith.addi %parallel_loop3A_1198, %parallel_loop3A_1227 : vector<16xi32>
      %parallel_loop3A_1229 = arith.cmpi eq, %get3A_5, %parallel_loop3A_1225 : vector<16xi32>
      %parallel_loop3A_1230 = arith.select %parallel_loop3A_1229, %broadcast_in_dim3A_34, %broadcast_in_dim3A_36 : vector<16xi1>, vector<16xi32>
      %parallel_loop3A_1231 = arith.addi %parallel_loop3A_1201, %parallel_loop3A_1230 : vector<16xi32>
      %parallel_loop3A_1232 = arith.cmpi eq, %get3A_7, %parallel_loop3A_1225 : vector<16xi32>
      %parallel_loop3A_1233 = arith.select %parallel_loop3A_1232, %broadcast_in_dim3A_34, %broadcast_in_dim3A_36 : vector<16xi1>, vector<16xi32>
      %parallel_loop3A_1234 = arith.addi %parallel_loop3A_1204, %parallel_loop3A_1233 : vector<16xi32>
      %parallel_loop3A_1235 = arith.cmpi eq, %get3A_9, %parallel_loop3A_1225 : vector<16xi32>
      %parallel_loop3A_1236 = arith.select %parallel_loop3A_1235, %broadcast_in_dim3A_34, %broadcast_in_dim3A_36 : vector<16xi1>, vector<16xi32>
      %parallel_loop3A_1237 = arith.addi %parallel_loop3A_1207, %parallel_loop3A_1236 : vector<16xi32>
      %parallel_loop3A_1238 = arith.cmpi eq, %get3A_11, %parallel_loop3A_1225 : vector<16xi32>
      %parallel_loop3A_1239 = arith.select %parallel_loop3A_1238, %broadcast_in_dim3A_34, %broadcast_in_dim3A_36 : vector<16xi1>, vector<16xi32>
      %parallel_loop3A_1240 = arith.addi %parallel_loop3A_1210, %parallel_loop3A_1239 : vector<16xi32>
      %parallel_loop3A_1241 = arith.cmpi eq, %get3A_13, %parallel_loop3A_1225 : vector<16xi32>
      %parallel_loop3A_1242 = arith.select %parallel_loop3A_1241, %broadcast_in_dim3A_34, %broadcast_in_dim3A_36 : vector<16xi1>, vector<16xi32>
      %parallel_loop3A_1243 = arith.addi %parallel_loop3A_1213, %parallel_loop3A_1242 : vector<16xi32>
      %parallel_loop3A_1244 = arith.cmpi eq, %get3A_15, %parallel_loop3A_1225 : vector<16xi32>
      %parallel_loop3A_1245 = arith.select %parallel_loop3A_1244, %broadcast_in_dim3A_34, %broadcast_in_dim3A_36 : vector<16xi1>, vector<16xi32>
      %parallel_loop3A_1246 = arith.addi %parallel_loop3A_1216, %parallel_loop3A_1245 : vector<16xi32>
      %parallel_loop3A_1247 = arith.cmpi eq, %get3A_17, %parallel_loop3A_1225 : vector<16xi32>
      %parallel_loop3A_1248 = arith.select %parallel_loop3A_1247, %broadcast_in_dim3A_34, %broadcast_in_dim3A_36 : vector<16xi1>, vector<16xi32>
      %parallel_loop3A_1249 = arith.addi %parallel_loop3A_1219, %parallel_loop3A_1248 : vector<16xi32>
      %parallel_loop3A_1250 = arith.cmpi eq, %get3A_19, %parallel_loop3A_1225 : vector<16xi32>
      %parallel_loop3A_1251 = arith.select %parallel_loop3A_1250, %broadcast_in_dim3A_34, %broadcast_in_dim3A_36 : vector<16xi1>, vector<16xi32>
      %parallel_loop3A_1252 = arith.addi %parallel_loop3A_1222, %parallel_loop3A_1251 : vector<16xi32>
      %parallel_loop3A_1253 = vector.shape_cast %parallel_loop3A_832 : vector<16xi32> to vector<16x1xi32>
      %parallel_loop3A_1254 = vector.shape_cast %parallel_loop3A_1253 : vector<16x1xi32> to vector<16xi32>
      %parallel_loop3A_1255 = tpu.dynamic_gather %get3A_31[%parallel_loop3A_1254] in [0] : vector<16xi32>, vector<16xi32> -> vector<16xi32>
      %parallel_loop3A_1256 = arith.cmpi eq, %get3A_3, %parallel_loop3A_1255 : vector<16xi32>
      %parallel_loop3A_1257 = arith.select %parallel_loop3A_1256, %broadcast_in_dim3A_34, %broadcast_in_dim3A_36 : vector<16xi1>, vector<16xi32>
      %parallel_loop3A_1258 = arith.addi %parallel_loop3A_1228, %parallel_loop3A_1257 : vector<16xi32>
      %parallel_loop3A_1259 = arith.cmpi eq, %get3A_5, %parallel_loop3A_1255 : vector<16xi32>
      %parallel_loop3A_1260 = arith.select %parallel_loop3A_1259, %broadcast_in_dim3A_34, %broadcast_in_dim3A_36 : vector<16xi1>, vector<16xi32>
      %parallel_loop3A_1261 = arith.addi %parallel_loop3A_1231, %parallel_loop3A_1260 : vector<16xi32>
      %parallel_loop3A_1262 = arith.cmpi eq, %get3A_7, %parallel_loop3A_1255 : vector<16xi32>
      %parallel_loop3A_1263 = arith.select %parallel_loop3A_1262, %broadcast_in_dim3A_34, %broadcast_in_dim3A_36 : vector<16xi1>, vector<16xi32>
      %parallel_loop3A_1264 = arith.addi %parallel_loop3A_1234, %parallel_loop3A_1263 : vector<16xi32>
      %parallel_loop3A_1265 = arith.cmpi eq, %get3A_9, %parallel_loop3A_1255 : vector<16xi32>
      %parallel_loop3A_1266 = arith.select %parallel_loop3A_1265, %broadcast_in_dim3A_34, %broadcast_in_dim3A_36 : vector<16xi1>, vector<16xi32>
      %parallel_loop3A_1267 = arith.addi %parallel_loop3A_1237, %parallel_loop3A_1266 : vector<16xi32>
      %parallel_loop3A_1268 = arith.cmpi eq, %get3A_11, %parallel_loop3A_1255 : vector<16xi32>
      %parallel_loop3A_1269 = arith.select %parallel_loop3A_1268, %broadcast_in_dim3A_34, %broadcast_in_dim3A_36 : vector<16xi1>, vector<16xi32>
      %parallel_loop3A_1270 = arith.addi %parallel_loop3A_1240, %parallel_loop3A_1269 : vector<16xi32>
      %parallel_loop3A_1271 = arith.cmpi eq, %get3A_13, %parallel_loop3A_1255 : vector<16xi32>
      %parallel_loop3A_1272 = arith.select %parallel_loop3A_1271, %broadcast_in_dim3A_34, %broadcast_in_dim3A_36 : vector<16xi1>, vector<16xi32>
      %parallel_loop3A_1273 = arith.addi %parallel_loop3A_1243, %parallel_loop3A_1272 : vector<16xi32>
      %parallel_loop3A_1274 = arith.cmpi eq, %get3A_15, %parallel_loop3A_1255 : vector<16xi32>
      %parallel_loop3A_1275 = arith.select %parallel_loop3A_1274, %broadcast_in_dim3A_34, %broadcast_in_dim3A_36 : vector<16xi1>, vector<16xi32>
      %parallel_loop3A_1276 = arith.addi %parallel_loop3A_1246, %parallel_loop3A_1275 : vector<16xi32>
      %parallel_loop3A_1277 = arith.cmpi eq, %get3A_17, %parallel_loop3A_1255 : vector<16xi32>
      %parallel_loop3A_1278 = arith.select %parallel_loop3A_1277, %broadcast_in_dim3A_34, %broadcast_in_dim3A_36 : vector<16xi1>, vector<16xi32>
      %parallel_loop3A_1279 = arith.addi %parallel_loop3A_1249, %parallel_loop3A_1278 : vector<16xi32>
      %parallel_loop3A_1280 = arith.cmpi eq, %get3A_19, %parallel_loop3A_1255 : vector<16xi32>
      %parallel_loop3A_1281 = arith.select %parallel_loop3A_1280, %broadcast_in_dim3A_34, %broadcast_in_dim3A_36 : vector<16xi1>, vector<16xi32>
      %parallel_loop3A_1282 = arith.addi %parallel_loop3A_1252, %parallel_loop3A_1281 : vector<16xi32>
      %parallel_loop3A_1283 = vector.shape_cast %parallel_loop3A_832 : vector<16xi32> to vector<16x1xi32>
      %parallel_loop3A_1284 = vector.shape_cast %parallel_loop3A_1283 : vector<16x1xi32> to vector<16xi32>
      %parallel_loop3A_1285 = tpu.dynamic_gather %get3A_33[%parallel_loop3A_1284] in [0] : vector<16xi32>, vector<16xi32> -> vector<16xi32>
      %parallel_loop3A_1286 = arith.cmpi eq, %get3A_3, %parallel_loop3A_1285 : vector<16xi32>
      %parallel_loop3A_1287 = arith.select %parallel_loop3A_1286, %broadcast_in_dim3A_34, %broadcast_in_dim3A_36 : vector<16xi1>, vector<16xi32>
      %parallel_loop3A_1288 = arith.addi %parallel_loop3A_1258, %parallel_loop3A_1287 : vector<16xi32>
      %parallel_loop3A_1289 = arith.cmpi eq, %get3A_5, %parallel_loop3A_1285 : vector<16xi32>
      %parallel_loop3A_1290 = arith.select %parallel_loop3A_1289, %broadcast_in_dim3A_34, %broadcast_in_dim3A_36 : vector<16xi1>, vector<16xi32>
      %parallel_loop3A_1291 = arith.addi %parallel_loop3A_1261, %parallel_loop3A_1290 : vector<16xi32>
      %parallel_loop3A_1292 = arith.cmpi eq, %get3A_7, %parallel_loop3A_1285 : vector<16xi32>
      %parallel_loop3A_1293 = arith.select %parallel_loop3A_1292, %broadcast_in_dim3A_34, %broadcast_in_dim3A_36 : vector<16xi1>, vector<16xi32>
      %parallel_loop3A_1294 = arith.addi %parallel_loop3A_1264, %parallel_loop3A_1293 : vector<16xi32>
      %parallel_loop3A_1295 = arith.cmpi eq, %get3A_9, %parallel_loop3A_1285 : vector<16xi32>
      %parallel_loop3A_1296 = arith.select %parallel_loop3A_1295, %broadcast_in_dim3A_34, %broadcast_in_dim3A_36 : vector<16xi1>, vector<16xi32>
      %parallel_loop3A_1297 = arith.addi %parallel_loop3A_1267, %parallel_loop3A_1296 : vector<16xi32>
      %parallel_loop3A_1298 = arith.cmpi eq, %get3A_11, %parallel_loop3A_1285 : vector<16xi32>
      %parallel_loop3A_1299 = arith.select %parallel_loop3A_1298, %broadcast_in_dim3A_34, %broadcast_in_dim3A_36 : vector<16xi1>, vector<16xi32>
      %parallel_loop3A_1300 = arith.addi %parallel_loop3A_1270, %parallel_loop3A_1299 : vector<16xi32>
      %parallel_loop3A_1301 = arith.cmpi eq, %get3A_13, %parallel_loop3A_1285 : vector<16xi32>
      %parallel_loop3A_1302 = arith.select %parallel_loop3A_1301, %broadcast_in_dim3A_34, %broadcast_in_dim3A_36 : vector<16xi1>, vector<16xi32>
      %parallel_loop3A_1303 = arith.addi %parallel_loop3A_1273, %parallel_loop3A_1302 : vector<16xi32>
      %parallel_loop3A_1304 = arith.cmpi eq, %get3A_15, %parallel_loop3A_1285 : vector<16xi32>
      %parallel_loop3A_1305 = arith.select %parallel_loop3A_1304, %broadcast_in_dim3A_34, %broadcast_in_dim3A_36 : vector<16xi1>, vector<16xi32>
      %parallel_loop3A_1306 = arith.addi %parallel_loop3A_1276, %parallel_loop3A_1305 : vector<16xi32>
      %parallel_loop3A_1307 = arith.cmpi eq, %get3A_17, %parallel_loop3A_1285 : vector<16xi32>
      %parallel_loop3A_1308 = arith.select %parallel_loop3A_1307, %broadcast_in_dim3A_34, %broadcast_in_dim3A_36 : vector<16xi1>, vector<16xi32>
      %parallel_loop3A_1309 = arith.addi %parallel_loop3A_1279, %parallel_loop3A_1308 : vector<16xi32>
      %parallel_loop3A_1310 = arith.cmpi eq, %get3A_19, %parallel_loop3A_1285 : vector<16xi32>
      %parallel_loop3A_1311 = arith.select %parallel_loop3A_1310, %broadcast_in_dim3A_34, %broadcast_in_dim3A_36 : vector<16xi1>, vector<16xi32>
      %parallel_loop3A_1312 = arith.addi %parallel_loop3A_1282, %parallel_loop3A_1311 : vector<16xi32>
      scf.yield %parallel_loop3A_1288, %parallel_loop3A_1291, %parallel_loop3A_1294, %parallel_loop3A_1297, %parallel_loop3A_1300, %parallel_loop3A_1303, %parallel_loop3A_1306, %parallel_loop3A_1309, %parallel_loop3A_1312 : vector<16xi32>, vector<16xi32>, vector<16xi32>, vector<16xi32>, vector<16xi32>, vector<16xi32>, vector<16xi32>, vector<16xi32>, vector<16xi32>
    } {sc.loop_unroll_factor = 4 : i64, sc.parallel_access}
    %parallel_loop3A_40 = arith.constant 0 : i32
    %parallel_loop3A_41 = arith.constant 16 : i32
    %parallel_loop3A_42 = arith.constant 1 : i32
    %parallel_loop3A_43:8 = scf.for %parallel_loop3A_818 = %parallel_loop3A_40 to %parallel_loop3A_41 step %parallel_loop3A_42 iter_args(%parallel_loop3A_819 = %broadcast_in_dim3A_36, %parallel_loop3A_820 = %broadcast_in_dim3A_36, %parallel_loop3A_821 = %broadcast_in_dim3A_36, %parallel_loop3A_822 = %broadcast_in_dim3A_36, %parallel_loop3A_823 = %broadcast_in_dim3A_36, %parallel_loop3A_824 = %broadcast_in_dim3A_36, %parallel_loop3A_825 = %broadcast_in_dim3A_36, %parallel_loop3A_826 = %broadcast_in_dim3A_36) -> (vector<16xi32>, vector<16xi32>, vector<16xi32>, vector<16xi32>, vector<16xi32>, vector<16xi32>, vector<16xi32>, vector<16xi32>)  : i32 {
      %parallel_loop3A_827 = vector.broadcast %parallel_loop3A_818 : i32 to vector<16xi32>
      %parallel_loop3A_828 = arith.addi %iota3A, %parallel_loop3A_827 : vector<16xi32>
      %parallel_loop3A_829 = arith.constant 15 : i32
      %parallel_loop3A_830 = vector.broadcast %parallel_loop3A_829 : i32 to vector<16xi32>
      %parallel_loop3A_831 = arith.andi %parallel_loop3A_828, %parallel_loop3A_830 : vector<16xi32>
      %parallel_loop3A_832 = vector.shape_cast %parallel_loop3A_831 : vector<16xi32> to vector<16x1xi32>
      %parallel_loop3A_833 = vector.shape_cast %parallel_loop3A_832 : vector<16x1xi32> to vector<16xi32>
      %parallel_loop3A_834 = tpu.dynamic_gather %get3A_3[%parallel_loop3A_833] in [0] : vector<16xi32>, vector<16xi32> -> vector<16xi32>
      %parallel_loop3A_835 = arith.cmpi eq, %get3A_21, %parallel_loop3A_834 : vector<16xi32>
      %parallel_loop3A_836 = arith.select %parallel_loop3A_835, %broadcast_in_dim3A_34, %broadcast_in_dim3A_36 : vector<16xi1>, vector<16xi32>
      %parallel_loop3A_837 = arith.addi %parallel_loop3A_819, %parallel_loop3A_836 : vector<16xi32>
      %parallel_loop3A_838 = arith.cmpi eq, %get3A_23, %parallel_loop3A_834 : vector<16xi32>
      %parallel_loop3A_839 = arith.select %parallel_loop3A_838, %broadcast_in_dim3A_34, %broadcast_in_dim3A_36 : vector<16xi1>, vector<16xi32>
      %parallel_loop3A_840 = arith.addi %parallel_loop3A_820, %parallel_loop3A_839 : vector<16xi32>
      %parallel_loop3A_841 = arith.cmpi eq, %get3A_25, %parallel_loop3A_834 : vector<16xi32>
      %parallel_loop3A_842 = arith.select %parallel_loop3A_841, %broadcast_in_dim3A_34, %broadcast_in_dim3A_36 : vector<16xi1>, vector<16xi32>
      %parallel_loop3A_843 = arith.addi %parallel_loop3A_821, %parallel_loop3A_842 : vector<16xi32>
      %parallel_loop3A_844 = arith.cmpi eq, %get3A_27, %parallel_loop3A_834 : vector<16xi32>
      %parallel_loop3A_845 = arith.select %parallel_loop3A_844, %broadcast_in_dim3A_34, %broadcast_in_dim3A_36 : vector<16xi1>, vector<16xi32>
      %parallel_loop3A_846 = arith.addi %parallel_loop3A_822, %parallel_loop3A_845 : vector<16xi32>
      %parallel_loop3A_847 = arith.cmpi eq, %get3A_29, %parallel_loop3A_834 : vector<16xi32>
      %parallel_loop3A_848 = arith.select %parallel_loop3A_847, %broadcast_in_dim3A_34, %broadcast_in_dim3A_36 : vector<16xi1>, vector<16xi32>
      %parallel_loop3A_849 = arith.addi %parallel_loop3A_823, %parallel_loop3A_848 : vector<16xi32>
      %parallel_loop3A_850 = arith.cmpi eq, %get3A_31, %parallel_loop3A_834 : vector<16xi32>
      %parallel_loop3A_851 = arith.select %parallel_loop3A_850, %broadcast_in_dim3A_34, %broadcast_in_dim3A_36 : vector<16xi1>, vector<16xi32>
      %parallel_loop3A_852 = arith.addi %parallel_loop3A_824, %parallel_loop3A_851 : vector<16xi32>
      %parallel_loop3A_853 = arith.cmpi eq, %get3A_33, %parallel_loop3A_834 : vector<16xi32>
      %parallel_loop3A_854 = arith.select %parallel_loop3A_853, %broadcast_in_dim3A_34, %broadcast_in_dim3A_36 : vector<16xi1>, vector<16xi32>
      %parallel_loop3A_855 = arith.addi %parallel_loop3A_825, %parallel_loop3A_854 : vector<16xi32>
      %parallel_loop3A_856 = arith.cmpi eq, %iota3A, %parallel_loop3A_834 : vector<16xi32>
      %parallel_loop3A_857 = arith.select %parallel_loop3A_856, %broadcast_in_dim3A_34, %broadcast_in_dim3A_36 : vector<16xi1>, vector<16xi32>
      %parallel_loop3A_858 = arith.addi %parallel_loop3A_826, %parallel_loop3A_857 : vector<16xi32>
      %parallel_loop3A_859 = vector.shape_cast %parallel_loop3A_831 : vector<16xi32> to vector<16x1xi32>
      %parallel_loop3A_860 = vector.shape_cast %parallel_loop3A_859 : vector<16x1xi32> to vector<16xi32>
      %parallel_loop3A_861 = tpu.dynamic_gather %get3A_5[%parallel_loop3A_860] in [0] : vector<16xi32>, vector<16xi32> -> vector<16xi32>
      %parallel_loop3A_862 = arith.cmpi eq, %get3A_21, %parallel_loop3A_861 : vector<16xi32>
      %parallel_loop3A_863 = arith.select %parallel_loop3A_862, %broadcast_in_dim3A_34, %broadcast_in_dim3A_36 : vector<16xi1>, vector<16xi32>
      %parallel_loop3A_864 = arith.addi %parallel_loop3A_837, %parallel_loop3A_863 : vector<16xi32>
      %parallel_loop3A_865 = arith.cmpi eq, %get3A_23, %parallel_loop3A_861 : vector<16xi32>
      %parallel_loop3A_866 = arith.select %parallel_loop3A_865, %broadcast_in_dim3A_34, %broadcast_in_dim3A_36 : vector<16xi1>, vector<16xi32>
      %parallel_loop3A_867 = arith.addi %parallel_loop3A_840, %parallel_loop3A_866 : vector<16xi32>
      %parallel_loop3A_868 = arith.cmpi eq, %get3A_25, %parallel_loop3A_861 : vector<16xi32>
      %parallel_loop3A_869 = arith.select %parallel_loop3A_868, %broadcast_in_dim3A_34, %broadcast_in_dim3A_36 : vector<16xi1>, vector<16xi32>
      %parallel_loop3A_870 = arith.addi %parallel_loop3A_843, %parallel_loop3A_869 : vector<16xi32>
      %parallel_loop3A_871 = arith.cmpi eq, %get3A_27, %parallel_loop3A_861 : vector<16xi32>
      %parallel_loop3A_872 = arith.select %parallel_loop3A_871, %broadcast_in_dim3A_34, %broadcast_in_dim3A_36 : vector<16xi1>, vector<16xi32>
      %parallel_loop3A_873 = arith.addi %parallel_loop3A_846, %parallel_loop3A_872 : vector<16xi32>
      %parallel_loop3A_874 = arith.cmpi eq, %get3A_29, %parallel_loop3A_861 : vector<16xi32>
      %parallel_loop3A_875 = arith.select %parallel_loop3A_874, %broadcast_in_dim3A_34, %broadcast_in_dim3A_36 : vector<16xi1>, vector<16xi32>
      %parallel_loop3A_876 = arith.addi %parallel_loop3A_849, %parallel_loop3A_875 : vector<16xi32>
      %parallel_loop3A_877 = arith.cmpi eq, %get3A_31, %parallel_loop3A_861 : vector<16xi32>
      %parallel_loop3A_878 = arith.select %parallel_loop3A_877, %broadcast_in_dim3A_34, %broadcast_in_dim3A_36 : vector<16xi1>, vector<16xi32>
      %parallel_loop3A_879 = arith.addi %parallel_loop3A_852, %parallel_loop3A_878 : vector<16xi32>
      %parallel_loop3A_880 = arith.cmpi eq, %get3A_33, %parallel_loop3A_861 : vector<16xi32>
      %parallel_loop3A_881 = arith.select %parallel_loop3A_880, %broadcast_in_dim3A_34, %broadcast_in_dim3A_36 : vector<16xi1>, vector<16xi32>
      %parallel_loop3A_882 = arith.addi %parallel_loop3A_855, %parallel_loop3A_881 : vector<16xi32>
      %parallel_loop3A_883 = arith.cmpi eq, %iota3A, %parallel_loop3A_861 : vector<16xi32>
      %parallel_loop3A_884 = arith.select %parallel_loop3A_883, %broadcast_in_dim3A_34, %broadcast_in_dim3A_36 : vector<16xi1>, vector<16xi32>
      %parallel_loop3A_885 = arith.addi %parallel_loop3A_858, %parallel_loop3A_884 : vector<16xi32>
      %parallel_loop3A_886 = vector.shape_cast %parallel_loop3A_831 : vector<16xi32> to vector<16x1xi32>
      %parallel_loop3A_887 = vector.shape_cast %parallel_loop3A_886 : vector<16x1xi32> to vector<16xi32>
      %parallel_loop3A_888 = tpu.dynamic_gather %get3A_7[%parallel_loop3A_887] in [0] : vector<16xi32>, vector<16xi32> -> vector<16xi32>
      %parallel_loop3A_889 = arith.cmpi eq, %get3A_21, %parallel_loop3A_888 : vector<16xi32>
      %parallel_loop3A_890 = arith.select %parallel_loop3A_889, %broadcast_in_dim3A_34, %broadcast_in_dim3A_36 : vector<16xi1>, vector<16xi32>
      %parallel_loop3A_891 = arith.addi %parallel_loop3A_864, %parallel_loop3A_890 : vector<16xi32>
      %parallel_loop3A_892 = arith.cmpi eq, %get3A_23, %parallel_loop3A_888 : vector<16xi32>
      %parallel_loop3A_893 = arith.select %parallel_loop3A_892, %broadcast_in_dim3A_34, %broadcast_in_dim3A_36 : vector<16xi1>, vector<16xi32>
      %parallel_loop3A_894 = arith.addi %parallel_loop3A_867, %parallel_loop3A_893 : vector<16xi32>
      %parallel_loop3A_895 = arith.cmpi eq, %get3A_25, %parallel_loop3A_888 : vector<16xi32>
      %parallel_loop3A_896 = arith.select %parallel_loop3A_895, %broadcast_in_dim3A_34, %broadcast_in_dim3A_36 : vector<16xi1>, vector<16xi32>
      %parallel_loop3A_897 = arith.addi %parallel_loop3A_870, %parallel_loop3A_896 : vector<16xi32>
      %parallel_loop3A_898 = arith.cmpi eq, %get3A_27, %parallel_loop3A_888 : vector<16xi32>
      %parallel_loop3A_899 = arith.select %parallel_loop3A_898, %broadcast_in_dim3A_34, %broadcast_in_dim3A_36 : vector<16xi1>, vector<16xi32>
      %parallel_loop3A_900 = arith.addi %parallel_loop3A_873, %parallel_loop3A_899 : vector<16xi32>
      %parallel_loop3A_901 = arith.cmpi eq, %get3A_29, %parallel_loop3A_888 : vector<16xi32>
      %parallel_loop3A_902 = arith.select %parallel_loop3A_901, %broadcast_in_dim3A_34, %broadcast_in_dim3A_36 : vector<16xi1>, vector<16xi32>
      %parallel_loop3A_903 = arith.addi %parallel_loop3A_876, %parallel_loop3A_902 : vector<16xi32>
      %parallel_loop3A_904 = arith.cmpi eq, %get3A_31, %parallel_loop3A_888 : vector<16xi32>
      %parallel_loop3A_905 = arith.select %parallel_loop3A_904, %broadcast_in_dim3A_34, %broadcast_in_dim3A_36 : vector<16xi1>, vector<16xi32>
      %parallel_loop3A_906 = arith.addi %parallel_loop3A_879, %parallel_loop3A_905 : vector<16xi32>
      %parallel_loop3A_907 = arith.cmpi eq, %get3A_33, %parallel_loop3A_888 : vector<16xi32>
      %parallel_loop3A_908 = arith.select %parallel_loop3A_907, %broadcast_in_dim3A_34, %broadcast_in_dim3A_36 : vector<16xi1>, vector<16xi32>
      %parallel_loop3A_909 = arith.addi %parallel_loop3A_882, %parallel_loop3A_908 : vector<16xi32>
      %parallel_loop3A_910 = arith.cmpi eq, %iota3A, %parallel_loop3A_888 : vector<16xi32>
      %parallel_loop3A_911 = arith.select %parallel_loop3A_910, %broadcast_in_dim3A_34, %broadcast_in_dim3A_36 : vector<16xi1>, vector<16xi32>
      %parallel_loop3A_912 = arith.addi %parallel_loop3A_885, %parallel_loop3A_911 : vector<16xi32>
      %parallel_loop3A_913 = vector.shape_cast %parallel_loop3A_831 : vector<16xi32> to vector<16x1xi32>
      %parallel_loop3A_914 = vector.shape_cast %parallel_loop3A_913 : vector<16x1xi32> to vector<16xi32>
      %parallel_loop3A_915 = tpu.dynamic_gather %get3A_9[%parallel_loop3A_914] in [0] : vector<16xi32>, vector<16xi32> -> vector<16xi32>
      %parallel_loop3A_916 = arith.cmpi eq, %get3A_21, %parallel_loop3A_915 : vector<16xi32>
      %parallel_loop3A_917 = arith.select %parallel_loop3A_916, %broadcast_in_dim3A_34, %broadcast_in_dim3A_36 : vector<16xi1>, vector<16xi32>
      %parallel_loop3A_918 = arith.addi %parallel_loop3A_891, %parallel_loop3A_917 : vector<16xi32>
      %parallel_loop3A_919 = arith.cmpi eq, %get3A_23, %parallel_loop3A_915 : vector<16xi32>
      %parallel_loop3A_920 = arith.select %parallel_loop3A_919, %broadcast_in_dim3A_34, %broadcast_in_dim3A_36 : vector<16xi1>, vector<16xi32>
      %parallel_loop3A_921 = arith.addi %parallel_loop3A_894, %parallel_loop3A_920 : vector<16xi32>
      %parallel_loop3A_922 = arith.cmpi eq, %get3A_25, %parallel_loop3A_915 : vector<16xi32>
      %parallel_loop3A_923 = arith.select %parallel_loop3A_922, %broadcast_in_dim3A_34, %broadcast_in_dim3A_36 : vector<16xi1>, vector<16xi32>
      %parallel_loop3A_924 = arith.addi %parallel_loop3A_897, %parallel_loop3A_923 : vector<16xi32>
      %parallel_loop3A_925 = arith.cmpi eq, %get3A_27, %parallel_loop3A_915 : vector<16xi32>
      %parallel_loop3A_926 = arith.select %parallel_loop3A_925, %broadcast_in_dim3A_34, %broadcast_in_dim3A_36 : vector<16xi1>, vector<16xi32>
      %parallel_loop3A_927 = arith.addi %parallel_loop3A_900, %parallel_loop3A_926 : vector<16xi32>
      %parallel_loop3A_928 = arith.cmpi eq, %get3A_29, %parallel_loop3A_915 : vector<16xi32>
      %parallel_loop3A_929 = arith.select %parallel_loop3A_928, %broadcast_in_dim3A_34, %broadcast_in_dim3A_36 : vector<16xi1>, vector<16xi32>
      %parallel_loop3A_930 = arith.addi %parallel_loop3A_903, %parallel_loop3A_929 : vector<16xi32>
      %parallel_loop3A_931 = arith.cmpi eq, %get3A_31, %parallel_loop3A_915 : vector<16xi32>
      %parallel_loop3A_932 = arith.select %parallel_loop3A_931, %broadcast_in_dim3A_34, %broadcast_in_dim3A_36 : vector<16xi1>, vector<16xi32>
      %parallel_loop3A_933 = arith.addi %parallel_loop3A_906, %parallel_loop3A_932 : vector<16xi32>
      %parallel_loop3A_934 = arith.cmpi eq, %get3A_33, %parallel_loop3A_915 : vector<16xi32>
      %parallel_loop3A_935 = arith.select %parallel_loop3A_934, %broadcast_in_dim3A_34, %broadcast_in_dim3A_36 : vector<16xi1>, vector<16xi32>
      %parallel_loop3A_936 = arith.addi %parallel_loop3A_909, %parallel_loop3A_935 : vector<16xi32>
      %parallel_loop3A_937 = arith.cmpi eq, %iota3A, %parallel_loop3A_915 : vector<16xi32>
      %parallel_loop3A_938 = arith.select %parallel_loop3A_937, %broadcast_in_dim3A_34, %broadcast_in_dim3A_36 : vector<16xi1>, vector<16xi32>
      %parallel_loop3A_939 = arith.addi %parallel_loop3A_912, %parallel_loop3A_938 : vector<16xi32>
      %parallel_loop3A_940 = vector.shape_cast %parallel_loop3A_831 : vector<16xi32> to vector<16x1xi32>
      %parallel_loop3A_941 = vector.shape_cast %parallel_loop3A_940 : vector<16x1xi32> to vector<16xi32>
      %parallel_loop3A_942 = tpu.dynamic_gather %get3A_11[%parallel_loop3A_941] in [0] : vector<16xi32>, vector<16xi32> -> vector<16xi32>
      %parallel_loop3A_943 = arith.cmpi eq, %get3A_21, %parallel_loop3A_942 : vector<16xi32>
      %parallel_loop3A_944 = arith.select %parallel_loop3A_943, %broadcast_in_dim3A_34, %broadcast_in_dim3A_36 : vector<16xi1>, vector<16xi32>
      %parallel_loop3A_945 = arith.addi %parallel_loop3A_918, %parallel_loop3A_944 : vector<16xi32>
      %parallel_loop3A_946 = arith.cmpi eq, %get3A_23, %parallel_loop3A_942 : vector<16xi32>
      %parallel_loop3A_947 = arith.select %parallel_loop3A_946, %broadcast_in_dim3A_34, %broadcast_in_dim3A_36 : vector<16xi1>, vector<16xi32>
      %parallel_loop3A_948 = arith.addi %parallel_loop3A_921, %parallel_loop3A_947 : vector<16xi32>
      %parallel_loop3A_949 = arith.cmpi eq, %get3A_25, %parallel_loop3A_942 : vector<16xi32>
      %parallel_loop3A_950 = arith.select %parallel_loop3A_949, %broadcast_in_dim3A_34, %broadcast_in_dim3A_36 : vector<16xi1>, vector<16xi32>
      %parallel_loop3A_951 = arith.addi %parallel_loop3A_924, %parallel_loop3A_950 : vector<16xi32>
      %parallel_loop3A_952 = arith.cmpi eq, %get3A_27, %parallel_loop3A_942 : vector<16xi32>
      %parallel_loop3A_953 = arith.select %parallel_loop3A_952, %broadcast_in_dim3A_34, %broadcast_in_dim3A_36 : vector<16xi1>, vector<16xi32>
      %parallel_loop3A_954 = arith.addi %parallel_loop3A_927, %parallel_loop3A_953 : vector<16xi32>
      %parallel_loop3A_955 = arith.cmpi eq, %get3A_29, %parallel_loop3A_942 : vector<16xi32>
      %parallel_loop3A_956 = arith.select %parallel_loop3A_955, %broadcast_in_dim3A_34, %broadcast_in_dim3A_36 : vector<16xi1>, vector<16xi32>
      %parallel_loop3A_957 = arith.addi %parallel_loop3A_930, %parallel_loop3A_956 : vector<16xi32>
      %parallel_loop3A_958 = arith.cmpi eq, %get3A_31, %parallel_loop3A_942 : vector<16xi32>
      %parallel_loop3A_959 = arith.select %parallel_loop3A_958, %broadcast_in_dim3A_34, %broadcast_in_dim3A_36 : vector<16xi1>, vector<16xi32>
      %parallel_loop3A_960 = arith.addi %parallel_loop3A_933, %parallel_loop3A_959 : vector<16xi32>
      %parallel_loop3A_961 = arith.cmpi eq, %get3A_33, %parallel_loop3A_942 : vector<16xi32>
      %parallel_loop3A_962 = arith.select %parallel_loop3A_961, %broadcast_in_dim3A_34, %broadcast_in_dim3A_36 : vector<16xi1>, vector<16xi32>
      %parallel_loop3A_963 = arith.addi %parallel_loop3A_936, %parallel_loop3A_962 : vector<16xi32>
      %parallel_loop3A_964 = arith.cmpi eq, %iota3A, %parallel_loop3A_942 : vector<16xi32>
      %parallel_loop3A_965 = arith.select %parallel_loop3A_964, %broadcast_in_dim3A_34, %broadcast_in_dim3A_36 : vector<16xi1>, vector<16xi32>
      %parallel_loop3A_966 = arith.addi %parallel_loop3A_939, %parallel_loop3A_965 : vector<16xi32>
      %parallel_loop3A_967 = vector.shape_cast %parallel_loop3A_831 : vector<16xi32> to vector<16x1xi32>
      %parallel_loop3A_968 = vector.shape_cast %parallel_loop3A_967 : vector<16x1xi32> to vector<16xi32>
      %parallel_loop3A_969 = tpu.dynamic_gather %get3A_13[%parallel_loop3A_968] in [0] : vector<16xi32>, vector<16xi32> -> vector<16xi32>
      %parallel_loop3A_970 = arith.cmpi eq, %get3A_21, %parallel_loop3A_969 : vector<16xi32>
      %parallel_loop3A_971 = arith.select %parallel_loop3A_970, %broadcast_in_dim3A_34, %broadcast_in_dim3A_36 : vector<16xi1>, vector<16xi32>
      %parallel_loop3A_972 = arith.addi %parallel_loop3A_945, %parallel_loop3A_971 : vector<16xi32>
      %parallel_loop3A_973 = arith.cmpi eq, %get3A_23, %parallel_loop3A_969 : vector<16xi32>
      %parallel_loop3A_974 = arith.select %parallel_loop3A_973, %broadcast_in_dim3A_34, %broadcast_in_dim3A_36 : vector<16xi1>, vector<16xi32>
      %parallel_loop3A_975 = arith.addi %parallel_loop3A_948, %parallel_loop3A_974 : vector<16xi32>
      %parallel_loop3A_976 = arith.cmpi eq, %get3A_25, %parallel_loop3A_969 : vector<16xi32>
      %parallel_loop3A_977 = arith.select %parallel_loop3A_976, %broadcast_in_dim3A_34, %broadcast_in_dim3A_36 : vector<16xi1>, vector<16xi32>
      %parallel_loop3A_978 = arith.addi %parallel_loop3A_951, %parallel_loop3A_977 : vector<16xi32>
      %parallel_loop3A_979 = arith.cmpi eq, %get3A_27, %parallel_loop3A_969 : vector<16xi32>
      %parallel_loop3A_980 = arith.select %parallel_loop3A_979, %broadcast_in_dim3A_34, %broadcast_in_dim3A_36 : vector<16xi1>, vector<16xi32>
      %parallel_loop3A_981 = arith.addi %parallel_loop3A_954, %parallel_loop3A_980 : vector<16xi32>
      %parallel_loop3A_982 = arith.cmpi eq, %get3A_29, %parallel_loop3A_969 : vector<16xi32>
      %parallel_loop3A_983 = arith.select %parallel_loop3A_982, %broadcast_in_dim3A_34, %broadcast_in_dim3A_36 : vector<16xi1>, vector<16xi32>
      %parallel_loop3A_984 = arith.addi %parallel_loop3A_957, %parallel_loop3A_983 : vector<16xi32>
      %parallel_loop3A_985 = arith.cmpi eq, %get3A_31, %parallel_loop3A_969 : vector<16xi32>
      %parallel_loop3A_986 = arith.select %parallel_loop3A_985, %broadcast_in_dim3A_34, %broadcast_in_dim3A_36 : vector<16xi1>, vector<16xi32>
      %parallel_loop3A_987 = arith.addi %parallel_loop3A_960, %parallel_loop3A_986 : vector<16xi32>
      %parallel_loop3A_988 = arith.cmpi eq, %get3A_33, %parallel_loop3A_969 : vector<16xi32>
      %parallel_loop3A_989 = arith.select %parallel_loop3A_988, %broadcast_in_dim3A_34, %broadcast_in_dim3A_36 : vector<16xi1>, vector<16xi32>
      %parallel_loop3A_990 = arith.addi %parallel_loop3A_963, %parallel_loop3A_989 : vector<16xi32>
      %parallel_loop3A_991 = arith.cmpi eq, %iota3A, %parallel_loop3A_969 : vector<16xi32>
      %parallel_loop3A_992 = arith.select %parallel_loop3A_991, %broadcast_in_dim3A_34, %broadcast_in_dim3A_36 : vector<16xi1>, vector<16xi32>
      %parallel_loop3A_993 = arith.addi %parallel_loop3A_966, %parallel_loop3A_992 : vector<16xi32>
      %parallel_loop3A_994 = vector.shape_cast %parallel_loop3A_831 : vector<16xi32> to vector<16x1xi32>
      %parallel_loop3A_995 = vector.shape_cast %parallel_loop3A_994 : vector<16x1xi32> to vector<16xi32>
      %parallel_loop3A_996 = tpu.dynamic_gather %get3A_15[%parallel_loop3A_995] in [0] : vector<16xi32>, vector<16xi32> -> vector<16xi32>
      %parallel_loop3A_997 = arith.cmpi eq, %get3A_21, %parallel_loop3A_996 : vector<16xi32>
      %parallel_loop3A_998 = arith.select %parallel_loop3A_997, %broadcast_in_dim3A_34, %broadcast_in_dim3A_36 : vector<16xi1>, vector<16xi32>
      %parallel_loop3A_999 = arith.addi %parallel_loop3A_972, %parallel_loop3A_998 : vector<16xi32>
      %parallel_loop3A_1000 = arith.cmpi eq, %get3A_23, %parallel_loop3A_996 : vector<16xi32>
      %parallel_loop3A_1001 = arith.select %parallel_loop3A_1000, %broadcast_in_dim3A_34, %broadcast_in_dim3A_36 : vector<16xi1>, vector<16xi32>
      %parallel_loop3A_1002 = arith.addi %parallel_loop3A_975, %parallel_loop3A_1001 : vector<16xi32>
      %parallel_loop3A_1003 = arith.cmpi eq, %get3A_25, %parallel_loop3A_996 : vector<16xi32>
      %parallel_loop3A_1004 = arith.select %parallel_loop3A_1003, %broadcast_in_dim3A_34, %broadcast_in_dim3A_36 : vector<16xi1>, vector<16xi32>
      %parallel_loop3A_1005 = arith.addi %parallel_loop3A_978, %parallel_loop3A_1004 : vector<16xi32>
      %parallel_loop3A_1006 = arith.cmpi eq, %get3A_27, %parallel_loop3A_996 : vector<16xi32>
      %parallel_loop3A_1007 = arith.select %parallel_loop3A_1006, %broadcast_in_dim3A_34, %broadcast_in_dim3A_36 : vector<16xi1>, vector<16xi32>
      %parallel_loop3A_1008 = arith.addi %parallel_loop3A_981, %parallel_loop3A_1007 : vector<16xi32>
      %parallel_loop3A_1009 = arith.cmpi eq, %get3A_29, %parallel_loop3A_996 : vector<16xi32>
      %parallel_loop3A_1010 = arith.select %parallel_loop3A_1009, %broadcast_in_dim3A_34, %broadcast_in_dim3A_36 : vector<16xi1>, vector<16xi32>
      %parallel_loop3A_1011 = arith.addi %parallel_loop3A_984, %parallel_loop3A_1010 : vector<16xi32>
      %parallel_loop3A_1012 = arith.cmpi eq, %get3A_31, %parallel_loop3A_996 : vector<16xi32>
      %parallel_loop3A_1013 = arith.select %parallel_loop3A_1012, %broadcast_in_dim3A_34, %broadcast_in_dim3A_36 : vector<16xi1>, vector<16xi32>
      %parallel_loop3A_1014 = arith.addi %parallel_loop3A_987, %parallel_loop3A_1013 : vector<16xi32>
      %parallel_loop3A_1015 = arith.cmpi eq, %get3A_33, %parallel_loop3A_996 : vector<16xi32>
      %parallel_loop3A_1016 = arith.select %parallel_loop3A_1015, %broadcast_in_dim3A_34, %broadcast_in_dim3A_36 : vector<16xi1>, vector<16xi32>
      %parallel_loop3A_1017 = arith.addi %parallel_loop3A_990, %parallel_loop3A_1016 : vector<16xi32>
      %parallel_loop3A_1018 = arith.cmpi eq, %iota3A, %parallel_loop3A_996 : vector<16xi32>
      %parallel_loop3A_1019 = arith.select %parallel_loop3A_1018, %broadcast_in_dim3A_34, %broadcast_in_dim3A_36 : vector<16xi1>, vector<16xi32>
      %parallel_loop3A_1020 = arith.addi %parallel_loop3A_993, %parallel_loop3A_1019 : vector<16xi32>
      %parallel_loop3A_1021 = vector.shape_cast %parallel_loop3A_831 : vector<16xi32> to vector<16x1xi32>
      %parallel_loop3A_1022 = vector.shape_cast %parallel_loop3A_1021 : vector<16x1xi32> to vector<16xi32>
      %parallel_loop3A_1023 = tpu.dynamic_gather %get3A_17[%parallel_loop3A_1022] in [0] : vector<16xi32>, vector<16xi32> -> vector<16xi32>
      %parallel_loop3A_1024 = arith.cmpi eq, %get3A_21, %parallel_loop3A_1023 : vector<16xi32>
      %parallel_loop3A_1025 = arith.select %parallel_loop3A_1024, %broadcast_in_dim3A_34, %broadcast_in_dim3A_36 : vector<16xi1>, vector<16xi32>
      %parallel_loop3A_1026 = arith.addi %parallel_loop3A_999, %parallel_loop3A_1025 : vector<16xi32>
      %parallel_loop3A_1027 = arith.cmpi eq, %get3A_23, %parallel_loop3A_1023 : vector<16xi32>
      %parallel_loop3A_1028 = arith.select %parallel_loop3A_1027, %broadcast_in_dim3A_34, %broadcast_in_dim3A_36 : vector<16xi1>, vector<16xi32>
      %parallel_loop3A_1029 = arith.addi %parallel_loop3A_1002, %parallel_loop3A_1028 : vector<16xi32>
      %parallel_loop3A_1030 = arith.cmpi eq, %get3A_25, %parallel_loop3A_1023 : vector<16xi32>
      %parallel_loop3A_1031 = arith.select %parallel_loop3A_1030, %broadcast_in_dim3A_34, %broadcast_in_dim3A_36 : vector<16xi1>, vector<16xi32>
      %parallel_loop3A_1032 = arith.addi %parallel_loop3A_1005, %parallel_loop3A_1031 : vector<16xi32>
      %parallel_loop3A_1033 = arith.cmpi eq, %get3A_27, %parallel_loop3A_1023 : vector<16xi32>
      %parallel_loop3A_1034 = arith.select %parallel_loop3A_1033, %broadcast_in_dim3A_34, %broadcast_in_dim3A_36 : vector<16xi1>, vector<16xi32>
      %parallel_loop3A_1035 = arith.addi %parallel_loop3A_1008, %parallel_loop3A_1034 : vector<16xi32>
      %parallel_loop3A_1036 = arith.cmpi eq, %get3A_29, %parallel_loop3A_1023 : vector<16xi32>
      %parallel_loop3A_1037 = arith.select %parallel_loop3A_1036, %broadcast_in_dim3A_34, %broadcast_in_dim3A_36 : vector<16xi1>, vector<16xi32>
      %parallel_loop3A_1038 = arith.addi %parallel_loop3A_1011, %parallel_loop3A_1037 : vector<16xi32>
      %parallel_loop3A_1039 = arith.cmpi eq, %get3A_31, %parallel_loop3A_1023 : vector<16xi32>
      %parallel_loop3A_1040 = arith.select %parallel_loop3A_1039, %broadcast_in_dim3A_34, %broadcast_in_dim3A_36 : vector<16xi1>, vector<16xi32>
      %parallel_loop3A_1041 = arith.addi %parallel_loop3A_1014, %parallel_loop3A_1040 : vector<16xi32>
      %parallel_loop3A_1042 = arith.cmpi eq, %get3A_33, %parallel_loop3A_1023 : vector<16xi32>
      %parallel_loop3A_1043 = arith.select %parallel_loop3A_1042, %broadcast_in_dim3A_34, %broadcast_in_dim3A_36 : vector<16xi1>, vector<16xi32>
      %parallel_loop3A_1044 = arith.addi %parallel_loop3A_1017, %parallel_loop3A_1043 : vector<16xi32>
      %parallel_loop3A_1045 = arith.cmpi eq, %iota3A, %parallel_loop3A_1023 : vector<16xi32>
      %parallel_loop3A_1046 = arith.select %parallel_loop3A_1045, %broadcast_in_dim3A_34, %broadcast_in_dim3A_36 : vector<16xi1>, vector<16xi32>
      %parallel_loop3A_1047 = arith.addi %parallel_loop3A_1020, %parallel_loop3A_1046 : vector<16xi32>
      %parallel_loop3A_1048 = vector.shape_cast %parallel_loop3A_831 : vector<16xi32> to vector<16x1xi32>
      %parallel_loop3A_1049 = vector.shape_cast %parallel_loop3A_1048 : vector<16x1xi32> to vector<16xi32>
      %parallel_loop3A_1050 = tpu.dynamic_gather %get3A_19[%parallel_loop3A_1049] in [0] : vector<16xi32>, vector<16xi32> -> vector<16xi32>
      %parallel_loop3A_1051 = arith.cmpi eq, %get3A_21, %parallel_loop3A_1050 : vector<16xi32>
      %parallel_loop3A_1052 = arith.select %parallel_loop3A_1051, %broadcast_in_dim3A_34, %broadcast_in_dim3A_36 : vector<16xi1>, vector<16xi32>
      %parallel_loop3A_1053 = arith.addi %parallel_loop3A_1026, %parallel_loop3A_1052 : vector<16xi32>
      %parallel_loop3A_1054 = arith.cmpi eq, %get3A_23, %parallel_loop3A_1050 : vector<16xi32>
      %parallel_loop3A_1055 = arith.select %parallel_loop3A_1054, %broadcast_in_dim3A_34, %broadcast_in_dim3A_36 : vector<16xi1>, vector<16xi32>
      %parallel_loop3A_1056 = arith.addi %parallel_loop3A_1029, %parallel_loop3A_1055 : vector<16xi32>
      %parallel_loop3A_1057 = arith.cmpi eq, %get3A_25, %parallel_loop3A_1050 : vector<16xi32>
      %parallel_loop3A_1058 = arith.select %parallel_loop3A_1057, %broadcast_in_dim3A_34, %broadcast_in_dim3A_36 : vector<16xi1>, vector<16xi32>
      %parallel_loop3A_1059 = arith.addi %parallel_loop3A_1032, %parallel_loop3A_1058 : vector<16xi32>
      %parallel_loop3A_1060 = arith.cmpi eq, %get3A_27, %parallel_loop3A_1050 : vector<16xi32>
      %parallel_loop3A_1061 = arith.select %parallel_loop3A_1060, %broadcast_in_dim3A_34, %broadcast_in_dim3A_36 : vector<16xi1>, vector<16xi32>
      %parallel_loop3A_1062 = arith.addi %parallel_loop3A_1035, %parallel_loop3A_1061 : vector<16xi32>
      %parallel_loop3A_1063 = arith.cmpi eq, %get3A_29, %parallel_loop3A_1050 : vector<16xi32>
      %parallel_loop3A_1064 = arith.select %parallel_loop3A_1063, %broadcast_in_dim3A_34, %broadcast_in_dim3A_36 : vector<16xi1>, vector<16xi32>
      %parallel_loop3A_1065 = arith.addi %parallel_loop3A_1038, %parallel_loop3A_1064 : vector<16xi32>
      %parallel_loop3A_1066 = arith.cmpi eq, %get3A_31, %parallel_loop3A_1050 : vector<16xi32>
      %parallel_loop3A_1067 = arith.select %parallel_loop3A_1066, %broadcast_in_dim3A_34, %broadcast_in_dim3A_36 : vector<16xi1>, vector<16xi32>
      %parallel_loop3A_1068 = arith.addi %parallel_loop3A_1041, %parallel_loop3A_1067 : vector<16xi32>
      %parallel_loop3A_1069 = arith.cmpi eq, %get3A_33, %parallel_loop3A_1050 : vector<16xi32>
      %parallel_loop3A_1070 = arith.select %parallel_loop3A_1069, %broadcast_in_dim3A_34, %broadcast_in_dim3A_36 : vector<16xi1>, vector<16xi32>
      %parallel_loop3A_1071 = arith.addi %parallel_loop3A_1044, %parallel_loop3A_1070 : vector<16xi32>
      %parallel_loop3A_1072 = arith.cmpi eq, %iota3A, %parallel_loop3A_1050 : vector<16xi32>
      %parallel_loop3A_1073 = arith.select %parallel_loop3A_1072, %broadcast_in_dim3A_34, %broadcast_in_dim3A_36 : vector<16xi1>, vector<16xi32>
      %parallel_loop3A_1074 = arith.addi %parallel_loop3A_1047, %parallel_loop3A_1073 : vector<16xi32>
      %parallel_loop3A_1075 = vector.shape_cast %parallel_loop3A_831 : vector<16xi32> to vector<16x1xi32>
      %parallel_loop3A_1076 = vector.shape_cast %parallel_loop3A_1075 : vector<16x1xi32> to vector<16xi32>
      %parallel_loop3A_1077 = tpu.dynamic_gather %get3A_21[%parallel_loop3A_1076] in [0] : vector<16xi32>, vector<16xi32> -> vector<16xi32>
      %parallel_loop3A_1078 = arith.cmpi eq, %get3A_21, %parallel_loop3A_1077 : vector<16xi32>
      %parallel_loop3A_1079 = arith.select %parallel_loop3A_1078, %broadcast_in_dim3A_34, %broadcast_in_dim3A_36 : vector<16xi1>, vector<16xi32>
      %parallel_loop3A_1080 = arith.addi %parallel_loop3A_1053, %parallel_loop3A_1079 : vector<16xi32>
      %parallel_loop3A_1081 = arith.cmpi eq, %get3A_23, %parallel_loop3A_1077 : vector<16xi32>
      %parallel_loop3A_1082 = arith.select %parallel_loop3A_1081, %broadcast_in_dim3A_34, %broadcast_in_dim3A_36 : vector<16xi1>, vector<16xi32>
      %parallel_loop3A_1083 = arith.addi %parallel_loop3A_1056, %parallel_loop3A_1082 : vector<16xi32>
      %parallel_loop3A_1084 = arith.cmpi eq, %get3A_25, %parallel_loop3A_1077 : vector<16xi32>
      %parallel_loop3A_1085 = arith.select %parallel_loop3A_1084, %broadcast_in_dim3A_34, %broadcast_in_dim3A_36 : vector<16xi1>, vector<16xi32>
      %parallel_loop3A_1086 = arith.addi %parallel_loop3A_1059, %parallel_loop3A_1085 : vector<16xi32>
      %parallel_loop3A_1087 = arith.cmpi eq, %get3A_27, %parallel_loop3A_1077 : vector<16xi32>
      %parallel_loop3A_1088 = arith.select %parallel_loop3A_1087, %broadcast_in_dim3A_34, %broadcast_in_dim3A_36 : vector<16xi1>, vector<16xi32>
      %parallel_loop3A_1089 = arith.addi %parallel_loop3A_1062, %parallel_loop3A_1088 : vector<16xi32>
      %parallel_loop3A_1090 = arith.cmpi eq, %get3A_29, %parallel_loop3A_1077 : vector<16xi32>
      %parallel_loop3A_1091 = arith.select %parallel_loop3A_1090, %broadcast_in_dim3A_34, %broadcast_in_dim3A_36 : vector<16xi1>, vector<16xi32>
      %parallel_loop3A_1092 = arith.addi %parallel_loop3A_1065, %parallel_loop3A_1091 : vector<16xi32>
      %parallel_loop3A_1093 = arith.cmpi eq, %get3A_31, %parallel_loop3A_1077 : vector<16xi32>
      %parallel_loop3A_1094 = arith.select %parallel_loop3A_1093, %broadcast_in_dim3A_34, %broadcast_in_dim3A_36 : vector<16xi1>, vector<16xi32>
      %parallel_loop3A_1095 = arith.addi %parallel_loop3A_1068, %parallel_loop3A_1094 : vector<16xi32>
      %parallel_loop3A_1096 = arith.cmpi eq, %get3A_33, %parallel_loop3A_1077 : vector<16xi32>
      %parallel_loop3A_1097 = arith.select %parallel_loop3A_1096, %broadcast_in_dim3A_34, %broadcast_in_dim3A_36 : vector<16xi1>, vector<16xi32>
      %parallel_loop3A_1098 = arith.addi %parallel_loop3A_1071, %parallel_loop3A_1097 : vector<16xi32>
      %parallel_loop3A_1099 = arith.cmpi eq, %iota3A, %parallel_loop3A_1077 : vector<16xi32>
      %parallel_loop3A_1100 = arith.select %parallel_loop3A_1099, %broadcast_in_dim3A_34, %broadcast_in_dim3A_36 : vector<16xi1>, vector<16xi32>
      %parallel_loop3A_1101 = arith.addi %parallel_loop3A_1074, %parallel_loop3A_1100 : vector<16xi32>
      %parallel_loop3A_1102 = vector.shape_cast %parallel_loop3A_831 : vector<16xi32> to vector<16x1xi32>
      %parallel_loop3A_1103 = vector.shape_cast %parallel_loop3A_1102 : vector<16x1xi32> to vector<16xi32>
      %parallel_loop3A_1104 = tpu.dynamic_gather %get3A_23[%parallel_loop3A_1103] in [0] : vector<16xi32>, vector<16xi32> -> vector<16xi32>
      %parallel_loop3A_1105 = arith.cmpi eq, %get3A_21, %parallel_loop3A_1104 : vector<16xi32>
      %parallel_loop3A_1106 = arith.select %parallel_loop3A_1105, %broadcast_in_dim3A_34, %broadcast_in_dim3A_36 : vector<16xi1>, vector<16xi32>
      %parallel_loop3A_1107 = arith.addi %parallel_loop3A_1080, %parallel_loop3A_1106 : vector<16xi32>
      %parallel_loop3A_1108 = arith.cmpi eq, %get3A_23, %parallel_loop3A_1104 : vector<16xi32>
      %parallel_loop3A_1109 = arith.select %parallel_loop3A_1108, %broadcast_in_dim3A_34, %broadcast_in_dim3A_36 : vector<16xi1>, vector<16xi32>
      %parallel_loop3A_1110 = arith.addi %parallel_loop3A_1083, %parallel_loop3A_1109 : vector<16xi32>
      %parallel_loop3A_1111 = arith.cmpi eq, %get3A_25, %parallel_loop3A_1104 : vector<16xi32>
      %parallel_loop3A_1112 = arith.select %parallel_loop3A_1111, %broadcast_in_dim3A_34, %broadcast_in_dim3A_36 : vector<16xi1>, vector<16xi32>
      %parallel_loop3A_1113 = arith.addi %parallel_loop3A_1086, %parallel_loop3A_1112 : vector<16xi32>
      %parallel_loop3A_1114 = arith.cmpi eq, %get3A_27, %parallel_loop3A_1104 : vector<16xi32>
      %parallel_loop3A_1115 = arith.select %parallel_loop3A_1114, %broadcast_in_dim3A_34, %broadcast_in_dim3A_36 : vector<16xi1>, vector<16xi32>
      %parallel_loop3A_1116 = arith.addi %parallel_loop3A_1089, %parallel_loop3A_1115 : vector<16xi32>
      %parallel_loop3A_1117 = arith.cmpi eq, %get3A_29, %parallel_loop3A_1104 : vector<16xi32>
      %parallel_loop3A_1118 = arith.select %parallel_loop3A_1117, %broadcast_in_dim3A_34, %broadcast_in_dim3A_36 : vector<16xi1>, vector<16xi32>
      %parallel_loop3A_1119 = arith.addi %parallel_loop3A_1092, %parallel_loop3A_1118 : vector<16xi32>
      %parallel_loop3A_1120 = arith.cmpi eq, %get3A_31, %parallel_loop3A_1104 : vector<16xi32>
      %parallel_loop3A_1121 = arith.select %parallel_loop3A_1120, %broadcast_in_dim3A_34, %broadcast_in_dim3A_36 : vector<16xi1>, vector<16xi32>
      %parallel_loop3A_1122 = arith.addi %parallel_loop3A_1095, %parallel_loop3A_1121 : vector<16xi32>
      %parallel_loop3A_1123 = arith.cmpi eq, %get3A_33, %parallel_loop3A_1104 : vector<16xi32>
      %parallel_loop3A_1124 = arith.select %parallel_loop3A_1123, %broadcast_in_dim3A_34, %broadcast_in_dim3A_36 : vector<16xi1>, vector<16xi32>
      %parallel_loop3A_1125 = arith.addi %parallel_loop3A_1098, %parallel_loop3A_1124 : vector<16xi32>
      %parallel_loop3A_1126 = arith.cmpi eq, %iota3A, %parallel_loop3A_1104 : vector<16xi32>
      %parallel_loop3A_1127 = arith.select %parallel_loop3A_1126, %broadcast_in_dim3A_34, %broadcast_in_dim3A_36 : vector<16xi1>, vector<16xi32>
      %parallel_loop3A_1128 = arith.addi %parallel_loop3A_1101, %parallel_loop3A_1127 : vector<16xi32>
      %parallel_loop3A_1129 = vector.shape_cast %parallel_loop3A_831 : vector<16xi32> to vector<16x1xi32>
      %parallel_loop3A_1130 = vector.shape_cast %parallel_loop3A_1129 : vector<16x1xi32> to vector<16xi32>
      %parallel_loop3A_1131 = tpu.dynamic_gather %get3A_25[%parallel_loop3A_1130] in [0] : vector<16xi32>, vector<16xi32> -> vector<16xi32>
      %parallel_loop3A_1132 = arith.cmpi eq, %get3A_21, %parallel_loop3A_1131 : vector<16xi32>
      %parallel_loop3A_1133 = arith.select %parallel_loop3A_1132, %broadcast_in_dim3A_34, %broadcast_in_dim3A_36 : vector<16xi1>, vector<16xi32>
      %parallel_loop3A_1134 = arith.addi %parallel_loop3A_1107, %parallel_loop3A_1133 : vector<16xi32>
      %parallel_loop3A_1135 = arith.cmpi eq, %get3A_23, %parallel_loop3A_1131 : vector<16xi32>
      %parallel_loop3A_1136 = arith.select %parallel_loop3A_1135, %broadcast_in_dim3A_34, %broadcast_in_dim3A_36 : vector<16xi1>, vector<16xi32>
      %parallel_loop3A_1137 = arith.addi %parallel_loop3A_1110, %parallel_loop3A_1136 : vector<16xi32>
      %parallel_loop3A_1138 = arith.cmpi eq, %get3A_25, %parallel_loop3A_1131 : vector<16xi32>
      %parallel_loop3A_1139 = arith.select %parallel_loop3A_1138, %broadcast_in_dim3A_34, %broadcast_in_dim3A_36 : vector<16xi1>, vector<16xi32>
      %parallel_loop3A_1140 = arith.addi %parallel_loop3A_1113, %parallel_loop3A_1139 : vector<16xi32>
      %parallel_loop3A_1141 = arith.cmpi eq, %get3A_27, %parallel_loop3A_1131 : vector<16xi32>
      %parallel_loop3A_1142 = arith.select %parallel_loop3A_1141, %broadcast_in_dim3A_34, %broadcast_in_dim3A_36 : vector<16xi1>, vector<16xi32>
      %parallel_loop3A_1143 = arith.addi %parallel_loop3A_1116, %parallel_loop3A_1142 : vector<16xi32>
      %parallel_loop3A_1144 = arith.cmpi eq, %get3A_29, %parallel_loop3A_1131 : vector<16xi32>
      %parallel_loop3A_1145 = arith.select %parallel_loop3A_1144, %broadcast_in_dim3A_34, %broadcast_in_dim3A_36 : vector<16xi1>, vector<16xi32>
      %parallel_loop3A_1146 = arith.addi %parallel_loop3A_1119, %parallel_loop3A_1145 : vector<16xi32>
      %parallel_loop3A_1147 = arith.cmpi eq, %get3A_31, %parallel_loop3A_1131 : vector<16xi32>
      %parallel_loop3A_1148 = arith.select %parallel_loop3A_1147, %broadcast_in_dim3A_34, %broadcast_in_dim3A_36 : vector<16xi1>, vector<16xi32>
      %parallel_loop3A_1149 = arith.addi %parallel_loop3A_1122, %parallel_loop3A_1148 : vector<16xi32>
      %parallel_loop3A_1150 = arith.cmpi eq, %get3A_33, %parallel_loop3A_1131 : vector<16xi32>
      %parallel_loop3A_1151 = arith.select %parallel_loop3A_1150, %broadcast_in_dim3A_34, %broadcast_in_dim3A_36 : vector<16xi1>, vector<16xi32>
      %parallel_loop3A_1152 = arith.addi %parallel_loop3A_1125, %parallel_loop3A_1151 : vector<16xi32>
      %parallel_loop3A_1153 = arith.cmpi eq, %iota3A, %parallel_loop3A_1131 : vector<16xi32>
      %parallel_loop3A_1154 = arith.select %parallel_loop3A_1153, %broadcast_in_dim3A_34, %broadcast_in_dim3A_36 : vector<16xi1>, vector<16xi32>
      %parallel_loop3A_1155 = arith.addi %parallel_loop3A_1128, %parallel_loop3A_1154 : vector<16xi32>
      %parallel_loop3A_1156 = vector.shape_cast %parallel_loop3A_831 : vector<16xi32> to vector<16x1xi32>
      %parallel_loop3A_1157 = vector.shape_cast %parallel_loop3A_1156 : vector<16x1xi32> to vector<16xi32>
      %parallel_loop3A_1158 = tpu.dynamic_gather %get3A_27[%parallel_loop3A_1157] in [0] : vector<16xi32>, vector<16xi32> -> vector<16xi32>
      %parallel_loop3A_1159 = arith.cmpi eq, %get3A_21, %parallel_loop3A_1158 : vector<16xi32>
      %parallel_loop3A_1160 = arith.select %parallel_loop3A_1159, %broadcast_in_dim3A_34, %broadcast_in_dim3A_36 : vector<16xi1>, vector<16xi32>
      %parallel_loop3A_1161 = arith.addi %parallel_loop3A_1134, %parallel_loop3A_1160 : vector<16xi32>
      %parallel_loop3A_1162 = arith.cmpi eq, %get3A_23, %parallel_loop3A_1158 : vector<16xi32>
      %parallel_loop3A_1163 = arith.select %parallel_loop3A_1162, %broadcast_in_dim3A_34, %broadcast_in_dim3A_36 : vector<16xi1>, vector<16xi32>
      %parallel_loop3A_1164 = arith.addi %parallel_loop3A_1137, %parallel_loop3A_1163 : vector<16xi32>
      %parallel_loop3A_1165 = arith.cmpi eq, %get3A_25, %parallel_loop3A_1158 : vector<16xi32>
      %parallel_loop3A_1166 = arith.select %parallel_loop3A_1165, %broadcast_in_dim3A_34, %broadcast_in_dim3A_36 : vector<16xi1>, vector<16xi32>
      %parallel_loop3A_1167 = arith.addi %parallel_loop3A_1140, %parallel_loop3A_1166 : vector<16xi32>
      %parallel_loop3A_1168 = arith.cmpi eq, %get3A_27, %parallel_loop3A_1158 : vector<16xi32>
      %parallel_loop3A_1169 = arith.select %parallel_loop3A_1168, %broadcast_in_dim3A_34, %broadcast_in_dim3A_36 : vector<16xi1>, vector<16xi32>
      %parallel_loop3A_1170 = arith.addi %parallel_loop3A_1143, %parallel_loop3A_1169 : vector<16xi32>
      %parallel_loop3A_1171 = arith.cmpi eq, %get3A_29, %parallel_loop3A_1158 : vector<16xi32>
      %parallel_loop3A_1172 = arith.select %parallel_loop3A_1171, %broadcast_in_dim3A_34, %broadcast_in_dim3A_36 : vector<16xi1>, vector<16xi32>
      %parallel_loop3A_1173 = arith.addi %parallel_loop3A_1146, %parallel_loop3A_1172 : vector<16xi32>
      %parallel_loop3A_1174 = arith.cmpi eq, %get3A_31, %parallel_loop3A_1158 : vector<16xi32>
      %parallel_loop3A_1175 = arith.select %parallel_loop3A_1174, %broadcast_in_dim3A_34, %broadcast_in_dim3A_36 : vector<16xi1>, vector<16xi32>
      %parallel_loop3A_1176 = arith.addi %parallel_loop3A_1149, %parallel_loop3A_1175 : vector<16xi32>
      %parallel_loop3A_1177 = arith.cmpi eq, %get3A_33, %parallel_loop3A_1158 : vector<16xi32>
      %parallel_loop3A_1178 = arith.select %parallel_loop3A_1177, %broadcast_in_dim3A_34, %broadcast_in_dim3A_36 : vector<16xi1>, vector<16xi32>
      %parallel_loop3A_1179 = arith.addi %parallel_loop3A_1152, %parallel_loop3A_1178 : vector<16xi32>
      %parallel_loop3A_1180 = arith.cmpi eq, %iota3A, %parallel_loop3A_1158 : vector<16xi32>
      %parallel_loop3A_1181 = arith.select %parallel_loop3A_1180, %broadcast_in_dim3A_34, %broadcast_in_dim3A_36 : vector<16xi1>, vector<16xi32>
      %parallel_loop3A_1182 = arith.addi %parallel_loop3A_1155, %parallel_loop3A_1181 : vector<16xi32>
      %parallel_loop3A_1183 = vector.shape_cast %parallel_loop3A_831 : vector<16xi32> to vector<16x1xi32>
      %parallel_loop3A_1184 = vector.shape_cast %parallel_loop3A_1183 : vector<16x1xi32> to vector<16xi32>
      %parallel_loop3A_1185 = tpu.dynamic_gather %get3A_29[%parallel_loop3A_1184] in [0] : vector<16xi32>, vector<16xi32> -> vector<16xi32>
      %parallel_loop3A_1186 = arith.cmpi eq, %get3A_21, %parallel_loop3A_1185 : vector<16xi32>
      %parallel_loop3A_1187 = arith.select %parallel_loop3A_1186, %broadcast_in_dim3A_34, %broadcast_in_dim3A_36 : vector<16xi1>, vector<16xi32>
      %parallel_loop3A_1188 = arith.addi %parallel_loop3A_1161, %parallel_loop3A_1187 : vector<16xi32>
      %parallel_loop3A_1189 = arith.cmpi eq, %get3A_23, %parallel_loop3A_1185 : vector<16xi32>
      %parallel_loop3A_1190 = arith.select %parallel_loop3A_1189, %broadcast_in_dim3A_34, %broadcast_in_dim3A_36 : vector<16xi1>, vector<16xi32>
      %parallel_loop3A_1191 = arith.addi %parallel_loop3A_1164, %parallel_loop3A_1190 : vector<16xi32>
      %parallel_loop3A_1192 = arith.cmpi eq, %get3A_25, %parallel_loop3A_1185 : vector<16xi32>
      %parallel_loop3A_1193 = arith.select %parallel_loop3A_1192, %broadcast_in_dim3A_34, %broadcast_in_dim3A_36 : vector<16xi1>, vector<16xi32>
      %parallel_loop3A_1194 = arith.addi %parallel_loop3A_1167, %parallel_loop3A_1193 : vector<16xi32>
      %parallel_loop3A_1195 = arith.cmpi eq, %get3A_27, %parallel_loop3A_1185 : vector<16xi32>
      %parallel_loop3A_1196 = arith.select %parallel_loop3A_1195, %broadcast_in_dim3A_34, %broadcast_in_dim3A_36 : vector<16xi1>, vector<16xi32>
      %parallel_loop3A_1197 = arith.addi %parallel_loop3A_1170, %parallel_loop3A_1196 : vector<16xi32>
      %parallel_loop3A_1198 = arith.cmpi eq, %get3A_29, %parallel_loop3A_1185 : vector<16xi32>
      %parallel_loop3A_1199 = arith.select %parallel_loop3A_1198, %broadcast_in_dim3A_34, %broadcast_in_dim3A_36 : vector<16xi1>, vector<16xi32>
      %parallel_loop3A_1200 = arith.addi %parallel_loop3A_1173, %parallel_loop3A_1199 : vector<16xi32>
      %parallel_loop3A_1201 = arith.cmpi eq, %get3A_31, %parallel_loop3A_1185 : vector<16xi32>
      %parallel_loop3A_1202 = arith.select %parallel_loop3A_1201, %broadcast_in_dim3A_34, %broadcast_in_dim3A_36 : vector<16xi1>, vector<16xi32>
      %parallel_loop3A_1203 = arith.addi %parallel_loop3A_1176, %parallel_loop3A_1202 : vector<16xi32>
      %parallel_loop3A_1204 = arith.cmpi eq, %get3A_33, %parallel_loop3A_1185 : vector<16xi32>
      %parallel_loop3A_1205 = arith.select %parallel_loop3A_1204, %broadcast_in_dim3A_34, %broadcast_in_dim3A_36 : vector<16xi1>, vector<16xi32>
      %parallel_loop3A_1206 = arith.addi %parallel_loop3A_1179, %parallel_loop3A_1205 : vector<16xi32>
      %parallel_loop3A_1207 = arith.cmpi eq, %iota3A, %parallel_loop3A_1185 : vector<16xi32>
      %parallel_loop3A_1208 = arith.select %parallel_loop3A_1207, %broadcast_in_dim3A_34, %broadcast_in_dim3A_36 : vector<16xi1>, vector<16xi32>
      %parallel_loop3A_1209 = arith.addi %parallel_loop3A_1182, %parallel_loop3A_1208 : vector<16xi32>
      %parallel_loop3A_1210 = vector.shape_cast %parallel_loop3A_831 : vector<16xi32> to vector<16x1xi32>
      %parallel_loop3A_1211 = vector.shape_cast %parallel_loop3A_1210 : vector<16x1xi32> to vector<16xi32>
      %parallel_loop3A_1212 = tpu.dynamic_gather %get3A_31[%parallel_loop3A_1211] in [0] : vector<16xi32>, vector<16xi32> -> vector<16xi32>
      %parallel_loop3A_1213 = arith.cmpi eq, %get3A_21, %parallel_loop3A_1212 : vector<16xi32>
      %parallel_loop3A_1214 = arith.select %parallel_loop3A_1213, %broadcast_in_dim3A_34, %broadcast_in_dim3A_36 : vector<16xi1>, vector<16xi32>
      %parallel_loop3A_1215 = arith.addi %parallel_loop3A_1188, %parallel_loop3A_1214 : vector<16xi32>
      %parallel_loop3A_1216 = arith.cmpi eq, %get3A_23, %parallel_loop3A_1212 : vector<16xi32>
      %parallel_loop3A_1217 = arith.select %parallel_loop3A_1216, %broadcast_in_dim3A_34, %broadcast_in_dim3A_36 : vector<16xi1>, vector<16xi32>
      %parallel_loop3A_1218 = arith.addi %parallel_loop3A_1191, %parallel_loop3A_1217 : vector<16xi32>
      %parallel_loop3A_1219 = arith.cmpi eq, %get3A_25, %parallel_loop3A_1212 : vector<16xi32>
      %parallel_loop3A_1220 = arith.select %parallel_loop3A_1219, %broadcast_in_dim3A_34, %broadcast_in_dim3A_36 : vector<16xi1>, vector<16xi32>
      %parallel_loop3A_1221 = arith.addi %parallel_loop3A_1194, %parallel_loop3A_1220 : vector<16xi32>
      %parallel_loop3A_1222 = arith.cmpi eq, %get3A_27, %parallel_loop3A_1212 : vector<16xi32>
      %parallel_loop3A_1223 = arith.select %parallel_loop3A_1222, %broadcast_in_dim3A_34, %broadcast_in_dim3A_36 : vector<16xi1>, vector<16xi32>
      %parallel_loop3A_1224 = arith.addi %parallel_loop3A_1197, %parallel_loop3A_1223 : vector<16xi32>
      %parallel_loop3A_1225 = arith.cmpi eq, %get3A_29, %parallel_loop3A_1212 : vector<16xi32>
      %parallel_loop3A_1226 = arith.select %parallel_loop3A_1225, %broadcast_in_dim3A_34, %broadcast_in_dim3A_36 : vector<16xi1>, vector<16xi32>
      %parallel_loop3A_1227 = arith.addi %parallel_loop3A_1200, %parallel_loop3A_1226 : vector<16xi32>
      %parallel_loop3A_1228 = arith.cmpi eq, %get3A_31, %parallel_loop3A_1212 : vector<16xi32>
      %parallel_loop3A_1229 = arith.select %parallel_loop3A_1228, %broadcast_in_dim3A_34, %broadcast_in_dim3A_36 : vector<16xi1>, vector<16xi32>
      %parallel_loop3A_1230 = arith.addi %parallel_loop3A_1203, %parallel_loop3A_1229 : vector<16xi32>
      %parallel_loop3A_1231 = arith.cmpi eq, %get3A_33, %parallel_loop3A_1212 : vector<16xi32>
      %parallel_loop3A_1232 = arith.select %parallel_loop3A_1231, %broadcast_in_dim3A_34, %broadcast_in_dim3A_36 : vector<16xi1>, vector<16xi32>
      %parallel_loop3A_1233 = arith.addi %parallel_loop3A_1206, %parallel_loop3A_1232 : vector<16xi32>
      %parallel_loop3A_1234 = arith.cmpi eq, %iota3A, %parallel_loop3A_1212 : vector<16xi32>
      %parallel_loop3A_1235 = arith.select %parallel_loop3A_1234, %broadcast_in_dim3A_34, %broadcast_in_dim3A_36 : vector<16xi1>, vector<16xi32>
      %parallel_loop3A_1236 = arith.addi %parallel_loop3A_1209, %parallel_loop3A_1235 : vector<16xi32>
      %parallel_loop3A_1237 = vector.shape_cast %parallel_loop3A_831 : vector<16xi32> to vector<16x1xi32>
      %parallel_loop3A_1238 = vector.shape_cast %parallel_loop3A_1237 : vector<16x1xi32> to vector<16xi32>
      %parallel_loop3A_1239 = tpu.dynamic_gather %get3A_33[%parallel_loop3A_1238] in [0] : vector<16xi32>, vector<16xi32> -> vector<16xi32>
      %parallel_loop3A_1240 = arith.cmpi eq, %get3A_21, %parallel_loop3A_1239 : vector<16xi32>
      %parallel_loop3A_1241 = arith.select %parallel_loop3A_1240, %broadcast_in_dim3A_34, %broadcast_in_dim3A_36 : vector<16xi1>, vector<16xi32>
      %parallel_loop3A_1242 = arith.addi %parallel_loop3A_1215, %parallel_loop3A_1241 : vector<16xi32>
      %parallel_loop3A_1243 = arith.cmpi eq, %get3A_23, %parallel_loop3A_1239 : vector<16xi32>
      %parallel_loop3A_1244 = arith.select %parallel_loop3A_1243, %broadcast_in_dim3A_34, %broadcast_in_dim3A_36 : vector<16xi1>, vector<16xi32>
      %parallel_loop3A_1245 = arith.addi %parallel_loop3A_1218, %parallel_loop3A_1244 : vector<16xi32>
      %parallel_loop3A_1246 = arith.cmpi eq, %get3A_25, %parallel_loop3A_1239 : vector<16xi32>
      %parallel_loop3A_1247 = arith.select %parallel_loop3A_1246, %broadcast_in_dim3A_34, %broadcast_in_dim3A_36 : vector<16xi1>, vector<16xi32>
      %parallel_loop3A_1248 = arith.addi %parallel_loop3A_1221, %parallel_loop3A_1247 : vector<16xi32>
      %parallel_loop3A_1249 = arith.cmpi eq, %get3A_27, %parallel_loop3A_1239 : vector<16xi32>
      %parallel_loop3A_1250 = arith.select %parallel_loop3A_1249, %broadcast_in_dim3A_34, %broadcast_in_dim3A_36 : vector<16xi1>, vector<16xi32>
      %parallel_loop3A_1251 = arith.addi %parallel_loop3A_1224, %parallel_loop3A_1250 : vector<16xi32>
      %parallel_loop3A_1252 = arith.cmpi eq, %get3A_29, %parallel_loop3A_1239 : vector<16xi32>
      %parallel_loop3A_1253 = arith.select %parallel_loop3A_1252, %broadcast_in_dim3A_34, %broadcast_in_dim3A_36 : vector<16xi1>, vector<16xi32>
      %parallel_loop3A_1254 = arith.addi %parallel_loop3A_1227, %parallel_loop3A_1253 : vector<16xi32>
      %parallel_loop3A_1255 = arith.cmpi eq, %get3A_31, %parallel_loop3A_1239 : vector<16xi32>
      %parallel_loop3A_1256 = arith.select %parallel_loop3A_1255, %broadcast_in_dim3A_34, %broadcast_in_dim3A_36 : vector<16xi1>, vector<16xi32>
      %parallel_loop3A_1257 = arith.addi %parallel_loop3A_1230, %parallel_loop3A_1256 : vector<16xi32>
      %parallel_loop3A_1258 = arith.cmpi eq, %get3A_33, %parallel_loop3A_1239 : vector<16xi32>
      %parallel_loop3A_1259 = arith.select %parallel_loop3A_1258, %broadcast_in_dim3A_34, %broadcast_in_dim3A_36 : vector<16xi1>, vector<16xi32>
      %parallel_loop3A_1260 = arith.addi %parallel_loop3A_1233, %parallel_loop3A_1259 : vector<16xi32>
      %parallel_loop3A_1261 = arith.cmpi eq, %iota3A, %parallel_loop3A_1239 : vector<16xi32>
      %parallel_loop3A_1262 = arith.select %parallel_loop3A_1261, %broadcast_in_dim3A_34, %broadcast_in_dim3A_36 : vector<16xi1>, vector<16xi32>
      %parallel_loop3A_1263 = arith.addi %parallel_loop3A_1236, %parallel_loop3A_1262 : vector<16xi32>
      scf.yield %parallel_loop3A_1242, %parallel_loop3A_1245, %parallel_loop3A_1248, %parallel_loop3A_1251, %parallel_loop3A_1254, %parallel_loop3A_1257, %parallel_loop3A_1260, %parallel_loop3A_1263 : vector<16xi32>, vector<16xi32>, vector<16xi32>, vector<16xi32>, vector<16xi32>, vector<16xi32>, vector<16xi32>, vector<16xi32>
    } {sc.loop_unroll_factor = 4 : i64, sc.parallel_access}
    %mul3A_44 = arith.constant 131072 : i32
    %mul3A_45 = vector.broadcast %mul3A_44 : i32 to vector<16xi32>
    %mul3A_46 = arith.muli %parallel_loop3A_39#0, %mul3A_45 : vector<16xi32>
    %sub3A = arith.constant 131071 : i32
    %sub3A_47 = vector.broadcast %sub3A : i32 to vector<16xi32>
    %sub3A_48 = arith.subi %sub3A_47, %get3A_3 : vector<16xi32>
    %add3A_49 = arith.addi %mul3A_46, %sub3A_48 : vector<16xi32>
    %mul3A_50 = arith.constant 131072 : i32
    %mul3A_51 = vector.broadcast %mul3A_50 : i32 to vector<16xi32>
    %mul3A_52 = arith.muli %parallel_loop3A_39#1, %mul3A_51 : vector<16xi32>
    %sub3A_53 = arith.constant 131071 : i32
    %sub3A_54 = vector.broadcast %sub3A_53 : i32 to vector<16xi32>
    %sub3A_55 = arith.subi %sub3A_54, %get3A_5 : vector<16xi32>
    %add3A_56 = arith.addi %mul3A_52, %sub3A_55 : vector<16xi32>
    %mul3A_57 = arith.constant 131072 : i32
    %mul3A_58 = vector.broadcast %mul3A_57 : i32 to vector<16xi32>
    %mul3A_59 = arith.muli %parallel_loop3A_39#2, %mul3A_58 : vector<16xi32>
    %sub3A_60 = arith.constant 131071 : i32
    %sub3A_61 = vector.broadcast %sub3A_60 : i32 to vector<16xi32>
    %sub3A_62 = arith.subi %sub3A_61, %get3A_7 : vector<16xi32>
    %add3A_63 = arith.addi %mul3A_59, %sub3A_62 : vector<16xi32>
    %mul3A_64 = arith.constant 131072 : i32
    %mul3A_65 = vector.broadcast %mul3A_64 : i32 to vector<16xi32>
    %mul3A_66 = arith.muli %parallel_loop3A_39#3, %mul3A_65 : vector<16xi32>
    %sub3A_67 = arith.constant 131071 : i32
    %sub3A_68 = vector.broadcast %sub3A_67 : i32 to vector<16xi32>
    %sub3A_69 = arith.subi %sub3A_68, %get3A_9 : vector<16xi32>
    %add3A_70 = arith.addi %mul3A_66, %sub3A_69 : vector<16xi32>
    %mul3A_71 = arith.constant 131072 : i32
    %mul3A_72 = vector.broadcast %mul3A_71 : i32 to vector<16xi32>
    %mul3A_73 = arith.muli %parallel_loop3A_39#4, %mul3A_72 : vector<16xi32>
    %sub3A_74 = arith.constant 131071 : i32
    %sub3A_75 = vector.broadcast %sub3A_74 : i32 to vector<16xi32>
    %sub3A_76 = arith.subi %sub3A_75, %get3A_11 : vector<16xi32>
    %add3A_77 = arith.addi %mul3A_73, %sub3A_76 : vector<16xi32>
    %mul3A_78 = arith.constant 131072 : i32
    %mul3A_79 = vector.broadcast %mul3A_78 : i32 to vector<16xi32>
    %mul3A_80 = arith.muli %parallel_loop3A_39#5, %mul3A_79 : vector<16xi32>
    %sub3A_81 = arith.constant 131071 : i32
    %sub3A_82 = vector.broadcast %sub3A_81 : i32 to vector<16xi32>
    %sub3A_83 = arith.subi %sub3A_82, %get3A_13 : vector<16xi32>
    %add3A_84 = arith.addi %mul3A_80, %sub3A_83 : vector<16xi32>
    %mul3A_85 = arith.constant 131072 : i32
    %mul3A_86 = vector.broadcast %mul3A_85 : i32 to vector<16xi32>
    %mul3A_87 = arith.muli %parallel_loop3A_39#6, %mul3A_86 : vector<16xi32>
    %sub3A_88 = arith.constant 131071 : i32
    %sub3A_89 = vector.broadcast %sub3A_88 : i32 to vector<16xi32>
    %sub3A_90 = arith.subi %sub3A_89, %get3A_15 : vector<16xi32>
    %add3A_91 = arith.addi %mul3A_87, %sub3A_90 : vector<16xi32>
    %mul3A_92 = arith.constant 131072 : i32
    %mul3A_93 = vector.broadcast %mul3A_92 : i32 to vector<16xi32>
    %mul3A_94 = arith.muli %parallel_loop3A_39#7, %mul3A_93 : vector<16xi32>
    %sub3A_95 = arith.constant 131071 : i32
    %sub3A_96 = vector.broadcast %sub3A_95 : i32 to vector<16xi32>
    %sub3A_97 = arith.subi %sub3A_96, %get3A_17 : vector<16xi32>
    %add3A_98 = arith.addi %mul3A_94, %sub3A_97 : vector<16xi32>
    %mul3A_99 = arith.constant 131072 : i32
    %mul3A_100 = vector.broadcast %mul3A_99 : i32 to vector<16xi32>
    %mul3A_101 = arith.muli %parallel_loop3A_39#8, %mul3A_100 : vector<16xi32>
    %sub3A_102 = arith.constant 131071 : i32
    %sub3A_103 = vector.broadcast %sub3A_102 : i32 to vector<16xi32>
    %sub3A_104 = arith.subi %sub3A_103, %get3A_19 : vector<16xi32>
    %add3A_105 = arith.addi %mul3A_101, %sub3A_104 : vector<16xi32>
    %mul3A_106 = arith.constant 131072 : i32
    %mul3A_107 = vector.broadcast %mul3A_106 : i32 to vector<16xi32>
    %mul3A_108 = arith.muli %parallel_loop3A_43#0, %mul3A_107 : vector<16xi32>
    %sub3A_109 = arith.constant 131071 : i32
    %sub3A_110 = vector.broadcast %sub3A_109 : i32 to vector<16xi32>
    %sub3A_111 = arith.subi %sub3A_110, %get3A_21 : vector<16xi32>
    %add3A_112 = arith.addi %mul3A_108, %sub3A_111 : vector<16xi32>
    %mul3A_113 = arith.constant 131072 : i32
    %mul3A_114 = vector.broadcast %mul3A_113 : i32 to vector<16xi32>
    %mul3A_115 = arith.muli %parallel_loop3A_43#1, %mul3A_114 : vector<16xi32>
    %sub3A_116 = arith.constant 131071 : i32
    %sub3A_117 = vector.broadcast %sub3A_116 : i32 to vector<16xi32>
    %sub3A_118 = arith.subi %sub3A_117, %get3A_23 : vector<16xi32>
    %add3A_119 = arith.addi %mul3A_115, %sub3A_118 : vector<16xi32>
    %mul3A_120 = arith.constant 131072 : i32
    %mul3A_121 = vector.broadcast %mul3A_120 : i32 to vector<16xi32>
    %mul3A_122 = arith.muli %parallel_loop3A_43#2, %mul3A_121 : vector<16xi32>
    %sub3A_123 = arith.constant 131071 : i32
    %sub3A_124 = vector.broadcast %sub3A_123 : i32 to vector<16xi32>
    %sub3A_125 = arith.subi %sub3A_124, %get3A_25 : vector<16xi32>
    %add3A_126 = arith.addi %mul3A_122, %sub3A_125 : vector<16xi32>
    %mul3A_127 = arith.constant 131072 : i32
    %mul3A_128 = vector.broadcast %mul3A_127 : i32 to vector<16xi32>
    %mul3A_129 = arith.muli %parallel_loop3A_43#3, %mul3A_128 : vector<16xi32>
    %sub3A_130 = arith.constant 131071 : i32
    %sub3A_131 = vector.broadcast %sub3A_130 : i32 to vector<16xi32>
    %sub3A_132 = arith.subi %sub3A_131, %get3A_27 : vector<16xi32>
    %add3A_133 = arith.addi %mul3A_129, %sub3A_132 : vector<16xi32>
    %mul3A_134 = arith.constant 131072 : i32
    %mul3A_135 = vector.broadcast %mul3A_134 : i32 to vector<16xi32>
    %mul3A_136 = arith.muli %parallel_loop3A_43#4, %mul3A_135 : vector<16xi32>
    %sub3A_137 = arith.constant 131071 : i32
    %sub3A_138 = vector.broadcast %sub3A_137 : i32 to vector<16xi32>
    %sub3A_139 = arith.subi %sub3A_138, %get3A_29 : vector<16xi32>
    %add3A_140 = arith.addi %mul3A_136, %sub3A_139 : vector<16xi32>
    %mul3A_141 = arith.constant 131072 : i32
    %mul3A_142 = vector.broadcast %mul3A_141 : i32 to vector<16xi32>
    %mul3A_143 = arith.muli %parallel_loop3A_43#5, %mul3A_142 : vector<16xi32>
    %sub3A_144 = arith.constant 131071 : i32
    %sub3A_145 = vector.broadcast %sub3A_144 : i32 to vector<16xi32>
    %sub3A_146 = arith.subi %sub3A_145, %get3A_31 : vector<16xi32>
    %add3A_147 = arith.addi %mul3A_143, %sub3A_146 : vector<16xi32>
    %mul3A_148 = arith.constant 131072 : i32
    %mul3A_149 = vector.broadcast %mul3A_148 : i32 to vector<16xi32>
    %mul3A_150 = arith.muli %parallel_loop3A_43#6, %mul3A_149 : vector<16xi32>
    %sub3A_151 = arith.constant 131071 : i32
    %sub3A_152 = vector.broadcast %sub3A_151 : i32 to vector<16xi32>
    %sub3A_153 = arith.subi %sub3A_152, %get3A_33 : vector<16xi32>
    %add3A_154 = arith.addi %mul3A_150, %sub3A_153 : vector<16xi32>
    %mul3A_155 = arith.constant 131072 : i32
    %mul3A_156 = vector.broadcast %mul3A_155 : i32 to vector<16xi32>
    %mul3A_157 = arith.muli %parallel_loop3A_43#7, %mul3A_156 : vector<16xi32>
    %sub3A_158 = arith.constant 131071 : i32
    %sub3A_159 = vector.broadcast %sub3A_158 : i32 to vector<16xi32>
    %sub3A_160 = arith.subi %sub3A_159, %iota3A : vector<16xi32>
    %add3A_161 = arith.addi %mul3A_157, %sub3A_160 : vector<16xi32>
    %broadcast_in_dim3A_162 = arith.constant -1 : i32
    %broadcast_in_dim3A_163 = vector.broadcast %broadcast_in_dim3A_162 : i32 to vector<16xi32>
    %max3A = arith.maxsi %add3A_49, %add3A_56 : vector<16xi32>
    %max3A_164 = arith.maxsi %max3A, %add3A_63 : vector<16xi32>
    %max3A_165 = arith.maxsi %max3A_164, %add3A_70 : vector<16xi32>
    %max3A_166 = arith.maxsi %max3A_165, %add3A_77 : vector<16xi32>
    %max3A_167 = arith.maxsi %max3A_166, %add3A_84 : vector<16xi32>
    %max3A_168 = arith.maxsi %max3A_167, %add3A_91 : vector<16xi32>
    %max3A_169 = arith.maxsi %max3A_168, %add3A_98 : vector<16xi32>
    %max3A_170 = arith.maxsi %max3A_169, %add3A_105 : vector<16xi32>
    %max3A_171 = arith.maxsi %max3A_170, %add3A_112 : vector<16xi32>
    %max3A_172 = arith.maxsi %max3A_171, %add3A_119 : vector<16xi32>
    %max3A_173 = arith.maxsi %max3A_172, %add3A_126 : vector<16xi32>
    %max3A_174 = arith.maxsi %max3A_173, %add3A_133 : vector<16xi32>
    %max3A_175 = arith.maxsi %max3A_174, %add3A_140 : vector<16xi32>
    %max3A_176 = arith.maxsi %max3A_175, %add3A_147 : vector<16xi32>
    %max3A_177 = arith.maxsi %max3A_176, %add3A_154 : vector<16xi32>
    %max3A_178 = arith.maxsi %max3A_177, %add3A_161 : vector<16xi32>
    %add3A_179 = arith.constant 8 : i32
    %add3A_180 = vector.broadcast %add3A_179 : i32 to vector<16xi32>
    %add3A_181 = arith.addi %iota3A, %add3A_180 : vector<16xi32>
    %and3A = arith.constant 15 : i32
    %and3A_182 = vector.broadcast %and3A : i32 to vector<16xi32>
    %and3A_183 = arith.andi %add3A_181, %and3A_182 : vector<16xi32>
    %broadcast_in_dim3A_184 = vector.shape_cast %and3A_183 : vector<16xi32> to vector<16x1xi32>
    %gather3A = vector.shape_cast %broadcast_in_dim3A_184 : vector<16x1xi32> to vector<16xi32>
    %gather3A_185 = tpu.dynamic_gather %max3A_178[%gather3A] in [0] : vector<16xi32>, vector<16xi32> -> vector<16xi32>
    %max3A_186 = arith.maxsi %max3A_178, %gather3A_185 : vector<16xi32>
    %add3A_187 = arith.constant 4 : i32
    %add3A_188 = vector.broadcast %add3A_187 : i32 to vector<16xi32>
    %add3A_189 = arith.addi %iota3A, %add3A_188 : vector<16xi32>
    %and3A_190 = arith.constant 15 : i32
    %and3A_191 = vector.broadcast %and3A_190 : i32 to vector<16xi32>
    %and3A_192 = arith.andi %add3A_189, %and3A_191 : vector<16xi32>
    %broadcast_in_dim3A_193 = vector.shape_cast %and3A_192 : vector<16xi32> to vector<16x1xi32>
    %gather3A_194 = vector.shape_cast %broadcast_in_dim3A_193 : vector<16x1xi32> to vector<16xi32>
    %gather3A_195 = tpu.dynamic_gather %max3A_186[%gather3A_194] in [0] : vector<16xi32>, vector<16xi32> -> vector<16xi32>
    %max3A_196 = arith.maxsi %max3A_186, %gather3A_195 : vector<16xi32>
    %add3A_197 = arith.constant 2 : i32
    %add3A_198 = vector.broadcast %add3A_197 : i32 to vector<16xi32>
    %add3A_199 = arith.addi %iota3A, %add3A_198 : vector<16xi32>
    %and3A_200 = arith.constant 15 : i32
    %and3A_201 = vector.broadcast %and3A_200 : i32 to vector<16xi32>
    %and3A_202 = arith.andi %add3A_199, %and3A_201 : vector<16xi32>
    %broadcast_in_dim3A_203 = vector.shape_cast %and3A_202 : vector<16xi32> to vector<16x1xi32>
    %gather3A_204 = vector.shape_cast %broadcast_in_dim3A_203 : vector<16x1xi32> to vector<16xi32>
    %gather3A_205 = tpu.dynamic_gather %max3A_196[%gather3A_204] in [0] : vector<16xi32>, vector<16xi32> -> vector<16xi32>
    %max3A_206 = arith.maxsi %max3A_196, %gather3A_205 : vector<16xi32>
    %add3A_207 = arith.constant 1 : i32
    %add3A_208 = vector.broadcast %add3A_207 : i32 to vector<16xi32>
    %add3A_209 = arith.addi %iota3A, %add3A_208 : vector<16xi32>
    %and3A_210 = arith.constant 15 : i32
    %and3A_211 = vector.broadcast %and3A_210 : i32 to vector<16xi32>
    %and3A_212 = arith.andi %add3A_209, %and3A_211 : vector<16xi32>
    %broadcast_in_dim3A_213 = vector.shape_cast %and3A_212 : vector<16xi32> to vector<16x1xi32>
    %gather3A_214 = vector.shape_cast %broadcast_in_dim3A_213 : vector<16x1xi32> to vector<16xi32>
    %gather3A_215 = tpu.dynamic_gather %max3A_206[%gather3A_214] in [0] : vector<16xi32>, vector<16xi32> -> vector<16xi32>
    %max3A_216 = arith.maxsi %max3A_206, %gather3A_215 : vector<16xi32>
    %and3A_217 = arith.constant 131071 : i32
    %and3A_218 = vector.broadcast %and3A_217 : i32 to vector<16xi32>
    %and3A_219 = arith.andi %max3A_216, %and3A_218 : vector<16xi32>
    %sub3A_220 = arith.constant 131071 : i32
    %sub3A_221 = vector.broadcast %sub3A_220 : i32 to vector<16xi32>
    %sub3A_222 = arith.subi %sub3A_221, %and3A_219 : vector<16xi32>
    %eq3A = arith.constant 0 : i32
    %eq3A_223 = vector.broadcast %eq3A : i32 to vector<16xi32>
    %eq3A_224 = arith.cmpi eq, %iota3A, %eq3A_223 : vector<16xi32>
    %select_n3A = arith.select %eq3A_224, %sub3A_222, %broadcast_in_dim3A_163 : vector<16xi1>, vector<16xi32>
    %eq3A_225 = arith.cmpi eq, %add3A_49, %max3A_216 : vector<16xi32>
    %select_n3A_226 = arith.select %eq3A_225, %broadcast_in_dim3A_163, %add3A_49 : vector<16xi1>, vector<16xi32>
    %eq3A_227 = arith.cmpi eq, %add3A_56, %max3A_216 : vector<16xi32>
    %select_n3A_228 = arith.select %eq3A_227, %broadcast_in_dim3A_163, %add3A_56 : vector<16xi1>, vector<16xi32>
    %eq3A_229 = arith.cmpi eq, %add3A_63, %max3A_216 : vector<16xi32>
    %select_n3A_230 = arith.select %eq3A_229, %broadcast_in_dim3A_163, %add3A_63 : vector<16xi1>, vector<16xi32>
    %eq3A_231 = arith.cmpi eq, %add3A_70, %max3A_216 : vector<16xi32>
    %select_n3A_232 = arith.select %eq3A_231, %broadcast_in_dim3A_163, %add3A_70 : vector<16xi1>, vector<16xi32>
    %eq3A_233 = arith.cmpi eq, %add3A_77, %max3A_216 : vector<16xi32>
    %select_n3A_234 = arith.select %eq3A_233, %broadcast_in_dim3A_163, %add3A_77 : vector<16xi1>, vector<16xi32>
    %eq3A_235 = arith.cmpi eq, %add3A_84, %max3A_216 : vector<16xi32>
    %select_n3A_236 = arith.select %eq3A_235, %broadcast_in_dim3A_163, %add3A_84 : vector<16xi1>, vector<16xi32>
    %eq3A_237 = arith.cmpi eq, %add3A_91, %max3A_216 : vector<16xi32>
    %select_n3A_238 = arith.select %eq3A_237, %broadcast_in_dim3A_163, %add3A_91 : vector<16xi1>, vector<16xi32>
    %eq3A_239 = arith.cmpi eq, %add3A_98, %max3A_216 : vector<16xi32>
    %select_n3A_240 = arith.select %eq3A_239, %broadcast_in_dim3A_163, %add3A_98 : vector<16xi1>, vector<16xi32>
    %eq3A_241 = arith.cmpi eq, %add3A_105, %max3A_216 : vector<16xi32>
    %select_n3A_242 = arith.select %eq3A_241, %broadcast_in_dim3A_163, %add3A_105 : vector<16xi1>, vector<16xi32>
    %eq3A_243 = arith.cmpi eq, %add3A_112, %max3A_216 : vector<16xi32>
    %select_n3A_244 = arith.select %eq3A_243, %broadcast_in_dim3A_163, %add3A_112 : vector<16xi1>, vector<16xi32>
    %eq3A_245 = arith.cmpi eq, %add3A_119, %max3A_216 : vector<16xi32>
    %select_n3A_246 = arith.select %eq3A_245, %broadcast_in_dim3A_163, %add3A_119 : vector<16xi1>, vector<16xi32>
    %eq3A_247 = arith.cmpi eq, %add3A_126, %max3A_216 : vector<16xi32>
    %select_n3A_248 = arith.select %eq3A_247, %broadcast_in_dim3A_163, %add3A_126 : vector<16xi1>, vector<16xi32>
    %eq3A_249 = arith.cmpi eq, %add3A_133, %max3A_216 : vector<16xi32>
    %select_n3A_250 = arith.select %eq3A_249, %broadcast_in_dim3A_163, %add3A_133 : vector<16xi1>, vector<16xi32>
    %eq3A_251 = arith.cmpi eq, %add3A_140, %max3A_216 : vector<16xi32>
    %select_n3A_252 = arith.select %eq3A_251, %broadcast_in_dim3A_163, %add3A_140 : vector<16xi1>, vector<16xi32>
    %eq3A_253 = arith.cmpi eq, %add3A_147, %max3A_216 : vector<16xi32>
    %select_n3A_254 = arith.select %eq3A_253, %broadcast_in_dim3A_163, %add3A_147 : vector<16xi1>, vector<16xi32>
    %eq3A_255 = arith.cmpi eq, %add3A_154, %max3A_216 : vector<16xi32>
    %select_n3A_256 = arith.select %eq3A_255, %broadcast_in_dim3A_163, %add3A_154 : vector<16xi1>, vector<16xi32>
    %eq3A_257 = arith.cmpi eq, %add3A_161, %max3A_216 : vector<16xi32>
    %select_n3A_258 = arith.select %eq3A_257, %broadcast_in_dim3A_163, %add3A_161 : vector<16xi1>, vector<16xi32>
    %max3A_259 = arith.maxsi %select_n3A_226, %select_n3A_228 : vector<16xi32>
    %max3A_260 = arith.maxsi %max3A_259, %select_n3A_230 : vector<16xi32>
    %max3A_261 = arith.maxsi %max3A_260, %select_n3A_232 : vector<16xi32>
    %max3A_262 = arith.maxsi %max3A_261, %select_n3A_234 : vector<16xi32>
    %max3A_263 = arith.maxsi %max3A_262, %select_n3A_236 : vector<16xi32>
    %max3A_264 = arith.maxsi %max3A_263, %select_n3A_238 : vector<16xi32>
    %max3A_265 = arith.maxsi %max3A_264, %select_n3A_240 : vector<16xi32>
    %max3A_266 = arith.maxsi %max3A_265, %select_n3A_242 : vector<16xi32>
    %max3A_267 = arith.maxsi %max3A_266, %select_n3A_244 : vector<16xi32>
    %max3A_268 = arith.maxsi %max3A_267, %select_n3A_246 : vector<16xi32>
    %max3A_269 = arith.maxsi %max3A_268, %select_n3A_248 : vector<16xi32>
    %max3A_270 = arith.maxsi %max3A_269, %select_n3A_250 : vector<16xi32>
    %max3A_271 = arith.maxsi %max3A_270, %select_n3A_252 : vector<16xi32>
    %max3A_272 = arith.maxsi %max3A_271, %select_n3A_254 : vector<16xi32>
    %max3A_273 = arith.maxsi %max3A_272, %select_n3A_256 : vector<16xi32>
    %max3A_274 = arith.maxsi %max3A_273, %select_n3A_258 : vector<16xi32>
    %add3A_275 = arith.constant 8 : i32
    %add3A_276 = vector.broadcast %add3A_275 : i32 to vector<16xi32>
    %add3A_277 = arith.addi %iota3A, %add3A_276 : vector<16xi32>
    %and3A_278 = arith.constant 15 : i32
    %and3A_279 = vector.broadcast %and3A_278 : i32 to vector<16xi32>
    %and3A_280 = arith.andi %add3A_277, %and3A_279 : vector<16xi32>
    %broadcast_in_dim3A_281 = vector.shape_cast %and3A_280 : vector<16xi32> to vector<16x1xi32>
    %gather3A_282 = vector.shape_cast %broadcast_in_dim3A_281 : vector<16x1xi32> to vector<16xi32>
    %gather3A_283 = tpu.dynamic_gather %max3A_274[%gather3A_282] in [0] : vector<16xi32>, vector<16xi32> -> vector<16xi32>
    %max3A_284 = arith.maxsi %max3A_274, %gather3A_283 : vector<16xi32>
    %add3A_285 = arith.constant 4 : i32
    %add3A_286 = vector.broadcast %add3A_285 : i32 to vector<16xi32>
    %add3A_287 = arith.addi %iota3A, %add3A_286 : vector<16xi32>
    %and3A_288 = arith.constant 15 : i32
    %and3A_289 = vector.broadcast %and3A_288 : i32 to vector<16xi32>
    %and3A_290 = arith.andi %add3A_287, %and3A_289 : vector<16xi32>
    %broadcast_in_dim3A_291 = vector.shape_cast %and3A_290 : vector<16xi32> to vector<16x1xi32>
    %gather3A_292 = vector.shape_cast %broadcast_in_dim3A_291 : vector<16x1xi32> to vector<16xi32>
    %gather3A_293 = tpu.dynamic_gather %max3A_284[%gather3A_292] in [0] : vector<16xi32>, vector<16xi32> -> vector<16xi32>
    %max3A_294 = arith.maxsi %max3A_284, %gather3A_293 : vector<16xi32>
    %add3A_295 = arith.constant 2 : i32
    %add3A_296 = vector.broadcast %add3A_295 : i32 to vector<16xi32>
    %add3A_297 = arith.addi %iota3A, %add3A_296 : vector<16xi32>
    %and3A_298 = arith.constant 15 : i32
    %and3A_299 = vector.broadcast %and3A_298 : i32 to vector<16xi32>
    %and3A_300 = arith.andi %add3A_297, %and3A_299 : vector<16xi32>
    %broadcast_in_dim3A_301 = vector.shape_cast %and3A_300 : vector<16xi32> to vector<16x1xi32>
    %gather3A_302 = vector.shape_cast %broadcast_in_dim3A_301 : vector<16x1xi32> to vector<16xi32>
    %gather3A_303 = tpu.dynamic_gather %max3A_294[%gather3A_302] in [0] : vector<16xi32>, vector<16xi32> -> vector<16xi32>
    %max3A_304 = arith.maxsi %max3A_294, %gather3A_303 : vector<16xi32>
    %add3A_305 = arith.constant 1 : i32
    %add3A_306 = vector.broadcast %add3A_305 : i32 to vector<16xi32>
    %add3A_307 = arith.addi %iota3A, %add3A_306 : vector<16xi32>
    %and3A_308 = arith.constant 15 : i32
    %and3A_309 = vector.broadcast %and3A_308 : i32 to vector<16xi32>
    %and3A_310 = arith.andi %add3A_307, %and3A_309 : vector<16xi32>
    %broadcast_in_dim3A_311 = vector.shape_cast %and3A_310 : vector<16xi32> to vector<16x1xi32>
    %gather3A_312 = vector.shape_cast %broadcast_in_dim3A_311 : vector<16x1xi32> to vector<16xi32>
    %gather3A_313 = tpu.dynamic_gather %max3A_304[%gather3A_312] in [0] : vector<16xi32>, vector<16xi32> -> vector<16xi32>
    %max3A_314 = arith.maxsi %max3A_304, %gather3A_313 : vector<16xi32>
    %and3A_315 = arith.constant 131071 : i32
    %and3A_316 = vector.broadcast %and3A_315 : i32 to vector<16xi32>
    %and3A_317 = arith.andi %max3A_314, %and3A_316 : vector<16xi32>
    %sub3A_318 = arith.constant 131071 : i32
    %sub3A_319 = vector.broadcast %sub3A_318 : i32 to vector<16xi32>
    %sub3A_320 = arith.subi %sub3A_319, %and3A_317 : vector<16xi32>
    %eq3A_321 = arith.constant 1 : i32
    %eq3A_322 = vector.broadcast %eq3A_321 : i32 to vector<16xi32>
    %eq3A_323 = arith.cmpi eq, %iota3A, %eq3A_322 : vector<16xi32>
    %select_n3A_324 = arith.select %eq3A_323, %sub3A_320, %select_n3A : vector<16xi1>, vector<16xi32>
    %eq3A_325 = arith.cmpi eq, %select_n3A_226, %max3A_314 : vector<16xi32>
    %select_n3A_326 = arith.select %eq3A_325, %broadcast_in_dim3A_163, %select_n3A_226 : vector<16xi1>, vector<16xi32>
    %eq3A_327 = arith.cmpi eq, %select_n3A_228, %max3A_314 : vector<16xi32>
    %select_n3A_328 = arith.select %eq3A_327, %broadcast_in_dim3A_163, %select_n3A_228 : vector<16xi1>, vector<16xi32>
    %eq3A_329 = arith.cmpi eq, %select_n3A_230, %max3A_314 : vector<16xi32>
    %select_n3A_330 = arith.select %eq3A_329, %broadcast_in_dim3A_163, %select_n3A_230 : vector<16xi1>, vector<16xi32>
    %eq3A_331 = arith.cmpi eq, %select_n3A_232, %max3A_314 : vector<16xi32>
    %select_n3A_332 = arith.select %eq3A_331, %broadcast_in_dim3A_163, %select_n3A_232 : vector<16xi1>, vector<16xi32>
    %eq3A_333 = arith.cmpi eq, %select_n3A_234, %max3A_314 : vector<16xi32>
    %select_n3A_334 = arith.select %eq3A_333, %broadcast_in_dim3A_163, %select_n3A_234 : vector<16xi1>, vector<16xi32>
    %eq3A_335 = arith.cmpi eq, %select_n3A_236, %max3A_314 : vector<16xi32>
    %select_n3A_336 = arith.select %eq3A_335, %broadcast_in_dim3A_163, %select_n3A_236 : vector<16xi1>, vector<16xi32>
    %eq3A_337 = arith.cmpi eq, %select_n3A_238, %max3A_314 : vector<16xi32>
    %select_n3A_338 = arith.select %eq3A_337, %broadcast_in_dim3A_163, %select_n3A_238 : vector<16xi1>, vector<16xi32>
    %eq3A_339 = arith.cmpi eq, %select_n3A_240, %max3A_314 : vector<16xi32>
    %select_n3A_340 = arith.select %eq3A_339, %broadcast_in_dim3A_163, %select_n3A_240 : vector<16xi1>, vector<16xi32>
    %eq3A_341 = arith.cmpi eq, %select_n3A_242, %max3A_314 : vector<16xi32>
    %select_n3A_342 = arith.select %eq3A_341, %broadcast_in_dim3A_163, %select_n3A_242 : vector<16xi1>, vector<16xi32>
    %eq3A_343 = arith.cmpi eq, %select_n3A_244, %max3A_314 : vector<16xi32>
    %select_n3A_344 = arith.select %eq3A_343, %broadcast_in_dim3A_163, %select_n3A_244 : vector<16xi1>, vector<16xi32>
    %eq3A_345 = arith.cmpi eq, %select_n3A_246, %max3A_314 : vector<16xi32>
    %select_n3A_346 = arith.select %eq3A_345, %broadcast_in_dim3A_163, %select_n3A_246 : vector<16xi1>, vector<16xi32>
    %eq3A_347 = arith.cmpi eq, %select_n3A_248, %max3A_314 : vector<16xi32>
    %select_n3A_348 = arith.select %eq3A_347, %broadcast_in_dim3A_163, %select_n3A_248 : vector<16xi1>, vector<16xi32>
    %eq3A_349 = arith.cmpi eq, %select_n3A_250, %max3A_314 : vector<16xi32>
    %select_n3A_350 = arith.select %eq3A_349, %broadcast_in_dim3A_163, %select_n3A_250 : vector<16xi1>, vector<16xi32>
    %eq3A_351 = arith.cmpi eq, %select_n3A_252, %max3A_314 : vector<16xi32>
    %select_n3A_352 = arith.select %eq3A_351, %broadcast_in_dim3A_163, %select_n3A_252 : vector<16xi1>, vector<16xi32>
    %eq3A_353 = arith.cmpi eq, %select_n3A_254, %max3A_314 : vector<16xi32>
    %select_n3A_354 = arith.select %eq3A_353, %broadcast_in_dim3A_163, %select_n3A_254 : vector<16xi1>, vector<16xi32>
    %eq3A_355 = arith.cmpi eq, %select_n3A_256, %max3A_314 : vector<16xi32>
    %select_n3A_356 = arith.select %eq3A_355, %broadcast_in_dim3A_163, %select_n3A_256 : vector<16xi1>, vector<16xi32>
    %eq3A_357 = arith.cmpi eq, %select_n3A_258, %max3A_314 : vector<16xi32>
    %select_n3A_358 = arith.select %eq3A_357, %broadcast_in_dim3A_163, %select_n3A_258 : vector<16xi1>, vector<16xi32>
    %max3A_359 = arith.maxsi %select_n3A_326, %select_n3A_328 : vector<16xi32>
    %max3A_360 = arith.maxsi %max3A_359, %select_n3A_330 : vector<16xi32>
    %max3A_361 = arith.maxsi %max3A_360, %select_n3A_332 : vector<16xi32>
    %max3A_362 = arith.maxsi %max3A_361, %select_n3A_334 : vector<16xi32>
    %max3A_363 = arith.maxsi %max3A_362, %select_n3A_336 : vector<16xi32>
    %max3A_364 = arith.maxsi %max3A_363, %select_n3A_338 : vector<16xi32>
    %max3A_365 = arith.maxsi %max3A_364, %select_n3A_340 : vector<16xi32>
    %max3A_366 = arith.maxsi %max3A_365, %select_n3A_342 : vector<16xi32>
    %max3A_367 = arith.maxsi %max3A_366, %select_n3A_344 : vector<16xi32>
    %max3A_368 = arith.maxsi %max3A_367, %select_n3A_346 : vector<16xi32>
    %max3A_369 = arith.maxsi %max3A_368, %select_n3A_348 : vector<16xi32>
    %max3A_370 = arith.maxsi %max3A_369, %select_n3A_350 : vector<16xi32>
    %max3A_371 = arith.maxsi %max3A_370, %select_n3A_352 : vector<16xi32>
    %max3A_372 = arith.maxsi %max3A_371, %select_n3A_354 : vector<16xi32>
    %max3A_373 = arith.maxsi %max3A_372, %select_n3A_356 : vector<16xi32>
    %max3A_374 = arith.maxsi %max3A_373, %select_n3A_358 : vector<16xi32>
    %add3A_375 = arith.constant 8 : i32
    %add3A_376 = vector.broadcast %add3A_375 : i32 to vector<16xi32>
    %add3A_377 = arith.addi %iota3A, %add3A_376 : vector<16xi32>
    %and3A_378 = arith.constant 15 : i32
    %and3A_379 = vector.broadcast %and3A_378 : i32 to vector<16xi32>
    %and3A_380 = arith.andi %add3A_377, %and3A_379 : vector<16xi32>
    %broadcast_in_dim3A_381 = vector.shape_cast %and3A_380 : vector<16xi32> to vector<16x1xi32>
    %gather3A_382 = vector.shape_cast %broadcast_in_dim3A_381 : vector<16x1xi32> to vector<16xi32>
    %gather3A_383 = tpu.dynamic_gather %max3A_374[%gather3A_382] in [0] : vector<16xi32>, vector<16xi32> -> vector<16xi32>
    %max3A_384 = arith.maxsi %max3A_374, %gather3A_383 : vector<16xi32>
    %add3A_385 = arith.constant 4 : i32
    %add3A_386 = vector.broadcast %add3A_385 : i32 to vector<16xi32>
    %add3A_387 = arith.addi %iota3A, %add3A_386 : vector<16xi32>
    %and3A_388 = arith.constant 15 : i32
    %and3A_389 = vector.broadcast %and3A_388 : i32 to vector<16xi32>
    %and3A_390 = arith.andi %add3A_387, %and3A_389 : vector<16xi32>
    %broadcast_in_dim3A_391 = vector.shape_cast %and3A_390 : vector<16xi32> to vector<16x1xi32>
    %gather3A_392 = vector.shape_cast %broadcast_in_dim3A_391 : vector<16x1xi32> to vector<16xi32>
    %gather3A_393 = tpu.dynamic_gather %max3A_384[%gather3A_392] in [0] : vector<16xi32>, vector<16xi32> -> vector<16xi32>
    %max3A_394 = arith.maxsi %max3A_384, %gather3A_393 : vector<16xi32>
    %add3A_395 = arith.constant 2 : i32
    %add3A_396 = vector.broadcast %add3A_395 : i32 to vector<16xi32>
    %add3A_397 = arith.addi %iota3A, %add3A_396 : vector<16xi32>
    %and3A_398 = arith.constant 15 : i32
    %and3A_399 = vector.broadcast %and3A_398 : i32 to vector<16xi32>
    %and3A_400 = arith.andi %add3A_397, %and3A_399 : vector<16xi32>
    %broadcast_in_dim3A_401 = vector.shape_cast %and3A_400 : vector<16xi32> to vector<16x1xi32>
    %gather3A_402 = vector.shape_cast %broadcast_in_dim3A_401 : vector<16x1xi32> to vector<16xi32>
    %gather3A_403 = tpu.dynamic_gather %max3A_394[%gather3A_402] in [0] : vector<16xi32>, vector<16xi32> -> vector<16xi32>
    %max3A_404 = arith.maxsi %max3A_394, %gather3A_403 : vector<16xi32>
    %add3A_405 = arith.constant 1 : i32
    %add3A_406 = vector.broadcast %add3A_405 : i32 to vector<16xi32>
    %add3A_407 = arith.addi %iota3A, %add3A_406 : vector<16xi32>
    %and3A_408 = arith.constant 15 : i32
    %and3A_409 = vector.broadcast %and3A_408 : i32 to vector<16xi32>
    %and3A_410 = arith.andi %add3A_407, %and3A_409 : vector<16xi32>
    %broadcast_in_dim3A_411 = vector.shape_cast %and3A_410 : vector<16xi32> to vector<16x1xi32>
    %gather3A_412 = vector.shape_cast %broadcast_in_dim3A_411 : vector<16x1xi32> to vector<16xi32>
    %gather3A_413 = tpu.dynamic_gather %max3A_404[%gather3A_412] in [0] : vector<16xi32>, vector<16xi32> -> vector<16xi32>
    %max3A_414 = arith.maxsi %max3A_404, %gather3A_413 : vector<16xi32>
    %and3A_415 = arith.constant 131071 : i32
    %and3A_416 = vector.broadcast %and3A_415 : i32 to vector<16xi32>
    %and3A_417 = arith.andi %max3A_414, %and3A_416 : vector<16xi32>
    %sub3A_418 = arith.constant 131071 : i32
    %sub3A_419 = vector.broadcast %sub3A_418 : i32 to vector<16xi32>
    %sub3A_420 = arith.subi %sub3A_419, %and3A_417 : vector<16xi32>
    %eq3A_421 = arith.constant 2 : i32
    %eq3A_422 = vector.broadcast %eq3A_421 : i32 to vector<16xi32>
    %eq3A_423 = arith.cmpi eq, %iota3A, %eq3A_422 : vector<16xi32>
    %select_n3A_424 = arith.select %eq3A_423, %sub3A_420, %select_n3A_324 : vector<16xi1>, vector<16xi32>
    %eq3A_425 = arith.cmpi eq, %select_n3A_326, %max3A_414 : vector<16xi32>
    %select_n3A_426 = arith.select %eq3A_425, %broadcast_in_dim3A_163, %select_n3A_326 : vector<16xi1>, vector<16xi32>
    %eq3A_427 = arith.cmpi eq, %select_n3A_328, %max3A_414 : vector<16xi32>
    %select_n3A_428 = arith.select %eq3A_427, %broadcast_in_dim3A_163, %select_n3A_328 : vector<16xi1>, vector<16xi32>
    %eq3A_429 = arith.cmpi eq, %select_n3A_330, %max3A_414 : vector<16xi32>
    %select_n3A_430 = arith.select %eq3A_429, %broadcast_in_dim3A_163, %select_n3A_330 : vector<16xi1>, vector<16xi32>
    %eq3A_431 = arith.cmpi eq, %select_n3A_332, %max3A_414 : vector<16xi32>
    %select_n3A_432 = arith.select %eq3A_431, %broadcast_in_dim3A_163, %select_n3A_332 : vector<16xi1>, vector<16xi32>
    %eq3A_433 = arith.cmpi eq, %select_n3A_334, %max3A_414 : vector<16xi32>
    %select_n3A_434 = arith.select %eq3A_433, %broadcast_in_dim3A_163, %select_n3A_334 : vector<16xi1>, vector<16xi32>
    %eq3A_435 = arith.cmpi eq, %select_n3A_336, %max3A_414 : vector<16xi32>
    %select_n3A_436 = arith.select %eq3A_435, %broadcast_in_dim3A_163, %select_n3A_336 : vector<16xi1>, vector<16xi32>
    %eq3A_437 = arith.cmpi eq, %select_n3A_338, %max3A_414 : vector<16xi32>
    %select_n3A_438 = arith.select %eq3A_437, %broadcast_in_dim3A_163, %select_n3A_338 : vector<16xi1>, vector<16xi32>
    %eq3A_439 = arith.cmpi eq, %select_n3A_340, %max3A_414 : vector<16xi32>
    %select_n3A_440 = arith.select %eq3A_439, %broadcast_in_dim3A_163, %select_n3A_340 : vector<16xi1>, vector<16xi32>
    %eq3A_441 = arith.cmpi eq, %select_n3A_342, %max3A_414 : vector<16xi32>
    %select_n3A_442 = arith.select %eq3A_441, %broadcast_in_dim3A_163, %select_n3A_342 : vector<16xi1>, vector<16xi32>
    %eq3A_443 = arith.cmpi eq, %select_n3A_344, %max3A_414 : vector<16xi32>
    %select_n3A_444 = arith.select %eq3A_443, %broadcast_in_dim3A_163, %select_n3A_344 : vector<16xi1>, vector<16xi32>
    %eq3A_445 = arith.cmpi eq, %select_n3A_346, %max3A_414 : vector<16xi32>
    %select_n3A_446 = arith.select %eq3A_445, %broadcast_in_dim3A_163, %select_n3A_346 : vector<16xi1>, vector<16xi32>
    %eq3A_447 = arith.cmpi eq, %select_n3A_348, %max3A_414 : vector<16xi32>
    %select_n3A_448 = arith.select %eq3A_447, %broadcast_in_dim3A_163, %select_n3A_348 : vector<16xi1>, vector<16xi32>
    %eq3A_449 = arith.cmpi eq, %select_n3A_350, %max3A_414 : vector<16xi32>
    %select_n3A_450 = arith.select %eq3A_449, %broadcast_in_dim3A_163, %select_n3A_350 : vector<16xi1>, vector<16xi32>
    %eq3A_451 = arith.cmpi eq, %select_n3A_352, %max3A_414 : vector<16xi32>
    %select_n3A_452 = arith.select %eq3A_451, %broadcast_in_dim3A_163, %select_n3A_352 : vector<16xi1>, vector<16xi32>
    %eq3A_453 = arith.cmpi eq, %select_n3A_354, %max3A_414 : vector<16xi32>
    %select_n3A_454 = arith.select %eq3A_453, %broadcast_in_dim3A_163, %select_n3A_354 : vector<16xi1>, vector<16xi32>
    %eq3A_455 = arith.cmpi eq, %select_n3A_356, %max3A_414 : vector<16xi32>
    %select_n3A_456 = arith.select %eq3A_455, %broadcast_in_dim3A_163, %select_n3A_356 : vector<16xi1>, vector<16xi32>
    %eq3A_457 = arith.cmpi eq, %select_n3A_358, %max3A_414 : vector<16xi32>
    %select_n3A_458 = arith.select %eq3A_457, %broadcast_in_dim3A_163, %select_n3A_358 : vector<16xi1>, vector<16xi32>
    %max3A_459 = arith.maxsi %select_n3A_426, %select_n3A_428 : vector<16xi32>
    %max3A_460 = arith.maxsi %max3A_459, %select_n3A_430 : vector<16xi32>
    %max3A_461 = arith.maxsi %max3A_460, %select_n3A_432 : vector<16xi32>
    %max3A_462 = arith.maxsi %max3A_461, %select_n3A_434 : vector<16xi32>
    %max3A_463 = arith.maxsi %max3A_462, %select_n3A_436 : vector<16xi32>
    %max3A_464 = arith.maxsi %max3A_463, %select_n3A_438 : vector<16xi32>
    %max3A_465 = arith.maxsi %max3A_464, %select_n3A_440 : vector<16xi32>
    %max3A_466 = arith.maxsi %max3A_465, %select_n3A_442 : vector<16xi32>
    %max3A_467 = arith.maxsi %max3A_466, %select_n3A_444 : vector<16xi32>
    %max3A_468 = arith.maxsi %max3A_467, %select_n3A_446 : vector<16xi32>
    %max3A_469 = arith.maxsi %max3A_468, %select_n3A_448 : vector<16xi32>
    %max3A_470 = arith.maxsi %max3A_469, %select_n3A_450 : vector<16xi32>
    %max3A_471 = arith.maxsi %max3A_470, %select_n3A_452 : vector<16xi32>
    %max3A_472 = arith.maxsi %max3A_471, %select_n3A_454 : vector<16xi32>
    %max3A_473 = arith.maxsi %max3A_472, %select_n3A_456 : vector<16xi32>
    %max3A_474 = arith.maxsi %max3A_473, %select_n3A_458 : vector<16xi32>
    %add3A_475 = arith.constant 8 : i32
    %add3A_476 = vector.broadcast %add3A_475 : i32 to vector<16xi32>
    %add3A_477 = arith.addi %iota3A, %add3A_476 : vector<16xi32>
    %and3A_478 = arith.constant 15 : i32
    %and3A_479 = vector.broadcast %and3A_478 : i32 to vector<16xi32>
    %and3A_480 = arith.andi %add3A_477, %and3A_479 : vector<16xi32>
    %broadcast_in_dim3A_481 = vector.shape_cast %and3A_480 : vector<16xi32> to vector<16x1xi32>
    %gather3A_482 = vector.shape_cast %broadcast_in_dim3A_481 : vector<16x1xi32> to vector<16xi32>
    %gather3A_483 = tpu.dynamic_gather %max3A_474[%gather3A_482] in [0] : vector<16xi32>, vector<16xi32> -> vector<16xi32>
    %max3A_484 = arith.maxsi %max3A_474, %gather3A_483 : vector<16xi32>
    %add3A_485 = arith.constant 4 : i32
    %add3A_486 = vector.broadcast %add3A_485 : i32 to vector<16xi32>
    %add3A_487 = arith.addi %iota3A, %add3A_486 : vector<16xi32>
    %and3A_488 = arith.constant 15 : i32
    %and3A_489 = vector.broadcast %and3A_488 : i32 to vector<16xi32>
    %and3A_490 = arith.andi %add3A_487, %and3A_489 : vector<16xi32>
    %broadcast_in_dim3A_491 = vector.shape_cast %and3A_490 : vector<16xi32> to vector<16x1xi32>
    %gather3A_492 = vector.shape_cast %broadcast_in_dim3A_491 : vector<16x1xi32> to vector<16xi32>
    %gather3A_493 = tpu.dynamic_gather %max3A_484[%gather3A_492] in [0] : vector<16xi32>, vector<16xi32> -> vector<16xi32>
    %max3A_494 = arith.maxsi %max3A_484, %gather3A_493 : vector<16xi32>
    %add3A_495 = arith.constant 2 : i32
    %add3A_496 = vector.broadcast %add3A_495 : i32 to vector<16xi32>
    %add3A_497 = arith.addi %iota3A, %add3A_496 : vector<16xi32>
    %and3A_498 = arith.constant 15 : i32
    %and3A_499 = vector.broadcast %and3A_498 : i32 to vector<16xi32>
    %and3A_500 = arith.andi %add3A_497, %and3A_499 : vector<16xi32>
    %broadcast_in_dim3A_501 = vector.shape_cast %and3A_500 : vector<16xi32> to vector<16x1xi32>
    %gather3A_502 = vector.shape_cast %broadcast_in_dim3A_501 : vector<16x1xi32> to vector<16xi32>
    %gather3A_503 = tpu.dynamic_gather %max3A_494[%gather3A_502] in [0] : vector<16xi32>, vector<16xi32> -> vector<16xi32>
    %max3A_504 = arith.maxsi %max3A_494, %gather3A_503 : vector<16xi32>
    %add3A_505 = arith.constant 1 : i32
    %add3A_506 = vector.broadcast %add3A_505 : i32 to vector<16xi32>
    %add3A_507 = arith.addi %iota3A, %add3A_506 : vector<16xi32>
    %and3A_508 = arith.constant 15 : i32
    %and3A_509 = vector.broadcast %and3A_508 : i32 to vector<16xi32>
    %and3A_510 = arith.andi %add3A_507, %and3A_509 : vector<16xi32>
    %broadcast_in_dim3A_511 = vector.shape_cast %and3A_510 : vector<16xi32> to vector<16x1xi32>
    %gather3A_512 = vector.shape_cast %broadcast_in_dim3A_511 : vector<16x1xi32> to vector<16xi32>
    %gather3A_513 = tpu.dynamic_gather %max3A_504[%gather3A_512] in [0] : vector<16xi32>, vector<16xi32> -> vector<16xi32>
    %max3A_514 = arith.maxsi %max3A_504, %gather3A_513 : vector<16xi32>
    %and3A_515 = arith.constant 131071 : i32
    %and3A_516 = vector.broadcast %and3A_515 : i32 to vector<16xi32>
    %and3A_517 = arith.andi %max3A_514, %and3A_516 : vector<16xi32>
    %sub3A_518 = arith.constant 131071 : i32
    %sub3A_519 = vector.broadcast %sub3A_518 : i32 to vector<16xi32>
    %sub3A_520 = arith.subi %sub3A_519, %and3A_517 : vector<16xi32>
    %eq3A_521 = arith.constant 3 : i32
    %eq3A_522 = vector.broadcast %eq3A_521 : i32 to vector<16xi32>
    %eq3A_523 = arith.cmpi eq, %iota3A, %eq3A_522 : vector<16xi32>
    %select_n3A_524 = arith.select %eq3A_523, %sub3A_520, %select_n3A_424 : vector<16xi1>, vector<16xi32>
    %eq3A_525 = arith.cmpi eq, %select_n3A_426, %max3A_514 : vector<16xi32>
    %select_n3A_526 = arith.select %eq3A_525, %broadcast_in_dim3A_163, %select_n3A_426 : vector<16xi1>, vector<16xi32>
    %eq3A_527 = arith.cmpi eq, %select_n3A_428, %max3A_514 : vector<16xi32>
    %select_n3A_528 = arith.select %eq3A_527, %broadcast_in_dim3A_163, %select_n3A_428 : vector<16xi1>, vector<16xi32>
    %eq3A_529 = arith.cmpi eq, %select_n3A_430, %max3A_514 : vector<16xi32>
    %select_n3A_530 = arith.select %eq3A_529, %broadcast_in_dim3A_163, %select_n3A_430 : vector<16xi1>, vector<16xi32>
    %eq3A_531 = arith.cmpi eq, %select_n3A_432, %max3A_514 : vector<16xi32>
    %select_n3A_532 = arith.select %eq3A_531, %broadcast_in_dim3A_163, %select_n3A_432 : vector<16xi1>, vector<16xi32>
    %eq3A_533 = arith.cmpi eq, %select_n3A_434, %max3A_514 : vector<16xi32>
    %select_n3A_534 = arith.select %eq3A_533, %broadcast_in_dim3A_163, %select_n3A_434 : vector<16xi1>, vector<16xi32>
    %eq3A_535 = arith.cmpi eq, %select_n3A_436, %max3A_514 : vector<16xi32>
    %select_n3A_536 = arith.select %eq3A_535, %broadcast_in_dim3A_163, %select_n3A_436 : vector<16xi1>, vector<16xi32>
    %eq3A_537 = arith.cmpi eq, %select_n3A_438, %max3A_514 : vector<16xi32>
    %select_n3A_538 = arith.select %eq3A_537, %broadcast_in_dim3A_163, %select_n3A_438 : vector<16xi1>, vector<16xi32>
    %eq3A_539 = arith.cmpi eq, %select_n3A_440, %max3A_514 : vector<16xi32>
    %select_n3A_540 = arith.select %eq3A_539, %broadcast_in_dim3A_163, %select_n3A_440 : vector<16xi1>, vector<16xi32>
    %eq3A_541 = arith.cmpi eq, %select_n3A_442, %max3A_514 : vector<16xi32>
    %select_n3A_542 = arith.select %eq3A_541, %broadcast_in_dim3A_163, %select_n3A_442 : vector<16xi1>, vector<16xi32>
    %eq3A_543 = arith.cmpi eq, %select_n3A_444, %max3A_514 : vector<16xi32>
    %select_n3A_544 = arith.select %eq3A_543, %broadcast_in_dim3A_163, %select_n3A_444 : vector<16xi1>, vector<16xi32>
    %eq3A_545 = arith.cmpi eq, %select_n3A_446, %max3A_514 : vector<16xi32>
    %select_n3A_546 = arith.select %eq3A_545, %broadcast_in_dim3A_163, %select_n3A_446 : vector<16xi1>, vector<16xi32>
    %eq3A_547 = arith.cmpi eq, %select_n3A_448, %max3A_514 : vector<16xi32>
    %select_n3A_548 = arith.select %eq3A_547, %broadcast_in_dim3A_163, %select_n3A_448 : vector<16xi1>, vector<16xi32>
    %eq3A_549 = arith.cmpi eq, %select_n3A_450, %max3A_514 : vector<16xi32>
    %select_n3A_550 = arith.select %eq3A_549, %broadcast_in_dim3A_163, %select_n3A_450 : vector<16xi1>, vector<16xi32>
    %eq3A_551 = arith.cmpi eq, %select_n3A_452, %max3A_514 : vector<16xi32>
    %select_n3A_552 = arith.select %eq3A_551, %broadcast_in_dim3A_163, %select_n3A_452 : vector<16xi1>, vector<16xi32>
    %eq3A_553 = arith.cmpi eq, %select_n3A_454, %max3A_514 : vector<16xi32>
    %select_n3A_554 = arith.select %eq3A_553, %broadcast_in_dim3A_163, %select_n3A_454 : vector<16xi1>, vector<16xi32>
    %eq3A_555 = arith.cmpi eq, %select_n3A_456, %max3A_514 : vector<16xi32>
    %select_n3A_556 = arith.select %eq3A_555, %broadcast_in_dim3A_163, %select_n3A_456 : vector<16xi1>, vector<16xi32>
    %eq3A_557 = arith.cmpi eq, %select_n3A_458, %max3A_514 : vector<16xi32>
    %select_n3A_558 = arith.select %eq3A_557, %broadcast_in_dim3A_163, %select_n3A_458 : vector<16xi1>, vector<16xi32>
    %max3A_559 = arith.maxsi %select_n3A_526, %select_n3A_528 : vector<16xi32>
    %max3A_560 = arith.maxsi %max3A_559, %select_n3A_530 : vector<16xi32>
    %max3A_561 = arith.maxsi %max3A_560, %select_n3A_532 : vector<16xi32>
    %max3A_562 = arith.maxsi %max3A_561, %select_n3A_534 : vector<16xi32>
    %max3A_563 = arith.maxsi %max3A_562, %select_n3A_536 : vector<16xi32>
    %max3A_564 = arith.maxsi %max3A_563, %select_n3A_538 : vector<16xi32>
    %max3A_565 = arith.maxsi %max3A_564, %select_n3A_540 : vector<16xi32>
    %max3A_566 = arith.maxsi %max3A_565, %select_n3A_542 : vector<16xi32>
    %max3A_567 = arith.maxsi %max3A_566, %select_n3A_544 : vector<16xi32>
    %max3A_568 = arith.maxsi %max3A_567, %select_n3A_546 : vector<16xi32>
    %max3A_569 = arith.maxsi %max3A_568, %select_n3A_548 : vector<16xi32>
    %max3A_570 = arith.maxsi %max3A_569, %select_n3A_550 : vector<16xi32>
    %max3A_571 = arith.maxsi %max3A_570, %select_n3A_552 : vector<16xi32>
    %max3A_572 = arith.maxsi %max3A_571, %select_n3A_554 : vector<16xi32>
    %max3A_573 = arith.maxsi %max3A_572, %select_n3A_556 : vector<16xi32>
    %max3A_574 = arith.maxsi %max3A_573, %select_n3A_558 : vector<16xi32>
    %add3A_575 = arith.constant 8 : i32
    %add3A_576 = vector.broadcast %add3A_575 : i32 to vector<16xi32>
    %add3A_577 = arith.addi %iota3A, %add3A_576 : vector<16xi32>
    %and3A_578 = arith.constant 15 : i32
    %and3A_579 = vector.broadcast %and3A_578 : i32 to vector<16xi32>
    %and3A_580 = arith.andi %add3A_577, %and3A_579 : vector<16xi32>
    %broadcast_in_dim3A_581 = vector.shape_cast %and3A_580 : vector<16xi32> to vector<16x1xi32>
    %gather3A_582 = vector.shape_cast %broadcast_in_dim3A_581 : vector<16x1xi32> to vector<16xi32>
    %gather3A_583 = tpu.dynamic_gather %max3A_574[%gather3A_582] in [0] : vector<16xi32>, vector<16xi32> -> vector<16xi32>
    %max3A_584 = arith.maxsi %max3A_574, %gather3A_583 : vector<16xi32>
    %add3A_585 = arith.constant 4 : i32
    %add3A_586 = vector.broadcast %add3A_585 : i32 to vector<16xi32>
    %add3A_587 = arith.addi %iota3A, %add3A_586 : vector<16xi32>
    %and3A_588 = arith.constant 15 : i32
    %and3A_589 = vector.broadcast %and3A_588 : i32 to vector<16xi32>
    %and3A_590 = arith.andi %add3A_587, %and3A_589 : vector<16xi32>
    %broadcast_in_dim3A_591 = vector.shape_cast %and3A_590 : vector<16xi32> to vector<16x1xi32>
    %gather3A_592 = vector.shape_cast %broadcast_in_dim3A_591 : vector<16x1xi32> to vector<16xi32>
    %gather3A_593 = tpu.dynamic_gather %max3A_584[%gather3A_592] in [0] : vector<16xi32>, vector<16xi32> -> vector<16xi32>
    %max3A_594 = arith.maxsi %max3A_584, %gather3A_593 : vector<16xi32>
    %add3A_595 = arith.constant 2 : i32
    %add3A_596 = vector.broadcast %add3A_595 : i32 to vector<16xi32>
    %add3A_597 = arith.addi %iota3A, %add3A_596 : vector<16xi32>
    %and3A_598 = arith.constant 15 : i32
    %and3A_599 = vector.broadcast %and3A_598 : i32 to vector<16xi32>
    %and3A_600 = arith.andi %add3A_597, %and3A_599 : vector<16xi32>
    %broadcast_in_dim3A_601 = vector.shape_cast %and3A_600 : vector<16xi32> to vector<16x1xi32>
    %gather3A_602 = vector.shape_cast %broadcast_in_dim3A_601 : vector<16x1xi32> to vector<16xi32>
    %gather3A_603 = tpu.dynamic_gather %max3A_594[%gather3A_602] in [0] : vector<16xi32>, vector<16xi32> -> vector<16xi32>
    %max3A_604 = arith.maxsi %max3A_594, %gather3A_603 : vector<16xi32>
    %add3A_605 = arith.constant 1 : i32
    %add3A_606 = vector.broadcast %add3A_605 : i32 to vector<16xi32>
    %add3A_607 = arith.addi %iota3A, %add3A_606 : vector<16xi32>
    %and3A_608 = arith.constant 15 : i32
    %and3A_609 = vector.broadcast %and3A_608 : i32 to vector<16xi32>
    %and3A_610 = arith.andi %add3A_607, %and3A_609 : vector<16xi32>
    %broadcast_in_dim3A_611 = vector.shape_cast %and3A_610 : vector<16xi32> to vector<16x1xi32>
    %gather3A_612 = vector.shape_cast %broadcast_in_dim3A_611 : vector<16x1xi32> to vector<16xi32>
    %gather3A_613 = tpu.dynamic_gather %max3A_604[%gather3A_612] in [0] : vector<16xi32>, vector<16xi32> -> vector<16xi32>
    %max3A_614 = arith.maxsi %max3A_604, %gather3A_613 : vector<16xi32>
    %and3A_615 = arith.constant 131071 : i32
    %and3A_616 = vector.broadcast %and3A_615 : i32 to vector<16xi32>
    %and3A_617 = arith.andi %max3A_614, %and3A_616 : vector<16xi32>
    %sub3A_618 = arith.constant 131071 : i32
    %sub3A_619 = vector.broadcast %sub3A_618 : i32 to vector<16xi32>
    %sub3A_620 = arith.subi %sub3A_619, %and3A_617 : vector<16xi32>
    %eq3A_621 = arith.constant 4 : i32
    %eq3A_622 = vector.broadcast %eq3A_621 : i32 to vector<16xi32>
    %eq3A_623 = arith.cmpi eq, %iota3A, %eq3A_622 : vector<16xi32>
    %select_n3A_624 = arith.select %eq3A_623, %sub3A_620, %select_n3A_524 : vector<16xi1>, vector<16xi32>
    %eq3A_625 = arith.cmpi eq, %select_n3A_526, %max3A_614 : vector<16xi32>
    %select_n3A_626 = arith.select %eq3A_625, %broadcast_in_dim3A_163, %select_n3A_526 : vector<16xi1>, vector<16xi32>
    %eq3A_627 = arith.cmpi eq, %select_n3A_528, %max3A_614 : vector<16xi32>
    %select_n3A_628 = arith.select %eq3A_627, %broadcast_in_dim3A_163, %select_n3A_528 : vector<16xi1>, vector<16xi32>
    %eq3A_629 = arith.cmpi eq, %select_n3A_530, %max3A_614 : vector<16xi32>
    %select_n3A_630 = arith.select %eq3A_629, %broadcast_in_dim3A_163, %select_n3A_530 : vector<16xi1>, vector<16xi32>
    %eq3A_631 = arith.cmpi eq, %select_n3A_532, %max3A_614 : vector<16xi32>
    %select_n3A_632 = arith.select %eq3A_631, %broadcast_in_dim3A_163, %select_n3A_532 : vector<16xi1>, vector<16xi32>
    %eq3A_633 = arith.cmpi eq, %select_n3A_534, %max3A_614 : vector<16xi32>
    %select_n3A_634 = arith.select %eq3A_633, %broadcast_in_dim3A_163, %select_n3A_534 : vector<16xi1>, vector<16xi32>
    %eq3A_635 = arith.cmpi eq, %select_n3A_536, %max3A_614 : vector<16xi32>
    %select_n3A_636 = arith.select %eq3A_635, %broadcast_in_dim3A_163, %select_n3A_536 : vector<16xi1>, vector<16xi32>
    %eq3A_637 = arith.cmpi eq, %select_n3A_538, %max3A_614 : vector<16xi32>
    %select_n3A_638 = arith.select %eq3A_637, %broadcast_in_dim3A_163, %select_n3A_538 : vector<16xi1>, vector<16xi32>
    %eq3A_639 = arith.cmpi eq, %select_n3A_540, %max3A_614 : vector<16xi32>
    %select_n3A_640 = arith.select %eq3A_639, %broadcast_in_dim3A_163, %select_n3A_540 : vector<16xi1>, vector<16xi32>
    %eq3A_641 = arith.cmpi eq, %select_n3A_542, %max3A_614 : vector<16xi32>
    %select_n3A_642 = arith.select %eq3A_641, %broadcast_in_dim3A_163, %select_n3A_542 : vector<16xi1>, vector<16xi32>
    %eq3A_643 = arith.cmpi eq, %select_n3A_544, %max3A_614 : vector<16xi32>
    %select_n3A_644 = arith.select %eq3A_643, %broadcast_in_dim3A_163, %select_n3A_544 : vector<16xi1>, vector<16xi32>
    %eq3A_645 = arith.cmpi eq, %select_n3A_546, %max3A_614 : vector<16xi32>
    %select_n3A_646 = arith.select %eq3A_645, %broadcast_in_dim3A_163, %select_n3A_546 : vector<16xi1>, vector<16xi32>
    %eq3A_647 = arith.cmpi eq, %select_n3A_548, %max3A_614 : vector<16xi32>
    %select_n3A_648 = arith.select %eq3A_647, %broadcast_in_dim3A_163, %select_n3A_548 : vector<16xi1>, vector<16xi32>
    %eq3A_649 = arith.cmpi eq, %select_n3A_550, %max3A_614 : vector<16xi32>
    %select_n3A_650 = arith.select %eq3A_649, %broadcast_in_dim3A_163, %select_n3A_550 : vector<16xi1>, vector<16xi32>
    %eq3A_651 = arith.cmpi eq, %select_n3A_552, %max3A_614 : vector<16xi32>
    %select_n3A_652 = arith.select %eq3A_651, %broadcast_in_dim3A_163, %select_n3A_552 : vector<16xi1>, vector<16xi32>
    %eq3A_653 = arith.cmpi eq, %select_n3A_554, %max3A_614 : vector<16xi32>
    %select_n3A_654 = arith.select %eq3A_653, %broadcast_in_dim3A_163, %select_n3A_554 : vector<16xi1>, vector<16xi32>
    %eq3A_655 = arith.cmpi eq, %select_n3A_556, %max3A_614 : vector<16xi32>
    %select_n3A_656 = arith.select %eq3A_655, %broadcast_in_dim3A_163, %select_n3A_556 : vector<16xi1>, vector<16xi32>
    %eq3A_657 = arith.cmpi eq, %select_n3A_558, %max3A_614 : vector<16xi32>
    %select_n3A_658 = arith.select %eq3A_657, %broadcast_in_dim3A_163, %select_n3A_558 : vector<16xi1>, vector<16xi32>
    %broadcast_in_dim3A_659 = arith.constant 1.000000e+00 : f32
    %broadcast_in_dim3A_660 = vector.broadcast %broadcast_in_dim3A_659 : f32 to vector<16xf32>
    %scan3A = arith.constant 0 : i32
    %scan3A_661 = arith.constant 0 : i32
    %scan3A_662 = arith.constant 49 : i32
    %scan3A_663 = arith.addi %scan3A_661, %scan3A_662 : i32
    %scan3A_664 = arith.constant 1 : i32
    %scan3A_665 = scf.for %scan3A_818 = %scan3A_661 to %scan3A_663 step %scan3A_664 iter_args(%scan3A_819 = %scan3A) -> (i32)  : i32 {
      %mul3A_820 = arith.constant 4 : i32
      %mul3A_821 = arith.muli %scan3A_818, %mul3A_820 : i32
      %add3A_822 = arith.constant 0 : i32
      %add3A_823 = arith.addi %mul3A_821, %add3A_822 : i32
      %mul3A_824 = arith.constant 16 : i32
      %mul3A_825 = arith.muli %add3A_823, %mul3A_824 : i32
      %swap3A = arith.index_cast %mul3A_825 : i32 to index
      %swap3A_826 = tpu.vector_load %arg5[%swap3A] {strides = array<i32>} : memref<3136xf32, #tpu.memory_space<vmem>>, vector<16xf32>,
      tpu.vector_store %arg5[%swap3A], %broadcast_in_dim3A_660 {strides = array<i32>} : memref<3136xf32, #tpu.memory_space<vmem>>, vector<16xf32>,
      %mul3A_827 = arith.constant 4 : i32
      %mul3A_828 = arith.muli %scan3A_818, %mul3A_827 : i32
      %add3A_829 = arith.constant 1 : i32
      %add3A_830 = arith.addi %mul3A_828, %add3A_829 : i32
      %mul3A_831 = arith.constant 16 : i32
      %mul3A_832 = arith.muli %add3A_830, %mul3A_831 : i32
      %swap3A_833 = arith.index_cast %mul3A_832 : i32 to index
      %swap3A_834 = tpu.vector_load %arg5[%swap3A_833] {strides = array<i32>} : memref<3136xf32, #tpu.memory_space<vmem>>, vector<16xf32>,
      tpu.vector_store %arg5[%swap3A_833], %broadcast_in_dim3A_660 {strides = array<i32>} : memref<3136xf32, #tpu.memory_space<vmem>>, vector<16xf32>,
      %mul3A_835 = arith.constant 4 : i32
      %mul3A_836 = arith.muli %scan3A_818, %mul3A_835 : i32
      %add3A_837 = arith.constant 2 : i32
      %add3A_838 = arith.addi %mul3A_836, %add3A_837 : i32
      %mul3A_839 = arith.constant 16 : i32
      %mul3A_840 = arith.muli %add3A_838, %mul3A_839 : i32
      %swap3A_841 = arith.index_cast %mul3A_840 : i32 to index
      %swap3A_842 = tpu.vector_load %arg5[%swap3A_841] {strides = array<i32>} : memref<3136xf32, #tpu.memory_space<vmem>>, vector<16xf32>,
      tpu.vector_store %arg5[%swap3A_841], %broadcast_in_dim3A_660 {strides = array<i32>} : memref<3136xf32, #tpu.memory_space<vmem>>, vector<16xf32>,
      %mul3A_843 = arith.constant 4 : i32
      %mul3A_844 = arith.muli %scan3A_818, %mul3A_843 : i32
      %add3A_845 = arith.constant 3 : i32
      %add3A_846 = arith.addi %mul3A_844, %add3A_845 : i32
      %mul3A_847 = arith.constant 16 : i32
      %mul3A_848 = arith.muli %add3A_846, %mul3A_847 : i32
      %swap3A_849 = arith.index_cast %mul3A_848 : i32 to index
      %swap3A_850 = tpu.vector_load %arg5[%swap3A_849] {strides = array<i32>} : memref<3136xf32, #tpu.memory_space<vmem>>, vector<16xf32>,
      tpu.vector_store %arg5[%swap3A_849], %broadcast_in_dim3A_660 {strides = array<i32>} : memref<3136xf32, #tpu.memory_space<vmem>>, vector<16xf32>,
      %scan3A_851 = arith.constant 0 : i32
      scf.yield %scan3A_851 : i32
    }
    %scan3A_666 = arith.constant 49 : i32
    %broadcast_in_dim3A_667 = arith.constant 6.000000e-01 : f32
    %broadcast_in_dim3A_668 = vector.broadcast %broadcast_in_dim3A_667 : f32 to vector<16xf32>
    %broadcast_in_dim3A_669 = vector.broadcast %mul3A_2 : i32 to vector<16xi32>
    %sub3A_670 = arith.subi %get3A_3, %broadcast_in_dim3A_669 : vector<16xi32>
    %ge3A = arith.constant 0 : i32
    %ge3A_671 = vector.broadcast %ge3A : i32 to vector<16xi32>
    %ge3A_672 = arith.cmpi sge, %sub3A_670, %ge3A_671 : vector<16xi32>
    %lt3A = arith.constant 3136 : i32
    %lt3A_673 = vector.broadcast %lt3A : i32 to vector<16xi32>
    %lt3A_674 = arith.cmpi slt, %sub3A_670, %lt3A_673 : vector<16xi32>
    %and3A_675 = arith.andi %ge3A_672, %lt3A_674 : vector<16xi1>
    tpu.vector_store_idx %arg5[%sub3A_670], %broadcast_in_dim3A_668 masked %and3A_675 : memref<3136xf32, #tpu.memory_space<vmem>>[vector<16xi32>], vector<16xf32>, vector<16xi1>
    %sub3A_676 = arith.subi %get3A_5, %broadcast_in_dim3A_669 : vector<16xi32>
    %ge3A_677 = arith.constant 0 : i32
    %ge3A_678 = vector.broadcast %ge3A_677 : i32 to vector<16xi32>
    %ge3A_679 = arith.cmpi sge, %sub3A_676, %ge3A_678 : vector<16xi32>
    %lt3A_680 = arith.constant 3136 : i32
    %lt3A_681 = vector.broadcast %lt3A_680 : i32 to vector<16xi32>
    %lt3A_682 = arith.cmpi slt, %sub3A_676, %lt3A_681 : vector<16xi32>
    %and3A_683 = arith.andi %ge3A_679, %lt3A_682 : vector<16xi1>
    tpu.vector_store_idx %arg5[%sub3A_676], %broadcast_in_dim3A_668 masked %and3A_683 : memref<3136xf32, #tpu.memory_space<vmem>>[vector<16xi32>], vector<16xf32>, vector<16xi1>
    %sub3A_684 = arith.subi %get3A_7, %broadcast_in_dim3A_669 : vector<16xi32>
    %ge3A_685 = arith.constant 0 : i32
    %ge3A_686 = vector.broadcast %ge3A_685 : i32 to vector<16xi32>
    %ge3A_687 = arith.cmpi sge, %sub3A_684, %ge3A_686 : vector<16xi32>
    %lt3A_688 = arith.constant 3136 : i32
    %lt3A_689 = vector.broadcast %lt3A_688 : i32 to vector<16xi32>
    %lt3A_690 = arith.cmpi slt, %sub3A_684, %lt3A_689 : vector<16xi32>
    %and3A_691 = arith.andi %ge3A_687, %lt3A_690 : vector<16xi1>
    tpu.vector_store_idx %arg5[%sub3A_684], %broadcast_in_dim3A_668 masked %and3A_691 : memref<3136xf32, #tpu.memory_space<vmem>>[vector<16xi32>], vector<16xf32>, vector<16xi1>
    %sub3A_692 = arith.subi %get3A_9, %broadcast_in_dim3A_669 : vector<16xi32>
    %ge3A_693 = arith.constant 0 : i32
    %ge3A_694 = vector.broadcast %ge3A_693 : i32 to vector<16xi32>
    %ge3A_695 = arith.cmpi sge, %sub3A_692, %ge3A_694 : vector<16xi32>
    %lt3A_696 = arith.constant 3136 : i32
    %lt3A_697 = vector.broadcast %lt3A_696 : i32 to vector<16xi32>
    %lt3A_698 = arith.cmpi slt, %sub3A_692, %lt3A_697 : vector<16xi32>
    %and3A_699 = arith.andi %ge3A_695, %lt3A_698 : vector<16xi1>
    tpu.vector_store_idx %arg5[%sub3A_692], %broadcast_in_dim3A_668 masked %and3A_699 : memref<3136xf32, #tpu.memory_space<vmem>>[vector<16xi32>], vector<16xf32>, vector<16xi1>
    %sub3A_700 = arith.subi %get3A_11, %broadcast_in_dim3A_669 : vector<16xi32>
    %ge3A_701 = arith.constant 0 : i32
    %ge3A_702 = vector.broadcast %ge3A_701 : i32 to vector<16xi32>
    %ge3A_703 = arith.cmpi sge, %sub3A_700, %ge3A_702 : vector<16xi32>
    %lt3A_704 = arith.constant 3136 : i32
    %lt3A_705 = vector.broadcast %lt3A_704 : i32 to vector<16xi32>
    %lt3A_706 = arith.cmpi slt, %sub3A_700, %lt3A_705 : vector<16xi32>
    %and3A_707 = arith.andi %ge3A_703, %lt3A_706 : vector<16xi1>
    tpu.vector_store_idx %arg5[%sub3A_700], %broadcast_in_dim3A_668 masked %and3A_707 : memref<3136xf32, #tpu.memory_space<vmem>>[vector<16xi32>], vector<16xf32>, vector<16xi1>
    %sub3A_708 = arith.subi %get3A_13, %broadcast_in_dim3A_669 : vector<16xi32>
    %ge3A_709 = arith.constant 0 : i32
    %ge3A_710 = vector.broadcast %ge3A_709 : i32 to vector<16xi32>
    %ge3A_711 = arith.cmpi sge, %sub3A_708, %ge3A_710 : vector<16xi32>
    %lt3A_712 = arith.constant 3136 : i32
    %lt3A_713 = vector.broadcast %lt3A_712 : i32 to vector<16xi32>
    %lt3A_714 = arith.cmpi slt, %sub3A_708, %lt3A_713 : vector<16xi32>
    %and3A_715 = arith.andi %ge3A_711, %lt3A_714 : vector<16xi1>
    tpu.vector_store_idx %arg5[%sub3A_708], %broadcast_in_dim3A_668 masked %and3A_715 : memref<3136xf32, #tpu.memory_space<vmem>>[vector<16xi32>], vector<16xf32>, vector<16xi1>
    %sub3A_716 = arith.subi %get3A_15, %broadcast_in_dim3A_669 : vector<16xi32>
    %ge3A_717 = arith.constant 0 : i32
    %ge3A_718 = vector.broadcast %ge3A_717 : i32 to vector<16xi32>
    %ge3A_719 = arith.cmpi sge, %sub3A_716, %ge3A_718 : vector<16xi32>
    %lt3A_720 = arith.constant 3136 : i32
    %lt3A_721 = vector.broadcast %lt3A_720 : i32 to vector<16xi32>
    %lt3A_722 = arith.cmpi slt, %sub3A_716, %lt3A_721 : vector<16xi32>
    %and3A_723 = arith.andi %ge3A_719, %lt3A_722 : vector<16xi1>
    tpu.vector_store_idx %arg5[%sub3A_716], %broadcast_in_dim3A_668 masked %and3A_723 : memref<3136xf32, #tpu.memory_space<vmem>>[vector<16xi32>], vector<16xf32>, vector<16xi1>
    %sub3A_724 = arith.subi %get3A_17, %broadcast_in_dim3A_669 : vector<16xi32>
    %ge3A_725 = arith.constant 0 : i32
    %ge3A_726 = vector.broadcast %ge3A_725 : i32 to vector<16xi32>
    %ge3A_727 = arith.cmpi sge, %sub3A_724, %ge3A_726 : vector<16xi32>
    %lt3A_728 = arith.constant 3136 : i32
    %lt3A_729 = vector.broadcast %lt3A_728 : i32 to vector<16xi32>
    %lt3A_730 = arith.cmpi slt, %sub3A_724, %lt3A_729 : vector<16xi32>
    %and3A_731 = arith.andi %ge3A_727, %lt3A_730 : vector<16xi1>
    tpu.vector_store_idx %arg5[%sub3A_724], %broadcast_in_dim3A_668 masked %and3A_731 : memref<3136xf32, #tpu.memory_space<vmem>>[vector<16xi32>], vector<16xf32>, vector<16xi1>
    %sub3A_732 = arith.subi %get3A_19, %broadcast_in_dim3A_669 : vector<16xi32>
    %ge3A_733 = arith.constant 0 : i32
    %ge3A_734 = vector.broadcast %ge3A_733 : i32 to vector<16xi32>
    %ge3A_735 = arith.cmpi sge, %sub3A_732, %ge3A_734 : vector<16xi32>
    %lt3A_736 = arith.constant 3136 : i32
    %lt3A_737 = vector.broadcast %lt3A_736 : i32 to vector<16xi32>
    %lt3A_738 = arith.cmpi slt, %sub3A_732, %lt3A_737 : vector<16xi32>
    %and3A_739 = arith.andi %ge3A_735, %lt3A_738 : vector<16xi1>
    tpu.vector_store_idx %arg5[%sub3A_732], %broadcast_in_dim3A_668 masked %and3A_739 : memref<3136xf32, #tpu.memory_space<vmem>>[vector<16xi32>], vector<16xf32>, vector<16xi1>
    %sub3A_740 = arith.subi %get3A_21, %broadcast_in_dim3A_669 : vector<16xi32>
    %ge3A_741 = arith.constant 0 : i32
    %ge3A_742 = vector.broadcast %ge3A_741 : i32 to vector<16xi32>
    %ge3A_743 = arith.cmpi sge, %sub3A_740, %ge3A_742 : vector<16xi32>
    %lt3A_744 = arith.constant 3136 : i32
    %lt3A_745 = vector.broadcast %lt3A_744 : i32 to vector<16xi32>
    %lt3A_746 = arith.cmpi slt, %sub3A_740, %lt3A_745 : vector<16xi32>
    %and3A_747 = arith.andi %ge3A_743, %lt3A_746 : vector<16xi1>
    tpu.vector_store_idx %arg5[%sub3A_740], %broadcast_in_dim3A_668 masked %and3A_747 : memref<3136xf32, #tpu.memory_space<vmem>>[vector<16xi32>], vector<16xf32>, vector<16xi1>
    %sub3A_748 = arith.subi %get3A_23, %broadcast_in_dim3A_669 : vector<16xi32>
    %ge3A_749 = arith.constant 0 : i32
    %ge3A_750 = vector.broadcast %ge3A_749 : i32 to vector<16xi32>
    %ge3A_751 = arith.cmpi sge, %sub3A_748, %ge3A_750 : vector<16xi32>
    %lt3A_752 = arith.constant 3136 : i32
    %lt3A_753 = vector.broadcast %lt3A_752 : i32 to vector<16xi32>
    %lt3A_754 = arith.cmpi slt, %sub3A_748, %lt3A_753 : vector<16xi32>
    %and3A_755 = arith.andi %ge3A_751, %lt3A_754 : vector<16xi1>
    tpu.vector_store_idx %arg5[%sub3A_748], %broadcast_in_dim3A_668 masked %and3A_755 : memref<3136xf32, #tpu.memory_space<vmem>>[vector<16xi32>], vector<16xf32>, vector<16xi1>
    %sub3A_756 = arith.subi %get3A_25, %broadcast_in_dim3A_669 : vector<16xi32>
    %ge3A_757 = arith.constant 0 : i32
    %ge3A_758 = vector.broadcast %ge3A_757 : i32 to vector<16xi32>
    %ge3A_759 = arith.cmpi sge, %sub3A_756, %ge3A_758 : vector<16xi32>
    %lt3A_760 = arith.constant 3136 : i32
    %lt3A_761 = vector.broadcast %lt3A_760 : i32 to vector<16xi32>
    %lt3A_762 = arith.cmpi slt, %sub3A_756, %lt3A_761 : vector<16xi32>
    %and3A_763 = arith.andi %ge3A_759, %lt3A_762 : vector<16xi1>
    tpu.vector_store_idx %arg5[%sub3A_756], %broadcast_in_dim3A_668 masked %and3A_763 : memref<3136xf32, #tpu.memory_space<vmem>>[vector<16xi32>], vector<16xf32>, vector<16xi1>
    %sub3A_764 = arith.subi %get3A_27, %broadcast_in_dim3A_669 : vector<16xi32>
    %ge3A_765 = arith.constant 0 : i32
    %ge3A_766 = vector.broadcast %ge3A_765 : i32 to vector<16xi32>
    %ge3A_767 = arith.cmpi sge, %sub3A_764, %ge3A_766 : vector<16xi32>
    %lt3A_768 = arith.constant 3136 : i32
    %lt3A_769 = vector.broadcast %lt3A_768 : i32 to vector<16xi32>
    %lt3A_770 = arith.cmpi slt, %sub3A_764, %lt3A_769 : vector<16xi32>
    %and3A_771 = arith.andi %ge3A_767, %lt3A_770 : vector<16xi1>
    tpu.vector_store_idx %arg5[%sub3A_764], %broadcast_in_dim3A_668 masked %and3A_771 : memref<3136xf32, #tpu.memory_space<vmem>>[vector<16xi32>], vector<16xf32>, vector<16xi1>
    %sub3A_772 = arith.subi %get3A_29, %broadcast_in_dim3A_669 : vector<16xi32>
    %ge3A_773 = arith.constant 0 : i32
    %ge3A_774 = vector.broadcast %ge3A_773 : i32 to vector<16xi32>
    %ge3A_775 = arith.cmpi sge, %sub3A_772, %ge3A_774 : vector<16xi32>
    %lt3A_776 = arith.constant 3136 : i32
    %lt3A_777 = vector.broadcast %lt3A_776 : i32 to vector<16xi32>
    %lt3A_778 = arith.cmpi slt, %sub3A_772, %lt3A_777 : vector<16xi32>
    %and3A_779 = arith.andi %ge3A_775, %lt3A_778 : vector<16xi1>
    tpu.vector_store_idx %arg5[%sub3A_772], %broadcast_in_dim3A_668 masked %and3A_779 : memref<3136xf32, #tpu.memory_space<vmem>>[vector<16xi32>], vector<16xf32>, vector<16xi1>
    %sub3A_780 = arith.subi %get3A_31, %broadcast_in_dim3A_669 : vector<16xi32>
    %ge3A_781 = arith.constant 0 : i32
    %ge3A_782 = vector.broadcast %ge3A_781 : i32 to vector<16xi32>
    %ge3A_783 = arith.cmpi sge, %sub3A_780, %ge3A_782 : vector<16xi32>
    %lt3A_784 = arith.constant 3136 : i32
    %lt3A_785 = vector.broadcast %lt3A_784 : i32 to vector<16xi32>
    %lt3A_786 = arith.cmpi slt, %sub3A_780, %lt3A_785 : vector<16xi32>
    %and3A_787 = arith.andi %ge3A_783, %lt3A_786 : vector<16xi1>
    tpu.vector_store_idx %arg5[%sub3A_780], %broadcast_in_dim3A_668 masked %and3A_787 : memref<3136xf32, #tpu.memory_space<vmem>>[vector<16xi32>], vector<16xf32>, vector<16xi1>
    %sub3A_788 = arith.subi %get3A_33, %broadcast_in_dim3A_669 : vector<16xi32>
    %ge3A_789 = arith.constant 0 : i32
    %ge3A_790 = vector.broadcast %ge3A_789 : i32 to vector<16xi32>
    %ge3A_791 = arith.cmpi sge, %sub3A_788, %ge3A_790 : vector<16xi32>
    %lt3A_792 = arith.constant 3136 : i32
    %lt3A_793 = vector.broadcast %lt3A_792 : i32 to vector<16xi32>
    %lt3A_794 = arith.cmpi slt, %sub3A_788, %lt3A_793 : vector<16xi32>
    %and3A_795 = arith.andi %ge3A_791, %lt3A_794 : vector<16xi1>
    tpu.vector_store_idx %arg5[%sub3A_788], %broadcast_in_dim3A_668 masked %and3A_795 : memref<3136xf32, #tpu.memory_space<vmem>>[vector<16xi32>], vector<16xf32>, vector<16xi1>
    %sub3A_796 = arith.subi %select_n3A_624, %broadcast_in_dim3A_669 : vector<16xi32>
    %lt3A_797 = arith.constant 5 : i32
    %lt3A_798 = vector.broadcast %lt3A_797 : i32 to vector<16xi32>
    %lt3A_799 = arith.cmpi slt, %iota3A, %lt3A_798 : vector<16xi32>
    %ge3A_800 = arith.constant 0 : i32
    %ge3A_801 = vector.broadcast %ge3A_800 : i32 to vector<16xi32>
    %ge3A_802 = arith.cmpi sge, %sub3A_796, %ge3A_801 : vector<16xi32>
    %and3A_803 = arith.andi %lt3A_799, %ge3A_802 : vector<16xi1>
    %lt3A_804 = arith.constant 3136 : i32
    %lt3A_805 = vector.broadcast %lt3A_804 : i32 to vector<16xi32>
    %lt3A_806 = arith.cmpi slt, %sub3A_796, %lt3A_805 : vector<16xi32>
    %and3A_807 = arith.andi %and3A_803, %lt3A_806 : vector<16xi1>
    %broadcast_in_dim3A_808 = arith.constant 1.500000e+00 : f32
    %broadcast_in_dim3A_809 = vector.broadcast %broadcast_in_dim3A_808 : f32 to vector<16xf32>
    tpu.vector_store_idx %arg5[%sub3A_796], %broadcast_in_dim3A_809 masked %and3A_807 : memref<3136xf32, #tpu.memory_space<vmem>>[vector<16xi32>], vector<16xf32>, vector<16xi1>
    %lt3A_810 = arith.constant 31 : i32
    %lt3A_811 = arith.cmpi slt, %add3A, %lt3A_810 : i32
    %convert_element_type3A = arith.extui %lt3A_811 : i1 to i32
    %cond3A = arith.constant 0 : i32
    %cond3A_812 = arith.cmpi ne, %convert_element_type3A, %cond3A : i32
    scf.if %cond3A_812 {
      "tpu.region"() ({
        %run_scoped3A = tpu.sem_alloc : memref<!tpu.dma_semaphore, #tpu.memory_space<semaphore_mem>>
        %dma_start3A = tpu.memref_slice %arg3[%mul3A_2] : memref<100000xf32, #tpu.memory_space<hbm>> -> memref<3136xf32, #tpu.memory_space<hbm>>
        %dma_start3A_818 = tpu.memref_slice %arg3[%mul3A_2] : memref<100000xf32, #tpu.memory_space<hbm>> -> memref<3136xf32, #tpu.memory_space<hbm>>
        tpu.enqueue_dma source(%arg5 : memref<3136xf32, #tpu.memory_space<vmem>>) target(%dma_start3A_818 : memref<3136xf32, #tpu.memory_space<hbm>>) target_semaphore(%run_scoped3A : memref<!tpu.dma_semaphore, #tpu.memory_space<semaphore_mem>>)
        %dma_wait3A = tpu.memref_slice %arg3[%mul3A_2] : memref<100000xf32, #tpu.memory_space<hbm>> -> memref<3136xf32, #tpu.memory_space<hbm>>
        %dma_wait3A_819 = tpu.memref_slice %arg3[%mul3A_2] : memref<100000xf32, #tpu.memory_space<hbm>> -> memref<3136xf32, #tpu.memory_space<hbm>>
        tpu.wait_dma2 semaphore(%run_scoped3A : memref<!tpu.dma_semaphore, #tpu.memory_space<semaphore_mem>>) src(%arg5 : memref<3136xf32, #tpu.memory_space<vmem>>) dst(%dma_wait3A_819 : memref<3136xf32, #tpu.memory_space<hbm>>)
        tpu.yield
      }) : () -> ()
    } else {
    }
    %eq3A_813 = arith.constant 31 : i32
    %eq3A_814 = arith.cmpi eq, %add3A, %eq3A_813 : i32
    %convert_element_type3A_815 = arith.extui %eq3A_814 : i1 to i32
    %cond3A_816 = arith.constant 0 : i32
    %cond3A_817 = arith.cmpi ne, %convert_element_type3A_815, %cond3A_816 : i32
    scf.if %cond3A_817 {
      "tpu.region"() ({
        %run_scoped3A = tpu.sem_alloc : memref<!tpu.dma_semaphore, #tpu.memory_space<semaphore_mem>>
        %dma_start3A = arith.constant 0 : i32
        %dma_start3A_818 = tpu.memref_slice %arg5[%dma_start3A] : memref<3136xf32, #tpu.memory_space<vmem>> -> memref<2784xf32, #tpu.memory_space<vmem>>
        %dma_start3A_819 = arith.constant 97216 : i32
        %dma_start3A_820 = tpu.memref_slice %arg3[%dma_start3A_819] : memref<100000xf32, #tpu.memory_space<hbm>> -> memref<2784xf32, #tpu.memory_space<hbm>>
        %dma_start3A_821 = arith.constant 97216 : i32
        %dma_start3A_822 = tpu.memref_slice %arg3[%dma_start3A_821] : memref<100000xf32, #tpu.memory_space<hbm>> -> memref<2784xf32, #tpu.memory_space<hbm>>
        %dma_start3A_823 = arith.constant 0 : i32
        %dma_start3A_824 = tpu.memref_slice %arg5[%dma_start3A_823] : memref<3136xf32, #tpu.memory_space<vmem>> -> memref<2784xf32, #tpu.memory_space<vmem>>
        tpu.enqueue_dma source(%dma_start3A_824 : memref<2784xf32, #tpu.memory_space<vmem>>) target(%dma_start3A_822 : memref<2784xf32, #tpu.memory_space<hbm>>) target_semaphore(%run_scoped3A : memref<!tpu.dma_semaphore, #tpu.memory_space<semaphore_mem>>)
        %dma_wait3A = arith.constant 0 : i32
        %dma_wait3A_825 = tpu.memref_slice %arg5[%dma_wait3A] : memref<3136xf32, #tpu.memory_space<vmem>> -> memref<2784xf32, #tpu.memory_space<vmem>>
        %dma_wait3A_826 = arith.constant 97216 : i32
        %dma_wait3A_827 = tpu.memref_slice %arg3[%dma_wait3A_826] : memref<100000xf32, #tpu.memory_space<hbm>> -> memref<2784xf32, #tpu.memory_space<hbm>>
        %dma_wait3A_828 = arith.constant 97216 : i32
        %dma_wait3A_829 = tpu.memref_slice %arg3[%dma_wait3A_828] : memref<100000xf32, #tpu.memory_space<hbm>> -> memref<2784xf32, #tpu.memory_space<hbm>>
        %dma_wait3A_830 = arith.constant 0 : i32
        %dma_wait3A_831 = tpu.memref_slice %arg5[%dma_wait3A_830] : memref<3136xf32, #tpu.memory_space<vmem>> -> memref<2784xf32, #tpu.memory_space<vmem>>
        tpu.wait_dma2 semaphore(%run_scoped3A : memref<!tpu.dma_semaphore, #tpu.memory_space<semaphore_mem>>) src(%dma_wait3A_831 : memref<2784xf32, #tpu.memory_space<vmem>>) dst(%dma_wait3A_829 : memref<2784xf32, #tpu.memory_space<hbm>>)
        tpu.yield
      }) : () -> ()
    } else {
    }
    return
  }
}

</mosaic_0001>

<sc_bundles>
// kernel: _spiking_kwta.3.cloned.1.call-start
scs
__scs_entry_jumppad:
0x0: {  	(pc) =	sbr.rel $0x88, $3  }
0x1: {  	(tag) =	ssettag $0x0;
	lr =	simm.s32 $0x1  }
0x2: {  	[smem:$0x3FA0] =	sst lr;
	_ =	strace $0xD0000000  }
0x3: {  	_ = 	snop  }
0x4: {  	_ = 	snop  }
0x5: {  	_ = 	snop  }
0x6: {  	_ = 	snop  }
0x7: {  	_ = 	snop  }
__scs_overlays_trampoline_lowered:
0x8: {  	[smem:$0x3FAF] =	sst s0  }
0x9: {  	[smem:$0x3FB0] =	sst s1  }
0xa: {  	[smem:$0x3FB1] =	sst s2  }
0xb: {  	[smem:$0x3FB2] =	sst s3  }
0xc: {  	[smem:$0x3FB3] =	sst s4  }
0xd: {  	[smem:$0x3FB4] =	sst s5  }
0xe: {  	[smem:$0x3FB5] =	sst s6  }
0xf: {  	[smem:$0x3FB6] =	sst s7  }
0x10: {  	[smem:$0x3FB7] =	sst s8  }
0x11: {  	[smem:$0x3FB8] =	sst s9;
	s0 =	simm.s32 @!p0 $0x0  }
0x12: {  	s1 =	sld [smem:$0x3F9E];
	s0 =	simm.s32 @p0 $0x1  }
0x13: {  	[smem:$0x3FB9] =	sst s0;
	s0 =	simm.s32 @!p1 $0x0  }
0x14: {  	s2 =	sld [smem:$0x3F9D];
	s0 =	simm.s32 @p1 $0x1  }
0x15: {  	[smem:$0x3FBA] =	sst s0;
	s0 =	simm.s32 @!p2 $0x0  }
0x16: {  	s3 =	sld [smem:$0x3FDB];
	s0 =	simm.s32 @p2 $0x1  }
0x17: {  	s4 =	simm.s32 $0x1BF5;
	[smem:$0x3FBC] =	sst s0  }
0x18: {  	s0 =	sld [smem:$0x3F9F];
	_ =	swait.ge [sflag:s4], $0x0  }
0x19: {  	s7 =	sld [smem:$0x3FA0]  }
0x1a: {  	s8 =	sadd.s32 $0xFFFFE003, lr  }
0x1b: {  	s9 =	sadd.s32 $0xFFFFFEF7, lr;
	s5 =	simm.s32 $0xFFFFFFFF;
	p2 =	slt.u32 s8, $0xFFFFF086  }
0x1c: {  	p1 =	slt.u32 s9, $0xF7A;
	s5 =	simm.s32 @!p2 $0x0  }
0x1d: {  	s5 =	simm.s32 @p1 $0x1;
	p0 =	seq.s32 s7, s2  }
0x1e: {  	s7 =	smul.u32 @!p0 $0xF7A, s2;
	p2 =	seq.s32 @!p0 s5, $0x0  }
0x1f: {  	s9 =	smul.u32 $0xF7A, s1;
	s8 =	simm.s32 @!p0 $0x1BF5;
	p2 =	por !p2, p0  }
0x20: {  	[sflag:s8] =	ssyncset.s32 @!p0 $0xFFFFF086;
	s6 =	sadd.s32 @!p0 s3, s7;
	s7 =	simm.s32 @!p0 $0x108  }
0x21: {  	s3 =	sadd.s32 s3, s9;
	s6 =	sadd.s32 @!p0 $0x88, s6;
	s7 =	simm.s32 @p2 $0x1082  }
0x22: {  	[simem:s7], [sflag:s8] =	dma.local @!p0 [hbm:s6], $0xF7A  }
0x23: {  	s9 =	sor.u32 $0xD0000000, s2;
	s6 =	simm.s32 $0x108;
	_ =	swait.ge @!p0 [sflag:s8], $0x0  }
0x24: {  	s3 =	sadd.s32 $0x88, s3;
	s6 =	simm.s32 @!p1 $0x1082;
	[sflag:s4] =	ssyncset.s32 $0xFFFFF086  }
0x25: {  	[simem:s6], [sflag:s4] =	dma.local [hbm:s3], $0xF7A  }
0x26: {  	[smem:$0x3FA0] =	sst s1;
	(tag) =	ssettag s2;
	_ =	strace s9  }
0x27: {  	s1 =	sld [smem:$0x3FB0]  }
0x28: {  	s2 =	sld [smem:$0x3FB1]  }
0x29: {  	s4 =	sld [smem:$0x3FB3]  }
0x2a: {  	p0 =	seq.s32 s5, $0x0;
	s5 =	sld [smem:$0x3FB4]  }
0x2b: {  	s6 =	sld [smem:$0x3FB5]  }
0x2c: {  	s7 =	sld [smem:$0x3FB6]  }
0x2d: {  	s3 =	simm.s32 $0x108;
	s8 =	sld [smem:$0x3FB7]  }
0x2e: {  	s3 =	simm.s32 @!p0 $0x1082;
	s9 =	sld [smem:$0x3FB8]  }
0x2f: {  	lr =	sadd.s32 s0, s3;
	s0 =	sld [smem:$0x3FAF]  }
0x30: {  	s3 =	sld [smem:$0x3FB2]  }
0x31: {  	[smem:$0x3FBB] =	sst s10  }
0x32: {  	s10 =	sld [smem:$0x3FB9];
	_ =	sdelay $0x3  }
0x33: {  	p0 =	seq.s32 s10, $0x1;
	s10 =	sld [smem:$0x3FBB];
	_ =	sdelay $0x3  }
0x34: {  	[smem:$0x3FBB] =	sst s10  }
0x35: {  	s10 =	sld [smem:$0x3FBA];
	_ =	sdelay $0x3  }
0x36: {  	p1 =	seq.s32 s10, $0x1;
	s10 =	sld [smem:$0x3FBB];
	_ =	sdelay $0x3  }
0x37: {  	[smem:$0x3FBB] =	sst s10  }
0x38: {  	s10 =	sld [smem:$0x3FBC]  }
0x39: {  	_ = 	snop;
	(pc) =	sbr.ind lr, $3  }
0x3a: {  	_ = 	snop  }
0x3b: {  	_ = 	snop  }
0x3c: {  	p2 =	seq.s32 s10, $0x1;
	s10 =	sld [smem:$0x3FBB]  }
0x3d: {  	_ =	shalt  }
0x3e: {  	_ =	shalt  }
0x3f: {  	_ =	shalt  }
0x40: {  	_ =	shalt  }
0x41: {  	_ =	shalt  }
0x42: {  	_ =	shalt  }
0x43: {  	_ =	shalt  }
0x44: {  	_ =	shalt  }
0x45: {  	_ =	shalt  }
0x46: {  	_ =	shalt  }
0x47: {  	_ =	shalt  }
0x48: {  	_ =	shalt  }
0x49: {  	_ =	shalt  }
0x4a: {  	_ =	shalt  }
0x4b: {  	_ =	shalt  }
0x4c: {  	_ =	shalt  }
0x4d: {  	_ =	shalt  }
0x4e: {  	_ =	shalt  }
0x4f: {  	_ =	shalt  }
0x50: {  	_ =	shalt  }
0x51: {  	_ =	shalt  }
0x52: {  	_ =	shalt  }
0x53: {  	_ =	shalt  }
0x54: {  	_ =	shalt  }
0x55: {  	_ =	shalt  }
0x56: {  	_ =	shalt  }
0x57: {  	_ =	shalt  }
0x58: {  	_ =	shalt  }
0x59: {  	_ =	shalt  }
0x5a: {  	_ =	shalt  }
0x5b: {  	_ =	shalt  }
0x5c: {  	_ =	shalt  }
0x5d: {  	_ =	shalt  }
0x5e: {  	_ =	shalt  }
0x5f: {  	_ =	shalt  }
0x60: {  	_ =	shalt  }
0x61: {  	_ =	shalt  }
0x62: {  	_ =	shalt  }
0x63: {  	_ =	shalt  }
0x64: {  	_ =	shalt  }
0x65: {  	_ =	shalt  }
0x66: {  	_ =	shalt  }
0x67: {  	_ =	shalt  }
0x68: {  	_ =	shalt  }
0x69: {  	_ =	shalt  }
0x6a: {  	_ =	shalt  }
0x6b: {  	_ =	shalt  }
0x6c: {  	_ =	shalt  }
0x6d: {  	_ =	shalt  }
0x6e: {  	_ =	shalt  }
0x6f: {  	_ =	shalt  }
0x70: {  	_ =	shalt  }
0x71: {  	_ =	shalt  }
0x72: {  	_ =	shalt  }
0x73: {  	_ =	shalt  }
0x74: {  	_ =	shalt  }
0x75: {  	_ =	shalt  }
0x76: {  	_ =	shalt  }
0x77: {  	_ =	shalt  }
0x78: {  	_ =	shalt  }
0x79: {  	_ =	shalt  }
0x7a: {  	_ =	shalt  }
0x7b: {  	_ =	shalt  }
0x7c: {  	_ =	shalt  }
0x7d: {  	_ =	shalt  }
0x7e: {  	_ =	shalt  }
0x7f: {  	_ =	shalt  }
0x80: {  	_ =	shalt  }
0x81: {  	_ =	shalt  }
0x82: {  	_ =	shalt  }
0x83: {  	_ =	shalt  }
0x84: {  	_ =	shalt  }
0x85: {  	_ =	shalt  }
0x86: {  	_ =	shalt  }
0x87: {  	_ =	shalt  }
.Lfunc_end0:
.L_simem_size_0:
called_computation_lowered:
.L_overlay_start_0:
0x88: {  	s2 =	sld [smem:$0x3FD9]  }
0x89: {  	s3 =	sld [smem:$0x3FFE];
	_ =	sdelay $0x1  }
0x8a: {  	s1 =	srdreg.scid  }
0x8b: {  	s0 =	sand.u32 $0x1, s1  }
0x8c: {  	s18 =	sshll.u32 s0, $0xA;
	s2 =	sadd.s32 s3, s2  }
0x8d: {  	s2 =	sadd.s32 s2, s18  }
0x8e: {  	[smem:$0x3FC7] =	sst s2  }
0x8f: {  	_ = 	snop  }
0x90: {  	s2 =	sld [smem:$0x3FC9]  }
0x91: {  	s19 =	sld [smem:$0x3FD0];
	(tm) =	ssettm $0x1  }
0x92: {  	s4 =	sld [smem:$0x3FFB];
	_ =	sdelay $0x3  }
0x93: {  	_ =	strace s4  }
0x94: {  	s4 =	sld [smem:$0x3FFC];
	_ =	sdelay $0x3  }
0x95: {  	_ =	strace s4  }
0x96: {  	s4 =	sld [smem:$0x3FFD];
	_ =	sdelay $0x3  }
0x97: {  	_ =	strace s4  }
0x98: {  	_ =	strace $0x8FFFFFFF  }
0x99: {  	s20 =	sld [smem:$0x3FDB];
	_ =	sdelay $0x1  }
0x9a: {  	s5 =	simm.s32 $_scs_section_size  }
0x9b: {  	s6 =	simm.s32 $_size__tile_overlayer_lowered;
	s7 =	simm.s32 $_tile_overlayer_lowered  }
0x9c: {  	s23 =	simm.s32 $0x1BFF;
	s22 =	sshll.u32 s7, $0x1;
	s4 =	sadd.s32 s5, s20  }
0x9d: {  	s8 =	simm.s32 $0x0;
	s21 =	sshll.u32 s6, $0x1;
	s6 =	sadd.s32 s22, s4  }
0x9e: {  	[timem:s8], [sflag:s23] =	dma.local [hbm:s6], s21  }
0x9f: {  	_ =	swait.ge [sflag:s23], s21  }
0xa0: {  	s5 =	ssub.s32 $0x0, s21;
	[sflag:s23] =	ssyncset.done $0x0  }
0xa1: {  	[sflag:s23] =	ssyncadd.s32 s5;
	_ =	sdelay $0x1  }
0xa2: {  	s24 =	simm.s32 $0x1B8B  }
0xa3: {  	_ =	swait.ge [sflag:s24], $0x1  }
0xa4: {  	[sflag:s24] =	ssyncset.done $0x0  }
0xa5: {  	s25 =	simm.s32 $0x1B8E;
	[sflag:s24] =	ssyncadd.s32 $0xFFFFFFFF  }
0xa6: {  	s26 =	simm.s32 $execute0_lowered;
	[smem:$0x3FD2] =	sst s25  }
0xa7: {  	s5 =	sshll.u32 s26, $0x1;
	_ =	strace $0x80000046;
	[dreg:$0x1] =	wrdreg $0xFFFFFFFF  }
0xa8: {  	s28 =	simm.s32 $_size_execute0_lowered;
	s4 =	sadd.s32 s4, s5;
	[dreg:$0x0] =	wrdreg $0x0  }
0xa9: {  	s5 =	sshll.u32 s28, $0x1;
	[dreg:$0x2] =	wrdreg s4  }
0xaa: {  	[dreg:$0x3] =	wrdreg s5  }
0xab: {  	[dreg:$0x4] =	wrdreg $0xC0  }
0xac: {  	_ =	task [dreg:s8], $0x5FFFF  }
0xad: {  	[dreg:$0x1] =	wrdreg $0xFFFFFFFF  }
0xae: {  	[dreg:$0x0] =	wrdreg $0x60  }
0xaf: {  	[dreg:$0x2] =	wrdreg s2  }
0xb0: {  	[dreg:$0x3] =	wrdreg s19  }
0xb1: {  	[dreg:$0x4] =	wrdreg $0x9  }
0xb2: {  	_ =	task.clear_ibuf [dreg:s8], $0x5FFFF;
	_ =	strace $0x90000046  }
0xb3: {  	s29 =	simm.s32 $0x9;
	_ =	strace $0x80000048  }
0xb4: {  	_ =	swait.ge [sflag:s29], $0x1  }
0xb5: {  	[sflag:s29] =	ssyncadd.s32 $0xFFFFFFFF  }
0xb6: {  	_ =	strace $0x90000048  }
0xb7: {  	_ =	sfence  }
0xb8: {  	s30 =	sld [smem:$0x0];
	_ =	sdelay $0x2  }
0xb9: {  	s31 =	sshll.u32 s1, $0xD;
	s1 =	sshrl.u32 s1, $0x2  }
0xba: {  	s3 =	sand.u32 $0x4000, s31;
	s1 =	sadd.s32 s1, s30  }
0xbb: {  	s0 =	sor.u32 s3, s0;
	s1 =	sshll.u32 s1, $0x11  }
0xbc: {  	s0 =	sor.u32 s1, s0  }
0xbd: {  	s0 =	sadd.s32 $0x8F2B, s0  }
0xbe: {  	[sflag:s0] =	ssyncadd.remote.s32 $0x1  }
0xbf: {  	_ =	sfence.sel $0xFFFF  }
0xc0: {  	[dreg:$0x0] =	wrdreg $0xFFFFFFFF;
	(pc) =	sbr.abs _section_cstart, $3  }
0xc1: {  	[dreg:$0x1] =	wrdreg $0xFFFFFFFF  }
0xc2: {  	_ =	task.clear_ibuf [dreg:s8], $0x2FFFF;
	_ =	strace $0x9FFFFFFF  }
0xc3: {  	(tm) =	ssettm $0x7FFFFFFF  }
tec
execute0_lowered:
.L_overlay_start_1:
0x0: {  	(tag) =	ssettag $0x1  }
0x1: {  	v0 =	vimm.s32 $0xFEDCBA98  }
0x2: {  	v2 =	vimm.s32 $0x76543210;
	v4 =	vimm.s32 $0xBA987654;
	v5 =	vimm.s32 $0x10FEDCBA  }
0x3: {  	v6 =	vimm.s32 $0x98765432;
	v7 =	vimm.s32 $0xFEDCBA9;
	v8 =	vimm.s32 $0x87654321  }
0x4: {  	vm0 =	vcmask $0x314;
	vm1 =	vcmask $0x714;
	vm2 =	vcmask $0xB14  }
0x5: {  	vm3 =	vcmask $0xF14;
	vm11 =	vmmov $0x1f;
	v1 =	vunpack.c.l.s4.s8 v0  }
0x6: {  	s1 =	srdreg.scid;
	s0 =	stileid.u32;
	v2 =	vunpack.c.l.s4.s8 v2;
	v4 =	vunpack.c.l.s4.s8 v4;
	v5 =	vunpack.c.l.s4.s8 v5  }
0x7: {  	s4 =	sand.u32 $0x1, s1;
	s31 =	sshll.u32 s0, $0x1;
	v6 =	vunpack.c.l.s4.s8 v6;
	v7 =	vunpack.c.l.s4.s8 v7;
	v8 =	vunpack.c.l.s4.s8 v8  }
0x8: {  	s8 =	sor.u32 s4, s31;
	v3 =	vunpack.c.0.s8.s32 v1;
	v1 =	vimm.s32 $0x3210FEDC;
	v4 =	vunpack.c.0.s8.s32 v4  }
0x9: {  	s6 =	rddreg [dreg:$0x1];
	s5 =	smul.u32 $0xC40, s8;
	v5 =	vunpack.c.0.s8.s32 v5;
	v6 =	vunpack.c.0.s8.s32 v6;
	v1 =	vunpack.c.l.s4.s8 v1  }
0xa: {  	s2 =	rddreg [dreg:$0x2];
	s3 =	simm.s32 $0x0;
	v7 =	vunpack.c.0.s8.s32 v7;
	v8 =	vunpack.c.0.s8.s32 v8;
	v10 =	vunpack.c.0.s8.s32 v2  }
0xb: {  	s9 =	simm.s32 $0x0;
	[smem:$0x7FF] =	sst s3;
	v2 =	vimm.s32 $0x0;
	v0 =	vmov s5;
	v9 =	vunpack.c.0.s8.s32 v1  }
0xc: {  	s1 =	rddreg [dreg:$0x0];
	s4 =	ssub.s32 $0x2, s4;
	_ =	strace $0x80000047;
	v3 =	vand.u32 $0xF, v3;
	v5 =	vcombine.low v6, v5;
	v6 =	vcombine.low v8, v7  }
0xd: {  	s7 =	sshrl.u32 s4, $0x1;
	p0 =	seq.s32 s8, $0x1F;
	s5 =	sshrl.u32 s5, $0x3;
	v7 =	vimm.f32 $1.000000000e+00;
	v8 =	vimm.f32 $6.000000240e-01;
	v4 =	vcombine.low v4, v9  }
0xe: {  	s8 =	simm.s32 $0x100;
	s7 =	ssub.s32 s4, s7;
	v1 =	vlaneseq.u32;
	v3 =	vcombine.low v3, v10;
	s4 =	sadd.s32 s6, s5;
	v5 =	vand.u32 $0xF, v5  }
0xf: {  	s5 =	sadd.s32 $0x2F78, s6;
	s6 =	smax.u32 s7, $0x1;
	s7 =	simm.s32 $0x1;
	v6 =	vand.u32 $0xF, v6;
	v9 =	vimm.f32 $1.500000000e+00;
	v4 =	vand.u32 $0xF, v4  }
.LBB2_1:
0x10: {  	[tilespmem:s3], [sflag:$0x1] =	stream.linear.gather [hbm4b:s1+s3], $0x100, $0x38;
	[tilespmem:$0xD80] =	vst v63  }
0x11: {  	_ =	swait.ge [sflag:s7], $0x100  }
0x12: {  	[sflag:s7] =	ssyncset.done $0x0  }
0x13: {  	[sflag:s7] =	ssyncadd.s32 $0xFFFFFF00  }
0x14: {  	v25 =	vld [tilespmem:$0x0]  }
0x15: {  	v24 =	vld [tilespmem:$0x10]  }
0x16: {  	v23 =	vld [tilespmem:$0x20]  }
0x17: {  	v22 =	vld [tilespmem:$0x30]  }
0x18: {  	v21 =	vld [tilespmem:$0x40]  }
0x19: {  	v20 =	vld [tilespmem:$0x50]  }
0x1a: {  	v19 =	vld [tilespmem:$0x60]  }
0x1b: {  	v18 =	vld [tilespmem:$0x70]  }
0x1c: {  	v17 =	vld [tilespmem:$0x80]  }
0x1d: {  	v16 =	vld [tilespmem:$0x90]  }
0x1e: {  	v15 =	vld [tilespmem:$0xA0]  }
0x1f: {  	v14 =	vld [tilespmem:$0xB0]  }
0x20: {  	v13 =	vld [tilespmem:$0xC0]  }
0x21: {  	v26 =	vimm.s32 $0x0;
	v27 =	vimm.s32 $0x0;
	v28 =	vimm.s32 $0x0;
	v10 =	vld [tilespmem:$0xD0]  }
0x22: {  	v29 =	vimm.s32 $0x0;
	v30 =	vimm.s32 $0x0;
	v31 =	vimm.s32 $0x0;
	v11 =	vld [tilespmem:$0xE0]  }
0x23: {  	v32 =	vimm.s32 $0x0;
	v33 =	vimm.s32 $0x0;
	v34 =	vimm.s32 $0x0;
	s10 =	simm.s32 $0x0;
	v12 =	vld [tilespmem:$0xF0]  }
.LBB2_2:
0x24: {  	v35 =	vadd.s32 s10, v1  }
0x25: {  	v35 =	vand.u32 $0xF, v35  }
0x26: {  	v36 =	vperm.xlane v25, v35;
	_ =	sdelay $0x1  }
0x27: {  	v40 =	vperm.xlane v24, v35;
	vm4 =	veq.s32 v25, v36  }
0x28: {  	v53 =	vperm.xlane v23, v35;
	vm5 =	veq.s32 v24, v36;
	v37 =	vsel vm4, $0x1, v2  }
0x29: {  	v38 =	vsel vm5, $0x1, v2;
	vm4 =	veq.s32 v23, v36;
	v34 =	vadd.s32 v37, v34  }
0x2a: {  	v61 =	vsel vm4, $0x1, v2;
	vm4 =	veq.s32 v22, v36;
	v33 =	vadd.s32 v38, v33  }
0x2b: {  	v38 =	vimm.s32 $0x0;
	v62 =	vsel vm4, $0x1, v2;
	vm4 =	veq.s32 v21, v36  }
0x2c: {  	v32 =	vadd.s32 v61, v32;
	v63 =	vsel vm4, $0x1, v2;
	vm4 =	veq.s32 v20, v36  }
0x2d: {  	v31 =	vadd.s32 v62, v31;
	v44 =	vsel vm4, $0x1, v2;
	vm4 =	veq.s32 v19, v36  }
0x2e: {  	v30 =	vadd.s32 v63, v30;
	v39 =	vsel vm4, $0x1, v2;
	vm4 =	veq.s32 v18, v36  }
0x2f: {  	v63 =	vperm.xlane v22, v35;
	v29 =	vadd.s32 v44, v29;
	v45 =	vsel vm4, $0x1, v2  }
0x30: {  	vm4 =	veq.s32 v17, v36;
	v28 =	vadd.s32 v39, v28;
	v39 =	vimm.s32 $0x0  }
0x31: {  	v36 =	vsel vm4, $0x1, v2;
	vm4 =	veq.s32 v25, v40;
	v27 =	vadd.s32 v45, v27  }
0x32: {  	v46 =	vsel vm4, $0x1, v2;
	vm4 =	veq.s32 v24, v40;
	v26 =	vadd.s32 v36, v26  }
0x33: {  	v36 =	vimm.s32 $0x0;
	v47 =	vsel vm4, $0x1, v2;
	vm4 =	veq.s32 v23, v40  }
0x34: {  	v34 =	vadd.s32 v46, v34;
	v48 =	vsel vm4, $0x1, v2;
	vm4 =	veq.s32 v22, v40  }
0x35: {  	v33 =	vadd.s32 v47, v33;
	v49 =	vsel vm4, $0x1, v2;
	vm4 =	veq.s32 v21, v40  }
0x36: {  	v32 =	vadd.s32 v48, v32;
	v50 =	vsel vm4, $0x1, v2;
	vm4 =	veq.s32 v20, v40  }
0x37: {  	v31 =	vadd.s32 v49, v31;
	v51 =	vsel vm4, $0x1, v2;
	vm4 =	veq.s32 v19, v40  }
0x38: {  	v30 =	vadd.s32 v50, v30;
	v52 =	vsel vm4, $0x1, v2;
	vm4 =	veq.s32 v18, v40  }
0x39: {  	v29 =	vadd.s32 v51, v29;
	v54 =	vsel vm4, $0x1, v2;
	vm4 =	veq.s32 v17, v40  }
0x3a: {  	v28 =	vadd.s32 v52, v28;
	v55 =	vsel vm4, $0x1, v2;
	vm4 =	veq.s32 v25, v53  }
0x3b: {  	v52 =	vperm.xlane v21, v35;
	v56 =	vsel vm4, $0x1, v2;
	vm4 =	veq.s32 v24, v53  }
0x3c: {  	v27 =	vadd.s32 v54, v27;
	v57 =	vsel vm4, $0x1, v2;
	vm4 =	veq.s32 v23, v53  }
0x3d: {  	v26 =	vadd.s32 v55, v26;
	v58 =	vsel vm4, $0x1, v2;
	vm4 =	veq.s32 v22, v53  }
0x3e: {  	v34 =	vadd.s32 v56, v34;
	v59 =	vsel vm4, $0x1, v2;
	vm4 =	veq.s32 v21, v53  }
0x3f: {  	v33 =	vadd.s32 v57, v33;
	v60 =	vsel vm4, $0x1, v2;
	vm4 =	veq.s32 v20, v53  }
0x40: {  	v32 =	vadd.s32 v58, v32;
	v61 =	vsel vm4, $0x1, v2;
	vm4 =	veq.s32 v19, v53  }
0x41: {  	v31 =	vadd.s32 v59, v31;
	v62 =	vsel vm4, $0x1, v2;
	vm4 =	veq.s32 v18, v53  }
0x42: {  	v30 =	vadd.s32 v60, v30;
	v29 =	vadd.s32 v61, v29;
	v44 =	vsel vm4, $0x1, v2  }
0x43: {  	vm4 =	veq.s32 v17, v53;
	v28 =	vadd.s32 v62, v28;
	v62 =	vperm.xlane v20, v35  }
0x44: {  	v37 =	vsel vm4, $0x1, v2;
	vm4 =	veq.s32 v25, v63;
	v27 =	vadd.s32 v44, v27  }
0x45: {  	v45 =	vsel vm4, $0x1, v2;
	vm4 =	veq.s32 v24, v63;
	v26 =	vadd.s32 v37, v26  }
0x46: {  	v46 =	vsel vm4, $0x1, v2;
	vm4 =	veq.s32 v23, v63;
	v34 =	vadd.s32 v45, v34  }
0x47: {  	v47 =	vsel vm4, $0x1, v2;
	vm4 =	veq.s32 v22, v63;
	v33 =	vadd.s32 v46, v33  }
0x48: {  	v48 =	vsel vm4, $0x1, v2;
	vm4 =	veq.s32 v21, v63;
	v32 =	vadd.s32 v47, v32  }
0x49: {  	v49 =	vsel vm4, $0x1, v2;
	vm4 =	veq.s32 v20, v63;
	v31 =	vadd.s32 v48, v31  }
0x4a: {  	v48 =	vperm.xlane v19, v35;
	v50 =	vsel vm4, $0x1, v2;
	vm4 =	veq.s32 v19, v63  }
0x4b: {  	v30 =	vadd.s32 v49, v30;
	v51 =	vsel vm4, $0x1, v2;
	vm4 =	veq.s32 v18, v63  }
0x4c: {  	v29 =	vadd.s32 v50, v29;
	v53 =	vsel vm4, $0x1, v2;
	vm4 =	veq.s32 v17, v63  }
0x4d: {  	v28 =	vadd.s32 v51, v28;
	v54 =	vsel vm4, $0x1, v2;
	vm4 =	veq.s32 v25, v52  }
0x4e: {  	v27 =	vadd.s32 v53, v27;
	v55 =	vsel vm4, $0x1, v2;
	vm4 =	veq.s32 v24, v52  }
0x4f: {  	v26 =	vadd.s32 v54, v26;
	v56 =	vsel vm4, $0x1, v2;
	vm4 =	veq.s32 v23, v52  }
0x50: {  	v34 =	vadd.s32 v55, v34;
	v57 =	vsel vm4, $0x1, v2;
	vm4 =	veq.s32 v22, v52  }
0x51: {  	v33 =	vadd.s32 v56, v33;
	v58 =	vsel vm4, $0x1, v2;
	vm4 =	veq.s32 v21, v52  }
0x52: {  	v32 =	vadd.s32 v57, v32;
	v59 =	vsel vm4, $0x1, v2;
	vm4 =	veq.s32 v20, v52  }
0x53: {  	v57 =	vperm.xlane v18, v35;
	v60 =	vsel vm4, $0x1, v2;
	vm4 =	veq.s32 v19, v52  }
0x54: {  	v31 =	vadd.s32 v58, v31;
	v61 =	vsel vm4, $0x1, v2;
	vm4 =	veq.s32 v18, v52  }
0x55: {  	v30 =	vadd.s32 v59, v30;
	v63 =	vsel vm4, $0x1, v2;
	vm4 =	veq.s32 v17, v52  }
0x56: {  	v29 =	vadd.s32 v60, v29;
	v40 =	vsel vm4, $0x1, v2;
	vm4 =	veq.s32 v25, v62  }
0x57: {  	v28 =	vadd.s32 v61, v28;
	v41 =	vsel vm4, $0x1, v2;
	vm4 =	veq.s32 v24, v62  }
0x58: {  	v27 =	vadd.s32 v63, v27;
	v42 =	vsel vm4, $0x1, v2;
	vm4 =	veq.s32 v23, v62  }
0x59: {  	v26 =	vadd.s32 v40, v26;
	v43 =	vsel vm4, $0x1, v2;
	vm4 =	veq.s32 v22, v62  }
0x5a: {  	v34 =	vadd.s32 v41, v34;
	v33 =	vadd.s32 v42, v33;
	v44 =	vsel vm4, $0x1, v2  }
0x5b: {  	v32 =	vadd.s32 v43, v32;
	vm4 =	veq.s32 v21, v62;
	v31 =	vadd.s32 v44, v31  }
0x5c: {  	v45 =	vsel vm4, $0x1, v2;
	vm4 =	veq.s32 v20, v62;
	v44 =	vperm.xlane v17, v35  }
0x5d: {  	v30 =	vadd.s32 v45, v30;
	v46 =	vsel vm4, $0x1, v2;
	vm4 =	veq.s32 v19, v62  }
0x5e: {  	v47 =	vsel vm4, $0x1, v2;
	vm4 =	veq.s32 v18, v62;
	v29 =	vadd.s32 v46, v29  }
0x5f: {  	v49 =	vsel vm4, $0x1, v2;
	vm4 =	veq.s32 v17, v62;
	v28 =	vadd.s32 v47, v28  }
0x60: {  	v37 =	vsel vm4, $0x1, v2;
	vm4 =	veq.s32 v25, v48;
	v27 =	vadd.s32 v49, v27  }
0x61: {  	v50 =	vsel vm4, $0x1, v2;
	vm4 =	veq.s32 v24, v48;
	v26 =	vadd.s32 v37, v26  }
0x62: {  	v51 =	vsel vm4, $0x1, v2;
	vm4 =	veq.s32 v23, v48;
	v34 =	vadd.s32 v50, v34  }
0x63: {  	v52 =	vsel vm4, $0x1, v2;
	vm4 =	veq.s32 v22, v48;
	v33 =	vadd.s32 v51, v33  }
0x64: {  	v53 =	vsel vm4, $0x1, v2;
	vm4 =	veq.s32 v21, v48;
	v32 =	vadd.s32 v52, v32  }
0x65: {  	v54 =	vsel vm4, $0x1, v2;
	vm4 =	veq.s32 v20, v48;
	v31 =	vadd.s32 v53, v31  }
0x66: {  	v55 =	vsel vm4, $0x1, v2;
	vm4 =	veq.s32 v19, v48;
	v30 =	vadd.s32 v54, v30  }
0x67: {  	v54 =	vperm.xlane v16, v35;
	v56 =	vsel vm4, $0x1, v2;
	vm4 =	veq.s32 v18, v48  }
0x68: {  	v29 =	vadd.s32 v55, v29;
	v58 =	vsel vm4, $0x1, v2;
	vm4 =	veq.s32 v17, v48  }
0x69: {  	v28 =	vadd.s32 v56, v28;
	v59 =	vsel vm4, $0x1, v2;
	vm4 =	veq.s32 v25, v57  }
0x6a: {  	v27 =	vadd.s32 v58, v27;
	v60 =	vsel vm4, $0x1, v2;
	vm4 =	veq.s32 v24, v57  }
0x6b: {  	v26 =	vadd.s32 v59, v26;
	v61 =	vsel vm4, $0x1, v2;
	vm4 =	veq.s32 v23, v57  }
0x6c: {  	v34 =	vadd.s32 v60, v34;
	v62 =	vsel vm4, $0x1, v2;
	vm4 =	veq.s32 v22, v57  }
0x6d: {  	v33 =	vadd.s32 v61, v33;
	v63 =	vsel vm4, $0x1, v2;
	vm4 =	veq.s32 v21, v57  }
0x6e: {  	v32 =	vadd.s32 v62, v32;
	v41 =	vsel vm4, $0x1, v2;
	vm4 =	veq.s32 v20, v57  }
0x6f: {  	v31 =	vadd.s32 v63, v31;
	v42 =	vsel vm4, $0x1, v2;
	vm4 =	veq.s32 v19, v57  }
0x70: {  	v63 =	vperm.xlane v15, v35;
	v43 =	vsel vm4, $0x1, v2;
	vm4 =	veq.s32 v18, v57  }
0x71: {  	v30 =	vadd.s32 v41, v30;
	v45 =	vsel vm4, $0x1, v2;
	vm4 =	veq.s32 v17, v57  }
0x72: {  	v29 =	vadd.s32 v42, v29;
	v46 =	vsel vm4, $0x1, v2;
	vm4 =	veq.s32 v25, v44  }
0x73: {  	v28 =	vadd.s32 v43, v28;
	v47 =	vsel vm4, $0x1, v2;
	vm4 =	veq.s32 v24, v44  }
0x74: {  	v27 =	vadd.s32 v45, v27;
	v48 =	vsel vm4, $0x1, v2;
	vm4 =	veq.s32 v23, v44  }
0x75: {  	v26 =	vadd.s32 v46, v26;
	v49 =	vsel vm4, $0x1, v2;
	vm4 =	veq.s32 v22, v44  }
0x76: {  	v34 =	vadd.s32 v47, v34;
	v50 =	vsel vm4, $0x1, v2;
	vm4 =	veq.s32 v21, v44  }
0x77: {  	v33 =	vadd.s32 v48, v33;
	v51 =	vsel vm4, $0x1, v2;
	vm4 =	veq.s32 v20, v44  }
0x78: {  	v32 =	vadd.s32 v49, v32;
	v52 =	vsel vm4, $0x1, v2;
	vm4 =	veq.s32 v19, v44  }
0x79: {  	v31 =	vadd.s32 v50, v31;
	v30 =	vadd.s32 v51, v30;
	v53 =	vsel vm4, $0x1, v2  }
0x7a: {  	vm4 =	veq.s32 v18, v44;
	v29 =	vadd.s32 v52, v29;
	v52 =	vperm.xlane v14, v35  }
0x7b: {  	v55 =	vsel vm4, $0x1, v2;
	vm4 =	veq.s32 v17, v44;
	v28 =	vadd.s32 v53, v28  }
0x7c: {  	v37 =	vsel vm4, $0x1, v2;
	vm4 =	veq.s32 v25, v54;
	v27 =	vadd.s32 v55, v27  }
0x7d: {  	v56 =	vsel vm4, $0x1, v2;
	vm4 =	veq.s32 v24, v54;
	v26 =	vadd.s32 v37, v26  }
0x7e: {  	v57 =	vsel vm4, $0x1, v2;
	vm4 =	veq.s32 v23, v54;
	v34 =	vadd.s32 v56, v34  }
0x7f: {  	v58 =	vsel vm4, $0x1, v2;
	vm4 =	veq.s32 v22, v54;
	v33 =	vadd.s32 v57, v33  }
0x80: {  	v59 =	vsel vm4, $0x1, v2;
	vm4 =	veq.s32 v21, v54;
	v32 =	vadd.s32 v58, v32  }
0x81: {  	v60 =	vsel vm4, $0x1, v2;
	vm4 =	veq.s32 v20, v54;
	v31 =	vadd.s32 v59, v31  }
0x82: {  	v61 =	vsel vm4, $0x1, v2;
	vm4 =	veq.s32 v19, v54;
	v30 =	vadd.s32 v60, v30  }
0x83: {  	v62 =	vsel vm4, $0x1, v2;
	vm4 =	veq.s32 v18, v54;
	v29 =	vadd.s32 v61, v29  }
0x84: {  	v43 =	vsel vm4, $0x1, v2;
	vm4 =	veq.s32 v17, v54;
	v28 =	vadd.s32 v62, v28  }
0x85: {  	v62 =	vperm.xlane v13, v35;
	v44 =	vsel vm4, $0x1, v2;
	vm4 =	veq.s32 v25, v63  }
0x86: {  	v27 =	vadd.s32 v43, v27;
	v45 =	vsel vm4, $0x1, v2;
	vm4 =	veq.s32 v24, v63  }
0x87: {  	v26 =	vadd.s32 v44, v26;
	v46 =	vsel vm4, $0x1, v2;
	vm4 =	veq.s32 v23, v63  }
0x88: {  	v34 =	vadd.s32 v45, v34;
	v47 =	vsel vm4, $0x1, v2;
	vm4 =	veq.s32 v22, v63  }
0x89: {  	v33 =	vadd.s32 v46, v33;
	v48 =	vsel vm4, $0x1, v2;
	vm4 =	veq.s32 v21, v63  }
0x8a: {  	v32 =	vadd.s32 v47, v32;
	v49 =	vsel vm4, $0x1, v2;
	vm4 =	veq.s32 v20, v63  }
0x8b: {  	v47 =	vperm.xlane v10, v35;
	v50 =	vsel vm4, $0x1, v2;
	vm4 =	veq.s32 v19, v63  }
0x8c: {  	v31 =	vadd.s32 v48, v31;
	v51 =	vsel vm4, $0x1, v2;
	vm4 =	veq.s32 v18, v63  }
0x8d: {  	v30 =	vadd.s32 v49, v30;
	v53 =	vsel vm4, $0x1, v2;
	vm4 =	veq.s32 v17, v63  }
0x8e: {  	v29 =	vadd.s32 v50, v29;
	v54 =	vsel vm4, $0x1, v2;
	vm4 =	veq.s32 v25, v52  }
0x8f: {  	v28 =	vadd.s32 v51, v28;
	v55 =	vsel vm4, $0x1, v2;
	vm4 =	veq.s32 v24, v52  }
0x90: {  	v27 =	vadd.s32 v53, v27;
	v56 =	vsel vm4, $0x1, v2;
	vm4 =	veq.s32 v23, v52  }
0x91: {  	v26 =	vadd.s32 v54, v26;
	v34 =	vadd.s32 v55, v34;
	v57 =	vsel vm4, $0x1, v2  }
0x92: {  	v33 =	vadd.s32 v56, v33;
	vm4 =	veq.s32 v22, v52;
	v32 =	vadd.s32 v57, v32  }
0x93: {  	v58 =	vsel vm4, $0x1, v2;
	vm4 =	veq.s32 v21, v52;
	v57 =	vperm.xlane v11, v35  }
0x94: {  	v35 =	vperm.xlane v12, v35;
	v59 =	vsel vm4, $0x1, v2;
	vm4 =	veq.s32 v20, v52  }
0x95: {  	v31 =	vadd.s32 v58, v31;
	v60 =	vsel vm4, $0x1, v2;
	vm4 =	veq.s32 v19, v52  }
0x96: {  	v30 =	vadd.s32 v59, v30;
	v61 =	vsel vm4, $0x1, v2;
	vm4 =	veq.s32 v18, v52  }
0x97: {  	v29 =	vadd.s32 v60, v29;
	v63 =	vsel vm4, $0x1, v2;
	vm4 =	veq.s32 v17, v52  }
0x98: {  	v28 =	vadd.s32 v61, v28;
	v37 =	vsel vm4, $0x1, v2;
	vm4 =	veq.s32 v25, v62  }
0x99: {  	v27 =	vadd.s32 v63, v27;
	v40 =	vsel vm4, $0x1, v2;
	vm4 =	veq.s32 v24, v62  }
0x9a: {  	v26 =	vadd.s32 v37, v26;
	v41 =	vsel vm4, $0x1, v2;
	vm4 =	veq.s32 v23, v62  }
0x9b: {  	v34 =	vadd.s32 v40, v34;
	v42 =	vsel vm4, $0x1, v2;
	vm4 =	veq.s32 v22, v62  }
0x9c: {  	v33 =	vadd.s32 v41, v33;
	v43 =	vsel vm4, $0x1, v2;
	vm4 =	veq.s32 v21, v62  }
0x9d: {  	v32 =	vadd.s32 v42, v32;
	v44 =	vsel vm4, $0x1, v2;
	vm4 =	veq.s32 v20, v62  }
0x9e: {  	v31 =	vadd.s32 v43, v31;
	v45 =	vsel vm4, $0x1, v2;
	vm4 =	veq.s32 v19, v62  }
0x9f: {  	v30 =	vadd.s32 v44, v30;
	v46 =	vsel vm4, $0x1, v2;
	vm4 =	veq.s32 v18, v62  }
0xa0: {  	v29 =	vadd.s32 v45, v29;
	v48 =	vsel vm4, $0x1, v2;
	vm4 =	veq.s32 v17, v62  }
0xa1: {  	v28 =	vadd.s32 v46, v28;
	v49 =	vsel vm4, $0x1, v2;
	vm4 =	veq.s32 v25, v47  }
0xa2: {  	v27 =	vadd.s32 v48, v27;
	v50 =	vsel vm4, $0x1, v2;
	vm4 =	veq.s32 v24, v47  }
0xa3: {  	v26 =	vadd.s32 v49, v26;
	v51 =	vsel vm4, $0x1, v2;
	vm4 =	veq.s32 v23, v47  }
0xa4: {  	v34 =	vadd.s32 v50, v34;
	v52 =	vsel vm4, $0x1, v2;
	vm4 =	veq.s32 v22, v47  }
0xa5: {  	v33 =	vadd.s32 v51, v33;
	v53 =	vsel vm4, $0x1, v2;
	vm4 =	veq.s32 v21, v47  }
0xa6: {  	v32 =	vadd.s32 v52, v32;
	v54 =	vsel vm4, $0x1, v2;
	vm4 =	veq.s32 v20, v47  }
0xa7: {  	v31 =	vadd.s32 v53, v31;
	v55 =	vsel vm4, $0x1, v2;
	vm4 =	veq.s32 v19, v47  }
0xa8: {  	v30 =	vadd.s32 v54, v30;
	v56 =	vsel vm4, $0x1, v2;
	vm4 =	veq.s32 v18, v47  }
0xa9: {  	v29 =	vadd.s32 v55, v29;
	v58 =	vsel vm4, $0x1, v2;
	vm4 =	veq.s32 v17, v47  }
0xaa: {  	v28 =	vadd.s32 v56, v28;
	v59 =	vsel vm4, $0x1, v2;
	vm4 =	veq.s32 v25, v57  }
0xab: {  	v27 =	vadd.s32 v58, v27;
	v60 =	vsel vm4, $0x1, v2;
	vm4 =	veq.s32 v24, v57  }
0xac: {  	v26 =	vadd.s32 v59, v26;
	v61 =	vsel vm4, $0x1, v2;
	vm4 =	veq.s32 v23, v57  }
0xad: {  	v34 =	vadd.s32 v60, v34;
	v62 =	vsel vm4, $0x1, v2;
	vm4 =	veq.s32 v22, v57  }
0xae: {  	v33 =	vadd.s32 v61, v33;
	v63 =	vsel vm4, $0x1, v2;
	vm4 =	veq.s32 v21, v57  }
0xaf: {  	v32 =	vadd.s32 v62, v32;
	v40 =	vsel vm4, $0x1, v2;
	vm4 =	veq.s32 v20, v57  }
0xb0: {  	v31 =	vadd.s32 v63, v31;
	v41 =	vsel vm4, $0x1, v2;
	vm4 =	veq.s32 v19, v57  }
0xb1: {  	v30 =	vadd.s32 v40, v30;
	v42 =	vsel vm4, $0x1, v2;
	vm4 =	veq.s32 v18, v57  }
0xb2: {  	v29 =	vadd.s32 v41, v29;
	v43 =	vsel vm4, $0x1, v2;
	vm4 =	veq.s32 v17, v57  }
0xb3: {  	v28 =	vadd.s32 v42, v28;
	v37 =	vsel vm4, $0x1, v2;
	vm4 =	veq.s32 v25, v35  }
0xb4: {  	v27 =	vadd.s32 v43, v27;
	v44 =	vsel vm4, $0x1, v2;
	vm4 =	veq.s32 v24, v35  }
0xb5: {  	v37 =	vadd.s32 v37, v26;
	v26 =	vsel vm4, $0x1, v2;
	vm4 =	veq.s32 v23, v35  }
0xb6: {  	v34 =	vadd.s32 v44, v34;
	v45 =	vsel vm4, $0x1, v2;
	vm4 =	veq.s32 v22, v35  }
0xb7: {  	v33 =	vadd.s32 v26, v33;
	v26 =	vsel vm4, $0x1, v2;
	vm4 =	veq.s32 v21, v35  }
0xb8: {  	s11 =	sadd.s32 $0x1, s10;
	v32 =	vadd.s32 v45, v32;
	v31 =	vadd.s32 v26, v31;
	v26 =	vsel vm4, $0x1, v2  }
0xb9: {  	vm4 =	veq.s32 v20, v35;
	v30 =	vadd.s32 v26, v30;
	v26 =	vadd.s32 s11, v1  }
0xba: {  	v46 =	vsel vm4, $0x1, v2;
	vm4 =	veq.s32 v19, v35;
	v26 =	vand.u32 $0xF, v26  }
0xbb: {  	v47 =	vsel vm4, $0x1, v2;
	vm4 =	veq.s32 v18, v35;
	v29 =	vadd.s32 v46, v29  }
0xbc: {  	v48 =	vperm.xlane v25, v26;
	v49 =	vsel vm4, $0x1, v2;
	vm4 =	veq.s32 v17, v35  }
0xbd: {  	v28 =	vadd.s32 v47, v28;
	v57 =	vperm.xlane v24, v26;
	v44 =	vperm.xlane v23, v26  }
0xbe: {  	v35 =	vsel vm4, $0x1, v2;
	v27 =	vadd.s32 v49, v27;
	vm4 =	veq.s32 v25, v48  }
0xbf: {  	v35 =	vadd.s32 v35, v37;
	v50 =	vsel vm4, $0x1, v2;
	vm4 =	veq.s32 v24, v48  }
0xc0: {  	v51 =	vsel vm4, $0x1, v2;
	vm4 =	veq.s32 v23, v48;
	v34 =	vadd.s32 v50, v34  }
0xc1: {  	v52 =	vsel vm4, $0x1, v2;
	vm4 =	veq.s32 v22, v48;
	v33 =	vadd.s32 v51, v33  }
0xc2: {  	v53 =	vsel vm4, $0x1, v2;
	vm4 =	veq.s32 v21, v48;
	v32 =	vadd.s32 v52, v32  }
0xc3: {  	v54 =	vsel vm4, $0x1, v2;
	vm4 =	veq.s32 v20, v48;
	v31 =	vadd.s32 v53, v31  }
0xc4: {  	v55 =	vsel vm4, $0x1, v2;
	vm4 =	veq.s32 v19, v48;
	v30 =	vadd.s32 v54, v30  }
0xc5: {  	v54 =	vperm.xlane v22, v26;
	v56 =	vsel vm4, $0x1, v2;
	vm4 =	veq.s32 v18, v48  }
0xc6: {  	v29 =	vadd.s32 v55, v29;
	v58 =	vsel vm4, $0x1, v2;
	vm4 =	veq.s32 v17, v48  }
0xc7: {  	v28 =	vadd.s32 v56, v28;
	v59 =	vsel vm4, $0x1, v2;
	vm4 =	veq.s32 v25, v57  }
0xc8: {  	v27 =	vadd.s32 v58, v27;
	v60 =	vsel vm4, $0x1, v2;
	vm4 =	veq.s32 v24, v57  }
0xc9: {  	v35 =	vadd.s32 v59, v35;
	v61 =	vsel vm4, $0x1, v2;
	vm4 =	veq.s32 v23, v57  }
0xca: {  	v34 =	vadd.s32 v60, v34;
	v62 =	vsel vm4, $0x1, v2;
	vm4 =	veq.s32 v22, v57  }
0xcb: {  	v33 =	vadd.s32 v61, v33;
	v63 =	vsel vm4, $0x1, v2;
	vm4 =	veq.s32 v21, v57  }
0xcc: {  	v32 =	vadd.s32 v62, v32;
	v41 =	vsel vm4, $0x1, v2;
	vm4 =	veq.s32 v20, v57  }
0xcd: {  	v31 =	vadd.s32 v63, v31;
	v42 =	vsel vm4, $0x1, v2;
	vm4 =	veq.s32 v19, v57  }
0xce: {  	v63 =	vperm.xlane v21, v26;
	v43 =	vsel vm4, $0x1, v2;
	vm4 =	veq.s32 v18, v57  }
0xcf: {  	v30 =	vadd.s32 v41, v30;
	v45 =	vsel vm4, $0x1, v2;
	vm4 =	veq.s32 v17, v57  }
0xd0: {  	v29 =	vadd.s32 v42, v29;
	v46 =	vsel vm4, $0x1, v2;
	vm4 =	veq.s32 v25, v44  }
0xd1: {  	v28 =	vadd.s32 v43, v28;
	v47 =	vsel vm4, $0x1, v2;
	vm4 =	veq.s32 v24, v44  }
0xd2: {  	v27 =	vadd.s32 v45, v27;
	v48 =	vsel vm4, $0x1, v2;
	vm4 =	veq.s32 v23, v44  }
0xd3: {  	v35 =	vadd.s32 v46, v35;
	v49 =	vsel vm4, $0x1, v2;
	vm4 =	veq.s32 v22, v44  }
0xd4: {  	v34 =	vadd.s32 v47, v34;
	v50 =	vsel vm4, $0x1, v2;
	vm4 =	veq.s32 v21, v44  }
0xd5: {  	v33 =	vadd.s32 v48, v33;
	v51 =	vsel vm4, $0x1, v2;
	vm4 =	veq.s32 v20, v44  }
0xd6: {  	v32 =	vadd.s32 v49, v32;
	v52 =	vsel vm4, $0x1, v2;
	vm4 =	veq.s32 v19, v44  }
0xd7: {  	v31 =	vadd.s32 v50, v31;
	v53 =	vsel vm4, $0x1, v2;
	vm4 =	veq.s32 v18, v44  }
0xd8: {  	v30 =	vadd.s32 v51, v30;
	v29 =	vadd.s32 v52, v29;
	v55 =	vsel vm4, $0x1, v2  }
0xd9: {  	vm4 =	veq.s32 v17, v44;
	v28 =	vadd.s32 v53, v28;
	v53 =	vperm.xlane v20, v26  }
0xda: {  	v37 =	vsel vm4, $0x1, v2;
	vm4 =	veq.s32 v25, v54;
	v27 =	vadd.s32 v55, v27  }
0xdb: {  	v56 =	vsel vm4, $0x1, v2;
	vm4 =	veq.s32 v24, v54;
	v35 =	vadd.s32 v37, v35  }
0xdc: {  	v57 =	vsel vm4, $0x1, v2;
	vm4 =	veq.s32 v23, v54;
	v34 =	vadd.s32 v56, v34  }
0xdd: {  	v58 =	vsel vm4, $0x1, v2;
	vm4 =	veq.s32 v22, v54;
	v33 =	vadd.s32 v57, v33  }
0xde: {  	v59 =	vsel vm4, $0x1, v2;
	vm4 =	veq.s32 v21, v54;
	v32 =	vadd.s32 v58, v32  }
0xdf: {  	v60 =	vsel vm4, $0x1, v2;
	vm4 =	veq.s32 v20, v54;
	v31 =	vadd.s32 v59, v31  }
0xe0: {  	v61 =	vsel vm4, $0x1, v2;
	vm4 =	veq.s32 v19, v54;
	v30 =	vadd.s32 v60, v30  }
0xe1: {  	v62 =	vsel vm4, $0x1, v2;
	vm4 =	veq.s32 v18, v54;
	v29 =	vadd.s32 v61, v29  }
0xe2: {  	v44 =	vsel vm4, $0x1, v2;
	vm4 =	veq.s32 v17, v54;
	v28 =	vadd.s32 v62, v28  }
0xe3: {  	v45 =	vsel vm4, $0x1, v2;
	vm4 =	veq.s32 v25, v63;
	v27 =	vadd.s32 v44, v27  }
0xe4: {  	v46 =	vsel vm4, $0x1, v2;
	vm4 =	veq.s32 v24, v63;
	v35 =	vadd.s32 v45, v35  }
0xe5: {  	v47 =	vsel vm4, $0x1, v2;
	vm4 =	veq.s32 v23, v63;
	v34 =	vadd.s32 v46, v34  }
0xe6: {  	v48 =	vsel vm4, $0x1, v2;
	vm4 =	veq.s32 v22, v63;
	v33 =	vadd.s32 v47, v33  }
0xe7: {  	v49 =	vsel vm4, $0x1, v2;
	vm4 =	veq.s32 v21, v63;
	v32 =	vadd.s32 v48, v32  }
0xe8: {  	v50 =	vsel vm4, $0x1, v2;
	vm4 =	veq.s32 v20, v63;
	v31 =	vadd.s32 v49, v31  }
0xe9: {  	v51 =	vsel vm4, $0x1, v2;
	v30 =	vadd.s32 v50, v30;
	vm4 =	veq.s32 v19, v63  }
0xea: {  	v29 =	vadd.s32 v51, v29;
	v52 =	vsel vm4, $0x1, v2;
	vm4 =	veq.s32 v18, v63  }
0xeb: {  	v28 =	vadd.s32 v52, v28;
	v54 =	vsel vm4, $0x1, v2;
	vm4 =	veq.s32 v17, v63  }
0xec: {  	v63 =	vperm.xlane v19, v26;
	v55 =	vsel vm4, $0x1, v2;
	vm4 =	veq.s32 v25, v53  }
0xed: {  	v52 =	vperm.xlane v18, v26;
	v56 =	vsel vm4, $0x1, v2;
	vm4 =	veq.s32 v24, v53  }
0xee: {  	v27 =	vadd.s32 v54, v27;
	v57 =	vsel vm4, $0x1, v2;
	vm4 =	veq.s32 v23, v53  }
0xef: {  	v35 =	vadd.s32 v55, v35;
	v58 =	vsel vm4, $0x1, v2;
	vm4 =	veq.s32 v22, v53  }
0xf0: {  	v34 =	vadd.s32 v56, v34;
	v59 =	vsel vm4, $0x1, v2;
	vm4 =	veq.s32 v21, v53  }
0xf1: {  	v33 =	vadd.s32 v57, v33;
	v60 =	vsel vm4, $0x1, v2;
	vm4 =	veq.s32 v20, v53  }
0xf2: {  	v32 =	vadd.s32 v58, v32;
	v61 =	vsel vm4, $0x1, v2;
	vm4 =	veq.s32 v19, v53  }
0xf3: {  	v31 =	vadd.s32 v59, v31;
	v62 =	vsel vm4, $0x1, v2;
	vm4 =	veq.s32 v18, v53  }
0xf4: {  	v30 =	vadd.s32 v60, v30;
	v29 =	vadd.s32 v61, v29;
	v44 =	vsel vm4, $0x1, v2  }
0xf5: {  	vm4 =	veq.s32 v17, v53;
	v28 =	vadd.s32 v62, v28;
	v62 =	vperm.xlane v17, v26  }
0xf6: {  	v37 =	vsel vm4, $0x1, v2;
	vm4 =	veq.s32 v25, v63;
	v27 =	vadd.s32 v44, v27  }
0xf7: {  	v45 =	vsel vm4, $0x1, v2;
	vm4 =	veq.s32 v24, v63;
	v35 =	vadd.s32 v37, v35  }
0xf8: {  	v46 =	vsel vm4, $0x1, v2;
	vm4 =	veq.s32 v23, v63;
	v34 =	vadd.s32 v45, v34  }
0xf9: {  	v47 =	vsel vm4, $0x1, v2;
	vm4 =	veq.s32 v22, v63;
	v33 =	vadd.s32 v46, v33  }
0xfa: {  	v48 =	vsel vm4, $0x1, v2;
	vm4 =	veq.s32 v21, v63;
	v32 =	vadd.s32 v47, v32  }
0xfb: {  	v49 =	vsel vm4, $0x1, v2;
	vm4 =	veq.s32 v20, v63;
	v31 =	vadd.s32 v48, v31  }
0xfc: {  	v48 =	vperm.xlane v16, v26;
	v50 =	vsel vm4, $0x1, v2;
	vm4 =	veq.s32 v19, v63  }
0xfd: {  	v30 =	vadd.s32 v49, v30;
	v51 =	vsel vm4, $0x1, v2;
	vm4 =	veq.s32 v18, v63  }
0xfe: {  	v29 =	vadd.s32 v50, v29;
	v53 =	vsel vm4, $0x1, v2;
	vm4 =	veq.s32 v17, v63  }
0xff: {  	v28 =	vadd.s32 v51, v28;
	v54 =	vsel vm4, $0x1, v2;
	vm4 =	veq.s32 v25, v52  }
0x100: {  	v27 =	vadd.s32 v53, v27;
	v55 =	vsel vm4, $0x1, v2;
	vm4 =	veq.s32 v24, v52  }
0x101: {  	v35 =	vadd.s32 v54, v35;
	v56 =	vsel vm4, $0x1, v2;
	vm4 =	veq.s32 v23, v52  }
0x102: {  	v34 =	vadd.s32 v55, v34;
	v57 =	vsel vm4, $0x1, v2;
	vm4 =	veq.s32 v22, v52  }
0x103: {  	v33 =	vadd.s32 v56, v33;
	v58 =	vsel vm4, $0x1, v2;
	vm4 =	veq.s32 v21, v52  }
0x104: {  	v32 =	vadd.s32 v57, v32;
	v59 =	vsel vm4, $0x1, v2;
	vm4 =	veq.s32 v20, v52  }
0x105: {  	v57 =	vperm.xlane v15, v26;
	v60 =	vsel vm4, $0x1, v2;
	vm4 =	veq.s32 v19, v52  }
0x106: {  	v31 =	vadd.s32 v58, v31;
	v61 =	vsel vm4, $0x1, v2;
	vm4 =	veq.s32 v18, v52  }
0x107: {  	v30 =	vadd.s32 v59, v30;
	v63 =	vsel vm4, $0x1, v2;
	vm4 =	veq.s32 v17, v52  }
0x108: {  	v29 =	vadd.s32 v60, v29;
	v40 =	vsel vm4, $0x1, v2;
	vm4 =	veq.s32 v25, v62  }
0x109: {  	v28 =	vadd.s32 v61, v28;
	v41 =	vsel vm4, $0x1, v2;
	vm4 =	veq.s32 v24, v62  }
0x10a: {  	v27 =	vadd.s32 v63, v27;
	v42 =	vsel vm4, $0x1, v2;
	vm4 =	veq.s32 v23, v62  }
0x10b: {  	v35 =	vadd.s32 v40, v35;
	v43 =	vsel vm4, $0x1, v2;
	vm4 =	veq.s32 v22, v62  }
0x10c: {  	v34 =	vadd.s32 v41, v34;
	v33 =	vadd.s32 v42, v33;
	v44 =	vsel vm4, $0x1, v2  }
0x10d: {  	v32 =	vadd.s32 v43, v32;
	vm4 =	veq.s32 v21, v62;
	v31 =	vadd.s32 v44, v31  }
0x10e: {  	v45 =	vsel vm4, $0x1, v2;
	vm4 =	veq.s32 v20, v62;
	v44 =	vperm.xlane v14, v26  }
0x10f: {  	v30 =	vadd.s32 v45, v30;
	v46 =	vsel vm4, $0x1, v2;
	vm4 =	veq.s32 v19, v62  }
0x110: {  	v47 =	vsel vm4, $0x1, v2;
	vm4 =	veq.s32 v18, v62;
	v29 =	vadd.s32 v46, v29  }
0x111: {  	v49 =	vsel vm4, $0x1, v2;
	vm4 =	veq.s32 v17, v62;
	v28 =	vadd.s32 v47, v28  }
0x112: {  	v37 =	vsel vm4, $0x1, v2;
	vm4 =	veq.s32 v25, v48;
	v27 =	vadd.s32 v49, v27  }
0x113: {  	v50 =	vsel vm4, $0x1, v2;
	vm4 =	veq.s32 v24, v48;
	v35 =	vadd.s32 v37, v35  }
0x114: {  	v51 =	vsel vm4, $0x1, v2;
	vm4 =	veq.s32 v23, v48;
	v34 =	vadd.s32 v50, v34  }
0x115: {  	v52 =	vsel vm4, $0x1, v2;
	vm4 =	veq.s32 v22, v48;
	v33 =	vadd.s32 v51, v33  }
0x116: {  	v53 =	vsel vm4, $0x1, v2;
	vm4 =	veq.s32 v21, v48;
	v32 =	vadd.s32 v52, v32  }
0x117: {  	v54 =	vsel vm4, $0x1, v2;
	vm4 =	veq.s32 v20, v48;
	v31 =	vadd.s32 v53, v31  }
0x118: {  	v55 =	vsel vm4, $0x1, v2;
	vm4 =	veq.s32 v19, v48;
	v30 =	vadd.s32 v54, v30  }
0x119: {  	v54 =	vperm.xlane v13, v26;
	v56 =	vsel vm4, $0x1, v2;
	vm4 =	veq.s32 v18, v48  }
0x11a: {  	v29 =	vadd.s32 v55, v29;
	v58 =	vsel vm4, $0x1, v2;
	vm4 =	veq.s32 v17, v48  }
0x11b: {  	v28 =	vadd.s32 v56, v28;
	v59 =	vsel vm4, $0x1, v2;
	vm4 =	veq.s32 v25, v57  }
0x11c: {  	v27 =	vadd.s32 v58, v27;
	v60 =	vsel vm4, $0x1, v2;
	vm4 =	veq.s32 v24, v57  }
0x11d: {  	v35 =	vadd.s32 v59, v35;
	v61 =	vsel vm4, $0x1, v2;
	vm4 =	veq.s32 v23, v57  }
0x11e: {  	v34 =	vadd.s32 v60, v34;
	v62 =	vsel vm4, $0x1, v2;
	vm4 =	veq.s32 v22, v57  }
0x11f: {  	v33 =	vadd.s32 v61, v33;
	v63 =	vsel vm4, $0x1, v2;
	vm4 =	veq.s32 v21, v57  }
0x120: {  	v32 =	vadd.s32 v62, v32;
	v41 =	vsel vm4, $0x1, v2;
	vm4 =	veq.s32 v20, v57  }
0x121: {  	v31 =	vadd.s32 v63, v31;
	v42 =	vsel vm4, $0x1, v2;
	vm4 =	veq.s32 v19, v57  }
0x122: {  	v63 =	vperm.xlane v10, v26;
	v43 =	vsel vm4, $0x1, v2;
	vm4 =	veq.s32 v18, v57  }
0x123: {  	v30 =	vadd.s32 v41, v30;
	v45 =	vsel vm4, $0x1, v2;
	vm4 =	veq.s32 v17, v57  }
0x124: {  	v29 =	vadd.s32 v42, v29;
	v46 =	vsel vm4, $0x1, v2;
	vm4 =	veq.s32 v25, v44  }
0x125: {  	v28 =	vadd.s32 v43, v28;
	v47 =	vsel vm4, $0x1, v2;
	vm4 =	veq.s32 v24, v44  }
0x126: {  	v27 =	vadd.s32 v45, v27;
	v48 =	vsel vm4, $0x1, v2;
	vm4 =	veq.s32 v23, v44  }
0x127: {  	v35 =	vadd.s32 v46, v35;
	v49 =	vsel vm4, $0x1, v2;
	vm4 =	veq.s32 v22, v44  }
0x128: {  	v34 =	vadd.s32 v47, v34;
	v50 =	vsel vm4, $0x1, v2;
	vm4 =	veq.s32 v21, v44  }
0x129: {  	v33 =	vadd.s32 v48, v33;
	v51 =	vsel vm4, $0x1, v2;
	vm4 =	veq.s32 v20, v44  }
0x12a: {  	v32 =	vadd.s32 v49, v32;
	v52 =	vsel vm4, $0x1, v2;
	vm4 =	veq.s32 v19, v44  }
0x12b: {  	v31 =	vadd.s32 v50, v31;
	v53 =	vsel vm4, $0x1, v2;
	vm4 =	veq.s32 v18, v44  }
0x12c: {  	v30 =	vadd.s32 v51, v30;
	v29 =	vadd.s32 v52, v29;
	v55 =	vsel vm4, $0x1, v2  }
0x12d: {  	vm4 =	veq.s32 v17, v44;
	v28 =	vadd.s32 v53, v28;
	v53 =	vperm.xlane v11, v26  }
0x12e: {  	v37 =	vsel vm4, $0x1, v2;
	vm4 =	veq.s32 v25, v54;
	v27 =	vadd.s32 v55, v27  }
0x12f: {  	v56 =	vsel vm4, $0x1, v2;
	vm4 =	veq.s32 v24, v54;
	v35 =	vadd.s32 v37, v35  }
0x130: {  	v57 =	vsel vm4, $0x1, v2;
	vm4 =	veq.s32 v23, v54;
	v34 =	vadd.s32 v56, v34  }
0x131: {  	v58 =	vsel vm4, $0x1, v2;
	vm4 =	veq.s32 v22, v54;
	v33 =	vadd.s32 v57, v33  }
0x132: {  	v59 =	vsel vm4, $0x1, v2;
	vm4 =	veq.s32 v21, v54;
	v32 =	vadd.s32 v58, v32  }
0x133: {  	v60 =	vsel vm4, $0x1, v2;
	vm4 =	veq.s32 v20, v54;
	v31 =	vadd.s32 v59, v31  }
0x134: {  	v61 =	vsel vm4, $0x1, v2;
	vm4 =	veq.s32 v19, v54;
	v30 =	vadd.s32 v60, v30  }
0x135: {  	v62 =	vsel vm4, $0x1, v2;
	vm4 =	veq.s32 v18, v54;
	v29 =	vadd.s32 v61, v29  }
0x136: {  	v44 =	vsel vm4, $0x1, v2;
	vm4 =	veq.s32 v17, v54;
	v28 =	vadd.s32 v62, v28  }
0x137: {  	v45 =	vsel vm4, $0x1, v2;
	vm4 =	veq.s32 v25, v63;
	v27 =	vadd.s32 v44, v27  }
0x138: {  	v46 =	vsel vm4, $0x1, v2;
	vm4 =	veq.s32 v24, v63;
	v35 =	vadd.s32 v45, v35  }
0x139: {  	v47 =	vsel vm4, $0x1, v2;
	vm4 =	veq.s32 v23, v63;
	v34 =	vadd.s32 v46, v34  }
0x13a: {  	v48 =	vsel vm4, $0x1, v2;
	vm4 =	veq.s32 v22, v63;
	v33 =	vadd.s32 v47, v33  }
0x13b: {  	v49 =	vsel vm4, $0x1, v2;
	vm4 =	veq.s32 v21, v63;
	v32 =	vadd.s32 v48, v32  }
0x13c: {  	v50 =	vsel vm4, $0x1, v2;
	vm4 =	veq.s32 v20, v63;
	v31 =	vadd.s32 v49, v31  }
0x13d: {  	v51 =	vsel vm4, $0x1, v2;
	v30 =	vadd.s32 v50, v30;
	vm4 =	veq.s32 v19, v63  }
0x13e: {  	v29 =	vadd.s32 v51, v29;
	v52 =	vsel vm4, $0x1, v2;
	vm4 =	veq.s32 v18, v63  }
0x13f: {  	v28 =	vadd.s32 v52, v28;
	v54 =	vsel vm4, $0x1, v2;
	vm4 =	veq.s32 v17, v63  }
0x140: {  	v63 =	vperm.xlane v12, v26;
	v55 =	vsel vm4, $0x1, v2;
	vm4 =	veq.s32 v25, v53  }
0x141: {  	v27 =	vadd.s32 v54, v27;
	v56 =	vsel vm4, $0x1, v2;
	vm4 =	veq.s32 v24, v53  }
0x142: {  	v35 =	vadd.s32 v55, v35;
	v57 =	vsel vm4, $0x1, v2;
	vm4 =	veq.s32 v23, v53  }
0x143: {  	v34 =	vadd.s32 v56, v34;
	v58 =	vsel vm4, $0x1, v2;
	vm4 =	veq.s32 v22, v53  }
0x144: {  	v33 =	vadd.s32 v57, v33;
	v59 =	vsel vm4, $0x1, v2;
	vm4 =	veq.s32 v21, v53  }
0x145: {  	v32 =	vadd.s32 v58, v32;
	v60 =	vsel vm4, $0x1, v2;
	vm4 =	veq.s32 v20, v53  }
0x146: {  	v31 =	vadd.s32 v59, v31;
	v61 =	vsel vm4, $0x1, v2;
	vm4 =	veq.s32 v19, v53  }
0x147: {  	v30 =	vadd.s32 v60, v30;
	v62 =	vsel vm4, $0x1, v2;
	vm4 =	veq.s32 v18, v53  }
0x148: {  	v29 =	vadd.s32 v61, v29;
	v26 =	vsel vm4, $0x1, v2;
	vm4 =	veq.s32 v17, v53  }
0x149: {  	v28 =	vadd.s32 v62, v28;
	v42 =	vsel vm4, $0x1, v2;
	vm4 =	veq.s32 v25, v63  }
0x14a: {  	v27 =	vadd.s32 v26, v27;
	v26 =	vsel vm4, $0x1, v2;
	vm4 =	veq.s32 v24, v63  }
0x14b: {  	v35 =	vadd.s32 v42, v35;
	v43 =	vsel vm4, $0x1, v2;
	vm4 =	veq.s32 v23, v63  }
0x14c: {  	v34 =	vadd.s32 v26, v34;
	v26 =	vsel vm4, $0x1, v2;
	vm4 =	veq.s32 v22, v63  }
0x14d: {  	v33 =	vadd.s32 v43, v33;
	v44 =	vsel vm4, $0x1, v2;
	vm4 =	veq.s32 v21, v63  }
0x14e: {  	s30 =	sadd.s32 $0x2, s10;
	v32 =	vadd.s32 v26, v32;
	v31 =	vadd.s32 v44, v31;
	v26 =	vsel vm4, $0x1, v2  }
0x14f: {  	vm4 =	veq.s32 v20, v63;
	v30 =	vadd.s32 v26, v30;
	v26 =	vadd.s32 s30, v1  }
0x150: {  	v45 =	vsel vm4, $0x1, v2;
	vm4 =	veq.s32 v19, v63;
	v26 =	vand.u32 $0xF, v26  }
0x151: {  	v46 =	vsel vm4, $0x1, v2;
	vm4 =	veq.s32 v18, v63;
	v29 =	vadd.s32 v45, v29  }
0x152: {  	v47 =	vperm.xlane v25, v26;
	v48 =	vsel vm4, $0x1, v2;
	vm4 =	veq.s32 v17, v63  }
0x153: {  	v28 =	vadd.s32 v46, v28;
	v57 =	vperm.xlane v24, v26;
	v44 =	vperm.xlane v23, v26  }
0x154: {  	v49 =	vsel vm4, $0x1, v2;
	v27 =	vadd.s32 v48, v27;
	vm4 =	veq.s32 v25, v47  }
0x155: {  	v35 =	vadd.s32 v49, v35;
	v50 =	vsel vm4, $0x1, v2;
	vm4 =	veq.s32 v24, v47  }
0x156: {  	v51 =	vsel vm4, $0x1, v2;
	vm4 =	veq.s32 v23, v47;
	v34 =	vadd.s32 v50, v34  }
0x157: {  	v52 =	vsel vm4, $0x1, v2;
	vm4 =	veq.s32 v22, v47;
	v33 =	vadd.s32 v51, v33  }
0x158: {  	v53 =	vsel vm4, $0x1, v2;
	vm4 =	veq.s32 v21, v47;
	v32 =	vadd.s32 v52, v32  }
0x159: {  	v54 =	vsel vm4, $0x1, v2;
	vm4 =	veq.s32 v20, v47;
	v31 =	vadd.s32 v53, v31  }
0x15a: {  	v55 =	vsel vm4, $0x1, v2;
	vm4 =	veq.s32 v19, v47;
	v30 =	vadd.s32 v54, v30  }
0x15b: {  	v54 =	vperm.xlane v22, v26;
	v56 =	vsel vm4, $0x1, v2;
	vm4 =	veq.s32 v18, v47  }
0x15c: {  	v29 =	vadd.s32 v55, v29;
	v58 =	vsel vm4, $0x1, v2;
	vm4 =	veq.s32 v17, v47  }
0x15d: {  	v28 =	vadd.s32 v56, v28;
	v59 =	vsel vm4, $0x1, v2;
	vm4 =	veq.s32 v25, v57  }
0x15e: {  	v27 =	vadd.s32 v58, v27;
	v60 =	vsel vm4, $0x1, v2;
	vm4 =	veq.s32 v24, v57  }
0x15f: {  	v35 =	vadd.s32 v59, v35;
	v61 =	vsel vm4, $0x1, v2;
	vm4 =	veq.s32 v23, v57  }
0x160: {  	v34 =	vadd.s32 v60, v34;
	v62 =	vsel vm4, $0x1, v2;
	vm4 =	veq.s32 v22, v57  }
0x161: {  	v33 =	vadd.s32 v61, v33;
	v63 =	vsel vm4, $0x1, v2;
	vm4 =	veq.s32 v21, v57  }
0x162: {  	v32 =	vadd.s32 v62, v32;
	v41 =	vsel vm4, $0x1, v2;
	vm4 =	veq.s32 v20, v57  }
0x163: {  	v31 =	vadd.s32 v63, v31;
	v42 =	vsel vm4, $0x1, v2;
	vm4 =	veq.s32 v19, v57  }
0x164: {  	v63 =	vperm.xlane v21, v26;
	v43 =	vsel vm4, $0x1, v2;
	vm4 =	veq.s32 v18, v57  }
0x165: {  	v30 =	vadd.s32 v41, v30;
	v45 =	vsel vm4, $0x1, v2;
	vm4 =	veq.s32 v17, v57  }
0x166: {  	v29 =	vadd.s32 v42, v29;
	v46 =	vsel vm4, $0x1, v2;
	vm4 =	veq.s32 v25, v44  }
0x167: {  	v28 =	vadd.s32 v43, v28;
	v47 =	vsel vm4, $0x1, v2;
	vm4 =	veq.s32 v24, v44  }
0x168: {  	v27 =	vadd.s32 v45, v27;
	v48 =	vsel vm4, $0x1, v2;
	vm4 =	veq.s32 v23, v44  }
0x169: {  	v35 =	vadd.s32 v46, v35;
	v49 =	vsel vm4, $0x1, v2;
	vm4 =	veq.s32 v22, v44  }
0x16a: {  	v34 =	vadd.s32 v47, v34;
	v50 =	vsel vm4, $0x1, v2;
	vm4 =	veq.s32 v21, v44  }
0x16b: {  	v33 =	vadd.s32 v48, v33;
	v51 =	vsel vm4, $0x1, v2;
	vm4 =	veq.s32 v20, v44  }
0x16c: {  	v32 =	vadd.s32 v49, v32;
	v52 =	vsel vm4, $0x1, v2;
	vm4 =	veq.s32 v19, v44  }
0x16d: {  	v31 =	vadd.s32 v50, v31;
	v53 =	vsel vm4, $0x1, v2;
	vm4 =	veq.s32 v18, v44  }
0x16e: {  	v30 =	vadd.s32 v51, v30;
	v29 =	vadd.s32 v52, v29;
	v55 =	vsel vm4, $0x1, v2  }
0x16f: {  	vm4 =	veq.s32 v17, v44;
	v28 =	vadd.s32 v53, v28;
	v53 =	vperm.xlane v20, v26  }
0x170: {  	v37 =	vsel vm4, $0x1, v2;
	vm4 =	veq.s32 v25, v54;
	v27 =	vadd.s32 v55, v27  }
0x171: {  	v56 =	vsel vm4, $0x1, v2;
	vm4 =	veq.s32 v24, v54;
	v35 =	vadd.s32 v37, v35  }
0x172: {  	v57 =	vsel vm4, $0x1, v2;
	vm4 =	veq.s32 v23, v54;
	v34 =	vadd.s32 v56, v34  }
0x173: {  	v58 =	vsel vm4, $0x1, v2;
	vm4 =	veq.s32 v22, v54;
	v33 =	vadd.s32 v57, v33  }
0x174: {  	v59 =	vsel vm4, $0x1, v2;
	vm4 =	veq.s32 v21, v54;
	v32 =	vadd.s32 v58, v32  }
0x175: {  	v60 =	vsel vm4, $0x1, v2;
	vm4 =	veq.s32 v20, v54;
	v31 =	vadd.s32 v59, v31  }
0x176: {  	v61 =	vsel vm4, $0x1, v2;
	vm4 =	veq.s32 v19, v54;
	v30 =	vadd.s32 v60, v30  }
0x177: {  	v62 =	vsel vm4, $0x1, v2;
	vm4 =	veq.s32 v18, v54;
	v29 =	vadd.s32 v61, v29  }
0x178: {  	v44 =	vsel vm4, $0x1, v2;
	vm4 =	veq.s32 v17, v54;
	v28 =	vadd.s32 v62, v28  }
0x179: {  	v45 =	vsel vm4, $0x1, v2;
	vm4 =	veq.s32 v25, v63;
	v27 =	vadd.s32 v44, v27  }
0x17a: {  	v46 =	vsel vm4, $0x1, v2;
	vm4 =	veq.s32 v24, v63;
	v35 =	vadd.s32 v45, v35  }
0x17b: {  	v47 =	vsel vm4, $0x1, v2;
	vm4 =	veq.s32 v23, v63;
	v34 =	vadd.s32 v46, v34  }
0x17c: {  	v48 =	vsel vm4, $0x1, v2;
	vm4 =	veq.s32 v22, v63;
	v33 =	vadd.s32 v47, v33  }
0x17d: {  	v49 =	vsel vm4, $0x1, v2;
	vm4 =	veq.s32 v21, v63;
	v32 =	vadd.s32 v48, v32  }
0x17e: {  	v48 =	vperm.xlane v18, v26;
	v50 =	vsel vm4, $0x1, v2;
	vm4 =	veq.s32 v20, v63  }
0x17f: {  	v31 =	vadd.s32 v49, v31;
	v51 =	vsel vm4, $0x1, v2;
	vm4 =	veq.s32 v19, v63  }
0x180: {  	v30 =	vadd.s32 v50, v30;
	v52 =	vsel vm4, $0x1, v2;
	vm4 =	veq.s32 v18, v63  }
0x181: {  	v29 =	vadd.s32 v51, v29;
	v54 =	vsel vm4, $0x1, v2;
	vm4 =	veq.s32 v17, v63  }
0x182: {  	v28 =	vadd.s32 v52, v28;
	v55 =	vsel vm4, $0x1, v2;
	vm4 =	veq.s32 v25, v53  }
0x183: {  	v63 =	vperm.xlane v19, v26;
	v56 =	vsel vm4, $0x1, v2;
	vm4 =	veq.s32 v24, v53  }
0x184: {  	v27 =	vadd.s32 v54, v27;
	v57 =	vsel vm4, $0x1, v2;
	vm4 =	veq.s32 v23, v53  }
0x185: {  	v35 =	vadd.s32 v55, v35;
	v34 =	vadd.s32 v56, v34;
	v58 =	vsel vm4, $0x1, v2  }
0x186: {  	v33 =	vadd.s32 v57, v33;
	vm4 =	veq.s32 v22, v53;
	v32 =	vadd.s32 v58, v32  }
0x187: {  	v59 =	vsel vm4, $0x1, v2;
	vm4 =	veq.s32 v21, v53;
	v58 =	vperm.xlane v17, v26  }
0x188: {  	v31 =	vadd.s32 v59, v31;
	v60 =	vsel vm4, $0x1, v2;
	vm4 =	veq.s32 v20, v53  }
0x189: {  	v30 =	vadd.s32 v60, v30;
	v61 =	vsel vm4, $0x1, v2;
	vm4 =	veq.s32 v19, v53  }
0x18a: {  	v62 =	vsel vm4, $0x1, v2;
	vm4 =	veq.s32 v18, v53;
	v29 =	vadd.s32 v61, v29  }
0x18b: {  	v40 =	vsel vm4, $0x1, v2;
	vm4 =	veq.s32 v17, v53;
	v28 =	vadd.s32 v62, v28  }
0x18c: {  	v37 =	vsel vm4, $0x1, v2;
	vm4 =	veq.s32 v25, v63;
	v27 =	vadd.s32 v40, v27  }
0x18d: {  	v41 =	vsel vm4, $0x1, v2;
	vm4 =	veq.s32 v24, v63;
	v35 =	vadd.s32 v37, v35  }
0x18e: {  	v42 =	vsel vm4, $0x1, v2;
	vm4 =	veq.s32 v23, v63;
	v34 =	vadd.s32 v41, v34  }
0x18f: {  	v43 =	vsel vm4, $0x1, v2;
	vm4 =	veq.s32 v22, v63;
	v33 =	vadd.s32 v42, v33  }
0x190: {  	v44 =	vsel vm4, $0x1, v2;
	vm4 =	veq.s32 v21, v63;
	v32 =	vadd.s32 v43, v32  }
0x191: {  	v45 =	vsel vm4, $0x1, v2;
	vm4 =	veq.s32 v20, v63;
	v31 =	vadd.s32 v44, v31  }
0x192: {  	v44 =	vperm.xlane v16, v26;
	v46 =	vsel vm4, $0x1, v2;
	vm4 =	veq.s32 v19, v63  }
0x193: {  	v30 =	vadd.s32 v45, v30;
	v47 =	vsel vm4, $0x1, v2;
	vm4 =	veq.s32 v18, v63  }
0x194: {  	v29 =	vadd.s32 v46, v29;
	v49 =	vsel vm4, $0x1, v2;
	vm4 =	veq.s32 v17, v63  }
0x195: {  	v28 =	vadd.s32 v47, v28;
	v50 =	vsel vm4, $0x1, v2;
	vm4 =	veq.s32 v25, v48  }
0x196: {  	v27 =	vadd.s32 v49, v27;
	v51 =	vsel vm4, $0x1, v2;
	vm4 =	veq.s32 v24, v48  }
0x197: {  	v35 =	vadd.s32 v50, v35;
	v52 =	vsel vm4, $0x1, v2;
	vm4 =	veq.s32 v23, v48  }
0x198: {  	v34 =	vadd.s32 v51, v34;
	v53 =	vsel vm4, $0x1, v2;
	vm4 =	veq.s32 v22, v48  }
0x199: {  	v33 =	vadd.s32 v52, v33;
	v54 =	vsel vm4, $0x1, v2;
	vm4 =	veq.s32 v21, v48  }
0x19a: {  	v32 =	vadd.s32 v53, v32;
	v55 =	vsel vm4, $0x1, v2;
	vm4 =	veq.s32 v20, v48  }
0x19b: {  	v53 =	vperm.xlane v15, v26;
	v56 =	vsel vm4, $0x1, v2;
	vm4 =	veq.s32 v19, v48  }
0x19c: {  	v31 =	vadd.s32 v54, v31;
	v57 =	vsel vm4, $0x1, v2;
	vm4 =	veq.s32 v18, v48  }
0x19d: {  	v30 =	vadd.s32 v55, v30;
	v59 =	vsel vm4, $0x1, v2;
	vm4 =	veq.s32 v17, v48  }
0x19e: {  	v29 =	vadd.s32 v56, v29;
	v60 =	vsel vm4, $0x1, v2;
	vm4 =	veq.s32 v25, v58  }
0x19f: {  	v28 =	vadd.s32 v57, v28;
	v61 =	vsel vm4, $0x1, v2;
	vm4 =	veq.s32 v24, v58  }
0x1a0: {  	v27 =	vadd.s32 v59, v27;
	v62 =	vsel vm4, $0x1, v2;
	vm4 =	veq.s32 v23, v58  }
0x1a1: {  	v35 =	vadd.s32 v60, v35;
	v34 =	vadd.s32 v61, v34;
	v63 =	vsel vm4, $0x1, v2  }
0x1a2: {  	v33 =	vadd.s32 v62, v33;
	vm4 =	veq.s32 v22, v58;
	v32 =	vadd.s32 v63, v32  }
0x1a3: {  	v40 =	vsel vm4, $0x1, v2;
	vm4 =	veq.s32 v21, v58;
	v63 =	vperm.xlane v14, v26  }
0x1a4: {  	v31 =	vadd.s32 v40, v31;
	v41 =	vsel vm4, $0x1, v2;
	vm4 =	veq.s32 v20, v58  }
0x1a5: {  	v30 =	vadd.s32 v41, v30;
	v42 =	vsel vm4, $0x1, v2;
	vm4 =	veq.s32 v19, v58  }
0x1a6: {  	v43 =	vsel vm4, $0x1, v2;
	vm4 =	veq.s32 v18, v58;
	v29 =	vadd.s32 v42, v29  }
0x1a7: {  	v45 =	vsel vm4, $0x1, v2;
	vm4 =	veq.s32 v17, v58;
	v28 =	vadd.s32 v43, v28  }
0x1a8: {  	v37 =	vsel vm4, $0x1, v2;
	vm4 =	veq.s32 v25, v44;
	v27 =	vadd.s32 v45, v27  }
0x1a9: {  	v46 =	vsel vm4, $0x1, v2;
	vm4 =	veq.s32 v24, v44;
	v35 =	vadd.s32 v37, v35  }
0x1aa: {  	v47 =	vsel vm4, $0x1, v2;
	vm4 =	veq.s32 v23, v44;
	v34 =	vadd.s32 v46, v34  }
0x1ab: {  	v48 =	vsel vm4, $0x1, v2;
	vm4 =	veq.s32 v22, v44;
	v33 =	vadd.s32 v47, v33  }
0x1ac: {  	v49 =	vsel vm4, $0x1, v2;
	vm4 =	veq.s32 v21, v44;
	v32 =	vadd.s32 v48, v32  }
0x1ad: {  	v50 =	vsel vm4, $0x1, v2;
	vm4 =	veq.s32 v20, v44;
	v31 =	vadd.s32 v49, v31  }
0x1ae: {  	v51 =	vsel vm4, $0x1, v2;
	vm4 =	veq.s32 v19, v44;
	v30 =	vadd.s32 v50, v30  }
0x1af: {  	v52 =	vsel vm4, $0x1, v2;
	vm4 =	veq.s32 v18, v44;
	v29 =	vadd.s32 v51, v29  }
0x1b0: {  	v51 =	vperm.xlane v13, v26;
	v54 =	vsel vm4, $0x1, v2;
	vm4 =	veq.s32 v17, v44  }
0x1b1: {  	v28 =	vadd.s32 v52, v28;
	v55 =	vsel vm4, $0x1, v2;
	vm4 =	veq.s32 v25, v53  }
0x1b2: {  	v27 =	vadd.s32 v54, v27;
	v56 =	vsel vm4, $0x1, v2;
	vm4 =	veq.s32 v24, v53  }
0x1b3: {  	v35 =	vadd.s32 v55, v35;
	v57 =	vsel vm4, $0x1, v2;
	vm4 =	veq.s32 v23, v53  }
0x1b4: {  	v34 =	vadd.s32 v56, v34;
	v58 =	vsel vm4, $0x1, v2;
	vm4 =	veq.s32 v22, v53  }
0x1b5: {  	v33 =	vadd.s32 v57, v33;
	v59 =	vsel vm4, $0x1, v2;
	vm4 =	veq.s32 v21, v53  }
0x1b6: {  	v32 =	vadd.s32 v58, v32;
	v60 =	vsel vm4, $0x1, v2;
	vm4 =	veq.s32 v20, v53  }
0x1b7: {  	v31 =	vadd.s32 v59, v31;
	v61 =	vsel vm4, $0x1, v2;
	vm4 =	veq.s32 v19, v53  }
0x1b8: {  	v30 =	vadd.s32 v60, v30;
	v62 =	vsel vm4, $0x1, v2;
	vm4 =	veq.s32 v18, v53  }
0x1b9: {  	v60 =	vperm.xlane v10, v26;
	v42 =	vsel vm4, $0x1, v2;
	vm4 =	veq.s32 v17, v53  }
0x1ba: {  	v29 =	vadd.s32 v61, v29;
	v43 =	vsel vm4, $0x1, v2;
	vm4 =	veq.s32 v25, v63  }
0x1bb: {  	v28 =	vadd.s32 v62, v28;
	v44 =	vsel vm4, $0x1, v2;
	vm4 =	veq.s32 v24, v63  }
0x1bc: {  	v27 =	vadd.s32 v42, v27;
	v45 =	vsel vm4, $0x1, v2;
	vm4 =	veq.s32 v23, v63  }
0x1bd: {  	v35 =	vadd.s32 v43, v35;
	v46 =	vsel vm4, $0x1, v2;
	vm4 =	veq.s32 v22, v63  }
0x1be: {  	v34 =	vadd.s32 v44, v34;
	v33 =	vadd.s32 v45, v33;
	v47 =	vsel vm4, $0x1, v2  }
0x1bf: {  	v32 =	vadd.s32 v46, v32;
	vm4 =	veq.s32 v21, v63;
	v31 =	vadd.s32 v47, v31  }
0x1c0: {  	v48 =	vsel vm4, $0x1, v2;
	vm4 =	veq.s32 v20, v63;
	v47 =	vperm.xlane v11, v26  }
0x1c1: {  	v30 =	vadd.s32 v48, v30;
	v49 =	vsel vm4, $0x1, v2;
	vm4 =	veq.s32 v19, v63  }
0x1c2: {  	v50 =	vsel vm4, $0x1, v2;
	vm4 =	veq.s32 v18, v63;
	v29 =	vadd.s32 v49, v29  }
0x1c3: {  	v52 =	vsel vm4, $0x1, v2;
	vm4 =	veq.s32 v17, v63;
	v28 =	vadd.s32 v50, v28  }
0x1c4: {  	v37 =	vsel vm4, $0x1, v2;
	vm4 =	veq.s32 v25, v51;
	v27 =	vadd.s32 v52, v27  }
0x1c5: {  	v53 =	vsel vm4, $0x1, v2;
	vm4 =	veq.s32 v24, v51;
	v35 =	vadd.s32 v37, v35  }
0x1c6: {  	v54 =	vsel vm4, $0x1, v2;
	vm4 =	veq.s32 v23, v51;
	v34 =	vadd.s32 v53, v34  }
0x1c7: {  	v55 =	vsel vm4, $0x1, v2;
	vm4 =	veq.s32 v22, v51;
	v33 =	vadd.s32 v54, v33  }
0x1c8: {  	v56 =	vsel vm4, $0x1, v2;
	vm4 =	veq.s32 v21, v51;
	v32 =	vadd.s32 v55, v32  }
0x1c9: {  	v57 =	vsel vm4, $0x1, v2;
	vm4 =	veq.s32 v20, v51;
	v31 =	vadd.s32 v56, v31  }
0x1ca: {  	v58 =	vsel vm4, $0x1, v2;
	vm4 =	veq.s32 v19, v51;
	v30 =	vadd.s32 v57, v30  }
0x1cb: {  	v57 =	vperm.xlane v12, v26;
	v59 =	vsel vm4, $0x1, v2;
	vm4 =	veq.s32 v18, v51  }
0x1cc: {  	v29 =	vadd.s32 v58, v29;
	v61 =	vsel vm4, $0x1, v2;
	vm4 =	veq.s32 v17, v51  }
0x1cd: {  	v28 =	vadd.s32 v59, v28;
	v62 =	vsel vm4, $0x1, v2;
	vm4 =	veq.s32 v25, v60  }
0x1ce: {  	v27 =	vadd.s32 v61, v27;
	v63 =	vsel vm4, $0x1, v2;
	vm4 =	veq.s32 v24, v60  }
0x1cf: {  	v35 =	vadd.s32 v62, v35;
	v41 =	vsel vm4, $0x1, v2;
	vm4 =	veq.s32 v23, v60  }
0x1d0: {  	v34 =	vadd.s32 v63, v34;
	v42 =	vsel vm4, $0x1, v2;
	vm4 =	veq.s32 v22, v60  }
0x1d1: {  	v33 =	vadd.s32 v41, v33;
	v43 =	vsel vm4, $0x1, v2;
	vm4 =	veq.s32 v21, v60  }
0x1d2: {  	v32 =	vadd.s32 v42, v32;
	v44 =	vsel vm4, $0x1, v2;
	vm4 =	veq.s32 v20, v60  }
0x1d3: {  	v31 =	vadd.s32 v43, v31;
	v45 =	vsel vm4, $0x1, v2;
	vm4 =	veq.s32 v19, v60  }
0x1d4: {  	v30 =	vadd.s32 v44, v30;
	v46 =	vsel vm4, $0x1, v2;
	vm4 =	veq.s32 v18, v60  }
0x1d5: {  	v29 =	vadd.s32 v45, v29;
	v48 =	vsel vm4, $0x1, v2;
	vm4 =	veq.s32 v17, v60  }
0x1d6: {  	v28 =	vadd.s32 v46, v28;
	v49 =	vsel vm4, $0x1, v2;
	vm4 =	veq.s32 v25, v47  }
0x1d7: {  	v27 =	vadd.s32 v48, v27;
	v50 =	vsel vm4, $0x1, v2;
	vm4 =	veq.s32 v24, v47  }
0x1d8: {  	v35 =	vadd.s32 v49, v35;
	v51 =	vsel vm4, $0x1, v2;
	vm4 =	veq.s32 v23, v47  }
0x1d9: {  	v34 =	vadd.s32 v50, v34;
	v52 =	vsel vm4, $0x1, v2;
	vm4 =	veq.s32 v22, v47  }
0x1da: {  	v33 =	vadd.s32 v51, v33;
	v53 =	vsel vm4, $0x1, v2;
	vm4 =	veq.s32 v21, v47  }
0x1db: {  	v32 =	vadd.s32 v52, v32;
	v54 =	vsel vm4, $0x1, v2;
	vm4 =	veq.s32 v20, v47  }
0x1dc: {  	v31 =	vadd.s32 v53, v31;
	v55 =	vsel vm4, $0x1, v2;
	vm4 =	veq.s32 v19, v47  }
0x1dd: {  	v30 =	vadd.s32 v54, v30;
	v56 =	vsel vm4, $0x1, v2;
	vm4 =	veq.s32 v18, v47  }
0x1de: {  	v29 =	vadd.s32 v55, v29;
	v26 =	vsel vm4, $0x1, v2;
	vm4 =	veq.s32 v17, v47  }
0x1df: {  	v28 =	vadd.s32 v56, v28;
	v58 =	vsel vm4, $0x1, v2;
	vm4 =	veq.s32 v25, v57  }
0x1e0: {  	v27 =	vadd.s32 v26, v27;
	v26 =	vsel vm4, $0x1, v2;
	vm4 =	veq.s32 v24, v57  }
0x1e1: {  	v35 =	vadd.s32 v58, v35;
	v59 =	vsel vm4, $0x1, v2;
	vm4 =	veq.s32 v23, v57  }
0x1e2: {  	v34 =	vadd.s32 v26, v34;
	v26 =	vsel vm4, $0x1, v2;
	vm4 =	veq.s32 v22, v57  }
0x1e3: {  	v33 =	vadd.s32 v59, v33;
	v60 =	vsel vm4, $0x1, v2;
	vm4 =	veq.s32 v21, v57  }
0x1e4: {  	s31 =	sadd.s32 $0x3, s10;
	v32 =	vadd.s32 v26, v32;
	v31 =	vadd.s32 v60, v31;
	v26 =	vsel vm4, $0x1, v2  }
0x1e5: {  	vm4 =	veq.s32 v20, v57;
	v30 =	vadd.s32 v26, v30;
	v26 =	vadd.s32 s31, v1  }
0x1e6: {  	v61 =	vsel vm4, $0x1, v2;
	vm4 =	veq.s32 v19, v57;
	v26 =	vand.u32 $0xF, v26  }
0x1e7: {  	v62 =	vsel vm4, $0x1, v2;
	vm4 =	veq.s32 v18, v57;
	v29 =	vadd.s32 v61, v29  }
0x1e8: {  	v63 =	vperm.xlane v25, v26;
	v43 =	vsel vm4, $0x1, v2;
	vm4 =	veq.s32 v17, v57  }
0x1e9: {  	v28 =	vadd.s32 v62, v28;
	v52 =	vperm.xlane v24, v26;
	v62 =	vperm.xlane v23, v26  }
0x1ea: {  	v44 =	vsel vm4, $0x1, v2;
	v27 =	vadd.s32 v43, v27;
	vm4 =	veq.s32 v25, v63  }
0x1eb: {  	v35 =	vadd.s32 v44, v35;
	v45 =	vsel vm4, $0x1, v2;
	vm4 =	veq.s32 v24, v63  }
0x1ec: {  	v46 =	vsel vm4, $0x1, v2;
	vm4 =	veq.s32 v23, v63;
	v34 =	vadd.s32 v45, v34  }
0x1ed: {  	v47 =	vsel vm4, $0x1, v2;
	vm4 =	veq.s32 v22, v63;
	v33 =	vadd.s32 v46, v33  }
0x1ee: {  	v48 =	vsel vm4, $0x1, v2;
	vm4 =	veq.s32 v21, v63;
	v32 =	vadd.s32 v47, v32  }
0x1ef: {  	v49 =	vsel vm4, $0x1, v2;
	vm4 =	veq.s32 v20, v63;
	v31 =	vadd.s32 v48, v31  }
0x1f0: {  	v48 =	vperm.xlane v22, v26;
	v50 =	vsel vm4, $0x1, v2;
	vm4 =	veq.s32 v19, v63  }
0x1f1: {  	v30 =	vadd.s32 v49, v30;
	v51 =	vsel vm4, $0x1, v2;
	vm4 =	veq.s32 v18, v63  }
0x1f2: {  	v29 =	vadd.s32 v50, v29;
	v53 =	vsel vm4, $0x1, v2;
	vm4 =	veq.s32 v17, v63  }
0x1f3: {  	v28 =	vadd.s32 v51, v28;
	v54 =	vsel vm4, $0x1, v2;
	vm4 =	veq.s32 v25, v52  }
0x1f4: {  	v27 =	vadd.s32 v53, v27;
	v55 =	vsel vm4, $0x1, v2;
	vm4 =	veq.s32 v24, v52  }
0x1f5: {  	v35 =	vadd.s32 v54, v35;
	v56 =	vsel vm4, $0x1, v2;
	vm4 =	veq.s32 v23, v52  }
0x1f6: {  	v34 =	vadd.s32 v55, v34;
	v57 =	vsel vm4, $0x1, v2;
	vm4 =	veq.s32 v22, v52  }
0x1f7: {  	v33 =	vadd.s32 v56, v33;
	v58 =	vsel vm4, $0x1, v2;
	vm4 =	veq.s32 v21, v52  }
0x1f8: {  	v32 =	vadd.s32 v57, v32;
	v59 =	vsel vm4, $0x1, v2;
	vm4 =	veq.s32 v20, v52  }
0x1f9: {  	v57 =	vperm.xlane v21, v26;
	v60 =	vsel vm4, $0x1, v2;
	vm4 =	veq.s32 v19, v52  }
0x1fa: {  	v31 =	vadd.s32 v58, v31;
	v61 =	vsel vm4, $0x1, v2;
	vm4 =	veq.s32 v18, v52  }
0x1fb: {  	v30 =	vadd.s32 v59, v30;
	v63 =	vsel vm4, $0x1, v2;
	vm4 =	veq.s32 v17, v52  }
0x1fc: {  	v29 =	vadd.s32 v60, v29;
	v28 =	vadd.s32 v61, v28;
	v40 =	vsel vm4, $0x1, v2  }
0x1fd: {  	v27 =	vadd.s32 v63, v27;
	vm4 =	veq.s32 v25, v62;
	v35 =	vadd.s32 v40, v35  }
0x1fe: {  	v41 =	vsel vm4, $0x1, v2;
	vm4 =	veq.s32 v24, v62;
	v40 =	vimm.s32 $0x0  }
0x1ff: {  	v34 =	vadd.s32 v41, v34;
	v42 =	vsel vm4, $0x1, v2;
	vm4 =	veq.s32 v23, v62  }
0x200: {  	v33 =	vadd.s32 v42, v33;
	v43 =	vsel vm4, $0x1, v2;
	vm4 =	veq.s32 v22, v62  }
0x201: {  	v32 =	vadd.s32 v43, v32;
	v44 =	vsel vm4, $0x1, v2;
	vm4 =	veq.s32 v21, v62  }
0x202: {  	v31 =	vadd.s32 v44, v31;
	v45 =	vsel vm4, $0x1, v2;
	vm4 =	veq.s32 v20, v62  }
0x203: {  	v44 =	vperm.xlane v20, v26;
	v46 =	vsel vm4, $0x1, v2;
	vm4 =	veq.s32 v19, v62  }
0x204: {  	v30 =	vadd.s32 v45, v30;
	v47 =	vsel vm4, $0x1, v2;
	vm4 =	veq.s32 v18, v62  }
0x205: {  	v29 =	vadd.s32 v46, v29;
	v49 =	vsel vm4, $0x1, v2;
	vm4 =	veq.s32 v17, v62  }
0x206: {  	v28 =	vadd.s32 v47, v28;
	v37 =	vsel vm4, $0x1, v2;
	vm4 =	veq.s32 v25, v48  }
0x207: {  	v27 =	vadd.s32 v49, v27;
	v50 =	vsel vm4, $0x1, v2;
	vm4 =	veq.s32 v24, v48  }
0x208: {  	v35 =	vadd.s32 v37, v35;
	v51 =	vsel vm4, $0x1, v2;
	vm4 =	veq.s32 v23, v48  }
0x209: {  	v34 =	vadd.s32 v50, v34;
	v52 =	vsel vm4, $0x1, v2;
	vm4 =	veq.s32 v22, v48  }
0x20a: {  	v33 =	vadd.s32 v51, v33;
	v53 =	vsel vm4, $0x1, v2;
	vm4 =	veq.s32 v21, v48  }
0x20b: {  	v32 =	vadd.s32 v52, v32;
	v54 =	vsel vm4, $0x1, v2;
	vm4 =	veq.s32 v20, v48  }
0x20c: {  	v31 =	vadd.s32 v53, v31;
	v55 =	vsel vm4, $0x1, v2;
	vm4 =	veq.s32 v19, v48  }
0x20d: {  	v30 =	vadd.s32 v54, v30;
	v56 =	vsel vm4, $0x1, v2;
	vm4 =	veq.s32 v18, v48  }
0x20e: {  	v54 =	vperm.xlane v19, v26;
	v58 =	vsel vm4, $0x1, v2;
	vm4 =	veq.s32 v17, v48  }
0x20f: {  	v29 =	vadd.s32 v55, v29;
	v59 =	vsel vm4, $0x1, v2;
	vm4 =	veq.s32 v25, v57  }
0x210: {  	v28 =	vadd.s32 v56, v28;
	v60 =	vsel vm4, $0x1, v2;
	vm4 =	veq.s32 v24, v57  }
0x211: {  	v27 =	vadd.s32 v58, v27;
	v61 =	vsel vm4, $0x1, v2;
	vm4 =	veq.s32 v23, v57  }
0x212: {  	v35 =	vadd.s32 v59, v35;
	v62 =	vsel vm4, $0x1, v2;
	vm4 =	veq.s32 v22, v57  }
0x213: {  	v34 =	vadd.s32 v60, v34;
	v63 =	vsel vm4, $0x1, v2;
	vm4 =	veq.s32 v21, v57  }
0x214: {  	v33 =	vadd.s32 v61, v33;
	v32 =	vadd.s32 v62, v32;
	v41 =	vsel vm4, $0x1, v2  }
0x215: {  	vm4 =	veq.s32 v20, v57;
	v31 =	vadd.s32 v63, v31;
	v63 =	vperm.xlane v18, v26  }
0x216: {  	v42 =	vsel vm4, $0x1, v2;
	v30 =	vadd.s32 v41, v30;
	vm4 =	veq.s32 v19, v57  }
0x217: {  	v29 =	vadd.s32 v42, v29;
	v43 =	vsel vm4, $0x1, v2;
	vm4 =	veq.s32 v18, v57  }
0x218: {  	v28 =	vadd.s32 v43, v28;
	v45 =	vsel vm4, $0x1, v2;
	vm4 =	veq.s32 v17, v57  }
0x219: {  	v27 =	vadd.s32 v45, v27;
	v46 =	vsel vm4, $0x1, v2;
	vm4 =	veq.s32 v25, v44  }
0x21a: {  	v35 =	vadd.s32 v46, v35;
	v47 =	vsel vm4, $0x1, v2;
	vm4 =	veq.s32 v24, v44  }
0x21b: {  	v34 =	vadd.s32 v47, v34;
	v48 =	vsel vm4, $0x1, v2;
	vm4 =	veq.s32 v23, v44  }
0x21c: {  	v33 =	vadd.s32 v48, v33;
	v49 =	vsel vm4, $0x1, v2;
	vm4 =	veq.s32 v22, v44  }
0x21d: {  	v32 =	vadd.s32 v49, v32;
	v50 =	vsel vm4, $0x1, v2;
	vm4 =	veq.s32 v21, v44  }
0x21e: {  	v31 =	vadd.s32 v50, v31;
	v51 =	vsel vm4, $0x1, v2;
	vm4 =	veq.s32 v20, v44  }
0x21f: {  	v30 =	vadd.s32 v51, v30;
	v52 =	vsel vm4, $0x1, v2;
	vm4 =	veq.s32 v19, v44  }
0x220: {  	v53 =	vsel vm4, $0x1, v2;
	vm4 =	veq.s32 v18, v44;
	v29 =	vadd.s32 v52, v29  }
0x221: {  	v55 =	vsel vm4, $0x1, v2;
	vm4 =	veq.s32 v17, v44;
	v28 =	vadd.s32 v53, v28  }
0x222: {  	v53 =	vperm.xlane v17, v26;
	v37 =	vsel vm4, $0x1, v2;
	vm4 =	veq.s32 v25, v54  }
0x223: {  	v27 =	vadd.s32 v55, v27;
	v56 =	vsel vm4, $0x1, v2;
	vm4 =	veq.s32 v24, v54  }
0x224: {  	v35 =	vadd.s32 v37, v35;
	v57 =	vsel vm4, $0x1, v2;
	vm4 =	veq.s32 v23, v54  }
0x225: {  	v34 =	vadd.s32 v56, v34;
	v58 =	vsel vm4, $0x1, v2;
	vm4 =	veq.s32 v22, v54  }
0x226: {  	v33 =	vadd.s32 v57, v33;
	v59 =	vsel vm4, $0x1, v2;
	vm4 =	veq.s32 v21, v54  }
0x227: {  	v32 =	vadd.s32 v58, v32;
	v60 =	vsel vm4, $0x1, v2;
	vm4 =	veq.s32 v20, v54  }
0x228: {  	v31 =	vadd.s32 v59, v31;
	v61 =	vsel vm4, $0x1, v2;
	vm4 =	veq.s32 v19, v54  }
0x229: {  	v30 =	vadd.s32 v60, v30;
	v62 =	vsel vm4, $0x1, v2;
	vm4 =	veq.s32 v18, v54  }
0x22a: {  	v29 =	vadd.s32 v61, v29;
	v44 =	vsel vm4, $0x1, v2;
	vm4 =	veq.s32 v17, v54  }
0x22b: {  	v28 =	vadd.s32 v62, v28;
	v45 =	vsel vm4, $0x1, v2;
	vm4 =	veq.s32 v25, v63  }
0x22c: {  	v27 =	vadd.s32 v44, v27;
	v46 =	vsel vm4, $0x1, v2;
	vm4 =	veq.s32 v24, v63  }
0x22d: {  	v35 =	vadd.s32 v45, v35;
	v47 =	vsel vm4, $0x1, v2;
	vm4 =	veq.s32 v23, v63  }
0x22e: {  	v34 =	vadd.s32 v46, v34;
	v48 =	vsel vm4, $0x1, v2;
	vm4 =	veq.s32 v22, v63  }
0x22f: {  	v33 =	vadd.s32 v47, v33;
	v49 =	vsel vm4, $0x1, v2;
	vm4 =	veq.s32 v21, v63  }
0x230: {  	v32 =	vadd.s32 v48, v32;
	v50 =	vsel vm4, $0x1, v2;
	vm4 =	veq.s32 v20, v63  }
0x231: {  	v31 =	vadd.s32 v49, v31;
	v51 =	vsel vm4, $0x1, v2;
	vm4 =	veq.s32 v19, v63  }
0x232: {  	v30 =	vadd.s32 v50, v30;
	v52 =	vsel vm4, $0x1, v2;
	vm4 =	veq.s32 v18, v63  }
0x233: {  	v29 =	vadd.s32 v51, v29;
	v28 =	vadd.s32 v52, v28;
	v54 =	vsel vm4, $0x1, v2  }
0x234: {  	vm4 =	veq.s32 v17, v63;
	v63 =	vperm.xlane v16, v26;
	v52 =	vperm.xlane v15, v26  }
0x235: {  	v27 =	vadd.s32 v54, v27;
	v55 =	vsel vm4, $0x1, v2;
	vm4 =	veq.s32 v25, v53  }
0x236: {  	v35 =	vadd.s32 v55, v35;
	v56 =	vsel vm4, $0x1, v2;
	vm4 =	veq.s32 v24, v53  }
0x237: {  	v34 =	vadd.s32 v56, v34;
	v57 =	vsel vm4, $0x1, v2;
	vm4 =	veq.s32 v23, v53  }
0x238: {  	v33 =	vadd.s32 v57, v33;
	v58 =	vsel vm4, $0x1, v2;
	vm4 =	veq.s32 v22, v53  }
0x239: {  	v32 =	vadd.s32 v58, v32;
	v59 =	vsel vm4, $0x1, v2;
	vm4 =	veq.s32 v21, v53  }
0x23a: {  	v31 =	vadd.s32 v59, v31;
	v60 =	vsel vm4, $0x1, v2;
	vm4 =	veq.s32 v20, v53  }
0x23b: {  	v30 =	vadd.s32 v60, v30;
	v61 =	vsel vm4, $0x1, v2;
	vm4 =	veq.s32 v19, v53  }
0x23c: {  	v62 =	vsel vm4, $0x1, v2;
	vm4 =	veq.s32 v18, v53;
	v29 =	vadd.s32 v61, v29  }
0x23d: {  	v44 =	vsel vm4, $0x1, v2;
	vm4 =	veq.s32 v17, v53;
	v28 =	vadd.s32 v62, v28  }
0x23e: {  	v62 =	vperm.xlane v14, v26;
	v37 =	vsel vm4, $0x1, v2;
	vm4 =	veq.s32 v25, v63  }
0x23f: {  	v27 =	vadd.s32 v44, v27;
	v45 =	vsel vm4, $0x1, v2;
	vm4 =	veq.s32 v24, v63  }
0x240: {  	v35 =	vadd.s32 v37, v35;
	v46 =	vsel vm4, $0x1, v2;
	vm4 =	veq.s32 v23, v63  }
0x241: {  	v34 =	vadd.s32 v45, v34;
	v47 =	vsel vm4, $0x1, v2;
	vm4 =	veq.s32 v22, v63  }
0x242: {  	v33 =	vadd.s32 v46, v33;
	v48 =	vsel vm4, $0x1, v2;
	vm4 =	veq.s32 v21, v63  }
0x243: {  	v32 =	vadd.s32 v47, v32;
	v49 =	vsel vm4, $0x1, v2;
	vm4 =	veq.s32 v20, v63  }
0x244: {  	v31 =	vadd.s32 v48, v31;
	v50 =	vsel vm4, $0x1, v2;
	vm4 =	veq.s32 v19, v63  }
0x245: {  	v30 =	vadd.s32 v49, v30;
	v51 =	vsel vm4, $0x1, v2;
	vm4 =	veq.s32 v18, v63  }
0x246: {  	v49 =	vperm.xlane v13, v26;
	v53 =	vsel vm4, $0x1, v2;
	vm4 =	veq.s32 v17, v63  }
0x247: {  	v29 =	vadd.s32 v50, v29;
	v54 =	vsel vm4, $0x1, v2;
	vm4 =	veq.s32 v25, v52  }
0x248: {  	v28 =	vadd.s32 v51, v28;
	v55 =	vsel vm4, $0x1, v2;
	vm4 =	veq.s32 v24, v52  }
0x249: {  	v27 =	vadd.s32 v53, v27;
	v56 =	vsel vm4, $0x1, v2;
	vm4 =	veq.s32 v23, v52  }
0x24a: {  	v35 =	vadd.s32 v54, v35;
	v57 =	vsel vm4, $0x1, v2;
	vm4 =	veq.s32 v22, v52  }
0x24b: {  	v34 =	vadd.s32 v55, v34;
	v58 =	vsel vm4, $0x1, v2;
	vm4 =	veq.s32 v21, v52  }
0x24c: {  	v33 =	vadd.s32 v56, v33;
	v32 =	vadd.s32 v57, v32;
	v59 =	vsel vm4, $0x1, v2  }
0x24d: {  	vm4 =	veq.s32 v20, v52;
	v31 =	vadd.s32 v58, v31;
	v58 =	vperm.xlane v10, v26  }
0x24e: {  	v60 =	vsel vm4, $0x1, v2;
	v30 =	vadd.s32 v59, v30;
	vm4 =	veq.s32 v19, v52  }
0x24f: {  	v29 =	vadd.s32 v60, v29;
	v61 =	vsel vm4, $0x1, v2;
	vm4 =	veq.s32 v18, v52  }
0x250: {  	v28 =	vadd.s32 v61, v28;
	v63 =	vsel vm4, $0x1, v2;
	vm4 =	veq.s32 v17, v52  }
0x251: {  	v27 =	vadd.s32 v63, v27;
	v41 =	vsel vm4, $0x1, v2;
	vm4 =	veq.s32 v25, v62  }
0x252: {  	v35 =	vadd.s32 v41, v35;
	v42 =	vsel vm4, $0x1, v2;
	vm4 =	veq.s32 v24, v62  }
0x253: {  	v34 =	vadd.s32 v42, v34;
	v43 =	vsel vm4, $0x1, v2;
	vm4 =	veq.s32 v23, v62  }
0x254: {  	v33 =	vadd.s32 v43, v33;
	v44 =	vsel vm4, $0x1, v2;
	vm4 =	veq.s32 v22, v62  }
0x255: {  	v32 =	vadd.s32 v44, v32;
	v45 =	vsel vm4, $0x1, v2;
	vm4 =	veq.s32 v21, v62  }
0x256: {  	v31 =	vadd.s32 v45, v31;
	v46 =	vsel vm4, $0x1, v2;
	vm4 =	veq.s32 v20, v62  }
0x257: {  	v45 =	vperm.xlane v11, v26;
	v47 =	vsel vm4, $0x1, v2;
	vm4 =	veq.s32 v19, v62  }
0x258: {  	v26 =	vperm.xlane v12, v26;
	v48 =	vsel vm4, $0x1, v2;
	vm4 =	veq.s32 v18, v62  }
0x259: {  	v30 =	vadd.s32 v46, v30;
	v50 =	vsel vm4, $0x1, v2;
	vm4 =	veq.s32 v17, v62  }
0x25a: {  	v29 =	vadd.s32 v47, v29;
	v37 =	vsel vm4, $0x1, v2;
	vm4 =	veq.s32 v25, v49  }
0x25b: {  	v28 =	vadd.s32 v48, v28;
	v51 =	vsel vm4, $0x1, v2;
	vm4 =	veq.s32 v24, v49  }
0x25c: {  	v27 =	vadd.s32 v50, v27;
	v52 =	vsel vm4, $0x1, v2;
	vm4 =	veq.s32 v23, v49  }
0x25d: {  	v35 =	vadd.s32 v37, v35;
	v53 =	vsel vm4, $0x1, v2;
	vm4 =	veq.s32 v22, v49  }
0x25e: {  	v34 =	vadd.s32 v51, v34;
	v54 =	vsel vm4, $0x1, v2;
	vm4 =	veq.s32 v21, v49  }
0x25f: {  	v33 =	vadd.s32 v52, v33;
	v55 =	vsel vm4, $0x1, v2;
	vm4 =	veq.s32 v20, v49  }
0x260: {  	v32 =	vadd.s32 v53, v32;
	v56 =	vsel vm4, $0x1, v2;
	vm4 =	veq.s32 v19, v49  }
0x261: {  	v31 =	vadd.s32 v54, v31;
	v57 =	vsel vm4, $0x1, v2;
	vm4 =	veq.s32 v18, v49  }
0x262: {  	v30 =	vadd.s32 v55, v30;
	v59 =	vsel vm4, $0x1, v2;
	vm4 =	veq.s32 v17, v49  }
0x263: {  	v29 =	vadd.s32 v56, v29;
	v60 =	vsel vm4, $0x1, v2;
	vm4 =	veq.s32 v25, v58  }
0x264: {  	v28 =	vadd.s32 v57, v28;
	v61 =	vsel vm4, $0x1, v2;
	vm4 =	veq.s32 v24, v58  }
0x265: {  	v27 =	vadd.s32 v59, v27;
	v62 =	vsel vm4, $0x1, v2;
	vm4 =	veq.s32 v23, v58  }
0x266: {  	v35 =	vadd.s32 v60, v35;
	v63 =	vsel vm4, $0x1, v2;
	vm4 =	veq.s32 v22, v58  }
0x267: {  	v34 =	vadd.s32 v61, v34;
	v41 =	vsel vm4, $0x1, v2;
	vm4 =	veq.s32 v21, v58  }
0x268: {  	v33 =	vadd.s32 v62, v33;
	v32 =	vadd.s32 v63, v32;
	v42 =	vsel vm4, $0x1, v2  }
0x269: {  	vm4 =	veq.s32 v20, v58;
	v31 =	vadd.s32 v41, v31;
	v41 =	vimm.s32 $0x0  }
0x26a: {  	v43 =	vsel vm4, $0x1, v2;
	v30 =	vadd.s32 v42, v30;
	vm4 =	veq.s32 v19, v58  }
0x26b: {  	v42 =	vimm.s32 $0x0;
	v44 =	vsel vm4, $0x1, v2;
	vm4 =	veq.s32 v18, v58  }
0x26c: {  	v29 =	vadd.s32 v43, v29;
	v46 =	vsel vm4, $0x1, v2;
	vm4 =	veq.s32 v17, v58  }
0x26d: {  	v43 =	vimm.s32 $0x0;
	v47 =	vsel vm4, $0x1, v2;
	vm4 =	veq.s32 v25, v45  }
0x26e: {  	v28 =	vadd.s32 v44, v28;
	v48 =	vsel vm4, $0x1, v2;
	vm4 =	veq.s32 v24, v45  }
0x26f: {  	v27 =	vadd.s32 v46, v27;
	v49 =	vsel vm4, $0x1, v2;
	vm4 =	veq.s32 v23, v45  }
0x270: {  	v35 =	vadd.s32 v47, v35;
	v50 =	vsel vm4, $0x1, v2;
	vm4 =	veq.s32 v22, v45  }
0x271: {  	v34 =	vadd.s32 v48, v34;
	v51 =	vsel vm4, $0x1, v2;
	vm4 =	veq.s32 v21, v45  }
0x272: {  	v33 =	vadd.s32 v49, v33;
	v52 =	vsel vm4, $0x1, v2;
	vm4 =	veq.s32 v20, v45  }
0x273: {  	v32 =	vadd.s32 v50, v32;
	v53 =	vsel vm4, $0x1, v2;
	vm4 =	veq.s32 v19, v45  }
0x274: {  	v31 =	vadd.s32 v51, v31;
	v54 =	vsel vm4, $0x1, v2;
	vm4 =	veq.s32 v18, v45  }
0x275: {  	v30 =	vadd.s32 v52, v30;
	v55 =	vsel vm4, $0x1, v2;
	vm4 =	veq.s32 v17, v45  }
0x276: {  	v29 =	vadd.s32 v53, v29;
	v37 =	vsel vm4, $0x1, v2;
	vm4 =	veq.s32 v25, v26  }
0x277: {  	v28 =	vadd.s32 v54, v28;
	v56 =	vsel vm4, $0x1, v2;
	vm4 =	veq.s32 v24, v26  }
0x278: {  	v27 =	vadd.s32 v55, v27;
	v57 =	vsel vm4, $0x1, v2;
	vm4 =	veq.s32 v23, v26  }
0x279: {  	v35 =	vadd.s32 v37, v35;
	v58 =	vsel vm4, $0x1, v2;
	vm4 =	veq.s32 v22, v26  }
0x27a: {  	v37 =	vimm.s32 $0x0;
	v59 =	vsel vm4, $0x1, v2;
	vm4 =	veq.s32 v21, v26  }
0x27b: {  	p1 =	slt.u32 s10, $0xC;
	v34 =	vadd.s32 v56, v34;
	v60 =	vsel vm4, $0x1, v2;
	vm4 =	veq.s32 v20, v26  }
.Ltmp0:
0x27c: {  	v33 =	vadd.s32 v57, v33;
	v61 =	vsel vm4, $0x1, v2;
	vm4 =	veq.s32 v19, v26;
	(pc) =	sbr.rel @p1 .LBB2_2-.Ltmp0, $4  }
0x27d: {  	v32 =	vadd.s32 v58, v32;
	v62 =	vsel vm4, $0x1, v2;
	vm4 =	veq.s32 v18, v26  }
0x27e: {  	v31 =	vadd.s32 v59, v31;
	v63 =	vsel vm4, $0x1, v2;
	vm4 =	veq.s32 v17, v26  }
0x27f: {  	v30 =	vadd.s32 v60, v30;
	v29 =	vadd.s32 v61, v29;
	v26 =	vsel vm4, $0x1, v2  }
0x280: {  	s10 =	sadd.s32 $0x4, s10;
	s11 =	simm.s32 $0x0;
	v28 =	vadd.s32 v62, v28;
	v27 =	vadd.s32 v63, v27;
	v26 =	vadd.s32 v26, v35  }
.LBB2_3:
0x281: {  	v35 =	vadd.s32 s11, v1  }
0x282: {  	v35 =	vand.u32 $0xF, v35  }
0x283: {  	v44 =	vperm.xlane v25, v35;
	_ =	sdelay $0x1  }
0x284: {  	vm4 =	veq.s32 v16, v44  }
0x285: {  	v45 =	vsel vm4, $0x1, v2;
	vm4 =	veq.s32 v15, v44  }
0x286: {  	v47 =	vperm.xlane v24, v35;
	v61 =	vsel vm4, $0x1, v2;
	vm4 =	veq.s32 v14, v44  }
0x287: {  	v43 =	vadd.s32 v45, v43;
	v62 =	vsel vm4, $0x1, v2;
	vm4 =	veq.s32 v13, v44  }
0x288: {  	v42 =	vadd.s32 v61, v42;
	v63 =	vsel vm4, $0x1, v2;
	vm4 =	veq.s32 v10, v44  }
0x289: {  	v41 =	vadd.s32 v62, v41;
	v48 =	vsel vm4, $0x1, v2;
	vm4 =	veq.s32 v11, v44  }
0x28a: {  	v40 =	vadd.s32 v63, v40;
	v46 =	vsel vm4, $0x1, v2;
	vm4 =	veq.s32 v12, v44  }
0x28b: {  	v39 =	vadd.s32 v48, v39;
	v49 =	vsel vm4, $0x1, v2;
	vm4 =	veq.s32 v44, v1  }
0x28c: {  	v48 =	vperm.xlane v23, v35;
	v38 =	vadd.s32 v46, v38;
	v44 =	vsel vm4, $0x1, v2  }
0x28d: {  	vm4 =	veq.s32 v16, v47;
	v37 =	vadd.s32 v49, v37;
	v49 =	vperm.xlane v22, v35  }
0x28e: {  	v50 =	vsel vm4, $0x1, v2;
	vm4 =	veq.s32 v15, v47;
	v36 =	vadd.s32 v44, v36  }
0x28f: {  	v51 =	vsel vm4, $0x1, v2;
	vm4 =	veq.s32 v14, v47;
	v43 =	vadd.s32 v50, v43  }
0x290: {  	v52 =	vsel vm4, $0x1, v2;
	vm4 =	veq.s32 v13, v47;
	v42 =	vadd.s32 v51, v42  }
0x291: {  	v53 =	vsel vm4, $0x1, v2;
	vm4 =	veq.s32 v10, v47;
	v41 =	vadd.s32 v52, v41  }
0x292: {  	v54 =	vsel vm4, $0x1, v2;
	vm4 =	veq.s32 v11, v47;
	v40 =	vadd.s32 v53, v40  }
0x293: {  	v55 =	vsel vm4, $0x1, v2;
	vm4 =	veq.s32 v12, v47;
	v39 =	vadd.s32 v54, v39  }
0x294: {  	v56 =	vsel vm4, $0x1, v2;
	vm4 =	veq.s32 v47, v1;
	v38 =	vadd.s32 v55, v38  }
0x295: {  	v57 =	vsel vm4, $0x1, v2;
	vm4 =	veq.s32 v16, v48;
	v37 =	vadd.s32 v56, v37  }
0x296: {  	v58 =	vsel vm4, $0x1, v2;
	vm4 =	veq.s32 v15, v48;
	v36 =	vadd.s32 v57, v36  }
0x297: {  	v59 =	vsel vm4, $0x1, v2;
	vm4 =	veq.s32 v14, v48;
	v43 =	vadd.s32 v58, v43  }
0x298: {  	v58 =	vperm.xlane v21, v35;
	v60 =	vsel vm4, $0x1, v2;
	vm4 =	veq.s32 v13, v48  }
0x299: {  	v42 =	vadd.s32 v59, v42;
	v61 =	vsel vm4, $0x1, v2;
	vm4 =	veq.s32 v10, v48  }
0x29a: {  	v41 =	vadd.s32 v60, v41;
	v62 =	vsel vm4, $0x1, v2;
	vm4 =	veq.s32 v11, v48  }
0x29b: {  	v40 =	vadd.s32 v61, v40;
	v63 =	vsel vm4, $0x1, v2;
	vm4 =	veq.s32 v12, v48  }
0x29c: {  	v39 =	vadd.s32 v62, v39;
	v50 =	vsel vm4, $0x1, v2;
	vm4 =	veq.s32 v48, v1  }
0x29d: {  	v38 =	vadd.s32 v63, v38;
	v51 =	vsel vm4, $0x1, v2;
	vm4 =	veq.s32 v16, v49  }
0x29e: {  	v37 =	vadd.s32 v50, v37;
	v52 =	vsel vm4, $0x1, v2;
	vm4 =	veq.s32 v15, v49  }
0x29f: {  	v36 =	vadd.s32 v51, v36;
	v53 =	vsel vm4, $0x1, v2;
	vm4 =	veq.s32 v14, v49  }
0x2a0: {  	v43 =	vadd.s32 v52, v43;
	v54 =	vsel vm4, $0x1, v2;
	vm4 =	veq.s32 v13, v49  }
0x2a1: {  	v42 =	vadd.s32 v53, v42;
	v55 =	vsel vm4, $0x1, v2;
	vm4 =	veq.s32 v10, v49  }
0x2a2: {  	v41 =	vadd.s32 v54, v41;
	v56 =	vsel vm4, $0x1, v2;
	vm4 =	veq.s32 v11, v49  }
0x2a3: {  	v54 =	vperm.xlane v20, v35;
	v57 =	vsel vm4, $0x1, v2;
	vm4 =	veq.s32 v12, v49  }
0x2a4: {  	v40 =	vadd.s32 v55, v40;
	v59 =	vsel vm4, $0x1, v2;
	vm4 =	veq.s32 v49, v1  }
0x2a5: {  	v39 =	vadd.s32 v56, v39;
	v45 =	vsel vm4, $0x1, v2;
	vm4 =	veq.s32 v16, v58  }
0x2a6: {  	v38 =	vadd.s32 v57, v38;
	v60 =	vsel vm4, $0x1, v2;
	vm4 =	veq.s32 v15, v58  }
0x2a7: {  	v37 =	vadd.s32 v59, v37;
	v61 =	vsel vm4, $0x1, v2;
	vm4 =	veq.s32 v14, v58  }
0x2a8: {  	v36 =	vadd.s32 v45, v36;
	v62 =	vsel vm4, $0x1, v2;
	vm4 =	veq.s32 v13, v58  }
0x2a9: {  	v43 =	vadd.s32 v60, v43;
	v63 =	vsel vm4, $0x1, v2;
	vm4 =	veq.s32 v10, v58  }
0x2aa: {  	v42 =	vadd.s32 v61, v42;
	v41 =	vadd.s32 v62, v41;
	v52 =	vsel vm4, $0x1, v2  }
0x2ab: {  	vm4 =	veq.s32 v11, v58;
	v40 =	vadd.s32 v63, v40;
	v63 =	vperm.xlane v19, v35  }
0x2ac: {  	v53 =	vsel vm4, $0x1, v2;
	vm4 =	veq.s32 v12, v58;
	v39 =	vadd.s32 v52, v39  }
0x2ad: {  	v55 =	vsel vm4, $0x1, v2;
	vm4 =	veq.s32 v58, v1;
	v38 =	vadd.s32 v53, v38  }
0x2ae: {  	v56 =	vsel vm4, $0x1, v2;
	vm4 =	veq.s32 v16, v54;
	v37 =	vadd.s32 v55, v37  }
0x2af: {  	v57 =	vsel vm4, $0x1, v2;
	vm4 =	veq.s32 v15, v54;
	v36 =	vadd.s32 v56, v36  }
0x2b0: {  	v58 =	vsel vm4, $0x1, v2;
	vm4 =	veq.s32 v14, v54;
	v43 =	vadd.s32 v57, v43  }
0x2b1: {  	v57 =	vperm.xlane v18, v35;
	v59 =	vsel vm4, $0x1, v2;
	vm4 =	veq.s32 v13, v54  }
0x2b2: {  	v42 =	vadd.s32 v58, v42;
	v60 =	vsel vm4, $0x1, v2;
	vm4 =	veq.s32 v10, v54  }
0x2b3: {  	v41 =	vadd.s32 v59, v41;
	v61 =	vsel vm4, $0x1, v2;
	vm4 =	veq.s32 v11, v54  }
0x2b4: {  	v40 =	vadd.s32 v60, v40;
	v62 =	vsel vm4, $0x1, v2;
	vm4 =	veq.s32 v12, v54  }
0x2b5: {  	v39 =	vadd.s32 v61, v39;
	v49 =	vsel vm4, $0x1, v2;
	vm4 =	veq.s32 v54, v1  }
0x2b6: {  	v38 =	vadd.s32 v62, v38;
	v50 =	vsel vm4, $0x1, v2;
	vm4 =	veq.s32 v16, v63  }
0x2b7: {  	v37 =	vadd.s32 v49, v37;
	v51 =	vsel vm4, $0x1, v2;
	vm4 =	veq.s32 v15, v63  }
0x2b8: {  	v36 =	vadd.s32 v50, v36;
	v52 =	vsel vm4, $0x1, v2;
	vm4 =	veq.s32 v14, v63  }
0x2b9: {  	v43 =	vadd.s32 v51, v43;
	v53 =	vsel vm4, $0x1, v2;
	vm4 =	veq.s32 v13, v63  }
0x2ba: {  	v42 =	vadd.s32 v52, v42;
	v54 =	vsel vm4, $0x1, v2;
	vm4 =	veq.s32 v10, v63  }
0x2bb: {  	v41 =	vadd.s32 v53, v41;
	v55 =	vsel vm4, $0x1, v2;
	vm4 =	veq.s32 v11, v63  }
0x2bc: {  	v53 =	vperm.xlane v17, v35;
	v56 =	vsel vm4, $0x1, v2;
	vm4 =	veq.s32 v12, v63  }
0x2bd: {  	v40 =	vadd.s32 v54, v40;
	v58 =	vsel vm4, $0x1, v2;
	vm4 =	veq.s32 v63, v1  }
0x2be: {  	v39 =	vadd.s32 v55, v39;
	v45 =	vsel vm4, $0x1, v2;
	vm4 =	veq.s32 v16, v57  }
0x2bf: {  	v38 =	vadd.s32 v56, v38;
	v59 =	vsel vm4, $0x1, v2;
	vm4 =	veq.s32 v15, v57  }
0x2c0: {  	v37 =	vadd.s32 v58, v37;
	v60 =	vsel vm4, $0x1, v2;
	vm4 =	veq.s32 v14, v57  }
0x2c1: {  	v36 =	vadd.s32 v45, v36;
	v61 =	vsel vm4, $0x1, v2;
	vm4 =	veq.s32 v13, v57  }
0x2c2: {  	v43 =	vadd.s32 v59, v43;
	v62 =	vsel vm4, $0x1, v2;
	vm4 =	veq.s32 v10, v57  }
0x2c3: {  	v42 =	vadd.s32 v60, v42;
	v41 =	vadd.s32 v61, v41;
	v63 =	vsel vm4, $0x1, v2  }
0x2c4: {  	vm4 =	veq.s32 v11, v57;
	v40 =	vadd.s32 v62, v40;
	v62 =	vperm.xlane v16, v35  }
0x2c5: {  	v52 =	vsel vm4, $0x1, v2;
	vm4 =	veq.s32 v12, v57;
	v39 =	vadd.s32 v63, v39  }
0x2c6: {  	v54 =	vsel vm4, $0x1, v2;
	vm4 =	veq.s32 v57, v1;
	v38 =	vadd.s32 v52, v38  }
0x2c7: {  	v55 =	vsel vm4, $0x1, v2;
	vm4 =	veq.s32 v16, v53;
	v37 =	vadd.s32 v54, v37  }
0x2c8: {  	v56 =	vsel vm4, $0x1, v2;
	vm4 =	veq.s32 v15, v53;
	v36 =	vadd.s32 v55, v36  }
0x2c9: {  	v55 =	vperm.xlane v15, v35;
	v57 =	vsel vm4, $0x1, v2;
	vm4 =	veq.s32 v14, v53  }
0x2ca: {  	v43 =	vadd.s32 v56, v43;
	v58 =	vsel vm4, $0x1, v2;
	vm4 =	veq.s32 v13, v53  }
0x2cb: {  	v42 =	vadd.s32 v57, v42;
	v59 =	vsel vm4, $0x1, v2;
	vm4 =	veq.s32 v10, v53  }
0x2cc: {  	v41 =	vadd.s32 v58, v41;
	v60 =	vsel vm4, $0x1, v2;
	vm4 =	veq.s32 v11, v53  }
0x2cd: {  	v40 =	vadd.s32 v59, v40;
	v61 =	vsel vm4, $0x1, v2;
	vm4 =	veq.s32 v12, v53  }
0x2ce: {  	v39 =	vadd.s32 v60, v39;
	v63 =	vsel vm4, $0x1, v2;
	vm4 =	veq.s32 v53, v1  }
0x2cf: {  	v38 =	vadd.s32 v61, v38;
	v48 =	vsel vm4, $0x1, v2;
	vm4 =	veq.s32 v16, v62  }
0x2d0: {  	v37 =	vadd.s32 v63, v37;
	v49 =	vsel vm4, $0x1, v2;
	vm4 =	veq.s32 v15, v62  }
0x2d1: {  	v63 =	vperm.xlane v14, v35;
	v50 =	vsel vm4, $0x1, v2;
	vm4 =	veq.s32 v14, v62  }
0x2d2: {  	v36 =	vadd.s32 v48, v36;
	v51 =	vsel vm4, $0x1, v2;
	vm4 =	veq.s32 v13, v62  }
0x2d3: {  	v43 =	vadd.s32 v49, v43;
	v52 =	vsel vm4, $0x1, v2;
	vm4 =	veq.s32 v10, v62  }
0x2d4: {  	v42 =	vadd.s32 v50, v42;
	v53 =	vsel vm4, $0x1, v2;
	vm4 =	veq.s32 v11, v62  }
0x2d5: {  	v41 =	vadd.s32 v51, v41;
	v54 =	vsel vm4, $0x1, v2;
	vm4 =	veq.s32 v12, v62  }
0x2d6: {  	v40 =	vadd.s32 v52, v40;
	v56 =	vsel vm4, $0x1, v2;
	vm4 =	veq.s32 v62, v1  }
0x2d7: {  	v39 =	vadd.s32 v53, v39;
	v45 =	vsel vm4, $0x1, v2;
	vm4 =	veq.s32 v16, v55  }
0x2d8: {  	v38 =	vadd.s32 v54, v38;
	v57 =	vsel vm4, $0x1, v2;
	vm4 =	veq.s32 v15, v55  }
0x2d9: {  	v37 =	vadd.s32 v56, v37;
	v58 =	vsel vm4, $0x1, v2;
	vm4 =	veq.s32 v14, v55  }
0x2da: {  	v36 =	vadd.s32 v45, v36;
	v59 =	vsel vm4, $0x1, v2;
	vm4 =	veq.s32 v13, v55  }
0x2db: {  	v43 =	vadd.s32 v57, v43;
	v42 =	vadd.s32 v58, v42;
	v60 =	vsel vm4, $0x1, v2  }
0x2dc: {  	vm4 =	veq.s32 v10, v55;
	v41 =	vadd.s32 v59, v41;
	v59 =	vperm.xlane v13, v35  }
0x2dd: {  	v61 =	vsel vm4, $0x1, v2;
	vm4 =	veq.s32 v11, v55;
	v40 =	vadd.s32 v60, v40  }
0x2de: {  	v62 =	vsel vm4, $0x1, v2;
	vm4 =	veq.s32 v12, v55;
	v39 =	vadd.s32 v61, v39  }
0x2df: {  	v51 =	vsel vm4, $0x1, v2;
	vm4 =	veq.s32 v55, v1;
	v38 =	vadd.s32 v62, v38  }
0x2e0: {  	v52 =	vsel vm4, $0x1, v2;
	vm4 =	veq.s32 v16, v63;
	v37 =	vadd.s32 v51, v37  }
0x2e1: {  	v53 =	vsel vm4, $0x1, v2;
	vm4 =	veq.s32 v15, v63;
	v36 =	vadd.s32 v52, v36  }
0x2e2: {  	v52 =	vperm.xlane v10, v35;
	v54 =	vsel vm4, $0x1, v2;
	vm4 =	veq.s32 v14, v63  }
0x2e3: {  	v43 =	vadd.s32 v53, v43;
	v55 =	vsel vm4, $0x1, v2;
	vm4 =	veq.s32 v13, v63  }
0x2e4: {  	v42 =	vadd.s32 v54, v42;
	v56 =	vsel vm4, $0x1, v2;
	vm4 =	veq.s32 v10, v63  }
0x2e5: {  	v41 =	vadd.s32 v55, v41;
	v57 =	vsel vm4, $0x1, v2;
	vm4 =	veq.s32 v11, v63  }
0x2e6: {  	v40 =	vadd.s32 v56, v40;
	v58 =	vsel vm4, $0x1, v2;
	vm4 =	veq.s32 v12, v63  }
0x2e7: {  	v39 =	vadd.s32 v57, v39;
	v60 =	vsel vm4, $0x1, v2;
	vm4 =	veq.s32 v63, v1  }
0x2e8: {  	v38 =	vadd.s32 v58, v38;
	v61 =	vsel vm4, $0x1, v2;
	vm4 =	veq.s32 v16, v59  }
0x2e9: {  	v37 =	vadd.s32 v60, v37;
	v62 =	vsel vm4, $0x1, v2;
	vm4 =	veq.s32 v15, v59  }
0x2ea: {  	v60 =	vperm.xlane v11, v35;
	v63 =	vsel vm4, $0x1, v2;
	vm4 =	veq.s32 v14, v59  }
0x2eb: {  	v36 =	vadd.s32 v61, v36;
	v48 =	vsel vm4, $0x1, v2;
	vm4 =	veq.s32 v13, v59  }
0x2ec: {  	v43 =	vadd.s32 v62, v43;
	v49 =	vsel vm4, $0x1, v2;
	vm4 =	veq.s32 v10, v59  }
0x2ed: {  	v42 =	vadd.s32 v63, v42;
	v50 =	vsel vm4, $0x1, v2;
	vm4 =	veq.s32 v11, v59  }
0x2ee: {  	v41 =	vadd.s32 v48, v41;
	v51 =	vsel vm4, $0x1, v2;
	vm4 =	veq.s32 v12, v59  }
0x2ef: {  	v40 =	vadd.s32 v49, v40;
	v53 =	vsel vm4, $0x1, v2;
	vm4 =	veq.s32 v59, v1  }
0x2f0: {  	v39 =	vadd.s32 v50, v39;
	v45 =	vsel vm4, $0x1, v2;
	vm4 =	veq.s32 v16, v52  }
0x2f1: {  	v38 =	vadd.s32 v51, v38;
	v54 =	vsel vm4, $0x1, v2;
	vm4 =	veq.s32 v15, v52  }
0x2f2: {  	v37 =	vadd.s32 v53, v37;
	v36 =	vadd.s32 v45, v36;
	v55 =	vsel vm4, $0x1, v2  }
0x2f3: {  	vm4 =	veq.s32 v14, v52;
	v43 =	vadd.s32 v54, v43;
	v54 =	vperm.xlane v12, v35  }
0x2f4: {  	v56 =	vsel vm4, $0x1, v2;
	vm4 =	veq.s32 v13, v52;
	v42 =	vadd.s32 v55, v42  }
0x2f5: {  	v57 =	vsel vm4, $0x1, v2;
	vm4 =	veq.s32 v10, v52;
	v41 =	vadd.s32 v56, v41  }
0x2f6: {  	v58 =	vsel vm4, $0x1, v2;
	vm4 =	veq.s32 v11, v52;
	v40 =	vadd.s32 v57, v40  }
0x2f7: {  	v59 =	vsel vm4, $0x1, v2;
	vm4 =	veq.s32 v12, v52;
	v39 =	vadd.s32 v58, v39  }
0x2f8: {  	v61 =	vsel vm4, $0x1, v2;
	vm4 =	veq.s32 v52, v1;
	v38 =	vadd.s32 v59, v38  }
0x2f9: {  	v62 =	vsel vm4, $0x1, v2;
	vm4 =	veq.s32 v16, v60;
	v37 =	vadd.s32 v61, v37  }
0x2fa: {  	s10 =	sadd.s32 $0x1, s11;
	v63 =	vsel vm4, $0x1, v2;
	vm4 =	veq.s32 v15, v60;
	v36 =	vadd.s32 v62, v36  }
0x2fb: {  	v62 =	vadd.s32 s10, v1;
	v49 =	vsel vm4, $0x1, v2;
	vm4 =	veq.s32 v14, v60  }
0x2fc: {  	v43 =	vadd.s32 v63, v43;
	v35 =	vand.u32 $0xF, v62;
	v50 =	vsel vm4, $0x1, v2  }
0x2fd: {  	vm4 =	veq.s32 v13, v60;
	v42 =	vadd.s32 v49, v42;
	v48 =	vperm.xlane v25, v35  }
0x2fe: {  	v51 =	vsel vm4, $0x1, v2;
	vm4 =	veq.s32 v10, v60;
	v41 =	vadd.s32 v50, v41  }
0x2ff: {  	v52 =	vsel vm4, $0x1, v2;
	v40 =	vadd.s32 v51, v40;
	vm4 =	veq.s32 v11, v60  }
0x300: {  	v39 =	vadd.s32 v52, v39;
	v53 =	vsel vm4, $0x1, v2;
	vm4 =	veq.s32 v12, v60  }
0x301: {  	v38 =	vadd.s32 v53, v38;
	v55 =	vsel vm4, $0x1, v2;
	vm4 =	veq.s32 v60, v1  }
0x302: {  	v37 =	vadd.s32 v55, v37;
	v56 =	vsel vm4, $0x1, v2;
	vm4 =	veq.s32 v16, v54  }
0x303: {  	v36 =	vadd.s32 v56, v36;
	v57 =	vsel vm4, $0x1, v2;
	vm4 =	veq.s32 v15, v54  }
0x304: {  	v43 =	vadd.s32 v57, v43;
	v58 =	vsel vm4, $0x1, v2;
	vm4 =	veq.s32 v14, v54  }
0x305: {  	v57 =	vperm.xlane v24, v35;
	v59 =	vsel vm4, $0x1, v2;
	vm4 =	veq.s32 v13, v54  }
0x306: {  	v42 =	vadd.s32 v58, v42;
	v60 =	vsel vm4, $0x1, v2;
	vm4 =	veq.s32 v10, v54  }
0x307: {  	v41 =	vadd.s32 v59, v41;
	v61 =	vsel vm4, $0x1, v2;
	vm4 =	veq.s32 v11, v54  }
0x308: {  	v40 =	vadd.s32 v60, v40;
	v63 =	vsel vm4, $0x1, v2;
	vm4 =	veq.s32 v12, v54  }
0x309: {  	v39 =	vadd.s32 v61, v39;
	v49 =	vsel vm4, $0x1, v2;
	vm4 =	veq.s32 v54, v1  }
0x30a: {  	v38 =	vadd.s32 v63, v38;
	v50 =	vsel vm4, $0x1, v2;
	vm4 =	veq.s32 v16, v48  }
0x30b: {  	v37 =	vadd.s32 v49, v37;
	v51 =	vsel vm4, $0x1, v2;
	vm4 =	veq.s32 v15, v48  }
0x30c: {  	v36 =	vadd.s32 v50, v36;
	v52 =	vsel vm4, $0x1, v2;
	vm4 =	veq.s32 v14, v48  }
0x30d: {  	v43 =	vadd.s32 v51, v43;
	v53 =	vsel vm4, $0x1, v2;
	vm4 =	veq.s32 v13, v48  }
0x30e: {  	v42 =	vadd.s32 v52, v42;
	v54 =	vsel vm4, $0x1, v2;
	vm4 =	veq.s32 v10, v48  }
0x30f: {  	v41 =	vadd.s32 v53, v41;
	v55 =	vsel vm4, $0x1, v2;
	vm4 =	veq.s32 v11, v48  }
0x310: {  	v40 =	vadd.s32 v54, v40;
	v56 =	vsel vm4, $0x1, v2;
	vm4 =	veq.s32 v12, v48  }
0x311: {  	v54 =	vperm.xlane v23, v35;
	v58 =	vsel vm4, $0x1, v2;
	vm4 =	veq.s32 v48, v1  }
0x312: {  	v39 =	vadd.s32 v55, v39;
	v59 =	vsel vm4, $0x1, v2;
	vm4 =	veq.s32 v16, v57  }
0x313: {  	v38 =	vadd.s32 v56, v38;
	v60 =	vsel vm4, $0x1, v2;
	vm4 =	veq.s32 v15, v57  }
0x314: {  	v37 =	vadd.s32 v58, v37;
	v61 =	vsel vm4, $0x1, v2;
	vm4 =	veq.s32 v14, v57  }
0x315: {  	v36 =	vadd.s32 v59, v36;
	v62 =	vsel vm4, $0x1, v2;
	vm4 =	veq.s32 v13, v57  }
0x316: {  	v43 =	vadd.s32 v60, v43;
	v63 =	vsel vm4, $0x1, v2;
	vm4 =	veq.s32 v10, v57  }
0x317: {  	v42 =	vadd.s32 v61, v42;
	v41 =	vadd.s32 v62, v41;
	v52 =	vsel vm4, $0x1, v2  }
0x318: {  	vm4 =	veq.s32 v11, v57;
	v40 =	vadd.s32 v63, v40;
	v63 =	vperm.xlane v22, v35  }
0x319: {  	v53 =	vsel vm4, $0x1, v2;
	vm4 =	veq.s32 v12, v57;
	v39 =	vadd.s32 v52, v39  }
0x31a: {  	v55 =	vsel vm4, $0x1, v2;
	vm4 =	veq.s32 v57, v1;
	v38 =	vadd.s32 v53, v38  }
0x31b: {  	v56 =	vsel vm4, $0x1, v2;
	vm4 =	veq.s32 v16, v54;
	v37 =	vadd.s32 v55, v37  }
0x31c: {  	v57 =	vsel vm4, $0x1, v2;
	vm4 =	veq.s32 v15, v54;
	v36 =	vadd.s32 v56, v36  }
0x31d: {  	v58 =	vsel vm4, $0x1, v2;
	vm4 =	veq.s32 v14, v54;
	v43 =	vadd.s32 v57, v43  }
0x31e: {  	v57 =	vperm.xlane v21, v35;
	v59 =	vsel vm4, $0x1, v2;
	vm4 =	veq.s32 v13, v54  }
0x31f: {  	v42 =	vadd.s32 v58, v42;
	v60 =	vsel vm4, $0x1, v2;
	vm4 =	veq.s32 v10, v54  }
0x320: {  	v41 =	vadd.s32 v59, v41;
	v61 =	vsel vm4, $0x1, v2;
	vm4 =	veq.s32 v11, v54  }
0x321: {  	v40 =	vadd.s32 v60, v40;
	v62 =	vsel vm4, $0x1, v2;
	vm4 =	veq.s32 v12, v54  }
0x322: {  	v39 =	vadd.s32 v61, v39;
	v49 =	vsel vm4, $0x1, v2;
	vm4 =	veq.s32 v54, v1  }
0x323: {  	v38 =	vadd.s32 v62, v38;
	v50 =	vsel vm4, $0x1, v2;
	vm4 =	veq.s32 v16, v63  }
0x324: {  	v37 =	vadd.s32 v49, v37;
	v51 =	vsel vm4, $0x1, v2;
	vm4 =	veq.s32 v15, v63  }
0x325: {  	v36 =	vadd.s32 v50, v36;
	v52 =	vsel vm4, $0x1, v2;
	vm4 =	veq.s32 v14, v63  }
0x326: {  	v43 =	vadd.s32 v51, v43;
	v53 =	vsel vm4, $0x1, v2;
	vm4 =	veq.s32 v13, v63  }
0x327: {  	v42 =	vadd.s32 v52, v42;
	v54 =	vsel vm4, $0x1, v2;
	vm4 =	veq.s32 v10, v63  }
0x328: {  	v41 =	vadd.s32 v53, v41;
	v55 =	vsel vm4, $0x1, v2;
	vm4 =	veq.s32 v11, v63  }
0x329: {  	v53 =	vperm.xlane v20, v35;
	v56 =	vsel vm4, $0x1, v2;
	vm4 =	veq.s32 v12, v63  }
0x32a: {  	v40 =	vadd.s32 v54, v40;
	v58 =	vsel vm4, $0x1, v2;
	vm4 =	veq.s32 v63, v1  }
0x32b: {  	v39 =	vadd.s32 v55, v39;
	v45 =	vsel vm4, $0x1, v2;
	vm4 =	veq.s32 v16, v57  }
0x32c: {  	v38 =	vadd.s32 v56, v38;
	v59 =	vsel vm4, $0x1, v2;
	vm4 =	veq.s32 v15, v57  }
0x32d: {  	v37 =	vadd.s32 v58, v37;
	v60 =	vsel vm4, $0x1, v2;
	vm4 =	veq.s32 v14, v57  }
0x32e: {  	v36 =	vadd.s32 v45, v36;
	v61 =	vsel vm4, $0x1, v2;
	vm4 =	veq.s32 v13, v57  }
0x32f: {  	v43 =	vadd.s32 v59, v43;
	v62 =	vsel vm4, $0x1, v2;
	vm4 =	veq.s32 v10, v57  }
0x330: {  	v42 =	vadd.s32 v60, v42;
	v41 =	vadd.s32 v61, v41;
	v63 =	vsel vm4, $0x1, v2  }
0x331: {  	vm4 =	veq.s32 v11, v57;
	v40 =	vadd.s32 v62, v40;
	v62 =	vperm.xlane v19, v35  }
0x332: {  	v52 =	vsel vm4, $0x1, v2;
	vm4 =	veq.s32 v12, v57;
	v39 =	vadd.s32 v63, v39  }
0x333: {  	v54 =	vsel vm4, $0x1, v2;
	vm4 =	veq.s32 v57, v1;
	v38 =	vadd.s32 v52, v38  }
0x334: {  	v55 =	vsel vm4, $0x1, v2;
	vm4 =	veq.s32 v16, v53;
	v37 =	vadd.s32 v54, v37  }
0x335: {  	v56 =	vsel vm4, $0x1, v2;
	vm4 =	veq.s32 v15, v53;
	v36 =	vadd.s32 v55, v36  }
0x336: {  	v55 =	vperm.xlane v18, v35;
	v57 =	vsel vm4, $0x1, v2;
	vm4 =	veq.s32 v14, v53  }
0x337: {  	v43 =	vadd.s32 v56, v43;
	v58 =	vsel vm4, $0x1, v2;
	vm4 =	veq.s32 v13, v53  }
0x338: {  	v42 =	vadd.s32 v57, v42;
	v59 =	vsel vm4, $0x1, v2;
	vm4 =	veq.s32 v10, v53  }
0x339: {  	v41 =	vadd.s32 v58, v41;
	v60 =	vsel vm4, $0x1, v2;
	vm4 =	veq.s32 v11, v53  }
0x33a: {  	v40 =	vadd.s32 v59, v40;
	v61 =	vsel vm4, $0x1, v2;
	vm4 =	veq.s32 v12, v53  }
0x33b: {  	v39 =	vadd.s32 v60, v39;
	v63 =	vsel vm4, $0x1, v2;
	vm4 =	veq.s32 v53, v1  }
0x33c: {  	v38 =	vadd.s32 v61, v38;
	v48 =	vsel vm4, $0x1, v2;
	vm4 =	veq.s32 v16, v62  }
0x33d: {  	v37 =	vadd.s32 v63, v37;
	v49 =	vsel vm4, $0x1, v2;
	vm4 =	veq.s32 v15, v62  }
0x33e: {  	v63 =	vperm.xlane v17, v35;
	v50 =	vsel vm4, $0x1, v2;
	vm4 =	veq.s32 v14, v62  }
0x33f: {  	v36 =	vadd.s32 v48, v36;
	v51 =	vsel vm4, $0x1, v2;
	vm4 =	veq.s32 v13, v62  }
0x340: {  	v43 =	vadd.s32 v49, v43;
	v52 =	vsel vm4, $0x1, v2;
	vm4 =	veq.s32 v10, v62  }
0x341: {  	v42 =	vadd.s32 v50, v42;
	v53 =	vsel vm4, $0x1, v2;
	vm4 =	veq.s32 v11, v62  }
0x342: {  	v41 =	vadd.s32 v51, v41;
	v54 =	vsel vm4, $0x1, v2;
	vm4 =	veq.s32 v12, v62  }
0x343: {  	v40 =	vadd.s32 v52, v40;
	v56 =	vsel vm4, $0x1, v2;
	vm4 =	veq.s32 v62, v1  }
0x344: {  	v39 =	vadd.s32 v53, v39;
	v45 =	vsel vm4, $0x1, v2;
	vm4 =	veq.s32 v16, v55  }
0x345: {  	v38 =	vadd.s32 v54, v38;
	v57 =	vsel vm4, $0x1, v2;
	vm4 =	veq.s32 v15, v55  }
0x346: {  	v37 =	vadd.s32 v56, v37;
	v58 =	vsel vm4, $0x1, v2;
	vm4 =	veq.s32 v14, v55  }
0x347: {  	v36 =	vadd.s32 v45, v36;
	v59 =	vsel vm4, $0x1, v2;
	vm4 =	veq.s32 v13, v55  }
0x348: {  	v43 =	vadd.s32 v57, v43;
	v42 =	vadd.s32 v58, v42;
	v60 =	vsel vm4, $0x1, v2  }
0x349: {  	vm4 =	veq.s32 v10, v55;
	v41 =	vadd.s32 v59, v41;
	v59 =	vperm.xlane v16, v35  }
0x34a: {  	v61 =	vsel vm4, $0x1, v2;
	vm4 =	veq.s32 v11, v55;
	v40 =	vadd.s32 v60, v40  }
0x34b: {  	v62 =	vsel vm4, $0x1, v2;
	vm4 =	veq.s32 v12, v55;
	v39 =	vadd.s32 v61, v39  }
0x34c: {  	v51 =	vsel vm4, $0x1, v2;
	vm4 =	veq.s32 v55, v1;
	v38 =	vadd.s32 v62, v38  }
0x34d: {  	v52 =	vsel vm4, $0x1, v2;
	vm4 =	veq.s32 v16, v63;
	v37 =	vadd.s32 v51, v37  }
0x34e: {  	v53 =	vsel vm4, $0x1, v2;
	vm4 =	veq.s32 v15, v63;
	v36 =	vadd.s32 v52, v36  }
0x34f: {  	v52 =	vperm.xlane v15, v35;
	v54 =	vsel vm4, $0x1, v2;
	vm4 =	veq.s32 v14, v63  }
0x350: {  	v43 =	vadd.s32 v53, v43;
	v55 =	vsel vm4, $0x1, v2;
	vm4 =	veq.s32 v13, v63  }
0x351: {  	v42 =	vadd.s32 v54, v42;
	v56 =	vsel vm4, $0x1, v2;
	vm4 =	veq.s32 v10, v63  }
0x352: {  	v41 =	vadd.s32 v55, v41;
	v57 =	vsel vm4, $0x1, v2;
	vm4 =	veq.s32 v11, v63  }
0x353: {  	v40 =	vadd.s32 v56, v40;
	v58 =	vsel vm4, $0x1, v2;
	vm4 =	veq.s32 v12, v63  }
0x354: {  	v39 =	vadd.s32 v57, v39;
	v60 =	vsel vm4, $0x1, v2;
	vm4 =	veq.s32 v63, v1  }
0x355: {  	v38 =	vadd.s32 v58, v38;
	v61 =	vsel vm4, $0x1, v2;
	vm4 =	veq.s32 v16, v59  }
0x356: {  	v37 =	vadd.s32 v60, v37;
	v62 =	vsel vm4, $0x1, v2;
	vm4 =	veq.s32 v15, v59  }
0x357: {  	v60 =	vperm.xlane v14, v35;
	v63 =	vsel vm4, $0x1, v2;
	vm4 =	veq.s32 v14, v59  }
0x358: {  	v36 =	vadd.s32 v61, v36;
	v48 =	vsel vm4, $0x1, v2;
	vm4 =	veq.s32 v13, v59  }
0x359: {  	v43 =	vadd.s32 v62, v43;
	v49 =	vsel vm4, $0x1, v2;
	vm4 =	veq.s32 v10, v59  }
0x35a: {  	v42 =	vadd.s32 v63, v42;
	v50 =	vsel vm4, $0x1, v2;
	vm4 =	veq.s32 v11, v59  }
0x35b: {  	v41 =	vadd.s32 v48, v41;
	v51 =	vsel vm4, $0x1, v2;
	vm4 =	veq.s32 v12, v59  }
0x35c: {  	v40 =	vadd.s32 v49, v40;
	v53 =	vsel vm4, $0x1, v2;
	vm4 =	veq.s32 v59, v1  }
0x35d: {  	v39 =	vadd.s32 v50, v39;
	v45 =	vsel vm4, $0x1, v2;
	vm4 =	veq.s32 v16, v52  }
0x35e: {  	v38 =	vadd.s32 v51, v38;
	v54 =	vsel vm4, $0x1, v2;
	vm4 =	veq.s32 v15, v52  }
0x35f: {  	v37 =	vadd.s32 v53, v37;
	v36 =	vadd.s32 v45, v36;
	v55 =	vsel vm4, $0x1, v2  }
0x360: {  	vm4 =	veq.s32 v14, v52;
	v43 =	vadd.s32 v54, v43;
	v54 =	vperm.xlane v13, v35  }
0x361: {  	v56 =	vsel vm4, $0x1, v2;
	vm4 =	veq.s32 v13, v52;
	v42 =	vadd.s32 v55, v42  }
0x362: {  	v57 =	vsel vm4, $0x1, v2;
	vm4 =	veq.s32 v10, v52;
	v41 =	vadd.s32 v56, v41  }
0x363: {  	v58 =	vsel vm4, $0x1, v2;
	vm4 =	veq.s32 v11, v52;
	v40 =	vadd.s32 v57, v40  }
0x364: {  	v59 =	vsel vm4, $0x1, v2;
	vm4 =	veq.s32 v12, v52;
	v39 =	vadd.s32 v58, v39  }
0x365: {  	v61 =	vsel vm4, $0x1, v2;
	vm4 =	veq.s32 v52, v1;
	v38 =	vadd.s32 v59, v38  }
0x366: {  	v62 =	vsel vm4, $0x1, v2;
	vm4 =	veq.s32 v16, v60;
	v37 =	vadd.s32 v61, v37  }
0x367: {  	v63 =	vsel vm4, $0x1, v2;
	vm4 =	veq.s32 v15, v60;
	v36 =	vadd.s32 v62, v36  }
0x368: {  	v49 =	vsel vm4, $0x1, v2;
	vm4 =	veq.s32 v14, v60;
	v43 =	vadd.s32 v63, v43  }
0x369: {  	v63 =	vperm.xlane v10, v35;
	v50 =	vsel vm4, $0x1, v2;
	vm4 =	veq.s32 v13, v60  }
0x36a: {  	v42 =	vadd.s32 v49, v42;
	v51 =	vsel vm4, $0x1, v2;
	vm4 =	veq.s32 v10, v60  }
0x36b: {  	v41 =	vadd.s32 v50, v41;
	v52 =	vsel vm4, $0x1, v2;
	vm4 =	veq.s32 v11, v60  }
0x36c: {  	v40 =	vadd.s32 v51, v40;
	v53 =	vsel vm4, $0x1, v2;
	vm4 =	veq.s32 v12, v60  }
0x36d: {  	v39 =	vadd.s32 v52, v39;
	v55 =	vsel vm4, $0x1, v2;
	vm4 =	veq.s32 v60, v1  }
0x36e: {  	v38 =	vadd.s32 v53, v38;
	v56 =	vsel vm4, $0x1, v2;
	vm4 =	veq.s32 v16, v54  }
0x36f: {  	v37 =	vadd.s32 v55, v37;
	v57 =	vsel vm4, $0x1, v2;
	vm4 =	veq.s32 v15, v54  }
0x370: {  	v36 =	vadd.s32 v56, v36;
	v58 =	vsel vm4, $0x1, v2;
	vm4 =	veq.s32 v14, v54  }
0x371: {  	v43 =	vadd.s32 v57, v43;
	v59 =	vsel vm4, $0x1, v2;
	vm4 =	veq.s32 v13, v54  }
0x372: {  	v57 =	vperm.xlane v11, v35;
	v60 =	vsel vm4, $0x1, v2;
	vm4 =	veq.s32 v10, v54  }
0x373: {  	v42 =	vadd.s32 v58, v42;
	v61 =	vsel vm4, $0x1, v2;
	vm4 =	veq.s32 v11, v54  }
0x374: {  	v41 =	vadd.s32 v59, v41;
	v62 =	vsel vm4, $0x1, v2;
	vm4 =	veq.s32 v12, v54  }
0x375: {  	v40 =	vadd.s32 v60, v40;
	v50 =	vsel vm4, $0x1, v2;
	vm4 =	veq.s32 v54, v1  }
0x376: {  	v39 =	vadd.s32 v61, v39;
	v45 =	vsel vm4, $0x1, v2;
	vm4 =	veq.s32 v16, v63  }
0x377: {  	v38 =	vadd.s32 v62, v38;
	v51 =	vsel vm4, $0x1, v2;
	vm4 =	veq.s32 v15, v63  }
0x378: {  	v37 =	vadd.s32 v50, v37;
	v36 =	vadd.s32 v45, v36;
	v52 =	vsel vm4, $0x1, v2  }
0x379: {  	vm4 =	veq.s32 v14, v63;
	v43 =	vadd.s32 v51, v43;
	v51 =	vperm.xlane v12, v35  }
0x37a: {  	v53 =	vsel vm4, $0x1, v2;
	vm4 =	veq.s32 v13, v63;
	v42 =	vadd.s32 v52, v42  }
0x37b: {  	v54 =	vsel vm4, $0x1, v2;
	vm4 =	veq.s32 v10, v63;
	v41 =	vadd.s32 v53, v41  }
0x37c: {  	v55 =	vsel vm4, $0x1, v2;
	vm4 =	veq.s32 v11, v63;
	v40 =	vadd.s32 v54, v40  }
0x37d: {  	v56 =	vsel vm4, $0x1, v2;
	vm4 =	veq.s32 v12, v63;
	v39 =	vadd.s32 v55, v39  }
0x37e: {  	v58 =	vsel vm4, $0x1, v2;
	vm4 =	veq.s32 v63, v1;
	v38 =	vadd.s32 v56, v38  }
0x37f: {  	v59 =	vsel vm4, $0x1, v2;
	vm4 =	veq.s32 v16, v57;
	v37 =	vadd.s32 v58, v37  }
0x380: {  	s30 =	sadd.s32 $0x2, s11;
	v60 =	vsel vm4, $0x1, v2;
	vm4 =	veq.s32 v15, v57;
	v36 =	vadd.s32 v59, v36  }
0x381: {  	v59 =	vadd.s32 s30, v1;
	v61 =	vsel vm4, $0x1, v2;
	vm4 =	veq.s32 v14, v57  }
0x382: {  	v43 =	vadd.s32 v60, v43;
	v35 =	vand.u32 $0xF, v59;
	v62 =	vsel vm4, $0x1, v2  }
0x383: {  	vm4 =	veq.s32 v13, v57;
	v42 =	vadd.s32 v61, v42;
	v61 =	vperm.xlane v25, v35  }
0x384: {  	v63 =	vsel vm4, $0x1, v2;
	vm4 =	veq.s32 v10, v57;
	v41 =	vadd.s32 v62, v41  }
0x385: {  	v49 =	vsel vm4, $0x1, v2;
	v40 =	vadd.s32 v63, v40;
	vm4 =	veq.s32 v11, v57  }
0x386: {  	v39 =	vadd.s32 v49, v39;
	v50 =	vsel vm4, $0x1, v2;
	vm4 =	veq.s32 v12, v57  }
0x387: {  	v38 =	vadd.s32 v50, v38;
	v52 =	vsel vm4, $0x1, v2;
	vm4 =	veq.s32 v57, v1  }
0x388: {  	v37 =	vadd.s32 v52, v37;
	v53 =	vsel vm4, $0x1, v2;
	vm4 =	veq.s32 v16, v51  }
0x389: {  	v36 =	vadd.s32 v53, v36;
	v54 =	vsel vm4, $0x1, v2;
	vm4 =	veq.s32 v15, v51  }
0x38a: {  	v43 =	vadd.s32 v54, v43;
	v55 =	vsel vm4, $0x1, v2;
	vm4 =	veq.s32 v14, v51  }
0x38b: {  	v54 =	vperm.xlane v24, v35;
	v56 =	vsel vm4, $0x1, v2;
	vm4 =	veq.s32 v13, v51  }
0x38c: {  	v42 =	vadd.s32 v55, v42;
	v57 =	vsel vm4, $0x1, v2;
	vm4 =	veq.s32 v10, v51  }
0x38d: {  	v41 =	vadd.s32 v56, v41;
	v58 =	vsel vm4, $0x1, v2;
	vm4 =	veq.s32 v11, v51  }
0x38e: {  	v40 =	vadd.s32 v57, v40;
	v60 =	vsel vm4, $0x1, v2;
	vm4 =	veq.s32 v12, v51  }
0x38f: {  	v39 =	vadd.s32 v58, v39;
	v62 =	vsel vm4, $0x1, v2;
	vm4 =	veq.s32 v51, v1  }
0x390: {  	v38 =	vadd.s32 v60, v38;
	v63 =	vsel vm4, $0x1, v2;
	vm4 =	veq.s32 v16, v61  }
0x391: {  	v37 =	vadd.s32 v62, v37;
	v48 =	vsel vm4, $0x1, v2;
	vm4 =	veq.s32 v15, v61  }
0x392: {  	v36 =	vadd.s32 v63, v36;
	v49 =	vsel vm4, $0x1, v2;
	vm4 =	veq.s32 v14, v61  }
0x393: {  	v63 =	vperm.xlane v23, v35;
	v50 =	vsel vm4, $0x1, v2;
	vm4 =	veq.s32 v13, v61  }
0x394: {  	v43 =	vadd.s32 v48, v43;
	v51 =	vsel vm4, $0x1, v2;
	vm4 =	veq.s32 v10, v61  }
0x395: {  	v42 =	vadd.s32 v49, v42;
	v52 =	vsel vm4, $0x1, v2;
	vm4 =	veq.s32 v11, v61  }
0x396: {  	v41 =	vadd.s32 v50, v41;
	v53 =	vsel vm4, $0x1, v2;
	vm4 =	veq.s32 v12, v61  }
0x397: {  	v40 =	vadd.s32 v51, v40;
	v55 =	vsel vm4, $0x1, v2;
	vm4 =	veq.s32 v61, v1  }
0x398: {  	v39 =	vadd.s32 v52, v39;
	v56 =	vsel vm4, $0x1, v2;
	vm4 =	veq.s32 v16, v54  }
0x399: {  	v38 =	vadd.s32 v53, v38;
	v57 =	vsel vm4, $0x1, v2;
	vm4 =	veq.s32 v15, v54  }
0x39a: {  	v37 =	vadd.s32 v55, v37;
	v58 =	vsel vm4, $0x1, v2;
	vm4 =	veq.s32 v14, v54  }
0x39b: {  	v36 =	vadd.s32 v56, v36;
	v59 =	vsel vm4, $0x1, v2;
	vm4 =	veq.s32 v13, v54  }
0x39c: {  	v43 =	vadd.s32 v57, v43;
	v42 =	vadd.s32 v58, v42;
	v60 =	vsel vm4, $0x1, v2  }
0x39d: {  	vm4 =	veq.s32 v10, v54;
	v41 =	vadd.s32 v59, v41;
	v59 =	vperm.xlane v22, v35  }
0x39e: {  	v61 =	vsel vm4, $0x1, v2;
	vm4 =	veq.s32 v11, v54;
	v40 =	vadd.s32 v60, v40  }
0x39f: {  	v62 =	vsel vm4, $0x1, v2;
	vm4 =	veq.s32 v12, v54;
	v39 =	vadd.s32 v61, v39  }
0x3a0: {  	v51 =	vsel vm4, $0x1, v2;
	vm4 =	veq.s32 v54, v1;
	v38 =	vadd.s32 v62, v38  }
0x3a1: {  	v52 =	vsel vm4, $0x1, v2;
	vm4 =	veq.s32 v16, v63;
	v37 =	vadd.s32 v51, v37  }
0x3a2: {  	v53 =	vsel vm4, $0x1, v2;
	vm4 =	veq.s32 v15, v63;
	v36 =	vadd.s32 v52, v36  }
0x3a3: {  	v52 =	vperm.xlane v21, v35;
	v54 =	vsel vm4, $0x1, v2;
	vm4 =	veq.s32 v14, v63  }
0x3a4: {  	v43 =	vadd.s32 v53, v43;
	v55 =	vsel vm4, $0x1, v2;
	vm4 =	veq.s32 v13, v63  }
0x3a5: {  	v42 =	vadd.s32 v54, v42;
	v56 =	vsel vm4, $0x1, v2;
	vm4 =	veq.s32 v10, v63  }
0x3a6: {  	v41 =	vadd.s32 v55, v41;
	v57 =	vsel vm4, $0x1, v2;
	vm4 =	veq.s32 v11, v63  }
0x3a7: {  	v40 =	vadd.s32 v56, v40;
	v58 =	vsel vm4, $0x1, v2;
	vm4 =	veq.s32 v12, v63  }
0x3a8: {  	v39 =	vadd.s32 v57, v39;
	v60 =	vsel vm4, $0x1, v2;
	vm4 =	veq.s32 v63, v1  }
0x3a9: {  	v38 =	vadd.s32 v58, v38;
	v61 =	vsel vm4, $0x1, v2;
	vm4 =	veq.s32 v16, v59  }
0x3aa: {  	v37 =	vadd.s32 v60, v37;
	v62 =	vsel vm4, $0x1, v2;
	vm4 =	veq.s32 v15, v59  }
0x3ab: {  	v60 =	vperm.xlane v20, v35;
	v63 =	vsel vm4, $0x1, v2;
	vm4 =	veq.s32 v14, v59  }
0x3ac: {  	v36 =	vadd.s32 v61, v36;
	v48 =	vsel vm4, $0x1, v2;
	vm4 =	veq.s32 v13, v59  }
0x3ad: {  	v43 =	vadd.s32 v62, v43;
	v49 =	vsel vm4, $0x1, v2;
	vm4 =	veq.s32 v10, v59  }
0x3ae: {  	v42 =	vadd.s32 v63, v42;
	v50 =	vsel vm4, $0x1, v2;
	vm4 =	veq.s32 v11, v59  }
0x3af: {  	v41 =	vadd.s32 v48, v41;
	v51 =	vsel vm4, $0x1, v2;
	vm4 =	veq.s32 v12, v59  }
0x3b0: {  	v40 =	vadd.s32 v49, v40;
	v53 =	vsel vm4, $0x1, v2;
	vm4 =	veq.s32 v59, v1  }
0x3b1: {  	v39 =	vadd.s32 v50, v39;
	v45 =	vsel vm4, $0x1, v2;
	vm4 =	veq.s32 v16, v52  }
0x3b2: {  	v38 =	vadd.s32 v51, v38;
	v54 =	vsel vm4, $0x1, v2;
	vm4 =	veq.s32 v15, v52  }
0x3b3: {  	v37 =	vadd.s32 v53, v37;
	v36 =	vadd.s32 v45, v36;
	v55 =	vsel vm4, $0x1, v2  }
0x3b4: {  	vm4 =	veq.s32 v14, v52;
	v43 =	vadd.s32 v54, v43;
	v54 =	vperm.xlane v19, v35  }
0x3b5: {  	v56 =	vsel vm4, $0x1, v2;
	vm4 =	veq.s32 v13, v52;
	v42 =	vadd.s32 v55, v42  }
0x3b6: {  	v57 =	vsel vm4, $0x1, v2;
	vm4 =	veq.s32 v10, v52;
	v41 =	vadd.s32 v56, v41  }
0x3b7: {  	v58 =	vsel vm4, $0x1, v2;
	vm4 =	veq.s32 v11, v52;
	v40 =	vadd.s32 v57, v40  }
0x3b8: {  	v59 =	vsel vm4, $0x1, v2;
	vm4 =	veq.s32 v12, v52;
	v39 =	vadd.s32 v58, v39  }
0x3b9: {  	v61 =	vsel vm4, $0x1, v2;
	vm4 =	veq.s32 v52, v1;
	v38 =	vadd.s32 v59, v38  }
0x3ba: {  	v62 =	vsel vm4, $0x1, v2;
	vm4 =	veq.s32 v16, v60;
	v37 =	vadd.s32 v61, v37  }
0x3bb: {  	v63 =	vsel vm4, $0x1, v2;
	vm4 =	veq.s32 v15, v60;
	v36 =	vadd.s32 v62, v36  }
0x3bc: {  	v49 =	vsel vm4, $0x1, v2;
	vm4 =	veq.s32 v14, v60;
	v43 =	vadd.s32 v63, v43  }
0x3bd: {  	v63 =	vperm.xlane v18, v35;
	v50 =	vsel vm4, $0x1, v2;
	vm4 =	veq.s32 v13, v60  }
0x3be: {  	v42 =	vadd.s32 v49, v42;
	v51 =	vsel vm4, $0x1, v2;
	vm4 =	veq.s32 v10, v60  }
0x3bf: {  	v41 =	vadd.s32 v50, v41;
	v52 =	vsel vm4, $0x1, v2;
	vm4 =	veq.s32 v11, v60  }
0x3c0: {  	v40 =	vadd.s32 v51, v40;
	v53 =	vsel vm4, $0x1, v2;
	vm4 =	veq.s32 v12, v60  }
0x3c1: {  	v39 =	vadd.s32 v52, v39;
	v55 =	vsel vm4, $0x1, v2;
	vm4 =	veq.s32 v60, v1  }
0x3c2: {  	v38 =	vadd.s32 v53, v38;
	v56 =	vsel vm4, $0x1, v2;
	vm4 =	veq.s32 v16, v54  }
0x3c3: {  	v37 =	vadd.s32 v55, v37;
	v57 =	vsel vm4, $0x1, v2;
	vm4 =	veq.s32 v15, v54  }
0x3c4: {  	v55 =	vperm.xlane v17, v35;
	v58 =	vsel vm4, $0x1, v2;
	vm4 =	veq.s32 v14, v54  }
0x3c5: {  	v36 =	vadd.s32 v56, v36;
	v59 =	vsel vm4, $0x1, v2;
	vm4 =	veq.s32 v13, v54  }
0x3c6: {  	v43 =	vadd.s32 v57, v43;
	v60 =	vsel vm4, $0x1, v2;
	vm4 =	veq.s32 v10, v54  }
0x3c7: {  	v42 =	vadd.s32 v58, v42;
	v61 =	vsel vm4, $0x1, v2;
	vm4 =	veq.s32 v11, v54  }
0x3c8: {  	v41 =	vadd.s32 v59, v41;
	v62 =	vsel vm4, $0x1, v2;
	vm4 =	veq.s32 v12, v54  }
0x3c9: {  	v40 =	vadd.s32 v60, v40;
	v48 =	vsel vm4, $0x1, v2;
	vm4 =	veq.s32 v54, v1  }
0x3ca: {  	v39 =	vadd.s32 v61, v39;
	v45 =	vsel vm4, $0x1, v2;
	vm4 =	veq.s32 v16, v63  }
0x3cb: {  	v38 =	vadd.s32 v62, v38;
	v49 =	vsel vm4, $0x1, v2;
	vm4 =	veq.s32 v15, v63  }
0x3cc: {  	v37 =	vadd.s32 v48, v37;
	v36 =	vadd.s32 v45, v36;
	v50 =	vsel vm4, $0x1, v2  }
0x3cd: {  	vm4 =	veq.s32 v14, v63;
	v43 =	vadd.s32 v49, v43;
	v49 =	vperm.xlane v16, v35  }
0x3ce: {  	v51 =	vsel vm4, $0x1, v2;
	vm4 =	veq.s32 v13, v63;
	v42 =	vadd.s32 v50, v42  }
0x3cf: {  	v52 =	vsel vm4, $0x1, v2;
	vm4 =	veq.s32 v10, v63;
	v41 =	vadd.s32 v51, v41  }
0x3d0: {  	v53 =	vsel vm4, $0x1, v2;
	vm4 =	veq.s32 v11, v63;
	v40 =	vadd.s32 v52, v40  }
0x3d1: {  	v54 =	vsel vm4, $0x1, v2;
	vm4 =	veq.s32 v12, v63;
	v39 =	vadd.s32 v53, v39  }
0x3d2: {  	v56 =	vsel vm4, $0x1, v2;
	vm4 =	veq.s32 v63, v1;
	v38 =	vadd.s32 v54, v38  }
0x3d3: {  	v57 =	vsel vm4, $0x1, v2;
	vm4 =	veq.s32 v16, v55;
	v37 =	vadd.s32 v56, v37  }
0x3d4: {  	v58 =	vsel vm4, $0x1, v2;
	vm4 =	veq.s32 v15, v55;
	v36 =	vadd.s32 v57, v36  }
0x3d5: {  	v59 =	vsel vm4, $0x1, v2;
	vm4 =	veq.s32 v14, v55;
	v43 =	vadd.s32 v58, v43  }
0x3d6: {  	v58 =	vperm.xlane v15, v35;
	v60 =	vsel vm4, $0x1, v2;
	vm4 =	veq.s32 v13, v55  }
0x3d7: {  	v42 =	vadd.s32 v59, v42;
	v61 =	vsel vm4, $0x1, v2;
	vm4 =	veq.s32 v10, v55  }
0x3d8: {  	v41 =	vadd.s32 v60, v41;
	v62 =	vsel vm4, $0x1, v2;
	vm4 =	veq.s32 v11, v55  }
0x3d9: {  	v40 =	vadd.s32 v61, v40;
	v63 =	vsel vm4, $0x1, v2;
	vm4 =	veq.s32 v12, v55  }
0x3da: {  	v39 =	vadd.s32 v62, v39;
	v50 =	vsel vm4, $0x1, v2;
	vm4 =	veq.s32 v55, v1  }
0x3db: {  	v38 =	vadd.s32 v63, v38;
	v51 =	vsel vm4, $0x1, v2;
	vm4 =	veq.s32 v16, v49  }
0x3dc: {  	v37 =	vadd.s32 v50, v37;
	v52 =	vsel vm4, $0x1, v2;
	vm4 =	veq.s32 v15, v49  }
0x3dd: {  	v36 =	vadd.s32 v51, v36;
	v53 =	vsel vm4, $0x1, v2;
	vm4 =	veq.s32 v14, v49  }
0x3de: {  	v43 =	vadd.s32 v52, v43;
	v54 =	vsel vm4, $0x1, v2;
	vm4 =	veq.s32 v13, v49  }
0x3df: {  	v42 =	vadd.s32 v53, v42;
	v55 =	vsel vm4, $0x1, v2;
	vm4 =	veq.s32 v10, v49  }
0x3e0: {  	v41 =	vadd.s32 v54, v41;
	v56 =	vsel vm4, $0x1, v2;
	vm4 =	veq.s32 v11, v49  }
0x3e1: {  	v54 =	vperm.xlane v14, v35;
	v57 =	vsel vm4, $0x1, v2;
	vm4 =	veq.s32 v12, v49  }
0x3e2: {  	v40 =	vadd.s32 v55, v40;
	v59 =	vsel vm4, $0x1, v2;
	vm4 =	veq.s32 v49, v1  }
0x3e3: {  	v39 =	vadd.s32 v56, v39;
	v45 =	vsel vm4, $0x1, v2;
	vm4 =	veq.s32 v16, v58  }
0x3e4: {  	v38 =	vadd.s32 v57, v38;
	v60 =	vsel vm4, $0x1, v2;
	vm4 =	veq.s32 v15, v58  }
0x3e5: {  	v37 =	vadd.s32 v59, v37;
	v61 =	vsel vm4, $0x1, v2;
	vm4 =	veq.s32 v14, v58  }
0x3e6: {  	v36 =	vadd.s32 v45, v36;
	v62 =	vsel vm4, $0x1, v2;
	vm4 =	veq.s32 v13, v58  }
0x3e7: {  	v43 =	vadd.s32 v60, v43;
	v63 =	vsel vm4, $0x1, v2;
	vm4 =	veq.s32 v10, v58  }
0x3e8: {  	v42 =	vadd.s32 v61, v42;
	v41 =	vadd.s32 v62, v41;
	v52 =	vsel vm4, $0x1, v2  }
0x3e9: {  	vm4 =	veq.s32 v11, v58;
	v40 =	vadd.s32 v63, v40;
	v63 =	vperm.xlane v13, v35  }
0x3ea: {  	v53 =	vsel vm4, $0x1, v2;
	vm4 =	veq.s32 v12, v58;
	v39 =	vadd.s32 v52, v39  }
0x3eb: {  	v55 =	vsel vm4, $0x1, v2;
	vm4 =	veq.s32 v58, v1;
	v38 =	vadd.s32 v53, v38  }
0x3ec: {  	v56 =	vsel vm4, $0x1, v2;
	vm4 =	veq.s32 v16, v54;
	v37 =	vadd.s32 v55, v37  }
0x3ed: {  	v57 =	vsel vm4, $0x1, v2;
	vm4 =	veq.s32 v15, v54;
	v36 =	vadd.s32 v56, v36  }
0x3ee: {  	v58 =	vsel vm4, $0x1, v2;
	vm4 =	veq.s32 v14, v54;
	v43 =	vadd.s32 v57, v43  }
0x3ef: {  	v57 =	vperm.xlane v10, v35;
	v59 =	vsel vm4, $0x1, v2;
	vm4 =	veq.s32 v13, v54  }
0x3f0: {  	v42 =	vadd.s32 v58, v42;
	v60 =	vsel vm4, $0x1, v2;
	vm4 =	veq.s32 v10, v54  }
0x3f1: {  	v41 =	vadd.s32 v59, v41;
	v61 =	vsel vm4, $0x1, v2;
	vm4 =	veq.s32 v11, v54  }
0x3f2: {  	v40 =	vadd.s32 v60, v40;
	v62 =	vsel vm4, $0x1, v2;
	vm4 =	veq.s32 v12, v54  }
0x3f3: {  	v39 =	vadd.s32 v61, v39;
	v49 =	vsel vm4, $0x1, v2;
	vm4 =	veq.s32 v54, v1  }
0x3f4: {  	v38 =	vadd.s32 v62, v38;
	v50 =	vsel vm4, $0x1, v2;
	vm4 =	veq.s32 v16, v63  }
0x3f5: {  	v37 =	vadd.s32 v49, v37;
	v51 =	vsel vm4, $0x1, v2;
	vm4 =	veq.s32 v15, v63  }
0x3f6: {  	s31 =	sadd.s32 $0x3, s11;
	v36 =	vadd.s32 v50, v36;
	v52 =	vsel vm4, $0x1, v2;
	vm4 =	veq.s32 v14, v63  }
0x3f7: {  	v43 =	vadd.s32 v51, v43;
	v51 =	vadd.s32 s31, v1;
	v53 =	vsel vm4, $0x1, v2  }
0x3f8: {  	v42 =	vadd.s32 v52, v42;
	vm4 =	veq.s32 v13, v63;
	v41 =	vadd.s32 v53, v41  }
0x3f9: {  	v54 =	vsel vm4, $0x1, v2;
	vm4 =	veq.s32 v10, v63;
	v53 =	vperm.xlane v11, v35  }
0x3fa: {  	v40 =	vadd.s32 v54, v40;
	v55 =	vsel vm4, $0x1, v2;
	vm4 =	veq.s32 v11, v63  }
0x3fb: {  	v56 =	vsel vm4, $0x1, v2;
	vm4 =	veq.s32 v12, v63;
	v39 =	vadd.s32 v55, v39  }
0x3fc: {  	v58 =	vsel vm4, $0x1, v2;
	vm4 =	veq.s32 v63, v1;
	v38 =	vadd.s32 v56, v38  }
0x3fd: {  	v45 =	vsel vm4, $0x1, v2;
	vm4 =	veq.s32 v16, v57;
	v37 =	vadd.s32 v58, v37  }
0x3fe: {  	v59 =	vsel vm4, $0x1, v2;
	vm4 =	veq.s32 v15, v57;
	v36 =	vadd.s32 v45, v36  }
0x3ff: {  	v60 =	vsel vm4, $0x1, v2;
	vm4 =	veq.s32 v14, v57;
	v43 =	vadd.s32 v59, v43  }
0x400: {  	v61 =	vsel vm4, $0x1, v2;
	vm4 =	veq.s32 v13, v57;
	v42 =	vadd.s32 v60, v42  }
0x401: {  	v62 =	vsel vm4, $0x1, v2;
	vm4 =	veq.s32 v10, v57;
	v41 =	vadd.s32 v61, v41  }
0x402: {  	v63 =	vsel vm4, $0x1, v2;
	vm4 =	veq.s32 v11, v57;
	v40 =	vadd.s32 v62, v40  }
0x403: {  	v62 =	vperm.xlane v12, v35;
	v52 =	vsel vm4, $0x1, v2;
	vm4 =	veq.s32 v12, v57  }
0x404: {  	v35 =	vand.u32 $0xF, v51;
	v54 =	vsel vm4, $0x1, v2;
	vm4 =	veq.s32 v57, v1  }
0x405: {  	v39 =	vadd.s32 v63, v39;
	v55 =	vsel vm4, $0x1, v2;
	vm4 =	veq.s32 v16, v53  }
0x406: {  	v38 =	vadd.s32 v52, v38;
	v56 =	vsel vm4, $0x1, v2;
	vm4 =	veq.s32 v15, v53  }
0x407: {  	v37 =	vadd.s32 v54, v37;
	v57 =	vsel vm4, $0x1, v2;
	vm4 =	veq.s32 v14, v53  }
0x408: {  	v36 =	vadd.s32 v55, v36;
	v58 =	vsel vm4, $0x1, v2;
	vm4 =	veq.s32 v13, v53  }
0x409: {  	v43 =	vadd.s32 v56, v43;
	v59 =	vsel vm4, $0x1, v2;
	vm4 =	veq.s32 v10, v53  }
0x40a: {  	v42 =	vadd.s32 v57, v42;
	v60 =	vsel vm4, $0x1, v2;
	vm4 =	veq.s32 v11, v53  }
0x40b: {  	v41 =	vadd.s32 v58, v41;
	v40 =	vadd.s32 v59, v40;
	v61 =	vsel vm4, $0x1, v2  }
0x40c: {  	v39 =	vadd.s32 v60, v39;
	vm4 =	veq.s32 v12, v53;
	v38 =	vadd.s32 v61, v38  }
0x40d: {  	v63 =	vsel vm4, $0x1, v2;
	vm4 =	veq.s32 v53, v1;
	v53 =	vperm.xlane v25, v35  }
0x40e: {  	v37 =	vadd.s32 v63, v37;
	v44 =	vsel vm4, $0x1, v2;
	vm4 =	veq.s32 v16, v62  }
0x40f: {  	v36 =	vadd.s32 v44, v36;
	v46 =	vsel vm4, $0x1, v2;
	vm4 =	veq.s32 v15, v62  }
0x410: {  	v43 =	vadd.s32 v46, v43;
	v47 =	vsel vm4, $0x1, v2;
	vm4 =	veq.s32 v14, v62  }
0x411: {  	v42 =	vadd.s32 v47, v42;
	v48 =	vsel vm4, $0x1, v2;
	vm4 =	veq.s32 v13, v62  }
0x412: {  	v41 =	vadd.s32 v48, v41;
	v49 =	vsel vm4, $0x1, v2;
	vm4 =	veq.s32 v10, v62  }
0x413: {  	v40 =	vadd.s32 v49, v40;
	v50 =	vsel vm4, $0x1, v2;
	vm4 =	veq.s32 v11, v62  }
0x414: {  	v39 =	vadd.s32 v50, v39;
	v52 =	vsel vm4, $0x1, v2;
	vm4 =	veq.s32 v12, v62  }
0x415: {  	v38 =	vadd.s32 v52, v38;
	v54 =	vsel vm4, $0x1, v2;
	vm4 =	veq.s32 v62, v1  }
0x416: {  	v62 =	vperm.xlane v24, v35;
	v55 =	vsel vm4, $0x1, v2;
	vm4 =	veq.s32 v16, v53  }
0x417: {  	v37 =	vadd.s32 v54, v37;
	v56 =	vsel vm4, $0x1, v2;
	vm4 =	veq.s32 v15, v53  }
0x418: {  	v36 =	vadd.s32 v55, v36;
	v57 =	vsel vm4, $0x1, v2;
	vm4 =	veq.s32 v14, v53  }
0x419: {  	v55 =	vperm.xlane v23, v35;
	v58 =	vsel vm4, $0x1, v2;
	vm4 =	veq.s32 v13, v53  }
0x41a: {  	v43 =	vadd.s32 v56, v43;
	v59 =	vsel vm4, $0x1, v2;
	vm4 =	veq.s32 v10, v53  }
0x41b: {  	v42 =	vadd.s32 v57, v42;
	v60 =	vsel vm4, $0x1, v2;
	vm4 =	veq.s32 v11, v53  }
0x41c: {  	v41 =	vadd.s32 v58, v41;
	v61 =	vsel vm4, $0x1, v2;
	vm4 =	veq.s32 v12, v53  }
0x41d: {  	v40 =	vadd.s32 v59, v40;
	v63 =	vsel vm4, $0x1, v2;
	vm4 =	veq.s32 v53, v1  }
0x41e: {  	v39 =	vadd.s32 v60, v39;
	v48 =	vsel vm4, $0x1, v2;
	vm4 =	veq.s32 v16, v62  }
0x41f: {  	v38 =	vadd.s32 v61, v38;
	v49 =	vsel vm4, $0x1, v2;
	vm4 =	veq.s32 v15, v62  }
0x420: {  	v37 =	vadd.s32 v63, v37;
	v36 =	vadd.s32 v48, v36;
	v50 =	vsel vm4, $0x1, v2  }
0x421: {  	vm4 =	veq.s32 v14, v62;
	v43 =	vadd.s32 v49, v43;
	v49 =	vperm.xlane v22, v35  }
0x422: {  	v51 =	vsel vm4, $0x1, v2;
	vm4 =	veq.s32 v13, v62;
	v42 =	vadd.s32 v50, v42  }
0x423: {  	v52 =	vsel vm4, $0x1, v2;
	vm4 =	veq.s32 v10, v62;
	v41 =	vadd.s32 v51, v41  }
0x424: {  	v53 =	vsel vm4, $0x1, v2;
	vm4 =	veq.s32 v11, v62;
	v40 =	vadd.s32 v52, v40  }
0x425: {  	v54 =	vsel vm4, $0x1, v2;
	vm4 =	veq.s32 v12, v62;
	v39 =	vadd.s32 v53, v39  }
0x426: {  	v56 =	vsel vm4, $0x1, v2;
	vm4 =	veq.s32 v62, v1;
	v38 =	vadd.s32 v54, v38  }
0x427: {  	v57 =	vsel vm4, $0x1, v2;
	vm4 =	veq.s32 v16, v55;
	v37 =	vadd.s32 v56, v37  }
0x428: {  	v58 =	vsel vm4, $0x1, v2;
	vm4 =	veq.s32 v15, v55;
	v36 =	vadd.s32 v57, v36  }
0x429: {  	v59 =	vsel vm4, $0x1, v2;
	vm4 =	veq.s32 v14, v55;
	v43 =	vadd.s32 v58, v43  }
0x42a: {  	v58 =	vperm.xlane v21, v35;
	v60 =	vsel vm4, $0x1, v2;
	vm4 =	veq.s32 v13, v55  }
0x42b: {  	v42 =	vadd.s32 v59, v42;
	v61 =	vsel vm4, $0x1, v2;
	vm4 =	veq.s32 v10, v55  }
0x42c: {  	v41 =	vadd.s32 v60, v41;
	v62 =	vsel vm4, $0x1, v2;
	vm4 =	veq.s32 v11, v55  }
0x42d: {  	v40 =	vadd.s32 v61, v40;
	v63 =	vsel vm4, $0x1, v2;
	vm4 =	veq.s32 v12, v55  }
0x42e: {  	v39 =	vadd.s32 v62, v39;
	v50 =	vsel vm4, $0x1, v2;
	vm4 =	veq.s32 v55, v1  }
0x42f: {  	v38 =	vadd.s32 v63, v38;
	v51 =	vsel vm4, $0x1, v2;
	vm4 =	veq.s32 v16, v49  }
0x430: {  	v37 =	vadd.s32 v50, v37;
	v52 =	vsel vm4, $0x1, v2;
	vm4 =	veq.s32 v15, v49  }
0x431: {  	v36 =	vadd.s32 v51, v36;
	v53 =	vsel vm4, $0x1, v2;
	vm4 =	veq.s32 v14, v49  }
0x432: {  	v43 =	vadd.s32 v52, v43;
	v54 =	vsel vm4, $0x1, v2;
	vm4 =	veq.s32 v13, v49  }
0x433: {  	v42 =	vadd.s32 v53, v42;
	v55 =	vsel vm4, $0x1, v2;
	vm4 =	veq.s32 v10, v49  }
0x434: {  	v41 =	vadd.s32 v54, v41;
	v56 =	vsel vm4, $0x1, v2;
	vm4 =	veq.s32 v11, v49  }
0x435: {  	v54 =	vperm.xlane v20, v35;
	v57 =	vsel vm4, $0x1, v2;
	vm4 =	veq.s32 v12, v49  }
0x436: {  	v40 =	vadd.s32 v55, v40;
	v59 =	vsel vm4, $0x1, v2;
	vm4 =	veq.s32 v49, v1  }
0x437: {  	v39 =	vadd.s32 v56, v39;
	v45 =	vsel vm4, $0x1, v2;
	vm4 =	veq.s32 v16, v58  }
0x438: {  	v38 =	vadd.s32 v57, v38;
	v60 =	vsel vm4, $0x1, v2;
	vm4 =	veq.s32 v15, v58  }
0x439: {  	v37 =	vadd.s32 v59, v37;
	v61 =	vsel vm4, $0x1, v2;
	vm4 =	veq.s32 v14, v58  }
0x43a: {  	v36 =	vadd.s32 v45, v36;
	v62 =	vsel vm4, $0x1, v2;
	vm4 =	veq.s32 v13, v58  }
0x43b: {  	v43 =	vadd.s32 v60, v43;
	v63 =	vsel vm4, $0x1, v2;
	vm4 =	veq.s32 v10, v58  }
0x43c: {  	v42 =	vadd.s32 v61, v42;
	v41 =	vadd.s32 v62, v41;
	v52 =	vsel vm4, $0x1, v2  }
0x43d: {  	vm4 =	veq.s32 v11, v58;
	v40 =	vadd.s32 v63, v40;
	v63 =	vperm.xlane v19, v35  }
0x43e: {  	v53 =	vsel vm4, $0x1, v2;
	vm4 =	veq.s32 v12, v58;
	v39 =	vadd.s32 v52, v39  }
0x43f: {  	v55 =	vsel vm4, $0x1, v2;
	vm4 =	veq.s32 v58, v1;
	v38 =	vadd.s32 v53, v38  }
0x440: {  	v56 =	vsel vm4, $0x1, v2;
	vm4 =	veq.s32 v16, v54;
	v37 =	vadd.s32 v55, v37  }
0x441: {  	v57 =	vsel vm4, $0x1, v2;
	vm4 =	veq.s32 v15, v54;
	v36 =	vadd.s32 v56, v36  }
0x442: {  	v58 =	vsel vm4, $0x1, v2;
	vm4 =	veq.s32 v14, v54;
	v43 =	vadd.s32 v57, v43  }
0x443: {  	v57 =	vperm.xlane v18, v35;
	v59 =	vsel vm4, $0x1, v2;
	vm4 =	veq.s32 v13, v54  }
0x444: {  	v42 =	vadd.s32 v58, v42;
	v60 =	vsel vm4, $0x1, v2;
	vm4 =	veq.s32 v10, v54  }
0x445: {  	v41 =	vadd.s32 v59, v41;
	v61 =	vsel vm4, $0x1, v2;
	vm4 =	veq.s32 v11, v54  }
0x446: {  	v40 =	vadd.s32 v60, v40;
	v62 =	vsel vm4, $0x1, v2;
	vm4 =	veq.s32 v12, v54  }
0x447: {  	v39 =	vadd.s32 v61, v39;
	v49 =	vsel vm4, $0x1, v2;
	vm4 =	veq.s32 v54, v1  }
0x448: {  	v38 =	vadd.s32 v62, v38;
	v50 =	vsel vm4, $0x1, v2;
	vm4 =	veq.s32 v16, v63  }
0x449: {  	v37 =	vadd.s32 v49, v37;
	v51 =	vsel vm4, $0x1, v2;
	vm4 =	veq.s32 v15, v63  }
0x44a: {  	v36 =	vadd.s32 v50, v36;
	v52 =	vsel vm4, $0x1, v2;
	vm4 =	veq.s32 v14, v63  }
0x44b: {  	v43 =	vadd.s32 v51, v43;
	v53 =	vsel vm4, $0x1, v2;
	vm4 =	veq.s32 v13, v63  }
0x44c: {  	v42 =	vadd.s32 v52, v42;
	v54 =	vsel vm4, $0x1, v2;
	vm4 =	veq.s32 v10, v63  }
0x44d: {  	v41 =	vadd.s32 v53, v41;
	v55 =	vsel vm4, $0x1, v2;
	vm4 =	veq.s32 v11, v63  }
0x44e: {  	v53 =	vperm.xlane v17, v35;
	v56 =	vsel vm4, $0x1, v2;
	vm4 =	veq.s32 v12, v63  }
0x44f: {  	v40 =	vadd.s32 v54, v40;
	v58 =	vsel vm4, $0x1, v2;
	vm4 =	veq.s32 v63, v1  }
0x450: {  	v39 =	vadd.s32 v55, v39;
	v45 =	vsel vm4, $0x1, v2;
	vm4 =	veq.s32 v16, v57  }
0x451: {  	v38 =	vadd.s32 v56, v38;
	v59 =	vsel vm4, $0x1, v2;
	vm4 =	veq.s32 v15, v57  }
0x452: {  	v37 =	vadd.s32 v58, v37;
	v60 =	vsel vm4, $0x1, v2;
	vm4 =	veq.s32 v14, v57  }
0x453: {  	v36 =	vadd.s32 v45, v36;
	v61 =	vsel vm4, $0x1, v2;
	vm4 =	veq.s32 v13, v57  }
0x454: {  	v43 =	vadd.s32 v59, v43;
	v62 =	vsel vm4, $0x1, v2;
	vm4 =	veq.s32 v10, v57  }
0x455: {  	v42 =	vadd.s32 v60, v42;
	v41 =	vadd.s32 v61, v41;
	v63 =	vsel vm4, $0x1, v2  }
0x456: {  	vm4 =	veq.s32 v11, v57;
	v40 =	vadd.s32 v62, v40;
	v62 =	vperm.xlane v16, v35  }
0x457: {  	v52 =	vsel vm4, $0x1, v2;
	vm4 =	veq.s32 v12, v57;
	v39 =	vadd.s32 v63, v39  }
0x458: {  	v54 =	vsel vm4, $0x1, v2;
	vm4 =	veq.s32 v57, v1;
	v38 =	vadd.s32 v52, v38  }
0x459: {  	v55 =	vsel vm4, $0x1, v2;
	vm4 =	veq.s32 v16, v53;
	v37 =	vadd.s32 v54, v37  }
0x45a: {  	v56 =	vsel vm4, $0x1, v2;
	vm4 =	veq.s32 v15, v53;
	v36 =	vadd.s32 v55, v36  }
0x45b: {  	v55 =	vperm.xlane v15, v35;
	v57 =	vsel vm4, $0x1, v2;
	vm4 =	veq.s32 v14, v53  }
0x45c: {  	v43 =	vadd.s32 v56, v43;
	v58 =	vsel vm4, $0x1, v2;
	vm4 =	veq.s32 v13, v53  }
0x45d: {  	v42 =	vadd.s32 v57, v42;
	v59 =	vsel vm4, $0x1, v2;
	vm4 =	veq.s32 v10, v53  }
0x45e: {  	v41 =	vadd.s32 v58, v41;
	v60 =	vsel vm4, $0x1, v2;
	vm4 =	veq.s32 v11, v53  }
0x45f: {  	v40 =	vadd.s32 v59, v40;
	v61 =	vsel vm4, $0x1, v2;
	vm4 =	veq.s32 v12, v53  }
0x460: {  	v39 =	vadd.s32 v60, v39;
	v63 =	vsel vm4, $0x1, v2;
	vm4 =	veq.s32 v53, v1  }
0x461: {  	v38 =	vadd.s32 v61, v38;
	v48 =	vsel vm4, $0x1, v2;
	vm4 =	veq.s32 v16, v62  }
0x462: {  	v37 =	vadd.s32 v63, v37;
	v49 =	vsel vm4, $0x1, v2;
	vm4 =	veq.s32 v15, v62  }
0x463: {  	v63 =	vperm.xlane v14, v35;
	v50 =	vsel vm4, $0x1, v2;
	vm4 =	veq.s32 v14, v62  }
0x464: {  	v36 =	vadd.s32 v48, v36;
	v51 =	vsel vm4, $0x1, v2;
	vm4 =	veq.s32 v13, v62  }
0x465: {  	v43 =	vadd.s32 v49, v43;
	v52 =	vsel vm4, $0x1, v2;
	vm4 =	veq.s32 v10, v62  }
0x466: {  	v42 =	vadd.s32 v50, v42;
	v53 =	vsel vm4, $0x1, v2;
	vm4 =	veq.s32 v11, v62  }
0x467: {  	v41 =	vadd.s32 v51, v41;
	v54 =	vsel vm4, $0x1, v2;
	vm4 =	veq.s32 v12, v62  }
0x468: {  	v40 =	vadd.s32 v52, v40;
	v56 =	vsel vm4, $0x1, v2;
	vm4 =	veq.s32 v62, v1  }
0x469: {  	v39 =	vadd.s32 v53, v39;
	v45 =	vsel vm4, $0x1, v2;
	vm4 =	veq.s32 v16, v55  }
0x46a: {  	v38 =	vadd.s32 v54, v38;
	v57 =	vsel vm4, $0x1, v2;
	vm4 =	veq.s32 v15, v55  }
0x46b: {  	v37 =	vadd.s32 v56, v37;
	v58 =	vsel vm4, $0x1, v2;
	vm4 =	veq.s32 v14, v55  }
0x46c: {  	v36 =	vadd.s32 v45, v36;
	v59 =	vsel vm4, $0x1, v2;
	vm4 =	veq.s32 v13, v55  }
0x46d: {  	v43 =	vadd.s32 v57, v43;
	v60 =	vsel vm4, $0x1, v2;
	vm4 =	veq.s32 v10, v55  }
0x46e: {  	v42 =	vadd.s32 v58, v42;
	v41 =	vadd.s32 v59, v41;
	v61 =	vsel vm4, $0x1, v2  }
0x46f: {  	vm4 =	veq.s32 v11, v55;
	v40 =	vadd.s32 v60, v40;
	v60 =	vperm.xlane v13, v35  }
0x470: {  	v62 =	vsel vm4, $0x1, v2;
	vm4 =	veq.s32 v12, v55;
	v39 =	vadd.s32 v61, v39  }
0x471: {  	v52 =	vsel vm4, $0x1, v2;
	vm4 =	veq.s32 v55, v1;
	v38 =	vadd.s32 v62, v38  }
0x472: {  	v53 =	vsel vm4, $0x1, v2;
	vm4 =	veq.s32 v16, v63;
	v37 =	vadd.s32 v52, v37  }
0x473: {  	v54 =	vsel vm4, $0x1, v2;
	vm4 =	veq.s32 v15, v63;
	v36 =	vadd.s32 v53, v36  }
0x474: {  	v53 =	vperm.xlane v10, v35;
	v55 =	vsel vm4, $0x1, v2;
	vm4 =	veq.s32 v14, v63  }
0x475: {  	v43 =	vadd.s32 v54, v43;
	v56 =	vsel vm4, $0x1, v2;
	vm4 =	veq.s32 v13, v63  }
0x476: {  	v42 =	vadd.s32 v55, v42;
	v57 =	vsel vm4, $0x1, v2;
	vm4 =	veq.s32 v10, v63  }
0x477: {  	v41 =	vadd.s32 v56, v41;
	v58 =	vsel vm4, $0x1, v2;
	vm4 =	veq.s32 v11, v63  }
0x478: {  	v40 =	vadd.s32 v57, v40;
	v59 =	vsel vm4, $0x1, v2;
	vm4 =	veq.s32 v12, v63  }
0x479: {  	v39 =	vadd.s32 v58, v39;
	v61 =	vsel vm4, $0x1, v2;
	vm4 =	veq.s32 v63, v1  }
0x47a: {  	v38 =	vadd.s32 v59, v38;
	v62 =	vsel vm4, $0x1, v2;
	vm4 =	veq.s32 v16, v60  }
0x47b: {  	v37 =	vadd.s32 v61, v37;
	v63 =	vsel vm4, $0x1, v2;
	vm4 =	veq.s32 v15, v60  }
0x47c: {  	v61 =	vperm.xlane v11, v35;
	v48 =	vsel vm4, $0x1, v2;
	vm4 =	veq.s32 v14, v60  }
0x47d: {  	v35 =	vperm.xlane v12, v35;
	v49 =	vsel vm4, $0x1, v2;
	vm4 =	veq.s32 v13, v60  }
0x47e: {  	v36 =	vadd.s32 v62, v36;
	v50 =	vsel vm4, $0x1, v2;
	vm4 =	veq.s32 v10, v60  }
0x47f: {  	v43 =	vadd.s32 v63, v43;
	v51 =	vsel vm4, $0x1, v2;
	vm4 =	veq.s32 v11, v60  }
0x480: {  	v42 =	vadd.s32 v48, v42;
	v52 =	vsel vm4, $0x1, v2;
	vm4 =	veq.s32 v12, v60  }
0x481: {  	v41 =	vadd.s32 v49, v41;
	v54 =	vsel vm4, $0x1, v2;
	vm4 =	veq.s32 v60, v1  }
0x482: {  	v40 =	vadd.s32 v50, v40;
	v45 =	vsel vm4, $0x1, v2;
	vm4 =	veq.s32 v16, v53  }
0x483: {  	v39 =	vadd.s32 v51, v39;
	v55 =	vsel vm4, $0x1, v2;
	vm4 =	veq.s32 v15, v53  }
0x484: {  	v38 =	vadd.s32 v52, v38;
	v56 =	vsel vm4, $0x1, v2;
	vm4 =	veq.s32 v14, v53  }
0x485: {  	v37 =	vadd.s32 v54, v37;
	v57 =	vsel vm4, $0x1, v2;
	vm4 =	veq.s32 v13, v53  }
0x486: {  	v36 =	vadd.s32 v45, v36;
	v58 =	vsel vm4, $0x1, v2;
	vm4 =	veq.s32 v10, v53  }
0x487: {  	v43 =	vadd.s32 v55, v43;
	v59 =	vsel vm4, $0x1, v2;
	vm4 =	veq.s32 v11, v53  }
0x488: {  	v42 =	vadd.s32 v56, v42;
	v60 =	vsel vm4, $0x1, v2;
	vm4 =	veq.s32 v12, v53  }
0x489: {  	v41 =	vadd.s32 v57, v41;
	v62 =	vsel vm4, $0x1, v2;
	vm4 =	veq.s32 v53, v1  }
0x48a: {  	v40 =	vadd.s32 v58, v40;
	v63 =	vsel vm4, $0x1, v2;
	vm4 =	veq.s32 v16, v61  }
0x48b: {  	v39 =	vadd.s32 v59, v39;
	v49 =	vsel vm4, $0x1, v2;
	vm4 =	veq.s32 v15, v61  }
0x48c: {  	v38 =	vadd.s32 v60, v38;
	v50 =	vsel vm4, $0x1, v2;
	vm4 =	veq.s32 v14, v61  }
0x48d: {  	v37 =	vadd.s32 v62, v37;
	v51 =	vsel vm4, $0x1, v2;
	vm4 =	veq.s32 v13, v61  }
0x48e: {  	v36 =	vadd.s32 v63, v36;
	v52 =	vsel vm4, $0x1, v2;
	vm4 =	veq.s32 v10, v61  }
0x48f: {  	v43 =	vadd.s32 v49, v43;
	v53 =	vsel vm4, $0x1, v2;
	vm4 =	veq.s32 v11, v61  }
0x490: {  	v42 =	vadd.s32 v50, v42;
	v54 =	vsel vm4, $0x1, v2;
	vm4 =	veq.s32 v12, v61  }
0x491: {  	v41 =	vadd.s32 v51, v41;
	v55 =	vsel vm4, $0x1, v2;
	vm4 =	veq.s32 v61, v1  }
0x492: {  	v40 =	vadd.s32 v52, v40;
	v56 =	vsel vm4, $0x1, v2;
	vm4 =	veq.s32 v16, v35  }
0x493: {  	v39 =	vadd.s32 v53, v39;
	v57 =	vsel vm4, $0x1, v2;
	vm4 =	veq.s32 v15, v35  }
0x494: {  	v38 =	vadd.s32 v54, v38;
	v58 =	vsel vm4, $0x1, v2;
	vm4 =	veq.s32 v14, v35  }
0x495: {  	v37 =	vadd.s32 v55, v37;
	v59 =	vsel vm4, $0x1, v2;
	vm4 =	veq.s32 v13, v35  }
0x496: {  	p1 =	slt.u32 s11, $0xC;
	v36 =	vadd.s32 v56, v36;
	v60 =	vsel vm4, $0x1, v2;
	vm4 =	veq.s32 v10, v35  }
.Ltmp1:
0x497: {  	v43 =	vadd.s32 v57, v43;
	v61 =	vsel vm4, $0x1, v2;
	vm4 =	veq.s32 v11, v35;
	(pc) =	sbr.rel @p1 .LBB2_3-.Ltmp1, $4  }
0x498: {  	v42 =	vadd.s32 v58, v42;
	v62 =	vsel vm4, $0x1, v2;
	vm4 =	veq.s32 v12, v35  }
0x499: {  	v41 =	vadd.s32 v59, v41;
	v63 =	vsel vm4, $0x1, v2;
	vm4 =	veq.s32 v35, v1  }
0x49a: {  	v40 =	vadd.s32 v60, v40;
	v39 =	vadd.s32 v61, v39;
	v35 =	vsel vm4, $0x1, v2  }
0x49b: {  	s11 =	sadd.s32 $0x4, s11;
	v38 =	vadd.s32 v62, v38;
	v37 =	vadd.s32 v63, v37;
	v36 =	vadd.s32 v35, v36  }
0x49c: {  	v34 =	vshll.u32 v34, $0x11;
	v33 =	vshll.u32 v33, $0x11  }
0x49d: {  	v34 =	vsub.s32 v34, v25;
	v33 =	vsub.s32 v33, v24  }
0x49e: {  	v32 =	vshll.u32 v32, $0x11;
	v34 =	vadd.s32 $0x1FFFF, v34;
	v33 =	vadd.s32 $0x1FFFF, v33  }
0x49f: {  	v32 =	vsub.s32 v32, v23;
	vm4 =	vgt.s32 v34, v33  }
0x4a0: {  	v31 =	vshll.u32 v31, $0x11;
	v32 =	vadd.s32 $0x1FFFF, v32;
	v35 =	vsel vm4, v34, v33  }
0x4a1: {  	v31 =	vsub.s32 v31, v22;
	vm4 =	vgt.s32 v35, v32  }
0x4a2: {  	v30 =	vshll.u32 v30, $0x11;
	v31 =	vadd.s32 $0x1FFFF, v31;
	v35 =	vsel vm4, v35, v32  }
0x4a3: {  	v30 =	vsub.s32 v30, v21;
	vm4 =	vgt.s32 v35, v31  }
0x4a4: {  	v29 =	vshll.u32 v29, $0x11;
	v30 =	vadd.s32 $0x1FFFF, v30;
	v35 =	vsel vm4, v35, v31  }
0x4a5: {  	v29 =	vsub.s32 v29, v20;
	vm4 =	vgt.s32 v35, v30  }
0x4a6: {  	v28 =	vshll.u32 v28, $0x11;
	v29 =	vadd.s32 $0x1FFFF, v29;
	v35 =	vsel vm4, v35, v30  }
0x4a7: {  	v28 =	vsub.s32 v28, v19;
	vm4 =	vgt.s32 v35, v29  }
0x4a8: {  	v27 =	vshll.u32 v27, $0x11;
	v28 =	vadd.s32 $0x1FFFF, v28;
	v35 =	vsel vm4, v35, v29  }
0x4a9: {  	v27 =	vsub.s32 v27, v18;
	vm4 =	vgt.s32 v35, v28  }
0x4aa: {  	v26 =	vshll.u32 v26, $0x11;
	v27 =	vadd.s32 $0x1FFFF, v27;
	v35 =	vsel vm4, v35, v28  }
0x4ab: {  	v26 =	vsub.s32 v26, v17;
	vm4 =	vgt.s32 v35, v27  }
0x4ac: {  	v44 =	vadd.s32 $0x1FFFF, v26;
	v26 =	vshll.u32 v43, $0x11;
	v35 =	vsel vm4, v35, v27  }
0x4ad: {  	v26 =	vsub.s32 v26, v16;
	vm4 =	vgt.s32 v35, v44  }
0x4ae: {  	v56 =	vadd.s32 $0x1FFFF, v26;
	v26 =	vshll.u32 v42, $0x11;
	v35 =	vsel vm4, v35, v44  }
0x4af: {  	v26 =	vsub.s32 v26, v15;
	vm4 =	vgt.s32 v35, v56  }
0x4b0: {  	v57 =	vadd.s32 $0x1FFFF, v26;
	v26 =	vshll.u32 v41, $0x11;
	v35 =	vsel vm4, v35, v56  }
0x4b1: {  	v26 =	vsub.s32 v26, v14;
	vm4 =	vgt.s32 v35, v57  }
0x4b2: {  	v58 =	vadd.s32 $0x1FFFF, v26;
	v26 =	vshll.u32 v40, $0x11;
	v35 =	vsel vm4, v35, v57  }
0x4b3: {  	v26 =	vsub.s32 v26, v13;
	vm4 =	vgt.s32 v35, v58  }
0x4b4: {  	v59 =	vadd.s32 $0x1FFFF, v26;
	v26 =	vshll.u32 v39, $0x11;
	v35 =	vsel vm4, v35, v58  }
0x4b5: {  	v26 =	vsub.s32 v26, v10;
	vm4 =	vgt.s32 v35, v59  }
0x4b6: {  	v60 =	vadd.s32 $0x1FFFF, v26;
	v26 =	vshll.u32 v38, $0x11;
	v35 =	vsel vm4, v35, v59  }
0x4b7: {  	v26 =	vsub.s32 v26, v11;
	vm4 =	vgt.s32 v35, v60  }
0x4b8: {  	v61 =	vadd.s32 $0x1FFFF, v26;
	v26 =	vshll.u32 v37, $0x11;
	v35 =	vsel vm4, v35, v60  }
0x4b9: {  	v62 =	vmul.u32 $0xFFFFFFFF, v1;
	v26 =	vsub.s32 v26, v12;
	vm4 =	vgt.s32 v35, v61  }
0x4ba: {  	v45 =	vadd.s32 $0x1FFFF, v26;
	v26 =	vsel vm4, v35, v61  }
0x4bb: {  	v63 =	vshll.u32 v36, $0x11;
	v46 =	vadd.s32 $0x1FFFF, v62;
	vm4 =	vgt.s32 v26, v45  }
0x4bc: {  	v35 =	vor.u32 v46, v63;
	v26 =	vsel vm4, v26, v45  }
0x4bd: {  	vm4 =	vgt.s32 v26, v35  }
0x4be: {  	v26 =	vsel vm4, v26, v35  }
0x4bf: {  	v47 =	vperm.xlane v26, v3;
	_ =	sdelay $0x1  }
0x4c0: {  	vm4 =	vgt.s32 v26, v47  }
0x4c1: {  	v26 =	vsel vm4, v26, v47  }
0x4c2: {  	v36 =	vperm.xlane v26, v4;
	_ =	sdelay $0x1  }
0x4c3: {  	vm4 =	vgt.s32 v26, v36  }
0x4c4: {  	v26 =	vsel vm4, v26, v36  }
0x4c5: {  	v36 =	vperm.xlane v26, v5;
	_ =	sdelay $0x1  }
0x4c6: {  	vm4 =	vgt.s32 v26, v36  }
0x4c7: {  	v26 =	vsel vm4, v26, v36  }
0x4c8: {  	v36 =	vperm.xlane v26, v6;
	_ =	sdelay $0x1  }
0x4c9: {  	vm4 =	vgt.s32 v26, v36  }
0x4ca: {  	v26 =	vsel vm4, v26, v36  }
0x4cb: {  	vm4 =	veq.s32 v34, v26;
	vm5 =	veq.s32 v33, v26  }
0x4cc: {  	v34 =	vsel vm4, $0xFFFFFFFF, v34;
	v33 =	vsel vm5, $0xFFFFFFFF, v33  }
0x4cd: {  	vm4 =	veq.s32 v32, v26;
	vm5 =	vgt.s32 v34, v33  }
0x4ce: {  	v32 =	vsel vm4, $0xFFFFFFFF, v32;
	v48 =	vsel vm5, v34, v33  }
0x4cf: {  	vm4 =	veq.s32 v31, v26;
	vm5 =	vgt.s32 v48, v32  }
0x4d0: {  	v31 =	vsel vm4, $0xFFFFFFFF, v31;
	v36 =	vsel vm5, v48, v32  }
0x4d1: {  	vm4 =	veq.s32 v30, v26;
	vm5 =	vgt.s32 v36, v31  }
0x4d2: {  	v30 =	vsel vm4, $0xFFFFFFFF, v30;
	v36 =	vsel vm5, v36, v31  }
0x4d3: {  	vm4 =	veq.s32 v29, v26;
	vm5 =	vgt.s32 v36, v30  }
0x4d4: {  	v29 =	vsel vm4, $0xFFFFFFFF, v29;
	v36 =	vsel vm5, v36, v30  }
0x4d5: {  	vm4 =	veq.s32 v28, v26;
	vm5 =	vgt.s32 v36, v29  }
0x4d6: {  	v28 =	vsel vm4, $0xFFFFFFFF, v28;
	v36 =	vsel vm5, v36, v29  }
0x4d7: {  	vm4 =	veq.s32 v27, v26;
	vm5 =	vgt.s32 v36, v28  }
0x4d8: {  	v49 =	vsel vm4, $0xFFFFFFFF, v27;
	v27 =	vsel vm5, v36, v28  }
0x4d9: {  	vm4 =	veq.s32 v44, v26;
	vm5 =	vgt.s32 v27, v49  }
0x4da: {  	v50 =	vsel vm4, $0xFFFFFFFF, v44;
	v27 =	vsel vm5, v27, v49  }
0x4db: {  	vm4 =	veq.s32 v56, v26;
	vm5 =	vgt.s32 v27, v50  }
0x4dc: {  	v43 =	vsel vm4, $0xFFFFFFFF, v56;
	v27 =	vsel vm5, v27, v50  }
0x4dd: {  	vm4 =	veq.s32 v57, v26;
	vm5 =	vgt.s32 v27, v43  }
0x4de: {  	v42 =	vsel vm4, $0xFFFFFFFF, v57;
	v27 =	vsel vm5, v27, v43  }
0x4df: {  	vm4 =	veq.s32 v58, v26;
	vm5 =	vgt.s32 v27, v42  }
0x4e0: {  	v41 =	vsel vm4, $0xFFFFFFFF, v58;
	v27 =	vsel vm5, v27, v42  }
0x4e1: {  	vm4 =	veq.s32 v59, v26;
	vm5 =	vgt.s32 v27, v41  }
0x4e2: {  	v40 =	vsel vm4, $0xFFFFFFFF, v59;
	v27 =	vsel vm5, v27, v41  }
0x4e3: {  	vm4 =	veq.s32 v60, v26;
	vm5 =	vgt.s32 v27, v40  }
0x4e4: {  	v39 =	vsel vm4, $0xFFFFFFFF, v60;
	v27 =	vsel vm5, v27, v40  }
0x4e5: {  	vm4 =	veq.s32 v61, v26;
	vm5 =	vgt.s32 v27, v39  }
0x4e6: {  	v38 =	vsel vm4, $0xFFFFFFFF, v61;
	v27 =	vsel vm5, v27, v39  }
0x4e7: {  	vm4 =	veq.s32 v45, v26;
	vm5 =	vgt.s32 v27, v38  }
0x4e8: {  	v51 =	vsel vm4, $0xFFFFFFFF, v45;
	v27 =	vsel vm5, v27, v38  }
0x4e9: {  	vm4 =	veq.s32 v35, v26;
	vm5 =	vgt.s32 v27, v51  }
0x4ea: {  	v35 =	vsel vm4, $0xFFFFFFFF, v35;
	v27 =	vsel vm5, v27, v51  }
0x4eb: {  	vm4 =	vgt.s32 v27, v35  }
0x4ec: {  	v27 =	vsel vm4, v27, v35  }
0x4ed: {  	v52 =	vperm.xlane v27, v3;
	_ =	sdelay $0x1  }
0x4ee: {  	vm4 =	vgt.s32 v27, v52  }
0x4ef: {  	v27 =	vsel vm4, v27, v52  }
0x4f0: {  	v45 =	vperm.xlane v27, v4;
	_ =	sdelay $0x1  }
0x4f1: {  	vm4 =	vgt.s32 v27, v45  }
0x4f2: {  	v27 =	vsel vm4, v27, v45  }
0x4f3: {  	v45 =	vperm.xlane v27, v5;
	_ =	sdelay $0x1  }
0x4f4: {  	vm4 =	vgt.s32 v27, v45  }
0x4f5: {  	v27 =	vsel vm4, v27, v45  }
0x4f6: {  	v45 =	vperm.xlane v27, v6;
	_ =	sdelay $0x1  }
0x4f7: {  	vm4 =	vgt.s32 v27, v45  }
0x4f8: {  	v27 =	vsel vm4, v27, v45  }
0x4f9: {  	vm4 =	veq.s32 v34, v27;
	vm5 =	veq.s32 v33, v27  }
0x4fa: {  	v34 =	vsel vm4, $0xFFFFFFFF, v34;
	v33 =	vsel vm5, $0xFFFFFFFF, v33  }
0x4fb: {  	vm4 =	veq.s32 v32, v27;
	vm5 =	vgt.s32 v34, v33  }
0x4fc: {  	v32 =	vsel vm4, $0xFFFFFFFF, v32;
	v53 =	vsel vm5, v34, v33  }
0x4fd: {  	vm4 =	veq.s32 v31, v27;
	vm5 =	vgt.s32 v53, v32  }
0x4fe: {  	v31 =	vsel vm4, $0xFFFFFFFF, v31;
	v45 =	vsel vm5, v53, v32  }
0x4ff: {  	vm4 =	veq.s32 v30, v27;
	vm5 =	vgt.s32 v45, v31  }
0x500: {  	v30 =	vsel vm4, $0xFFFFFFFF, v30;
	v45 =	vsel vm5, v45, v31  }
0x501: {  	vm4 =	veq.s32 v29, v27;
	vm5 =	vgt.s32 v45, v30  }
0x502: {  	v29 =	vsel vm4, $0xFFFFFFFF, v29;
	v45 =	vsel vm5, v45, v30  }
0x503: {  	vm4 =	veq.s32 v28, v27;
	vm5 =	vgt.s32 v45, v29  }
0x504: {  	v46 =	vsel vm4, $0xFFFFFFFF, v28;
	v28 =	vsel vm5, v45, v29  }
0x505: {  	vm4 =	veq.s32 v49, v27;
	vm5 =	vgt.s32 v28, v46  }
0x506: {  	v37 =	vsel vm4, $0xFFFFFFFF, v49;
	v28 =	vsel vm5, v28, v46  }
0x507: {  	vm4 =	veq.s32 v50, v27;
	vm5 =	vgt.s32 v28, v37  }
0x508: {  	v36 =	vsel vm4, $0xFFFFFFFF, v50;
	v28 =	vsel vm5, v28, v37  }
0x509: {  	vm4 =	veq.s32 v43, v27;
	vm5 =	vgt.s32 v28, v36  }
0x50a: {  	v43 =	vsel vm4, $0xFFFFFFFF, v43;
	v28 =	vsel vm5, v28, v36  }
0x50b: {  	vm4 =	veq.s32 v42, v27;
	vm5 =	vgt.s32 v28, v43  }
0x50c: {  	v42 =	vsel vm4, $0xFFFFFFFF, v42;
	v28 =	vsel vm5, v28, v43  }
0x50d: {  	vm4 =	veq.s32 v41, v27;
	vm5 =	vgt.s32 v28, v42  }
0x50e: {  	v41 =	vsel vm4, $0xFFFFFFFF, v41;
	v28 =	vsel vm5, v28, v42  }
0x50f: {  	vm4 =	veq.s32 v40, v27;
	vm5 =	vgt.s32 v28, v41  }
0x510: {  	v40 =	vsel vm4, $0xFFFFFFFF, v40;
	v28 =	vsel vm5, v28, v41  }
0x511: {  	vm4 =	veq.s32 v39, v27;
	vm5 =	vgt.s32 v28, v40  }
0x512: {  	v39 =	vsel vm4, $0xFFFFFFFF, v39;
	v28 =	vsel vm5, v28, v40  }
0x513: {  	vm4 =	veq.s32 v38, v27;
	vm5 =	vgt.s32 v28, v39  }
0x514: {  	v38 =	vsel vm4, $0xFFFFFFFF, v38;
	v28 =	vsel vm5, v28, v39  }
0x515: {  	vm4 =	veq.s32 v51, v27;
	vm5 =	vgt.s32 v28, v38  }
0x516: {  	v44 =	vsel vm4, $0xFFFFFFFF, v51;
	v28 =	vsel vm5, v28, v38  }
0x517: {  	vm4 =	veq.s32 v35, v27;
	vm5 =	vgt.s32 v28, v44  }
0x518: {  	v35 =	vsel vm4, $0xFFFFFFFF, v35;
	v28 =	vsel vm5, v28, v44  }
0x519: {  	vm4 =	vgt.s32 v28, v35  }
0x51a: {  	v28 =	vsel vm4, v28, v35  }
0x51b: {  	v54 =	vperm.xlane v28, v3;
	_ =	sdelay $0x1  }
0x51c: {  	vm4 =	vgt.s32 v28, v54  }
0x51d: {  	v28 =	vsel vm4, v28, v54  }
0x51e: {  	v45 =	vperm.xlane v28, v4;
	_ =	sdelay $0x1  }
0x51f: {  	vm4 =	vgt.s32 v28, v45  }
0x520: {  	v28 =	vsel vm4, v28, v45  }
0x521: {  	v45 =	vperm.xlane v28, v5;
	_ =	sdelay $0x1  }
0x522: {  	vm4 =	vgt.s32 v28, v45  }
0x523: {  	v28 =	vsel vm4, v28, v45  }
0x524: {  	v45 =	vperm.xlane v28, v6;
	_ =	sdelay $0x1  }
0x525: {  	vm4 =	vgt.s32 v28, v45  }
0x526: {  	v28 =	vsel vm4, v28, v45  }
0x527: {  	vm4 =	veq.s32 v34, v28;
	vm5 =	veq.s32 v33, v28  }
0x528: {  	v34 =	vsel vm4, $0xFFFFFFFF, v34;
	v33 =	vsel vm5, $0xFFFFFFFF, v33  }
0x529: {  	vm4 =	veq.s32 v32, v28;
	vm5 =	vgt.s32 v34, v33  }
0x52a: {  	v32 =	vsel vm4, $0xFFFFFFFF, v32;
	v55 =	vsel vm5, v34, v33  }
0x52b: {  	vm4 =	veq.s32 v31, v28;
	vm5 =	vgt.s32 v55, v32  }
0x52c: {  	v31 =	vsel vm4, $0xFFFFFFFF, v31;
	v45 =	vsel vm5, v55, v32  }
0x52d: {  	vm4 =	veq.s32 v30, v28;
	vm5 =	vgt.s32 v45, v31  }
0x52e: {  	v30 =	vsel vm4, $0xFFFFFFFF, v30;
	v45 =	vsel vm5, v45, v31  }
0x52f: {  	vm4 =	veq.s32 v29, v28;
	vm5 =	vgt.s32 v45, v30  }
0x530: {  	v47 =	vsel vm4, $0xFFFFFFFF, v29;
	v29 =	vsel vm5, v45, v30  }
0x531: {  	vm4 =	veq.s32 v46, v28;
	vm5 =	vgt.s32 v29, v47  }
0x532: {  	v56 =	vsel vm4, $0xFFFFFFFF, v46;
	v29 =	vsel vm5, v29, v47  }
0x533: {  	vm4 =	veq.s32 v37, v28;
	vm5 =	vgt.s32 v29, v56  }
0x534: {  	v37 =	vsel vm4, $0xFFFFFFFF, v37;
	v29 =	vsel vm5, v29, v56  }
0x535: {  	vm4 =	veq.s32 v36, v28;
	vm5 =	vgt.s32 v29, v37  }
0x536: {  	v36 =	vsel vm4, $0xFFFFFFFF, v36;
	v29 =	vsel vm5, v29, v37  }
0x537: {  	vm4 =	veq.s32 v43, v28;
	vm5 =	vgt.s32 v29, v36  }
0x538: {  	v43 =	vsel vm4, $0xFFFFFFFF, v43;
	v29 =	vsel vm5, v29, v36  }
0x539: {  	vm4 =	veq.s32 v42, v28;
	vm5 =	vgt.s32 v29, v43  }
0x53a: {  	v42 =	vsel vm4, $0xFFFFFFFF, v42;
	v29 =	vsel vm5, v29, v43  }
0x53b: {  	vm4 =	veq.s32 v41, v28;
	vm5 =	vgt.s32 v29, v42  }
0x53c: {  	v41 =	vsel vm4, $0xFFFFFFFF, v41;
	v29 =	vsel vm5, v29, v42  }
0x53d: {  	vm4 =	veq.s32 v40, v28;
	vm5 =	vgt.s32 v29, v41  }
0x53e: {  	v40 =	vsel vm4, $0xFFFFFFFF, v40;
	v29 =	vsel vm5, v29, v41  }
0x53f: {  	vm4 =	veq.s32 v39, v28;
	vm5 =	vgt.s32 v29, v40  }
0x540: {  	v39 =	vsel vm4, $0xFFFFFFFF, v39;
	v29 =	vsel vm5, v29, v40  }
0x541: {  	vm4 =	veq.s32 v38, v28;
	vm5 =	vgt.s32 v29, v39  }
0x542: {  	v38 =	vsel vm4, $0xFFFFFFFF, v38;
	v29 =	vsel vm5, v29, v39  }
0x543: {  	vm4 =	veq.s32 v44, v28;
	vm5 =	vgt.s32 v29, v38  }
0x544: {  	v44 =	vsel vm4, $0xFFFFFFFF, v44;
	v29 =	vsel vm5, v29, v38  }
0x545: {  	vm4 =	veq.s32 v35, v28;
	vm5 =	vgt.s32 v29, v44  }
0x546: {  	v35 =	vsel vm4, $0xFFFFFFFF, v35;
	v29 =	vsel vm5, v29, v44  }
0x547: {  	vm4 =	vgt.s32 v29, v35  }
0x548: {  	v29 =	vsel vm4, v29, v35  }
0x549: {  	v57 =	vperm.xlane v29, v3;
	_ =	sdelay $0x1  }
0x54a: {  	vm4 =	vgt.s32 v29, v57  }
0x54b: {  	v29 =	vsel vm4, v29, v57  }
0x54c: {  	v46 =	vperm.xlane v29, v4;
	_ =	sdelay $0x1  }
0x54d: {  	vm4 =	vgt.s32 v29, v46  }
0x54e: {  	v29 =	vsel vm4, v29, v46  }
0x54f: {  	v46 =	vperm.xlane v29, v5;
	_ =	sdelay $0x1  }
0x550: {  	vm4 =	vgt.s32 v29, v46  }
0x551: {  	v29 =	vsel vm4, v29, v46  }
0x552: {  	v46 =	vperm.xlane v29, v6;
	_ =	sdelay $0x1  }
0x553: {  	vm4 =	vgt.s32 v29, v46  }
0x554: {  	v29 =	vsel vm4, v29, v46  }
0x555: {  	vm4 =	veq.s32 v34, v29;
	vm5 =	veq.s32 v33, v29  }
0x556: {  	v34 =	vsel vm4, $0xFFFFFFFF, v34;
	v33 =	vsel vm5, $0xFFFFFFFF, v33  }
0x557: {  	vm4 =	veq.s32 v32, v29;
	vm5 =	vgt.s32 v34, v33  }
0x558: {  	v32 =	vsel vm4, $0xFFFFFFFF, v32;
	v33 =	vsel vm5, v34, v33  }
0x559: {  	vm4 =	veq.s32 v31, v29;
	vm5 =	vgt.s32 v33, v32  }
0x55a: {  	v31 =	vsel vm4, $0xFFFFFFFF, v31;
	v32 =	vsel vm5, v33, v32  }
0x55b: {  	vm4 =	veq.s32 v30, v29;
	vm5 =	vgt.s32 v32, v31  }
0x55c: {  	v30 =	vsel vm4, $0xFFFFFFFF, v30;
	v31 =	vsel vm5, v32, v31  }
0x55d: {  	vm4 =	veq.s32 v47, v29;
	vm5 =	vgt.s32 v31, v30  }
0x55e: {  	v58 =	vsel vm4, $0xFFFFFFFF, v47;
	v30 =	vsel vm5, v31, v30  }
0x55f: {  	vm4 =	veq.s32 v56, v29;
	vm5 =	vgt.s32 v30, v58  }
0x560: {  	v31 =	vsel vm4, $0xFFFFFFFF, v56;
	v30 =	vsel vm5, v30, v58  }
0x561: {  	vm4 =	veq.s32 v37, v29;
	vm5 =	vgt.s32 v30, v31  }
0x562: {  	v59 =	vsel vm4, $0xFFFFFFFF, v37;
	v30 =	vsel vm5, v30, v31  }
0x563: {  	vm4 =	veq.s32 v36, v29;
	vm5 =	vgt.s32 v30, v59  }
0x564: {  	v31 =	vsel vm4, $0xFFFFFFFF, v36;
	v30 =	vsel vm5, v30, v59  }
0x565: {  	vm4 =	veq.s32 v43, v29;
	vm5 =	vgt.s32 v30, v31  }
0x566: {  	v60 =	vsel vm4, $0xFFFFFFFF, v43;
	v30 =	vsel vm5, v30, v31  }
0x567: {  	vm4 =	veq.s32 v42, v29;
	vm5 =	vgt.s32 v30, v60  }
0x568: {  	v31 =	vsel vm4, $0xFFFFFFFF, v42;
	v30 =	vsel vm5, v30, v60  }
0x569: {  	vm4 =	veq.s32 v41, v29;
	vm5 =	vgt.s32 v30, v31  }
0x56a: {  	v61 =	vsel vm4, $0xFFFFFFFF, v41;
	v30 =	vsel vm5, v30, v31  }
0x56b: {  	vm4 =	veq.s32 v40, v29;
	vm5 =	vgt.s32 v30, v61  }
0x56c: {  	v31 =	vsel vm4, $0xFFFFFFFF, v40;
	v30 =	vsel vm5, v30, v61  }
0x56d: {  	vm4 =	veq.s32 v39, v29;
	vm5 =	vgt.s32 v30, v31  }
0x56e: {  	v62 =	vsel vm4, $0xFFFFFFFF, v39;
	v30 =	vsel vm5, v30, v31  }
0x56f: {  	vm4 =	veq.s32 v38, v29;
	vm5 =	vgt.s32 v30, v62  }
0x570: {  	v31 =	vsel vm4, $0xFFFFFFFF, v38;
	v30 =	vsel vm5, v30, v62  }
0x571: {  	vm4 =	veq.s32 v44, v29;
	vm5 =	vgt.s32 v30, v31  }
0x572: {  	v63 =	vsel vm4, $0xFFFFFFFF, v44;
	v30 =	vsel vm5, v30, v31  }
0x573: {  	vm4 =	veq.s32 v35, v29;
	vm5 =	vgt.s32 v30, v63  }
0x574: {  	v31 =	vsel vm4, $0xFFFFFFFF, v35;
	v30 =	vsel vm5, v30, v63  }
0x575: {  	vm4 =	vgt.s32 v30, v31  }
0x576: {  	v30 =	vsel vm4, v30, v31  }
0x577: {  	v31 =	vperm.xlane v30, v3;
	_ =	sdelay $0x1  }
0x578: {  	vm4 =	vgt.s32 v30, v31  }
0x579: {  	v30 =	vsel vm4, v30, v31  }
0x57a: {  	v31 =	vperm.xlane v30, v4;
	_ =	sdelay $0x1  }
0x57b: {  	vm4 =	vgt.s32 v30, v31  }
0x57c: {  	v30 =	vsel vm4, v30, v31  }
0x57d: {  	v31 =	vperm.xlane v30, v5;
	_ =	sdelay $0x1  }
0x57e: {  	vm4 =	vgt.s32 v30, v31  }
0x57f: {  	v30 =	vsel vm4, v30, v31  }
0x580: {  	s11 =	simm.s32 $0x100;
	s10 =	simm.s32 $0x0;
	v31 =	vperm.xlane v30, v6  }
.LBB2_5:
0x581: {  	p1 =	sne.s32 s11, $0x3000;
	[tilespmem:s10+$0x130] =	vst v7;
	s12 =	smov.u32 s11;
	s11 =	sadd.s32 $0x100, s11  }
.Ltmp2:
0x582: {  	[tilespmem:s10+$0x120] =	vst v7;
	(pc) =	sbr.rel @p1 .LBB2_5-.Ltmp2, $3  }
0x583: {  	[tilespmem:s10+$0x100] =	vst v7  }
0x584: {  	[tilespmem:s10+$0x110] =	vst v7;
	_ =	sdelay $0x1  }
0x585: {  	s10 =	sshra.s32 s12, $0x2  }
0x586: {  	v25 =	vsub.s32 v25, v0  }
0x587: {  	v24 =	vsub.s32 v24, v0;
	vm4 =	vlt.u32 v25, $0xC40  }
0x588: {  	v26 =	vandn.u32 $0x1FFFF, v26;
	v23 =	vsub.s32 v23, v0;
	vm5 =	vlt.u32 v24, $0xC40  }
0x589: {  	[tilespmem:s10+$0x130] =	vst v7;
	vm6 =	vmmov $0x1;
	v22 =	vsub.s32 v22, v0;
	vm7 =	vlt.u32 v23, $0xC40  }
0x58a: {  	[tilespmem:s10+$0x120] =	vst v7;
	v21 =	vsub.s32 v21, v0;
	v27 =	vandn.u32 $0x1FFFF, v27;
	vm15 =	vlt.u32 v22, $0xC40  }
0x58b: {  	[tilespmem:s10+$0x100] =	vst v7;
	v20 =	vsub.s32 v20, v0;
	v19 =	vsub.s32 v19, v0;
	vm8 =	vlt.u32 v21, $0xC40  }
0x58c: {  	[tilespmem:s10+$0x110] =	vst v7;
	v57 =	vandn.u32 $0x1FFFF, v28;
	v18 =	vsub.s32 v18, v0;
	vm9 =	vlt.u32 v20, $0xC40  }
0x58d: {  	v17 =	vsub.s32 v17, v0;
	v59 =	vandn.u32 $0x1FFFF, v29;
	[tilespmem:v25+s8+$0x0] =	vst.idx.msk vm4, v8;
	vm4 =	vlt.u32 v19, $0xC40  }
0x58e: {  	v16 =	vsub.s32 v16, v0;
	v15 =	vsub.s32 v15, v0;
	[tilespmem:v24+s8+$0x0] =	vst.idx.msk vm5, v8;
	vm5 =	vlt.u32 v18, $0xC40  }
0x58f: {  	vm10 =	vgt.s32 v30, v31;
	v14 =	vsub.s32 v14, v0;
	vm12 =	vlt.u32 v17, $0xC40;
	[tilespmem:v23+s8+$0x0] =	vst.idx.msk vm7, v8  }
0x590: {  	v13 =	vsub.s32 v13, v0;
	v26 =	vnsel vm6, $0xFFFFFFFF, v26;
	vm13 =	vlt.u32 v16, $0xC40;
	[tilespmem:v22+s8+$0x0] =	vst.idx.msk vm15, v8  }
0x591: {  	v10 =	vsub.s32 v10, v0;
	v26 =	vsel vm0, v26, v27;
	[tilespmem:v21+s8+$0x0] =	vst.idx.msk vm8, v8;
	vm8 =	vlt.u32 v15, $0xC40  }
0x592: {  	v60 =	vsel vm10, v30, v31;
	v58 =	vsel vm1, v26, v57;
	[tilespmem:v20+s8+$0x0] =	vst.idx.msk vm9, v8;
	vm9 =	vlt.u32 v14, $0xC40  }
0x593: {  	v61 =	vandn.u32 $0x1FFFF, v60;
	v23 =	vsel vm2, v58, v59;
	[tilespmem:v19+s8+$0x0] =	vst.idx.msk vm4, v8;
	vm4 =	vlt.u32 v13, $0xC40  }
0x594: {  	v11 =	vsub.s32 v11, v0;
	v62 =	vsel vm3, v23, v61;
	[tilespmem:v18+s8+$0x0] =	vst.idx.msk vm5, v8;
	vm5 =	vlt.u32 v10, $0xC40  }
0x595: {  	v12 =	vsub.s32 v12, v0;
	vm14 =	vlt.u32 v11, $0xC40;
	v63 =	vsub.s32 v62, v0;
	[tilespmem:v17+s8+$0x0] =	vst.idx.msk vm12, v8  }
0x596: {  	vm15 =	vlt.u32 v12, $0xC40;
	vm10 =	vlt.u32 v63, $0xC40;
	[tilespmem:v16+s8+$0x0] =	vst.idx.msk vm13, v8  }
0x597: {  	[tilespmem:v15+s8+$0x0] =	vst.idx.msk vm8, v8;
	vm8 =	vmand vm10, vm11  }
0x598: {  	[tilespmem:v14+s8+$0x0] =	vst.idx.msk vm9, v8  }
0x599: {  	[tilespmem:v13+s8+$0x0] =	vst.idx.msk vm4, v8  }
0x59a: {  	[tilespmem:v10+s8+$0x0] =	vst.idx.msk vm5, v8  }
0x59b: {  	[tilespmem:v11+s8+$0x0] =	vst.idx.msk vm14, v8  }
0x59c: {  	[tilespmem:v12+s8+$0x0] =	vst.idx.msk vm15, v8  }
0x59d: {  	s10 =	simm.s32 @p0 $0x0;
	s11 =	simm.s32 @p0 $0x100;
	[tilespmem:v63+s8+$0x0] =	vst.idx.msk vm8, v9  }
0x59e: {  	[hbm4b:s5+s10] =	stream.linear.scatter @p0 [tilespmem:s11], [sflag:$0x1], $0xAE0, $0x38;
	[tilespmem:$0xD80] =	vst v63  }
0x59f: {  	s10 =	simm.s32 @p0 $0x1  }
0x5a0: {  	s9 =	sadd.s32 $0x1, s9;
	_ =	swait.ge @p0 [sflag:s10], $0xAE0  }
0x5a1: {  	p1 =	sne.s32 s9, s6;
	[sflag:s10] =	ssyncset.done @p0 $0x0  }
0x5a2: {  	s11 =	simm.s32 @!p0 $0x100;
	[sflag:s10] =	ssyncadd.s32 @p0 $0xFFFFF520;
	s10 =	simm.s32 @!p0 $0x0  }
0x5a3: {  	[hbm4b:s4+s10] =	stream.linear.scatter @!p0 [tilespmem:s11], [sflag:$0x1], $0xC40, $0x38;
	[tilespmem:$0xD80] =	vst v63  }
.Ltmp3:
0x5a4: {  	_ = 	snop;
	(pc) =	sbr.rel @p1 .LBB2_1-.Ltmp3, $4  }
0x5a5: {  	s10 =	simm.s32 @!p0 $0x1  }
0x5a6: {  	_ =	swait.ge @!p0 [sflag:s10], $0xC40  }
0x5a7: {  	[sflag:s10] =	ssyncset.done @!p0 $0x0  }
0x5a8: {  	[sflag:s10] =	ssyncadd.s32 @!p0 $0xFFFFF3C0  }
0x5a9: {  	_ =	sfence.sel $0x180000  }
0x5aa: {  	[bflag:$0x0] =	sbarrier.arrive $0xFFFF  }
0x5ab: {  	p0 =	sne.s32 s0, $0x0;
	_ =	strace $0x90000047  }
0x5ac: {  	s0 =	sadd.s32 @!p0 $0x100000, s2;
	[bflag:$0x2] =	sbarrier.arrive $0xFFFF  }
0x5ad: {  	[sflag:s0] =	ssyncadd.tile.s32 @!p0 $0x1;
	_ =	shalt  }
.Lfunc_end2:
_tile_overlayer_lowered:
.L_overlay_start_2:
0x5ae: {  	(tag) =	ssettag $0x2  }
0x5af: {  	s0 =	rddreg [dreg:$0x0];
	s2 =	stileid.u32  }
0x5b0: {  	s1 =	rddreg [dreg:$0x1];
	p0 =	sne.s32 s2, $0x0  }
0x5b1: {  	s3 =	rddreg [dreg:$0x2];
	[bflag:$0x3] =	sbarrier.arrive $0xFFFF;
	s2 =	simm.s32 @!p0 $0x1C01  }
0x5b2: {  	[timem:s3], [sflag:s2] =	dma.local @!p0 [hbm:s0], s1  }
0x5b3: {  	s0 =	simm.s32 @!p0 $0x1  }
0x5b4: {  	_ =	swait.ge @!p0 [sflag:s0], s1  }
0x5b5: {  	s1 =	ssub.s32 @!p0 $0x0, s1;
	[sflag:s0] =	ssyncset.done @!p0 $0x0  }
0x5b6: {  	[sflag:s0] =	ssyncadd.s32 @!p0 s1  }
0x5b7: {  	[bflag:$0x3] =	sbarrier.arrive $0xFFFF  }
0x5b8: {  	_ =	shalt  }

</sc_bundles>
